<compile_context>
chip_gen: v7x
topology: tpu7x:2x2x1
jax: 0.10.2.dev20260603
libtpu: 0.0.44.dev20260713+nightly
codegen_flags: <defaults>
</compile_context>

<pallas_src>
import functools

import jax
import jax.numpy as jnp
from jax import lax
from jax.experimental import pallas as pl
from jax.experimental.pallas import tpu as pltpu
from jax.experimental.pallas import tpu_sc as plsc

B = 16384
D = 64
NEG = 5
NC = 2
NS = 16
NW = NC * NS
ROWS_PER_W = B // NW
C = 128
NCHUNK = ROWS_PER_W // C
L = 16
G = C // L


def _transe_body(h_hbm, r_hbm, t_hbm, tneg_hbm, ent_hbm, rel_hbm,
                 pos_hbm, neg_hbm,
                 hidx, ridx, tidx, nidx,
                 hbuf, rbuf, tbuf, nbuf,
                 pos_s, neg_s, sem):
    wid = lax.axis_index("s") * NC + lax.axis_index("c")
    wbase = wid * ROWS_PER_W

    def chunk_body(cc, carry):
        base = pl.multiple_of(wbase + cc * C, C)

        pltpu.sync_copy(h_hbm.at[pl.ds(base, C)], hidx)
        pltpu.sync_copy(r_hbm.at[pl.ds(base, C)], ridx)
        pltpu.sync_copy(t_hbm.at[pl.ds(base, C)], tidx)
        for j in range(NEG):
            pltpu.sync_copy(tneg_hbm.at[pl.ds(j * B + base, C)],
                            nidx.at[pl.ds(j * C, C)])

        cps = [
            pltpu.async_copy(ent_hbm.at[hidx], hbuf, sem),
            pltpu.async_copy(rel_hbm.at[ridx], rbuf, sem),
            pltpu.async_copy(ent_hbm.at[tidx], tbuf, sem),
        ]
        for j in range(NEG):
            cps.append(pltpu.async_copy(ent_hbm.at[nidx.at[pl.ds(j * C, C)]],
                                        nbuf.at[pl.ds(j * C, C)], sem))
        for cp in cps:
            cp.wait()

        def group_body(g, carry2):
            rows = g * L + lax.iota(jnp.int32, L)
            rows_n = [rows + j * C for j in range(NEG)]
            acc_p = jnp.zeros((L,), jnp.float32)
            acc_n = [jnp.zeros((L,), jnp.float32) for _ in range(NEG)]
            for d in range(D):
                col = jnp.full((L,), d, jnp.int32)
                hv = plsc.load_gather(hbuf, [rows, col])
                rv = plsc.load_gather(rbuf, [rows, col])
                tv = plsc.load_gather(tbuf, [rows, col])
                hr = hv + rv
                acc_p = acc_p + jnp.abs(hr - tv)
                for j in range(NEG):
                    nv = plsc.load_gather(nbuf, [rows_n[j], col])
                    acc_n[j] = acc_n[j] + jnp.abs(hr - nv)
            pos_s[pl.ds(g * L, L)] = acc_p
            for j in range(NEG):
                neg_s[pl.ds(j * C + g * L, L)] = acc_n[j]
            return carry2

        lax.fori_loop(0, G, group_body, 0)

        pltpu.sync_copy(pos_s, pos_hbm.at[pl.ds(base, C)])
        for j in range(NEG):
            pltpu.sync_copy(neg_s.at[pl.ds(j * C, C)],
                            neg_hbm.at[pl.ds(j * B + base, C)])
        return carry

    lax.fori_loop(0, NCHUNK, chunk_body, 0)


_transe_sc = functools.partial(
    pl.kernel,
    out_type=[
        jax.ShapeDtypeStruct((B,), jnp.float32),
        jax.ShapeDtypeStruct((NEG * B,), jnp.float32),
    ],
    mesh=plsc.VectorSubcoreMesh(core_axis_name="c", subcore_axis_name="s"),
    compiler_params=pltpu.CompilerParams(needs_layout_passes=False,
                                         use_tc_tiling_on_sc=False),
    scratch_types=[
        pltpu.VMEM((C,), jnp.int32),
        pltpu.VMEM((C,), jnp.int32),
        pltpu.VMEM((C,), jnp.int32),
        pltpu.VMEM((NEG * C,), jnp.int32),
        pltpu.VMEM((C, D), jnp.float32),
        pltpu.VMEM((C, D), jnp.float32),
        pltpu.VMEM((C, D), jnp.float32),
        pltpu.VMEM((NEG * C, D), jnp.float32),
        pltpu.VMEM((C,), jnp.float32),
        pltpu.VMEM((NEG * C,), jnp.float32),
        pltpu.SemaphoreType.DMA,
    ],
)(_transe_body)


@jax.jit
def kernel(h, r, t, t_neg, entity_emb, relation_emb):
    h = h.astype(jnp.int32)
    r = r.astype(jnp.int32)
    t = t.astype(jnp.int32)
    tneg_t = jnp.transpose(t_neg.astype(jnp.int32)).reshape(NEG * B)
    pos, neg_flat = _transe_sc(h, r, t, tneg_t, entity_emb, relation_emb)
    neg = jnp.transpose(neg_flat.reshape(NEG, B))
    return pos, neg

# --- scband reference (transcript-rebuilt; emitter-appended) ---
"""Pipeline reference for scband-trans-e-85237920956625 (READ-ONLY COPY).

The authoritative reference and input builder live on the scoring server;
editing this copy changes nothing except your own understanding.
"""

import jax, jax.numpy as jnp
import numpy as np

NEGATIVE_SAMPLES = 5
B = 16384
NUM_ENTITIES = 1000000
NUM_RELATIONS = 1000
D = 64


def setup_inputs(seed: int = 0) -> dict:
    key = jax.random.key(seed)
    k1, k2, k3, k4, k5, k6 = jax.random.split(key, 6)
    h = jax.random.randint(k1, (B,), 0, NUM_ENTITIES)
    r = jax.random.randint(k2, (B,), 0, NUM_RELATIONS)
    t = jax.random.randint(k3, (B,), 0, NUM_ENTITIES)
    t_neg = jax.random.randint(k4, (B, NEGATIVE_SAMPLES), 0, NUM_ENTITIES)
    # xavier-uniform-like init then L2-normalize entity rows (as in TransE.__init__)
    limit_e = float(np.sqrt(6.0 / (NUM_ENTITIES + D)))
    entity_emb = jax.random.uniform(k5, (NUM_ENTITIES, D), dtype=jnp.float32, minval=-limit_e, maxval=limit_e)
    entity_emb = entity_emb / jnp.linalg.norm(entity_emb, axis=1, keepdims=True)
    limit_r = float(np.sqrt(6.0 / (NUM_RELATIONS + D)))
    relation_emb = jax.random.uniform(k6, (NUM_RELATIONS, D), dtype=jnp.float32, minval=-limit_r, maxval=limit_r)
    return {"h": h, "r": r, "t": t, "t_neg": t_neg, "entity_emb": entity_emb, "relation_emb": relation_emb}


def reference(h, r, t, t_neg, entity_emb, relation_emb):
    h_emb = jnp.take(entity_emb, h, axis=0)
    r_emb = jnp.take(relation_emb, r, axis=0)
    t_emb = jnp.take(entity_emb, t, axis=0)
    pos_score = jnp.sum(jnp.abs(h_emb + r_emb - t_emb), axis=1)
    t_neg_emb = jnp.take(entity_emb, t_neg, axis=0)
    h_exp = h_emb[:, None, :]
    r_exp = r_emb[:, None, :]
    neg_score = jnp.sum(jnp.abs(h_exp + r_exp - t_neg_emb), axis=2)
    return (pos_score, neg_score)

if __name__ == "__main__":
    import jax
    _d = setup_inputs()
    print(jax.jit(kernel)(*tuple(_d.values())))

</pallas_src>

<mosaic_0001>
#map = affine_map<(d0, d1) -> (0)>
#map1 = affine_map<(d0, d1) -> (0, 0)>
module attributes {stable_mosaic.version = 14 : i64} {
  func.func @_transe_body(%arg0: i32, %arg1: i32, %arg2: memref<16384xi32, #tpu.memory_space<hbm>>, %arg3: memref<16384xi32, #tpu.memory_space<hbm>>, %arg4: memref<16384xi32, #tpu.memory_space<hbm>>, %arg5: memref<81920xi32, #tpu.memory_space<hbm>>, %arg6: memref<1000000x64xf32, #tpu.memory_space<hbm>>, %arg7: memref<1000x64xf32, #tpu.memory_space<hbm>>, %arg8: memref<16384xf32, #tpu.memory_space<hbm>>, %arg9: memref<81920xf32, #tpu.memory_space<hbm>>, %arg10: memref<128xi32, #tpu.memory_space<vmem>>, %arg11: memref<128xi32, #tpu.memory_space<vmem>>, %arg12: memref<128xi32, #tpu.memory_space<vmem>>, %arg13: memref<640xi32, #tpu.memory_space<vmem>>, %arg14: memref<128x64xf32, #tpu.memory_space<vmem>>, %arg15: memref<128x64xf32, #tpu.memory_space<vmem>>, %arg16: memref<128x64xf32, #tpu.memory_space<vmem>>, %arg17: memref<640x64xf32, #tpu.memory_space<vmem>>, %arg18: memref<128xf32, #tpu.memory_space<vmem>>, %arg19: memref<640xf32, #tpu.memory_space<vmem>>, %arg20: memref<!tpu.dma_semaphore, #tpu.memory_space<semaphore_mem>>) attributes {dimension_semantics = [#tpu.dimension_semantics<core_parallel>, #tpu.dimension_semantics<subcore_parallel>], iteration_bounds = array<i64: 2, 16>, scalar_prefetch = 0 : i64, scratch_operands = 11 : i64, tpu.core_type = #tpu.core_type<sc_vector_subcore>, window_params = [{transform_indices = #map}, {transform_indices = #map}, {transform_indices = #map}, {transform_indices = #map}, {transform_indices = #map1}, {transform_indices = #map1}, {transform_indices = #map}, {transform_indices = #map}]} {
    %mul3A = arith.constant 2 : i32
    %mul3A_0 = arith.muli %arg1, %mul3A : i32
    %add3A = arith.addi %mul3A_0, %arg0 : i32
    %mul3A_1 = arith.constant 512 : i32
    %mul3A_2 = arith.muli %add3A, %mul3A_1 : i32
    %scan3A = arith.constant 0 : i32
    %scan3A_3 = arith.constant 0 : i32
    %scan3A_4 = arith.constant 4 : i32
    %scan3A_5 = arith.addi %scan3A_3, %scan3A_4 : i32
    %scan3A_6 = arith.constant 1 : i32
    scf.for %scan3A_8 = %scan3A_3 to %scan3A_5 step %scan3A_6  : i32 {
      %mul3A_9 = arith.constant 128 : i32
      %mul3A_10 = arith.muli %scan3A_8, %mul3A_9 : i32
      %add3A_11 = arith.addi %mul3A_2, %mul3A_10 : i32
      %multiple_of3A = tpu.assume_multiple %add3A_11, 128 : i32
      "tpu.region"() ({
        %run_scoped3A = tpu.sem_alloc : memref<!tpu.dma_semaphore, #tpu.memory_space<semaphore_mem>>
        %dma_start3A_134 = tpu.memref_slice %arg2[%multiple_of3A] : memref<16384xi32, #tpu.memory_space<hbm>> -> memref<128xi32, #tpu.memory_space<hbm>>
        %dma_start3A_135 = tpu.memref_slice %arg2[%multiple_of3A] : memref<16384xi32, #tpu.memory_space<hbm>> -> memref<128xi32, #tpu.memory_space<hbm>>
        tpu.enqueue_dma source(%dma_start3A_135 : memref<128xi32, #tpu.memory_space<hbm>>) target(%arg10 : memref<128xi32, #tpu.memory_space<vmem>>) target_semaphore(%run_scoped3A : memref<!tpu.dma_semaphore, #tpu.memory_space<semaphore_mem>>)
        %dma_wait3A_136 = tpu.memref_slice %arg2[%multiple_of3A] : memref<16384xi32, #tpu.memory_space<hbm>> -> memref<128xi32, #tpu.memory_space<hbm>>
        %dma_wait3A_137 = tpu.memref_slice %arg2[%multiple_of3A] : memref<16384xi32, #tpu.memory_space<hbm>> -> memref<128xi32, #tpu.memory_space<hbm>>
        tpu.wait_dma2 semaphore(%run_scoped3A : memref<!tpu.dma_semaphore, #tpu.memory_space<semaphore_mem>>) src(%dma_wait3A_137 : memref<128xi32, #tpu.memory_space<hbm>>) dst(%arg10 : memref<128xi32, #tpu.memory_space<vmem>>)
        tpu.yield
      }) : () -> ()
      "tpu.region"() ({
        %run_scoped3A = tpu.sem_alloc : memref<!tpu.dma_semaphore, #tpu.memory_space<semaphore_mem>>
        %dma_start3A_134 = tpu.memref_slice %arg3[%multiple_of3A] : memref<16384xi32, #tpu.memory_space<hbm>> -> memref<128xi32, #tpu.memory_space<hbm>>
        %dma_start3A_135 = tpu.memref_slice %arg3[%multiple_of3A] : memref<16384xi32, #tpu.memory_space<hbm>> -> memref<128xi32, #tpu.memory_space<hbm>>
        tpu.enqueue_dma source(%dma_start3A_135 : memref<128xi32, #tpu.memory_space<hbm>>) target(%arg11 : memref<128xi32, #tpu.memory_space<vmem>>) target_semaphore(%run_scoped3A : memref<!tpu.dma_semaphore, #tpu.memory_space<semaphore_mem>>)
        %dma_wait3A_136 = tpu.memref_slice %arg3[%multiple_of3A] : memref<16384xi32, #tpu.memory_space<hbm>> -> memref<128xi32, #tpu.memory_space<hbm>>
        %dma_wait3A_137 = tpu.memref_slice %arg3[%multiple_of3A] : memref<16384xi32, #tpu.memory_space<hbm>> -> memref<128xi32, #tpu.memory_space<hbm>>
        tpu.wait_dma2 semaphore(%run_scoped3A : memref<!tpu.dma_semaphore, #tpu.memory_space<semaphore_mem>>) src(%dma_wait3A_137 : memref<128xi32, #tpu.memory_space<hbm>>) dst(%arg11 : memref<128xi32, #tpu.memory_space<vmem>>)
        tpu.yield
      }) : () -> ()
      "tpu.region"() ({
        %run_scoped3A = tpu.sem_alloc : memref<!tpu.dma_semaphore, #tpu.memory_space<semaphore_mem>>
        %dma_start3A_134 = tpu.memref_slice %arg4[%multiple_of3A] : memref<16384xi32, #tpu.memory_space<hbm>> -> memref<128xi32, #tpu.memory_space<hbm>>
        %dma_start3A_135 = tpu.memref_slice %arg4[%multiple_of3A] : memref<16384xi32, #tpu.memory_space<hbm>> -> memref<128xi32, #tpu.memory_space<hbm>>
        tpu.enqueue_dma source(%dma_start3A_135 : memref<128xi32, #tpu.memory_space<hbm>>) target(%arg12 : memref<128xi32, #tpu.memory_space<vmem>>) target_semaphore(%run_scoped3A : memref<!tpu.dma_semaphore, #tpu.memory_space<semaphore_mem>>)
        %dma_wait3A_136 = tpu.memref_slice %arg4[%multiple_of3A] : memref<16384xi32, #tpu.memory_space<hbm>> -> memref<128xi32, #tpu.memory_space<hbm>>
        %dma_wait3A_137 = tpu.memref_slice %arg4[%multiple_of3A] : memref<16384xi32, #tpu.memory_space<hbm>> -> memref<128xi32, #tpu.memory_space<hbm>>
        tpu.wait_dma2 semaphore(%run_scoped3A : memref<!tpu.dma_semaphore, #tpu.memory_space<semaphore_mem>>) src(%dma_wait3A_137 : memref<128xi32, #tpu.memory_space<hbm>>) dst(%arg12 : memref<128xi32, #tpu.memory_space<vmem>>)
        tpu.yield
      }) : () -> ()
      %add3A_12 = arith.constant 0 : i32
      %add3A_13 = arith.addi %add3A_12, %multiple_of3A : i32
      "tpu.region"() ({
        %run_scoped3A = tpu.sem_alloc : memref<!tpu.dma_semaphore, #tpu.memory_space<semaphore_mem>>
        %dma_start3A_134 = arith.constant 0 : i32
        %dma_start3A_135 = tpu.memref_slice %arg13[%dma_start3A_134] : memref<640xi32, #tpu.memory_space<vmem>> -> memref<128xi32, #tpu.memory_space<vmem>>
        %dma_start3A_136 = tpu.memref_slice %arg5[%add3A_13] : memref<81920xi32, #tpu.memory_space<hbm>> -> memref<128xi32, #tpu.memory_space<hbm>>
        %dma_start3A_137 = arith.constant 0 : i32
        %dma_start3A_138 = tpu.memref_slice %arg13[%dma_start3A_137] : memref<640xi32, #tpu.memory_space<vmem>> -> memref<128xi32, #tpu.memory_space<vmem>>
        %dma_start3A_139 = tpu.memref_slice %arg5[%add3A_13] : memref<81920xi32, #tpu.memory_space<hbm>> -> memref<128xi32, #tpu.memory_space<hbm>>
        tpu.enqueue_dma source(%dma_start3A_139 : memref<128xi32, #tpu.memory_space<hbm>>) target(%dma_start3A_138 : memref<128xi32, #tpu.memory_space<vmem>>) target_semaphore(%run_scoped3A : memref<!tpu.dma_semaphore, #tpu.memory_space<semaphore_mem>>)
        %dma_wait3A_140 = arith.constant 0 : i32
        %dma_wait3A_141 = tpu.memref_slice %arg13[%dma_wait3A_140] : memref<640xi32, #tpu.memory_space<vmem>> -> memref<128xi32, #tpu.memory_space<vmem>>
        %dma_wait3A_142 = tpu.memref_slice %arg5[%add3A_13] : memref<81920xi32, #tpu.memory_space<hbm>> -> memref<128xi32, #tpu.memory_space<hbm>>
        %dma_wait3A_143 = arith.constant 0 : i32
        %dma_wait3A_144 = tpu.memref_slice %arg13[%dma_wait3A_143] : memref<640xi32, #tpu.memory_space<vmem>> -> memref<128xi32, #tpu.memory_space<vmem>>
        %dma_wait3A_145 = tpu.memref_slice %arg5[%add3A_13] : memref<81920xi32, #tpu.memory_space<hbm>> -> memref<128xi32, #tpu.memory_space<hbm>>
        tpu.wait_dma2 semaphore(%run_scoped3A : memref<!tpu.dma_semaphore, #tpu.memory_space<semaphore_mem>>) src(%dma_wait3A_145 : memref<128xi32, #tpu.memory_space<hbm>>) dst(%dma_wait3A_144 : memref<128xi32, #tpu.memory_space<vmem>>)
        tpu.yield
      }) : () -> ()
      %add3A_14 = arith.constant 16384 : i32
      %add3A_15 = arith.addi %add3A_14, %multiple_of3A : i32
      "tpu.region"() ({
        %run_scoped3A = tpu.sem_alloc : memref<!tpu.dma_semaphore, #tpu.memory_space<semaphore_mem>>
        %dma_start3A_134 = arith.constant 128 : i32
        %dma_start3A_135 = tpu.memref_slice %arg13[%dma_start3A_134] : memref<640xi32, #tpu.memory_space<vmem>> -> memref<128xi32, #tpu.memory_space<vmem>>
        %dma_start3A_136 = tpu.memref_slice %arg5[%add3A_15] : memref<81920xi32, #tpu.memory_space<hbm>> -> memref<128xi32, #tpu.memory_space<hbm>>
        %dma_start3A_137 = arith.constant 128 : i32
        %dma_start3A_138 = tpu.memref_slice %arg13[%dma_start3A_137] : memref<640xi32, #tpu.memory_space<vmem>> -> memref<128xi32, #tpu.memory_space<vmem>>
        %dma_start3A_139 = tpu.memref_slice %arg5[%add3A_15] : memref<81920xi32, #tpu.memory_space<hbm>> -> memref<128xi32, #tpu.memory_space<hbm>>
        tpu.enqueue_dma source(%dma_start3A_139 : memref<128xi32, #tpu.memory_space<hbm>>) target(%dma_start3A_138 : memref<128xi32, #tpu.memory_space<vmem>>) target_semaphore(%run_scoped3A : memref<!tpu.dma_semaphore, #tpu.memory_space<semaphore_mem>>)
        %dma_wait3A_140 = arith.constant 128 : i32
        %dma_wait3A_141 = tpu.memref_slice %arg13[%dma_wait3A_140] : memref<640xi32, #tpu.memory_space<vmem>> -> memref<128xi32, #tpu.memory_space<vmem>>
        %dma_wait3A_142 = tpu.memref_slice %arg5[%add3A_15] : memref<81920xi32, #tpu.memory_space<hbm>> -> memref<128xi32, #tpu.memory_space<hbm>>
        %dma_wait3A_143 = arith.constant 128 : i32
        %dma_wait3A_144 = tpu.memref_slice %arg13[%dma_wait3A_143] : memref<640xi32, #tpu.memory_space<vmem>> -> memref<128xi32, #tpu.memory_space<vmem>>
        %dma_wait3A_145 = tpu.memref_slice %arg5[%add3A_15] : memref<81920xi32, #tpu.memory_space<hbm>> -> memref<128xi32, #tpu.memory_space<hbm>>
        tpu.wait_dma2 semaphore(%run_scoped3A : memref<!tpu.dma_semaphore, #tpu.memory_space<semaphore_mem>>) src(%dma_wait3A_145 : memref<128xi32, #tpu.memory_space<hbm>>) dst(%dma_wait3A_144 : memref<128xi32, #tpu.memory_space<vmem>>)
        tpu.yield
      }) : () -> ()
      %add3A_16 = arith.constant 32768 : i32
      %add3A_17 = arith.addi %add3A_16, %multiple_of3A : i32
      "tpu.region"() ({
        %run_scoped3A = tpu.sem_alloc : memref<!tpu.dma_semaphore, #tpu.memory_space<semaphore_mem>>
        %dma_start3A_134 = arith.constant 256 : i32
        %dma_start3A_135 = tpu.memref_slice %arg13[%dma_start3A_134] : memref<640xi32, #tpu.memory_space<vmem>> -> memref<128xi32, #tpu.memory_space<vmem>>
        %dma_start3A_136 = tpu.memref_slice %arg5[%add3A_17] : memref<81920xi32, #tpu.memory_space<hbm>> -> memref<128xi32, #tpu.memory_space<hbm>>
        %dma_start3A_137 = arith.constant 256 : i32
        %dma_start3A_138 = tpu.memref_slice %arg13[%dma_start3A_137] : memref<640xi32, #tpu.memory_space<vmem>> -> memref<128xi32, #tpu.memory_space<vmem>>
        %dma_start3A_139 = tpu.memref_slice %arg5[%add3A_17] : memref<81920xi32, #tpu.memory_space<hbm>> -> memref<128xi32, #tpu.memory_space<hbm>>
        tpu.enqueue_dma source(%dma_start3A_139 : memref<128xi32, #tpu.memory_space<hbm>>) target(%dma_start3A_138 : memref<128xi32, #tpu.memory_space<vmem>>) target_semaphore(%run_scoped3A : memref<!tpu.dma_semaphore, #tpu.memory_space<semaphore_mem>>)
        %dma_wait3A_140 = arith.constant 256 : i32
        %dma_wait3A_141 = tpu.memref_slice %arg13[%dma_wait3A_140] : memref<640xi32, #tpu.memory_space<vmem>> -> memref<128xi32, #tpu.memory_space<vmem>>
        %dma_wait3A_142 = tpu.memref_slice %arg5[%add3A_17] : memref<81920xi32, #tpu.memory_space<hbm>> -> memref<128xi32, #tpu.memory_space<hbm>>
        %dma_wait3A_143 = arith.constant 256 : i32
        %dma_wait3A_144 = tpu.memref_slice %arg13[%dma_wait3A_143] : memref<640xi32, #tpu.memory_space<vmem>> -> memref<128xi32, #tpu.memory_space<vmem>>
        %dma_wait3A_145 = tpu.memref_slice %arg5[%add3A_17] : memref<81920xi32, #tpu.memory_space<hbm>> -> memref<128xi32, #tpu.memory_space<hbm>>
        tpu.wait_dma2 semaphore(%run_scoped3A : memref<!tpu.dma_semaphore, #tpu.memory_space<semaphore_mem>>) src(%dma_wait3A_145 : memref<128xi32, #tpu.memory_space<hbm>>) dst(%dma_wait3A_144 : memref<128xi32, #tpu.memory_space<vmem>>)
        tpu.yield
      }) : () -> ()
      %add3A_18 = arith.constant 49152 : i32
      %add3A_19 = arith.addi %add3A_18, %multiple_of3A : i32
      "tpu.region"() ({
        %run_scoped3A = tpu.sem_alloc : memref<!tpu.dma_semaphore, #tpu.memory_space<semaphore_mem>>
        %dma_start3A_134 = arith.constant 384 : i32
        %dma_start3A_135 = tpu.memref_slice %arg13[%dma_start3A_134] : memref<640xi32, #tpu.memory_space<vmem>> -> memref<128xi32, #tpu.memory_space<vmem>>
        %dma_start3A_136 = tpu.memref_slice %arg5[%add3A_19] : memref<81920xi32, #tpu.memory_space<hbm>> -> memref<128xi32, #tpu.memory_space<hbm>>
        %dma_start3A_137 = arith.constant 384 : i32
        %dma_start3A_138 = tpu.memref_slice %arg13[%dma_start3A_137] : memref<640xi32, #tpu.memory_space<vmem>> -> memref<128xi32, #tpu.memory_space<vmem>>
        %dma_start3A_139 = tpu.memref_slice %arg5[%add3A_19] : memref<81920xi32, #tpu.memory_space<hbm>> -> memref<128xi32, #tpu.memory_space<hbm>>
        tpu.enqueue_dma source(%dma_start3A_139 : memref<128xi32, #tpu.memory_space<hbm>>) target(%dma_start3A_138 : memref<128xi32, #tpu.memory_space<vmem>>) target_semaphore(%run_scoped3A : memref<!tpu.dma_semaphore, #tpu.memory_space<semaphore_mem>>)
        %dma_wait3A_140 = arith.constant 384 : i32
        %dma_wait3A_141 = tpu.memref_slice %arg13[%dma_wait3A_140] : memref<640xi32, #tpu.memory_space<vmem>> -> memref<128xi32, #tpu.memory_space<vmem>>
        %dma_wait3A_142 = tpu.memref_slice %arg5[%add3A_19] : memref<81920xi32, #tpu.memory_space<hbm>> -> memref<128xi32, #tpu.memory_space<hbm>>
        %dma_wait3A_143 = arith.constant 384 : i32
        %dma_wait3A_144 = tpu.memref_slice %arg13[%dma_wait3A_143] : memref<640xi32, #tpu.memory_space<vmem>> -> memref<128xi32, #tpu.memory_space<vmem>>
        %dma_wait3A_145 = tpu.memref_slice %arg5[%add3A_19] : memref<81920xi32, #tpu.memory_space<hbm>> -> memref<128xi32, #tpu.memory_space<hbm>>
        tpu.wait_dma2 semaphore(%run_scoped3A : memref<!tpu.dma_semaphore, #tpu.memory_space<semaphore_mem>>) src(%dma_wait3A_145 : memref<128xi32, #tpu.memory_space<hbm>>) dst(%dma_wait3A_144 : memref<128xi32, #tpu.memory_space<vmem>>)
        tpu.yield
      }) : () -> ()
      %add3A_20 = arith.constant 65536 : i32
      %add3A_21 = arith.addi %add3A_20, %multiple_of3A : i32
      "tpu.region"() ({
        %run_scoped3A = tpu.sem_alloc : memref<!tpu.dma_semaphore, #tpu.memory_space<semaphore_mem>>
        %dma_start3A_134 = arith.constant 512 : i32
        %dma_start3A_135 = tpu.memref_slice %arg13[%dma_start3A_134] : memref<640xi32, #tpu.memory_space<vmem>> -> memref<128xi32, #tpu.memory_space<vmem>>
        %dma_start3A_136 = tpu.memref_slice %arg5[%add3A_21] : memref<81920xi32, #tpu.memory_space<hbm>> -> memref<128xi32, #tpu.memory_space<hbm>>
        %dma_start3A_137 = arith.constant 512 : i32
        %dma_start3A_138 = tpu.memref_slice %arg13[%dma_start3A_137] : memref<640xi32, #tpu.memory_space<vmem>> -> memref<128xi32, #tpu.memory_space<vmem>>
        %dma_start3A_139 = tpu.memref_slice %arg5[%add3A_21] : memref<81920xi32, #tpu.memory_space<hbm>> -> memref<128xi32, #tpu.memory_space<hbm>>
        tpu.enqueue_dma source(%dma_start3A_139 : memref<128xi32, #tpu.memory_space<hbm>>) target(%dma_start3A_138 : memref<128xi32, #tpu.memory_space<vmem>>) target_semaphore(%run_scoped3A : memref<!tpu.dma_semaphore, #tpu.memory_space<semaphore_mem>>)
        %dma_wait3A_140 = arith.constant 512 : i32
        %dma_wait3A_141 = tpu.memref_slice %arg13[%dma_wait3A_140] : memref<640xi32, #tpu.memory_space<vmem>> -> memref<128xi32, #tpu.memory_space<vmem>>
        %dma_wait3A_142 = tpu.memref_slice %arg5[%add3A_21] : memref<81920xi32, #tpu.memory_space<hbm>> -> memref<128xi32, #tpu.memory_space<hbm>>
        %dma_wait3A_143 = arith.constant 512 : i32
        %dma_wait3A_144 = tpu.memref_slice %arg13[%dma_wait3A_143] : memref<640xi32, #tpu.memory_space<vmem>> -> memref<128xi32, #tpu.memory_space<vmem>>
        %dma_wait3A_145 = tpu.memref_slice %arg5[%add3A_21] : memref<81920xi32, #tpu.memory_space<hbm>> -> memref<128xi32, #tpu.memory_space<hbm>>
        tpu.wait_dma2 semaphore(%run_scoped3A : memref<!tpu.dma_semaphore, #tpu.memory_space<semaphore_mem>>) src(%dma_wait3A_145 : memref<128xi32, #tpu.memory_space<hbm>>) dst(%dma_wait3A_144 : memref<128xi32, #tpu.memory_space<vmem>>)
        tpu.yield
      }) : () -> ()
      %dma_start3A = arith.constant 0 : i32
      %dma_start3A_22 = arith.constant 0 : i32
      %dma_start3A_23 = tpu.memref_slice %arg6[%dma_start3A, %dma_start3A_22] : memref<1000000x64xf32, #tpu.memory_space<hbm>> -> memref<1000000x64xf32, #tpu.memory_space<hbm>>
      tpu.enqueue_indirect_dma source(%dma_start3A_23 : memref<1000000x64xf32, #tpu.memory_space<hbm>>) target(%arg14 : memref<128x64xf32, #tpu.memory_space<vmem>>) offsets(%arg10 : memref<128xi32, #tpu.memory_space<vmem>>) semaphore(%arg20 : memref<!tpu.dma_semaphore, #tpu.memory_space<semaphore_mem>>)
      %dma_start3A_24 = arith.constant 0 : i32
      %dma_start3A_25 = arith.constant 0 : i32
      %dma_start3A_26 = tpu.memref_slice %arg7[%dma_start3A_24, %dma_start3A_25] : memref<1000x64xf32, #tpu.memory_space<hbm>> -> memref<1000x64xf32, #tpu.memory_space<hbm>>
      tpu.enqueue_indirect_dma source(%dma_start3A_26 : memref<1000x64xf32, #tpu.memory_space<hbm>>) target(%arg15 : memref<128x64xf32, #tpu.memory_space<vmem>>) offsets(%arg11 : memref<128xi32, #tpu.memory_space<vmem>>) semaphore(%arg20 : memref<!tpu.dma_semaphore, #tpu.memory_space<semaphore_mem>>)
      %dma_start3A_27 = arith.constant 0 : i32
      %dma_start3A_28 = arith.constant 0 : i32
      %dma_start3A_29 = tpu.memref_slice %arg6[%dma_start3A_27, %dma_start3A_28] : memref<1000000x64xf32, #tpu.memory_space<hbm>> -> memref<1000000x64xf32, #tpu.memory_space<hbm>>
      tpu.enqueue_indirect_dma source(%dma_start3A_29 : memref<1000000x64xf32, #tpu.memory_space<hbm>>) target(%arg16 : memref<128x64xf32, #tpu.memory_space<vmem>>) offsets(%arg12 : memref<128xi32, #tpu.memory_space<vmem>>) semaphore(%arg20 : memref<!tpu.dma_semaphore, #tpu.memory_space<semaphore_mem>>)
      %dma_start3A_30 = arith.constant 0 : i32
      %dma_start3A_31 = arith.constant 0 : i32
      %dma_start3A_32 = tpu.memref_slice %arg17[%dma_start3A_30, %dma_start3A_31] : memref<640x64xf32, #tpu.memory_space<vmem>> -> memref<128x64xf32, #tpu.memory_space<vmem>>
      %dma_start3A_33 = arith.constant 0 : i32
      %dma_start3A_34 = tpu.memref_slice %arg13[%dma_start3A_33] : memref<640xi32, #tpu.memory_space<vmem>> -> memref<128xi32, #tpu.memory_space<vmem>>
      %dma_start3A_35 = arith.constant 0 : i32
      %dma_start3A_36 = arith.constant 0 : i32
      %dma_start3A_37 = tpu.memref_slice %arg6[%dma_start3A_35, %dma_start3A_36] : memref<1000000x64xf32, #tpu.memory_space<hbm>> -> memref<1000000x64xf32, #tpu.memory_space<hbm>>
      tpu.enqueue_indirect_dma source(%dma_start3A_37 : memref<1000000x64xf32, #tpu.memory_space<hbm>>) target(%dma_start3A_32 : memref<128x64xf32, #tpu.memory_space<vmem>>) offsets(%dma_start3A_34 : memref<128xi32, #tpu.memory_space<vmem>>) semaphore(%arg20 : memref<!tpu.dma_semaphore, #tpu.memory_space<semaphore_mem>>)
      %dma_start3A_38 = arith.constant 128 : i32
      %dma_start3A_39 = arith.constant 0 : i32
      %dma_start3A_40 = tpu.memref_slice %arg17[%dma_start3A_38, %dma_start3A_39] : memref<640x64xf32, #tpu.memory_space<vmem>> -> memref<128x64xf32, #tpu.memory_space<vmem>>
      %dma_start3A_41 = arith.constant 128 : i32
      %dma_start3A_42 = tpu.memref_slice %arg13[%dma_start3A_41] : memref<640xi32, #tpu.memory_space<vmem>> -> memref<128xi32, #tpu.memory_space<vmem>>
      %dma_start3A_43 = arith.constant 0 : i32
      %dma_start3A_44 = arith.constant 0 : i32
      %dma_start3A_45 = tpu.memref_slice %arg6[%dma_start3A_43, %dma_start3A_44] : memref<1000000x64xf32, #tpu.memory_space<hbm>> -> memref<1000000x64xf32, #tpu.memory_space<hbm>>
      tpu.enqueue_indirect_dma source(%dma_start3A_45 : memref<1000000x64xf32, #tpu.memory_space<hbm>>) target(%dma_start3A_40 : memref<128x64xf32, #tpu.memory_space<vmem>>) offsets(%dma_start3A_42 : memref<128xi32, #tpu.memory_space<vmem>>) semaphore(%arg20 : memref<!tpu.dma_semaphore, #tpu.memory_space<semaphore_mem>>)
      %dma_start3A_46 = arith.constant 256 : i32
      %dma_start3A_47 = arith.constant 0 : i32
      %dma_start3A_48 = tpu.memref_slice %arg17[%dma_start3A_46, %dma_start3A_47] : memref<640x64xf32, #tpu.memory_space<vmem>> -> memref<128x64xf32, #tpu.memory_space<vmem>>
      %dma_start3A_49 = arith.constant 256 : i32
      %dma_start3A_50 = tpu.memref_slice %arg13[%dma_start3A_49] : memref<640xi32, #tpu.memory_space<vmem>> -> memref<128xi32, #tpu.memory_space<vmem>>
      %dma_start3A_51 = arith.constant 0 : i32
      %dma_start3A_52 = arith.constant 0 : i32
      %dma_start3A_53 = tpu.memref_slice %arg6[%dma_start3A_51, %dma_start3A_52] : memref<1000000x64xf32, #tpu.memory_space<hbm>> -> memref<1000000x64xf32, #tpu.memory_space<hbm>>
      tpu.enqueue_indirect_dma source(%dma_start3A_53 : memref<1000000x64xf32, #tpu.memory_space<hbm>>) target(%dma_start3A_48 : memref<128x64xf32, #tpu.memory_space<vmem>>) offsets(%dma_start3A_50 : memref<128xi32, #tpu.memory_space<vmem>>) semaphore(%arg20 : memref<!tpu.dma_semaphore, #tpu.memory_space<semaphore_mem>>)
      %dma_start3A_54 = arith.constant 384 : i32
      %dma_start3A_55 = arith.constant 0 : i32
      %dma_start3A_56 = tpu.memref_slice %arg17[%dma_start3A_54, %dma_start3A_55] : memref<640x64xf32, #tpu.memory_space<vmem>> -> memref<128x64xf32, #tpu.memory_space<vmem>>
      %dma_start3A_57 = arith.constant 384 : i32
      %dma_start3A_58 = tpu.memref_slice %arg13[%dma_start3A_57] : memref<640xi32, #tpu.memory_space<vmem>> -> memref<128xi32, #tpu.memory_space<vmem>>
      %dma_start3A_59 = arith.constant 0 : i32
      %dma_start3A_60 = arith.constant 0 : i32
      %dma_start3A_61 = tpu.memref_slice %arg6[%dma_start3A_59, %dma_start3A_60] : memref<1000000x64xf32, #tpu.memory_space<hbm>> -> memref<1000000x64xf32, #tpu.memory_space<hbm>>
      tpu.enqueue_indirect_dma source(%dma_start3A_61 : memref<1000000x64xf32, #tpu.memory_space<hbm>>) target(%dma_start3A_56 : memref<128x64xf32, #tpu.memory_space<vmem>>) offsets(%dma_start3A_58 : memref<128xi32, #tpu.memory_space<vmem>>) semaphore(%arg20 : memref<!tpu.dma_semaphore, #tpu.memory_space<semaphore_mem>>)
      %dma_start3A_62 = arith.constant 512 : i32
      %dma_start3A_63 = arith.constant 0 : i32
      %dma_start3A_64 = tpu.memref_slice %arg17[%dma_start3A_62, %dma_start3A_63] : memref<640x64xf32, #tpu.memory_space<vmem>> -> memref<128x64xf32, #tpu.memory_space<vmem>>
      %dma_start3A_65 = arith.constant 512 : i32
      %dma_start3A_66 = tpu.memref_slice %arg13[%dma_start3A_65] : memref<640xi32, #tpu.memory_space<vmem>> -> memref<128xi32, #tpu.memory_space<vmem>>
      %dma_start3A_67 = arith.constant 0 : i32
      %dma_start3A_68 = arith.constant 0 : i32
      %dma_start3A_69 = tpu.memref_slice %arg6[%dma_start3A_67, %dma_start3A_68] : memref<1000000x64xf32, #tpu.memory_space<hbm>> -> memref<1000000x64xf32, #tpu.memory_space<hbm>>
      tpu.enqueue_indirect_dma source(%dma_start3A_69 : memref<1000000x64xf32, #tpu.memory_space<hbm>>) target(%dma_start3A_64 : memref<128x64xf32, #tpu.memory_space<vmem>>) offsets(%dma_start3A_66 : memref<128xi32, #tpu.memory_space<vmem>>) semaphore(%arg20 : memref<!tpu.dma_semaphore, #tpu.memory_space<semaphore_mem>>)
      %dma_wait3A = arith.constant 0 : i32
      %dma_wait3A_70 = arith.constant 0 : i32
      %dma_wait3A_71 = tpu.memref_slice %arg6[%dma_wait3A, %dma_wait3A_70] : memref<1000000x64xf32, #tpu.memory_space<hbm>> -> memref<1000000x64xf32, #tpu.memory_space<hbm>>
      tpu.wait_indirect_dma semaphore(%arg20 : memref<!tpu.dma_semaphore, #tpu.memory_space<semaphore_mem>>) src(%dma_wait3A_71 : memref<1000000x64xf32, #tpu.memory_space<hbm>>) dst(%arg14 : memref<128x64xf32, #tpu.memory_space<vmem>>)
      %dma_wait3A_72 = arith.constant 0 : i32
      %dma_wait3A_73 = arith.constant 0 : i32
      %dma_wait3A_74 = tpu.memref_slice %arg7[%dma_wait3A_72, %dma_wait3A_73] : memref<1000x64xf32, #tpu.memory_space<hbm>> -> memref<1000x64xf32, #tpu.memory_space<hbm>>
      tpu.wait_indirect_dma semaphore(%arg20 : memref<!tpu.dma_semaphore, #tpu.memory_space<semaphore_mem>>) src(%dma_wait3A_74 : memref<1000x64xf32, #tpu.memory_space<hbm>>) dst(%arg15 : memref<128x64xf32, #tpu.memory_space<vmem>>)
      %dma_wait3A_75 = arith.constant 0 : i32
      %dma_wait3A_76 = arith.constant 0 : i32
      %dma_wait3A_77 = tpu.memref_slice %arg6[%dma_wait3A_75, %dma_wait3A_76] : memref<1000000x64xf32, #tpu.memory_space<hbm>> -> memref<1000000x64xf32, #tpu.memory_space<hbm>>
      tpu.wait_indirect_dma semaphore(%arg20 : memref<!tpu.dma_semaphore, #tpu.memory_space<semaphore_mem>>) src(%dma_wait3A_77 : memref<1000000x64xf32, #tpu.memory_space<hbm>>) dst(%arg16 : memref<128x64xf32, #tpu.memory_space<vmem>>)
      %dma_wait3A_78 = arith.constant 0 : i32
      %dma_wait3A_79 = arith.constant 0 : i32
      %dma_wait3A_80 = tpu.memref_slice %arg17[%dma_wait3A_78, %dma_wait3A_79] : memref<640x64xf32, #tpu.memory_space<vmem>> -> memref<128x64xf32, #tpu.memory_space<vmem>>
      %dma_wait3A_81 = arith.constant 0 : i32
      %dma_wait3A_82 = tpu.memref_slice %arg13[%dma_wait3A_81] : memref<640xi32, #tpu.memory_space<vmem>> -> memref<128xi32, #tpu.memory_space<vmem>>
      %dma_wait3A_83 = arith.constant 0 : i32
      %dma_wait3A_84 = arith.constant 0 : i32
      %dma_wait3A_85 = tpu.memref_slice %arg6[%dma_wait3A_83, %dma_wait3A_84] : memref<1000000x64xf32, #tpu.memory_space<hbm>> -> memref<1000000x64xf32, #tpu.memory_space<hbm>>
      tpu.wait_indirect_dma semaphore(%arg20 : memref<!tpu.dma_semaphore, #tpu.memory_space<semaphore_mem>>) src(%dma_wait3A_85 : memref<1000000x64xf32, #tpu.memory_space<hbm>>) dst(%dma_wait3A_80 : memref<128x64xf32, #tpu.memory_space<vmem>>)
      %dma_wait3A_86 = arith.constant 128 : i32
      %dma_wait3A_87 = arith.constant 0 : i32
      %dma_wait3A_88 = tpu.memref_slice %arg17[%dma_wait3A_86, %dma_wait3A_87] : memref<640x64xf32, #tpu.memory_space<vmem>> -> memref<128x64xf32, #tpu.memory_space<vmem>>
      %dma_wait3A_89 = arith.constant 128 : i32
      %dma_wait3A_90 = tpu.memref_slice %arg13[%dma_wait3A_89] : memref<640xi32, #tpu.memory_space<vmem>> -> memref<128xi32, #tpu.memory_space<vmem>>
      %dma_wait3A_91 = arith.constant 0 : i32
      %dma_wait3A_92 = arith.constant 0 : i32
      %dma_wait3A_93 = tpu.memref_slice %arg6[%dma_wait3A_91, %dma_wait3A_92] : memref<1000000x64xf32, #tpu.memory_space<hbm>> -> memref<1000000x64xf32, #tpu.memory_space<hbm>>
      tpu.wait_indirect_dma semaphore(%arg20 : memref<!tpu.dma_semaphore, #tpu.memory_space<semaphore_mem>>) src(%dma_wait3A_93 : memref<1000000x64xf32, #tpu.memory_space<hbm>>) dst(%dma_wait3A_88 : memref<128x64xf32, #tpu.memory_space<vmem>>)
      %dma_wait3A_94 = arith.constant 256 : i32
      %dma_wait3A_95 = arith.constant 0 : i32
      %dma_wait3A_96 = tpu.memref_slice %arg17[%dma_wait3A_94, %dma_wait3A_95] : memref<640x64xf32, #tpu.memory_space<vmem>> -> memref<128x64xf32, #tpu.memory_space<vmem>>
      %dma_wait3A_97 = arith.constant 256 : i32
      %dma_wait3A_98 = tpu.memref_slice %arg13[%dma_wait3A_97] : memref<640xi32, #tpu.memory_space<vmem>> -> memref<128xi32, #tpu.memory_space<vmem>>
      %dma_wait3A_99 = arith.constant 0 : i32
      %dma_wait3A_100 = arith.constant 0 : i32
      %dma_wait3A_101 = tpu.memref_slice %arg6[%dma_wait3A_99, %dma_wait3A_100] : memref<1000000x64xf32, #tpu.memory_space<hbm>> -> memref<1000000x64xf32, #tpu.memory_space<hbm>>
      tpu.wait_indirect_dma semaphore(%arg20 : memref<!tpu.dma_semaphore, #tpu.memory_space<semaphore_mem>>) src(%dma_wait3A_101 : memref<1000000x64xf32, #tpu.memory_space<hbm>>) dst(%dma_wait3A_96 : memref<128x64xf32, #tpu.memory_space<vmem>>)
      %dma_wait3A_102 = arith.constant 384 : i32
      %dma_wait3A_103 = arith.constant 0 : i32
      %dma_wait3A_104 = tpu.memref_slice %arg17[%dma_wait3A_102, %dma_wait3A_103] : memref<640x64xf32, #tpu.memory_space<vmem>> -> memref<128x64xf32, #tpu.memory_space<vmem>>
      %dma_wait3A_105 = arith.constant 384 : i32
      %dma_wait3A_106 = tpu.memref_slice %arg13[%dma_wait3A_105] : memref<640xi32, #tpu.memory_space<vmem>> -> memref<128xi32, #tpu.memory_space<vmem>>
      %dma_wait3A_107 = arith.constant 0 : i32
      %dma_wait3A_108 = arith.constant 0 : i32
      %dma_wait3A_109 = tpu.memref_slice %arg6[%dma_wait3A_107, %dma_wait3A_108] : memref<1000000x64xf32, #tpu.memory_space<hbm>> -> memref<1000000x64xf32, #tpu.memory_space<hbm>>
      tpu.wait_indirect_dma semaphore(%arg20 : memref<!tpu.dma_semaphore, #tpu.memory_space<semaphore_mem>>) src(%dma_wait3A_109 : memref<1000000x64xf32, #tpu.memory_space<hbm>>) dst(%dma_wait3A_104 : memref<128x64xf32, #tpu.memory_space<vmem>>)
      %dma_wait3A_110 = arith.constant 512 : i32
      %dma_wait3A_111 = arith.constant 0 : i32
      %dma_wait3A_112 = tpu.memref_slice %arg17[%dma_wait3A_110, %dma_wait3A_111] : memref<640x64xf32, #tpu.memory_space<vmem>> -> memref<128x64xf32, #tpu.memory_space<vmem>>
      %dma_wait3A_113 = arith.constant 512 : i32
      %dma_wait3A_114 = tpu.memref_slice %arg13[%dma_wait3A_113] : memref<640xi32, #tpu.memory_space<vmem>> -> memref<128xi32, #tpu.memory_space<vmem>>
      %dma_wait3A_115 = arith.constant 0 : i32
      %dma_wait3A_116 = arith.constant 0 : i32
      %dma_wait3A_117 = tpu.memref_slice %arg6[%dma_wait3A_115, %dma_wait3A_116] : memref<1000000x64xf32, #tpu.memory_space<hbm>> -> memref<1000000x64xf32, #tpu.memory_space<hbm>>
      tpu.wait_indirect_dma semaphore(%arg20 : memref<!tpu.dma_semaphore, #tpu.memory_space<semaphore_mem>>) src(%dma_wait3A_117 : memref<1000000x64xf32, #tpu.memory_space<hbm>>) dst(%dma_wait3A_112 : memref<128x64xf32, #tpu.memory_space<vmem>>)
      %scan3A_118 = arith.constant 0 : i32
      %scan3A_119 = arith.constant 0 : i32
      %scan3A_120 = arith.constant 8 : i32
      %scan3A_121 = arith.addi %scan3A_119, %scan3A_120 : i32
      %scan3A_122 = arith.constant 1 : i32
      scf.for %scan3A_134 = %scan3A_119 to %scan3A_121 step %scan3A_122  : i32 {
        %mul3A_135 = arith.constant 16 : i32
        %mul3A_136 = arith.muli %scan3A_134, %mul3A_135 : i32
        %iota3A = tpu.iota {dimensions = array<i32: 0>} : vector<16xi32>
        %add3A_137 = vector.broadcast %mul3A_136 : i32 to vector<16xi32>
        %add3A_138 = arith.addi %add3A_137, %iota3A : vector<16xi32>
        %add3A_139 = arith.constant 0 : i32
        %add3A_140 = vector.broadcast %add3A_139 : i32 to vector<16xi32>
        %add3A_141 = arith.addi %add3A_138, %add3A_140 : vector<16xi32>
        %add3A_142 = arith.constant 128 : i32
        %add3A_143 = vector.broadcast %add3A_142 : i32 to vector<16xi32>
        %add3A_144 = arith.addi %add3A_138, %add3A_143 : vector<16xi32>
        %add3A_145 = arith.constant 256 : i32
        %add3A_146 = vector.broadcast %add3A_145 : i32 to vector<16xi32>
        %add3A_147 = arith.addi %add3A_138, %add3A_146 : vector<16xi32>
        %add3A_148 = arith.constant 384 : i32
        %add3A_149 = vector.broadcast %add3A_148 : i32 to vector<16xi32>
        %add3A_150 = arith.addi %add3A_138, %add3A_149 : vector<16xi32>
        %add3A_151 = arith.constant 512 : i32
        %add3A_152 = vector.broadcast %add3A_151 : i32 to vector<16xi32>
        %add3A_153 = arith.addi %add3A_138, %add3A_152 : vector<16xi32>
        %broadcast_in_dim3A = arith.constant 0.000000e+00 : f32
        %broadcast_in_dim3A_154 = vector.broadcast %broadcast_in_dim3A : f32 to vector<16xf32>
        %broadcast_in_dim3A_155 = arith.constant 0.000000e+00 : f32
        %broadcast_in_dim3A_156 = vector.broadcast %broadcast_in_dim3A_155 : f32 to vector<16xf32>
        %broadcast_in_dim3A_157 = arith.constant 0.000000e+00 : f32
        %broadcast_in_dim3A_158 = vector.broadcast %broadcast_in_dim3A_157 : f32 to vector<16xf32>
        %broadcast_in_dim3A_159 = arith.constant 0.000000e+00 : f32
        %broadcast_in_dim3A_160 = vector.broadcast %broadcast_in_dim3A_159 : f32 to vector<16xf32>
        %broadcast_in_dim3A_161 = arith.constant 0.000000e+00 : f32
        %broadcast_in_dim3A_162 = vector.broadcast %broadcast_in_dim3A_161 : f32 to vector<16xf32>
        %broadcast_in_dim3A_163 = arith.constant 0.000000e+00 : f32
        %broadcast_in_dim3A_164 = vector.broadcast %broadcast_in_dim3A_163 : f32 to vector<16xf32>
        %broadcast_in_dim3A_165 = arith.constant 0 : i32
        %broadcast_in_dim3A_166 = vector.broadcast %broadcast_in_dim3A_165 : i32 to vector<16xi32>
        %gather3A = tpu.vector_load_idx %arg14[%add3A_138, %broadcast_in_dim3A_166] : memref<128x64xf32, #tpu.memory_space<vmem>>[vector<16xi32>, vector<16xi32>], vector<16xf32>,
        %gather3A_167 = tpu.vector_load_idx %arg15[%add3A_138, %broadcast_in_dim3A_166] : memref<128x64xf32, #tpu.memory_space<vmem>>[vector<16xi32>, vector<16xi32>], vector<16xf32>,
        %gather3A_168 = tpu.vector_load_idx %arg16[%add3A_138, %broadcast_in_dim3A_166] : memref<128x64xf32, #tpu.memory_space<vmem>>[vector<16xi32>, vector<16xi32>], vector<16xf32>,
        %add3A_169 = arith.addf %gather3A, %gather3A_167 : vector<16xf32>
        %sub3A = arith.subf %add3A_169, %gather3A_168 : vector<16xf32>
        %abs3A = math.absf %sub3A : vector<16xf32>
        %add3A_170 = arith.addf %broadcast_in_dim3A_154, %abs3A : vector<16xf32>
        %gather3A_171 = tpu.vector_load_idx %arg17[%add3A_141, %broadcast_in_dim3A_166] : memref<640x64xf32, #tpu.memory_space<vmem>>[vector<16xi32>, vector<16xi32>], vector<16xf32>,
        %sub3A_172 = arith.subf %add3A_169, %gather3A_171 : vector<16xf32>
        %abs3A_173 = math.absf %sub3A_172 : vector<16xf32>
        %add3A_174 = arith.addf %broadcast_in_dim3A_156, %abs3A_173 : vector<16xf32>
        %gather3A_175 = tpu.vector_load_idx %arg17[%add3A_144, %broadcast_in_dim3A_166] : memref<640x64xf32, #tpu.memory_space<vmem>>[vector<16xi32>, vector<16xi32>], vector<16xf32>,
        %sub3A_176 = arith.subf %add3A_169, %gather3A_175 : vector<16xf32>
        %abs3A_177 = math.absf %sub3A_176 : vector<16xf32>
        %add3A_178 = arith.addf %broadcast_in_dim3A_158, %abs3A_177 : vector<16xf32>
        %gather3A_179 = tpu.vector_load_idx %arg17[%add3A_147, %broadcast_in_dim3A_166] : memref<640x64xf32, #tpu.memory_space<vmem>>[vector<16xi32>, vector<16xi32>], vector<16xf32>,
        %sub3A_180 = arith.subf %add3A_169, %gather3A_179 : vector<16xf32>
        %abs3A_181 = math.absf %sub3A_180 : vector<16xf32>
        %add3A_182 = arith.addf %broadcast_in_dim3A_160, %abs3A_181 : vector<16xf32>
        %gather3A_183 = tpu.vector_load_idx %arg17[%add3A_150, %broadcast_in_dim3A_166] : memref<640x64xf32, #tpu.memory_space<vmem>>[vector<16xi32>, vector<16xi32>], vector<16xf32>,
        %sub3A_184 = arith.subf %add3A_169, %gather3A_183 : vector<16xf32>
        %abs3A_185 = math.absf %sub3A_184 : vector<16xf32>
        %add3A_186 = arith.addf %broadcast_in_dim3A_162, %abs3A_185 : vector<16xf32>
        %gather3A_187 = tpu.vector_load_idx %arg17[%add3A_153, %broadcast_in_dim3A_166] : memref<640x64xf32, #tpu.memory_space<vmem>>[vector<16xi32>, vector<16xi32>], vector<16xf32>,
        %sub3A_188 = arith.subf %add3A_169, %gather3A_187 : vector<16xf32>
        %abs3A_189 = math.absf %sub3A_188 : vector<16xf32>
        %add3A_190 = arith.addf %broadcast_in_dim3A_164, %abs3A_189 : vector<16xf32>
        %broadcast_in_dim3A_191 = arith.constant 1 : i32
        %broadcast_in_dim3A_192 = vector.broadcast %broadcast_in_dim3A_191 : i32 to vector<16xi32>
        %gather3A_193 = tpu.vector_load_idx %arg14[%add3A_138, %broadcast_in_dim3A_192] : memref<128x64xf32, #tpu.memory_space<vmem>>[vector<16xi32>, vector<16xi32>], vector<16xf32>,
        %gather3A_194 = tpu.vector_load_idx %arg15[%add3A_138, %broadcast_in_dim3A_192] : memref<128x64xf32, #tpu.memory_space<vmem>>[vector<16xi32>, vector<16xi32>], vector<16xf32>,
        %gather3A_195 = tpu.vector_load_idx %arg16[%add3A_138, %broadcast_in_dim3A_192] : memref<128x64xf32, #tpu.memory_space<vmem>>[vector<16xi32>, vector<16xi32>], vector<16xf32>,
        %add3A_196 = arith.addf %gather3A_193, %gather3A_194 : vector<16xf32>
        %sub3A_197 = arith.subf %add3A_196, %gather3A_195 : vector<16xf32>
        %abs3A_198 = math.absf %sub3A_197 : vector<16xf32>
        %add3A_199 = arith.addf %add3A_170, %abs3A_198 : vector<16xf32>
        %gather3A_200 = tpu.vector_load_idx %arg17[%add3A_141, %broadcast_in_dim3A_192] : memref<640x64xf32, #tpu.memory_space<vmem>>[vector<16xi32>, vector<16xi32>], vector<16xf32>,
        %sub3A_201 = arith.subf %add3A_196, %gather3A_200 : vector<16xf32>
        %abs3A_202 = math.absf %sub3A_201 : vector<16xf32>
        %add3A_203 = arith.addf %add3A_174, %abs3A_202 : vector<16xf32>
        %gather3A_204 = tpu.vector_load_idx %arg17[%add3A_144, %broadcast_in_dim3A_192] : memref<640x64xf32, #tpu.memory_space<vmem>>[vector<16xi32>, vector<16xi32>], vector<16xf32>,
        %sub3A_205 = arith.subf %add3A_196, %gather3A_204 : vector<16xf32>
        %abs3A_206 = math.absf %sub3A_205 : vector<16xf32>
        %add3A_207 = arith.addf %add3A_178, %abs3A_206 : vector<16xf32>
        %gather3A_208 = tpu.vector_load_idx %arg17[%add3A_147, %broadcast_in_dim3A_192] : memref<640x64xf32, #tpu.memory_space<vmem>>[vector<16xi32>, vector<16xi32>], vector<16xf32>,
        %sub3A_209 = arith.subf %add3A_196, %gather3A_208 : vector<16xf32>
        %abs3A_210 = math.absf %sub3A_209 : vector<16xf32>
        %add3A_211 = arith.addf %add3A_182, %abs3A_210 : vector<16xf32>
        %gather3A_212 = tpu.vector_load_idx %arg17[%add3A_150, %broadcast_in_dim3A_192] : memref<640x64xf32, #tpu.memory_space<vmem>>[vector<16xi32>, vector<16xi32>], vector<16xf32>,
        %sub3A_213 = arith.subf %add3A_196, %gather3A_212 : vector<16xf32>
        %abs3A_214 = math.absf %sub3A_213 : vector<16xf32>
        %add3A_215 = arith.addf %add3A_186, %abs3A_214 : vector<16xf32>
        %gather3A_216 = tpu.vector_load_idx %arg17[%add3A_153, %broadcast_in_dim3A_192] : memref<640x64xf32, #tpu.memory_space<vmem>>[vector<16xi32>, vector<16xi32>], vector<16xf32>,
        %sub3A_217 = arith.subf %add3A_196, %gather3A_216 : vector<16xf32>
        %abs3A_218 = math.absf %sub3A_217 : vector<16xf32>
        %add3A_219 = arith.addf %add3A_190, %abs3A_218 : vector<16xf32>
        %broadcast_in_dim3A_220 = arith.constant 2 : i32
        %broadcast_in_dim3A_221 = vector.broadcast %broadcast_in_dim3A_220 : i32 to vector<16xi32>
        %gather3A_222 = tpu.vector_load_idx %arg14[%add3A_138, %broadcast_in_dim3A_221] : memref<128x64xf32, #tpu.memory_space<vmem>>[vector<16xi32>, vector<16xi32>], vector<16xf32>,
        %gather3A_223 = tpu.vector_load_idx %arg15[%add3A_138, %broadcast_in_dim3A_221] : memref<128x64xf32, #tpu.memory_space<vmem>>[vector<16xi32>, vector<16xi32>], vector<16xf32>,
        %gather3A_224 = tpu.vector_load_idx %arg16[%add3A_138, %broadcast_in_dim3A_221] : memref<128x64xf32, #tpu.memory_space<vmem>>[vector<16xi32>, vector<16xi32>], vector<16xf32>,
        %add3A_225 = arith.addf %gather3A_222, %gather3A_223 : vector<16xf32>
        %sub3A_226 = arith.subf %add3A_225, %gather3A_224 : vector<16xf32>
        %abs3A_227 = math.absf %sub3A_226 : vector<16xf32>
        %add3A_228 = arith.addf %add3A_199, %abs3A_227 : vector<16xf32>
        %gather3A_229 = tpu.vector_load_idx %arg17[%add3A_141, %broadcast_in_dim3A_221] : memref<640x64xf32, #tpu.memory_space<vmem>>[vector<16xi32>, vector<16xi32>], vector<16xf32>,
        %sub3A_230 = arith.subf %add3A_225, %gather3A_229 : vector<16xf32>
        %abs3A_231 = math.absf %sub3A_230 : vector<16xf32>
        %add3A_232 = arith.addf %add3A_203, %abs3A_231 : vector<16xf32>
        %gather3A_233 = tpu.vector_load_idx %arg17[%add3A_144, %broadcast_in_dim3A_221] : memref<640x64xf32, #tpu.memory_space<vmem>>[vector<16xi32>, vector<16xi32>], vector<16xf32>,
        %sub3A_234 = arith.subf %add3A_225, %gather3A_233 : vector<16xf32>
        %abs3A_235 = math.absf %sub3A_234 : vector<16xf32>
        %add3A_236 = arith.addf %add3A_207, %abs3A_235 : vector<16xf32>
        %gather3A_237 = tpu.vector_load_idx %arg17[%add3A_147, %broadcast_in_dim3A_221] : memref<640x64xf32, #tpu.memory_space<vmem>>[vector<16xi32>, vector<16xi32>], vector<16xf32>,
        %sub3A_238 = arith.subf %add3A_225, %gather3A_237 : vector<16xf32>
        %abs3A_239 = math.absf %sub3A_238 : vector<16xf32>
        %add3A_240 = arith.addf %add3A_211, %abs3A_239 : vector<16xf32>
        %gather3A_241 = tpu.vector_load_idx %arg17[%add3A_150, %broadcast_in_dim3A_221] : memref<640x64xf32, #tpu.memory_space<vmem>>[vector<16xi32>, vector<16xi32>], vector<16xf32>,
        %sub3A_242 = arith.subf %add3A_225, %gather3A_241 : vector<16xf32>
        %abs3A_243 = math.absf %sub3A_242 : vector<16xf32>
        %add3A_244 = arith.addf %add3A_215, %abs3A_243 : vector<16xf32>
        %gather3A_245 = tpu.vector_load_idx %arg17[%add3A_153, %broadcast_in_dim3A_221] : memref<640x64xf32, #tpu.memory_space<vmem>>[vector<16xi32>, vector<16xi32>], vector<16xf32>,
        %sub3A_246 = arith.subf %add3A_225, %gather3A_245 : vector<16xf32>
        %abs3A_247 = math.absf %sub3A_246 : vector<16xf32>
        %add3A_248 = arith.addf %add3A_219, %abs3A_247 : vector<16xf32>
        %broadcast_in_dim3A_249 = arith.constant 3 : i32
        %broadcast_in_dim3A_250 = vector.broadcast %broadcast_in_dim3A_249 : i32 to vector<16xi32>
        %gather3A_251 = tpu.vector_load_idx %arg14[%add3A_138, %broadcast_in_dim3A_250] : memref<128x64xf32, #tpu.memory_space<vmem>>[vector<16xi32>, vector<16xi32>], vector<16xf32>,
        %gather3A_252 = tpu.vector_load_idx %arg15[%add3A_138, %broadcast_in_dim3A_250] : memref<128x64xf32, #tpu.memory_space<vmem>>[vector<16xi32>, vector<16xi32>], vector<16xf32>,
        %gather3A_253 = tpu.vector_load_idx %arg16[%add3A_138, %broadcast_in_dim3A_250] : memref<128x64xf32, #tpu.memory_space<vmem>>[vector<16xi32>, vector<16xi32>], vector<16xf32>,
        %add3A_254 = arith.addf %gather3A_251, %gather3A_252 : vector<16xf32>
        %sub3A_255 = arith.subf %add3A_254, %gather3A_253 : vector<16xf32>
        %abs3A_256 = math.absf %sub3A_255 : vector<16xf32>
        %add3A_257 = arith.addf %add3A_228, %abs3A_256 : vector<16xf32>
        %gather3A_258 = tpu.vector_load_idx %arg17[%add3A_141, %broadcast_in_dim3A_250] : memref<640x64xf32, #tpu.memory_space<vmem>>[vector<16xi32>, vector<16xi32>], vector<16xf32>,
        %sub3A_259 = arith.subf %add3A_254, %gather3A_258 : vector<16xf32>
        %abs3A_260 = math.absf %sub3A_259 : vector<16xf32>
        %add3A_261 = arith.addf %add3A_232, %abs3A_260 : vector<16xf32>
        %gather3A_262 = tpu.vector_load_idx %arg17[%add3A_144, %broadcast_in_dim3A_250] : memref<640x64xf32, #tpu.memory_space<vmem>>[vector<16xi32>, vector<16xi32>], vector<16xf32>,
        %sub3A_263 = arith.subf %add3A_254, %gather3A_262 : vector<16xf32>
        %abs3A_264 = math.absf %sub3A_263 : vector<16xf32>
        %add3A_265 = arith.addf %add3A_236, %abs3A_264 : vector<16xf32>
        %gather3A_266 = tpu.vector_load_idx %arg17[%add3A_147, %broadcast_in_dim3A_250] : memref<640x64xf32, #tpu.memory_space<vmem>>[vector<16xi32>, vector<16xi32>], vector<16xf32>,
        %sub3A_267 = arith.subf %add3A_254, %gather3A_266 : vector<16xf32>
        %abs3A_268 = math.absf %sub3A_267 : vector<16xf32>
        %add3A_269 = arith.addf %add3A_240, %abs3A_268 : vector<16xf32>
        %gather3A_270 = tpu.vector_load_idx %arg17[%add3A_150, %broadcast_in_dim3A_250] : memref<640x64xf32, #tpu.memory_space<vmem>>[vector<16xi32>, vector<16xi32>], vector<16xf32>,
        %sub3A_271 = arith.subf %add3A_254, %gather3A_270 : vector<16xf32>
        %abs3A_272 = math.absf %sub3A_271 : vector<16xf32>
        %add3A_273 = arith.addf %add3A_244, %abs3A_272 : vector<16xf32>
        %gather3A_274 = tpu.vector_load_idx %arg17[%add3A_153, %broadcast_in_dim3A_250] : memref<640x64xf32, #tpu.memory_space<vmem>>[vector<16xi32>, vector<16xi32>], vector<16xf32>,
        %sub3A_275 = arith.subf %add3A_254, %gather3A_274 : vector<16xf32>
        %abs3A_276 = math.absf %sub3A_275 : vector<16xf32>
        %add3A_277 = arith.addf %add3A_248, %abs3A_276 : vector<16xf32>
        %broadcast_in_dim3A_278 = arith.constant 4 : i32
        %broadcast_in_dim3A_279 = vector.broadcast %broadcast_in_dim3A_278 : i32 to vector<16xi32>
        %gather3A_280 = tpu.vector_load_idx %arg14[%add3A_138, %broadcast_in_dim3A_279] : memref<128x64xf32, #tpu.memory_space<vmem>>[vector<16xi32>, vector<16xi32>], vector<16xf32>,
        %gather3A_281 = tpu.vector_load_idx %arg15[%add3A_138, %broadcast_in_dim3A_279] : memref<128x64xf32, #tpu.memory_space<vmem>>[vector<16xi32>, vector<16xi32>], vector<16xf32>,
        %gather3A_282 = tpu.vector_load_idx %arg16[%add3A_138, %broadcast_in_dim3A_279] : memref<128x64xf32, #tpu.memory_space<vmem>>[vector<16xi32>, vector<16xi32>], vector<16xf32>,
        %add3A_283 = arith.addf %gather3A_280, %gather3A_281 : vector<16xf32>
        %sub3A_284 = arith.subf %add3A_283, %gather3A_282 : vector<16xf32>
        %abs3A_285 = math.absf %sub3A_284 : vector<16xf32>
        %add3A_286 = arith.addf %add3A_257, %abs3A_285 : vector<16xf32>
        %gather3A_287 = tpu.vector_load_idx %arg17[%add3A_141, %broadcast_in_dim3A_279] : memref<640x64xf32, #tpu.memory_space<vmem>>[vector<16xi32>, vector<16xi32>], vector<16xf32>,
        %sub3A_288 = arith.subf %add3A_283, %gather3A_287 : vector<16xf32>
        %abs3A_289 = math.absf %sub3A_288 : vector<16xf32>
        %add3A_290 = arith.addf %add3A_261, %abs3A_289 : vector<16xf32>
        %gather3A_291 = tpu.vector_load_idx %arg17[%add3A_144, %broadcast_in_dim3A_279] : memref<640x64xf32, #tpu.memory_space<vmem>>[vector<16xi32>, vector<16xi32>], vector<16xf32>,
        %sub3A_292 = arith.subf %add3A_283, %gather3A_291 : vector<16xf32>
        %abs3A_293 = math.absf %sub3A_292 : vector<16xf32>
        %add3A_294 = arith.addf %add3A_265, %abs3A_293 : vector<16xf32>
        %gather3A_295 = tpu.vector_load_idx %arg17[%add3A_147, %broadcast_in_dim3A_279] : memref<640x64xf32, #tpu.memory_space<vmem>>[vector<16xi32>, vector<16xi32>], vector<16xf32>,
        %sub3A_296 = arith.subf %add3A_283, %gather3A_295 : vector<16xf32>
        %abs3A_297 = math.absf %sub3A_296 : vector<16xf32>
        %add3A_298 = arith.addf %add3A_269, %abs3A_297 : vector<16xf32>
        %gather3A_299 = tpu.vector_load_idx %arg17[%add3A_150, %broadcast_in_dim3A_279] : memref<640x64xf32, #tpu.memory_space<vmem>>[vector<16xi32>, vector<16xi32>], vector<16xf32>,
        %sub3A_300 = arith.subf %add3A_283, %gather3A_299 : vector<16xf32>
        %abs3A_301 = math.absf %sub3A_300 : vector<16xf32>
        %add3A_302 = arith.addf %add3A_273, %abs3A_301 : vector<16xf32>
        %gather3A_303 = tpu.vector_load_idx %arg17[%add3A_153, %broadcast_in_dim3A_279] : memref<640x64xf32, #tpu.memory_space<vmem>>[vector<16xi32>, vector<16xi32>], vector<16xf32>,
        %sub3A_304 = arith.subf %add3A_283, %gather3A_303 : vector<16xf32>
        %abs3A_305 = math.absf %sub3A_304 : vector<16xf32>
        %add3A_306 = arith.addf %add3A_277, %abs3A_305 : vector<16xf32>
        %broadcast_in_dim3A_307 = arith.constant 5 : i32
        %broadcast_in_dim3A_308 = vector.broadcast %broadcast_in_dim3A_307 : i32 to vector<16xi32>
        %gather3A_309 = tpu.vector_load_idx %arg14[%add3A_138, %broadcast_in_dim3A_308] : memref<128x64xf32, #tpu.memory_space<vmem>>[vector<16xi32>, vector<16xi32>], vector<16xf32>,
        %gather3A_310 = tpu.vector_load_idx %arg15[%add3A_138, %broadcast_in_dim3A_308] : memref<128x64xf32, #tpu.memory_space<vmem>>[vector<16xi32>, vector<16xi32>], vector<16xf32>,
        %gather3A_311 = tpu.vector_load_idx %arg16[%add3A_138, %broadcast_in_dim3A_308] : memref<128x64xf32, #tpu.memory_space<vmem>>[vector<16xi32>, vector<16xi32>], vector<16xf32>,
        %add3A_312 = arith.addf %gather3A_309, %gather3A_310 : vector<16xf32>
        %sub3A_313 = arith.subf %add3A_312, %gather3A_311 : vector<16xf32>
        %abs3A_314 = math.absf %sub3A_313 : vector<16xf32>
        %add3A_315 = arith.addf %add3A_286, %abs3A_314 : vector<16xf32>
        %gather3A_316 = tpu.vector_load_idx %arg17[%add3A_141, %broadcast_in_dim3A_308] : memref<640x64xf32, #tpu.memory_space<vmem>>[vector<16xi32>, vector<16xi32>], vector<16xf32>,
        %sub3A_317 = arith.subf %add3A_312, %gather3A_316 : vector<16xf32>
        %abs3A_318 = math.absf %sub3A_317 : vector<16xf32>
        %add3A_319 = arith.addf %add3A_290, %abs3A_318 : vector<16xf32>
        %gather3A_320 = tpu.vector_load_idx %arg17[%add3A_144, %broadcast_in_dim3A_308] : memref<640x64xf32, #tpu.memory_space<vmem>>[vector<16xi32>, vector<16xi32>], vector<16xf32>,
        %sub3A_321 = arith.subf %add3A_312, %gather3A_320 : vector<16xf32>
        %abs3A_322 = math.absf %sub3A_321 : vector<16xf32>
        %add3A_323 = arith.addf %add3A_294, %abs3A_322 : vector<16xf32>
        %gather3A_324 = tpu.vector_load_idx %arg17[%add3A_147, %broadcast_in_dim3A_308] : memref<640x64xf32, #tpu.memory_space<vmem>>[vector<16xi32>, vector<16xi32>], vector<16xf32>,
        %sub3A_325 = arith.subf %add3A_312, %gather3A_324 : vector<16xf32>
        %abs3A_326 = math.absf %sub3A_325 : vector<16xf32>
        %add3A_327 = arith.addf %add3A_298, %abs3A_326 : vector<16xf32>
        %gather3A_328 = tpu.vector_load_idx %arg17[%add3A_150, %broadcast_in_dim3A_308] : memref<640x64xf32, #tpu.memory_space<vmem>>[vector<16xi32>, vector<16xi32>], vector<16xf32>,
        %sub3A_329 = arith.subf %add3A_312, %gather3A_328 : vector<16xf32>
        %abs3A_330 = math.absf %sub3A_329 : vector<16xf32>
        %add3A_331 = arith.addf %add3A_302, %abs3A_330 : vector<16xf32>
        %gather3A_332 = tpu.vector_load_idx %arg17[%add3A_153, %broadcast_in_dim3A_308] : memref<640x64xf32, #tpu.memory_space<vmem>>[vector<16xi32>, vector<16xi32>], vector<16xf32>,
        %sub3A_333 = arith.subf %add3A_312, %gather3A_332 : vector<16xf32>
        %abs3A_334 = math.absf %sub3A_333 : vector<16xf32>
        %add3A_335 = arith.addf %add3A_306, %abs3A_334 : vector<16xf32>
        %broadcast_in_dim3A_336 = arith.constant 6 : i32
        %broadcast_in_dim3A_337 = vector.broadcast %broadcast_in_dim3A_336 : i32 to vector<16xi32>
        %gather3A_338 = tpu.vector_load_idx %arg14[%add3A_138, %broadcast_in_dim3A_337] : memref<128x64xf32, #tpu.memory_space<vmem>>[vector<16xi32>, vector<16xi32>], vector<16xf32>,
        %gather3A_339 = tpu.vector_load_idx %arg15[%add3A_138, %broadcast_in_dim3A_337] : memref<128x64xf32, #tpu.memory_space<vmem>>[vector<16xi32>, vector<16xi32>], vector<16xf32>,
        %gather3A_340 = tpu.vector_load_idx %arg16[%add3A_138, %broadcast_in_dim3A_337] : memref<128x64xf32, #tpu.memory_space<vmem>>[vector<16xi32>, vector<16xi32>], vector<16xf32>,
        %add3A_341 = arith.addf %gather3A_338, %gather3A_339 : vector<16xf32>
        %sub3A_342 = arith.subf %add3A_341, %gather3A_340 : vector<16xf32>
        %abs3A_343 = math.absf %sub3A_342 : vector<16xf32>
        %add3A_344 = arith.addf %add3A_315, %abs3A_343 : vector<16xf32>
        %gather3A_345 = tpu.vector_load_idx %arg17[%add3A_141, %broadcast_in_dim3A_337] : memref<640x64xf32, #tpu.memory_space<vmem>>[vector<16xi32>, vector<16xi32>], vector<16xf32>,
        %sub3A_346 = arith.subf %add3A_341, %gather3A_345 : vector<16xf32>
        %abs3A_347 = math.absf %sub3A_346 : vector<16xf32>
        %add3A_348 = arith.addf %add3A_319, %abs3A_347 : vector<16xf32>
        %gather3A_349 = tpu.vector_load_idx %arg17[%add3A_144, %broadcast_in_dim3A_337] : memref<640x64xf32, #tpu.memory_space<vmem>>[vector<16xi32>, vector<16xi32>], vector<16xf32>,
        %sub3A_350 = arith.subf %add3A_341, %gather3A_349 : vector<16xf32>
        %abs3A_351 = math.absf %sub3A_350 : vector<16xf32>
        %add3A_352 = arith.addf %add3A_323, %abs3A_351 : vector<16xf32>
        %gather3A_353 = tpu.vector_load_idx %arg17[%add3A_147, %broadcast_in_dim3A_337] : memref<640x64xf32, #tpu.memory_space<vmem>>[vector<16xi32>, vector<16xi32>], vector<16xf32>,
        %sub3A_354 = arith.subf %add3A_341, %gather3A_353 : vector<16xf32>
        %abs3A_355 = math.absf %sub3A_354 : vector<16xf32>
        %add3A_356 = arith.addf %add3A_327, %abs3A_355 : vector<16xf32>
        %gather3A_357 = tpu.vector_load_idx %arg17[%add3A_150, %broadcast_in_dim3A_337] : memref<640x64xf32, #tpu.memory_space<vmem>>[vector<16xi32>, vector<16xi32>], vector<16xf32>,
        %sub3A_358 = arith.subf %add3A_341, %gather3A_357 : vector<16xf32>
        %abs3A_359 = math.absf %sub3A_358 : vector<16xf32>
        %add3A_360 = arith.addf %add3A_331, %abs3A_359 : vector<16xf32>
        %gather3A_361 = tpu.vector_load_idx %arg17[%add3A_153, %broadcast_in_dim3A_337] : memref<640x64xf32, #tpu.memory_space<vmem>>[vector<16xi32>, vector<16xi32>], vector<16xf32>,
        %sub3A_362 = arith.subf %add3A_341, %gather3A_361 : vector<16xf32>
        %abs3A_363 = math.absf %sub3A_362 : vector<16xf32>
        %add3A_364 = arith.addf %add3A_335, %abs3A_363 : vector<16xf32>
        %broadcast_in_dim3A_365 = arith.constant 7 : i32
        %broadcast_in_dim3A_366 = vector.broadcast %broadcast_in_dim3A_365 : i32 to vector<16xi32>
        %gather3A_367 = tpu.vector_load_idx %arg14[%add3A_138, %broadcast_in_dim3A_366] : memref<128x64xf32, #tpu.memory_space<vmem>>[vector<16xi32>, vector<16xi32>], vector<16xf32>,
        %gather3A_368 = tpu.vector_load_idx %arg15[%add3A_138, %broadcast_in_dim3A_366] : memref<128x64xf32, #tpu.memory_space<vmem>>[vector<16xi32>, vector<16xi32>], vector<16xf32>,
        %gather3A_369 = tpu.vector_load_idx %arg16[%add3A_138, %broadcast_in_dim3A_366] : memref<128x64xf32, #tpu.memory_space<vmem>>[vector<16xi32>, vector<16xi32>], vector<16xf32>,
        %add3A_370 = arith.addf %gather3A_367, %gather3A_368 : vector<16xf32>
        %sub3A_371 = arith.subf %add3A_370, %gather3A_369 : vector<16xf32>
        %abs3A_372 = math.absf %sub3A_371 : vector<16xf32>
        %add3A_373 = arith.addf %add3A_344, %abs3A_372 : vector<16xf32>
        %gather3A_374 = tpu.vector_load_idx %arg17[%add3A_141, %broadcast_in_dim3A_366] : memref<640x64xf32, #tpu.memory_space<vmem>>[vector<16xi32>, vector<16xi32>], vector<16xf32>,
        %sub3A_375 = arith.subf %add3A_370, %gather3A_374 : vector<16xf32>
        %abs3A_376 = math.absf %sub3A_375 : vector<16xf32>
        %add3A_377 = arith.addf %add3A_348, %abs3A_376 : vector<16xf32>
        %gather3A_378 = tpu.vector_load_idx %arg17[%add3A_144, %broadcast_in_dim3A_366] : memref<640x64xf32, #tpu.memory_space<vmem>>[vector<16xi32>, vector<16xi32>], vector<16xf32>,
        %sub3A_379 = arith.subf %add3A_370, %gather3A_378 : vector<16xf32>
        %abs3A_380 = math.absf %sub3A_379 : vector<16xf32>
        %add3A_381 = arith.addf %add3A_352, %abs3A_380 : vector<16xf32>
        %gather3A_382 = tpu.vector_load_idx %arg17[%add3A_147, %broadcast_in_dim3A_366] : memref<640x64xf32, #tpu.memory_space<vmem>>[vector<16xi32>, vector<16xi32>], vector<16xf32>,
        %sub3A_383 = arith.subf %add3A_370, %gather3A_382 : vector<16xf32>
        %abs3A_384 = math.absf %sub3A_383 : vector<16xf32>
        %add3A_385 = arith.addf %add3A_356, %abs3A_384 : vector<16xf32>
        %gather3A_386 = tpu.vector_load_idx %arg17[%add3A_150, %broadcast_in_dim3A_366] : memref<640x64xf32, #tpu.memory_space<vmem>>[vector<16xi32>, vector<16xi32>], vector<16xf32>,
        %sub3A_387 = arith.subf %add3A_370, %gather3A_386 : vector<16xf32>
        %abs3A_388 = math.absf %sub3A_387 : vector<16xf32>
        %add3A_389 = arith.addf %add3A_360, %abs3A_388 : vector<16xf32>
        %gather3A_390 = tpu.vector_load_idx %arg17[%add3A_153, %broadcast_in_dim3A_366] : memref<640x64xf32, #tpu.memory_space<vmem>>[vector<16xi32>, vector<16xi32>], vector<16xf32>,
        %sub3A_391 = arith.subf %add3A_370, %gather3A_390 : vector<16xf32>
        %abs3A_392 = math.absf %sub3A_391 : vector<16xf32>
        %add3A_393 = arith.addf %add3A_364, %abs3A_392 : vector<16xf32>
        %broadcast_in_dim3A_394 = arith.constant 8 : i32
        %broadcast_in_dim3A_395 = vector.broadcast %broadcast_in_dim3A_394 : i32 to vector<16xi32>
        %gather3A_396 = tpu.vector_load_idx %arg14[%add3A_138, %broadcast_in_dim3A_395] : memref<128x64xf32, #tpu.memory_space<vmem>>[vector<16xi32>, vector<16xi32>], vector<16xf32>,
        %gather3A_397 = tpu.vector_load_idx %arg15[%add3A_138, %broadcast_in_dim3A_395] : memref<128x64xf32, #tpu.memory_space<vmem>>[vector<16xi32>, vector<16xi32>], vector<16xf32>,
        %gather3A_398 = tpu.vector_load_idx %arg16[%add3A_138, %broadcast_in_dim3A_395] : memref<128x64xf32, #tpu.memory_space<vmem>>[vector<16xi32>, vector<16xi32>], vector<16xf32>,
        %add3A_399 = arith.addf %gather3A_396, %gather3A_397 : vector<16xf32>
        %sub3A_400 = arith.subf %add3A_399, %gather3A_398 : vector<16xf32>
        %abs3A_401 = math.absf %sub3A_400 : vector<16xf32>
        %add3A_402 = arith.addf %add3A_373, %abs3A_401 : vector<16xf32>
        %gather3A_403 = tpu.vector_load_idx %arg17[%add3A_141, %broadcast_in_dim3A_395] : memref<640x64xf32, #tpu.memory_space<vmem>>[vector<16xi32>, vector<16xi32>], vector<16xf32>,
        %sub3A_404 = arith.subf %add3A_399, %gather3A_403 : vector<16xf32>
        %abs3A_405 = math.absf %sub3A_404 : vector<16xf32>
        %add3A_406 = arith.addf %add3A_377, %abs3A_405 : vector<16xf32>
        %gather3A_407 = tpu.vector_load_idx %arg17[%add3A_144, %broadcast_in_dim3A_395] : memref<640x64xf32, #tpu.memory_space<vmem>>[vector<16xi32>, vector<16xi32>], vector<16xf32>,
        %sub3A_408 = arith.subf %add3A_399, %gather3A_407 : vector<16xf32>
        %abs3A_409 = math.absf %sub3A_408 : vector<16xf32>
        %add3A_410 = arith.addf %add3A_381, %abs3A_409 : vector<16xf32>
        %gather3A_411 = tpu.vector_load_idx %arg17[%add3A_147, %broadcast_in_dim3A_395] : memref<640x64xf32, #tpu.memory_space<vmem>>[vector<16xi32>, vector<16xi32>], vector<16xf32>,
        %sub3A_412 = arith.subf %add3A_399, %gather3A_411 : vector<16xf32>
        %abs3A_413 = math.absf %sub3A_412 : vector<16xf32>
        %add3A_414 = arith.addf %add3A_385, %abs3A_413 : vector<16xf32>
        %gather3A_415 = tpu.vector_load_idx %arg17[%add3A_150, %broadcast_in_dim3A_395] : memref<640x64xf32, #tpu.memory_space<vmem>>[vector<16xi32>, vector<16xi32>], vector<16xf32>,
        %sub3A_416 = arith.subf %add3A_399, %gather3A_415 : vector<16xf32>
        %abs3A_417 = math.absf %sub3A_416 : vector<16xf32>
        %add3A_418 = arith.addf %add3A_389, %abs3A_417 : vector<16xf32>
        %gather3A_419 = tpu.vector_load_idx %arg17[%add3A_153, %broadcast_in_dim3A_395] : memref<640x64xf32, #tpu.memory_space<vmem>>[vector<16xi32>, vector<16xi32>], vector<16xf32>,
        %sub3A_420 = arith.subf %add3A_399, %gather3A_419 : vector<16xf32>
        %abs3A_421 = math.absf %sub3A_420 : vector<16xf32>
        %add3A_422 = arith.addf %add3A_393, %abs3A_421 : vector<16xf32>
        %broadcast_in_dim3A_423 = arith.constant 9 : i32
        %broadcast_in_dim3A_424 = vector.broadcast %broadcast_in_dim3A_423 : i32 to vector<16xi32>
        %gather3A_425 = tpu.vector_load_idx %arg14[%add3A_138, %broadcast_in_dim3A_424] : memref<128x64xf32, #tpu.memory_space<vmem>>[vector<16xi32>, vector<16xi32>], vector<16xf32>,
        %gather3A_426 = tpu.vector_load_idx %arg15[%add3A_138, %broadcast_in_dim3A_424] : memref<128x64xf32, #tpu.memory_space<vmem>>[vector<16xi32>, vector<16xi32>], vector<16xf32>,
        %gather3A_427 = tpu.vector_load_idx %arg16[%add3A_138, %broadcast_in_dim3A_424] : memref<128x64xf32, #tpu.memory_space<vmem>>[vector<16xi32>, vector<16xi32>], vector<16xf32>,
        %add3A_428 = arith.addf %gather3A_425, %gather3A_426 : vector<16xf32>
        %sub3A_429 = arith.subf %add3A_428, %gather3A_427 : vector<16xf32>
        %abs3A_430 = math.absf %sub3A_429 : vector<16xf32>
        %add3A_431 = arith.addf %add3A_402, %abs3A_430 : vector<16xf32>
        %gather3A_432 = tpu.vector_load_idx %arg17[%add3A_141, %broadcast_in_dim3A_424] : memref<640x64xf32, #tpu.memory_space<vmem>>[vector<16xi32>, vector<16xi32>], vector<16xf32>,
        %sub3A_433 = arith.subf %add3A_428, %gather3A_432 : vector<16xf32>
        %abs3A_434 = math.absf %sub3A_433 : vector<16xf32>
        %add3A_435 = arith.addf %add3A_406, %abs3A_434 : vector<16xf32>
        %gather3A_436 = tpu.vector_load_idx %arg17[%add3A_144, %broadcast_in_dim3A_424] : memref<640x64xf32, #tpu.memory_space<vmem>>[vector<16xi32>, vector<16xi32>], vector<16xf32>,
        %sub3A_437 = arith.subf %add3A_428, %gather3A_436 : vector<16xf32>
        %abs3A_438 = math.absf %sub3A_437 : vector<16xf32>
        %add3A_439 = arith.addf %add3A_410, %abs3A_438 : vector<16xf32>
        %gather3A_440 = tpu.vector_load_idx %arg17[%add3A_147, %broadcast_in_dim3A_424] : memref<640x64xf32, #tpu.memory_space<vmem>>[vector<16xi32>, vector<16xi32>], vector<16xf32>,
        %sub3A_441 = arith.subf %add3A_428, %gather3A_440 : vector<16xf32>
        %abs3A_442 = math.absf %sub3A_441 : vector<16xf32>
        %add3A_443 = arith.addf %add3A_414, %abs3A_442 : vector<16xf32>
        %gather3A_444 = tpu.vector_load_idx %arg17[%add3A_150, %broadcast_in_dim3A_424] : memref<640x64xf32, #tpu.memory_space<vmem>>[vector<16xi32>, vector<16xi32>], vector<16xf32>,
        %sub3A_445 = arith.subf %add3A_428, %gather3A_444 : vector<16xf32>
        %abs3A_446 = math.absf %sub3A_445 : vector<16xf32>
        %add3A_447 = arith.addf %add3A_418, %abs3A_446 : vector<16xf32>
        %gather3A_448 = tpu.vector_load_idx %arg17[%add3A_153, %broadcast_in_dim3A_424] : memref<640x64xf32, #tpu.memory_space<vmem>>[vector<16xi32>, vector<16xi32>], vector<16xf32>,
        %sub3A_449 = arith.subf %add3A_428, %gather3A_448 : vector<16xf32>
        %abs3A_450 = math.absf %sub3A_449 : vector<16xf32>
        %add3A_451 = arith.addf %add3A_422, %abs3A_450 : vector<16xf32>
        %broadcast_in_dim3A_452 = arith.constant 10 : i32
        %broadcast_in_dim3A_453 = vector.broadcast %broadcast_in_dim3A_452 : i32 to vector<16xi32>
        %gather3A_454 = tpu.vector_load_idx %arg14[%add3A_138, %broadcast_in_dim3A_453] : memref<128x64xf32, #tpu.memory_space<vmem>>[vector<16xi32>, vector<16xi32>], vector<16xf32>,
        %gather3A_455 = tpu.vector_load_idx %arg15[%add3A_138, %broadcast_in_dim3A_453] : memref<128x64xf32, #tpu.memory_space<vmem>>[vector<16xi32>, vector<16xi32>], vector<16xf32>,
        %gather3A_456 = tpu.vector_load_idx %arg16[%add3A_138, %broadcast_in_dim3A_453] : memref<128x64xf32, #tpu.memory_space<vmem>>[vector<16xi32>, vector<16xi32>], vector<16xf32>,
        %add3A_457 = arith.addf %gather3A_454, %gather3A_455 : vector<16xf32>
        %sub3A_458 = arith.subf %add3A_457, %gather3A_456 : vector<16xf32>
        %abs3A_459 = math.absf %sub3A_458 : vector<16xf32>
        %add3A_460 = arith.addf %add3A_431, %abs3A_459 : vector<16xf32>
        %gather3A_461 = tpu.vector_load_idx %arg17[%add3A_141, %broadcast_in_dim3A_453] : memref<640x64xf32, #tpu.memory_space<vmem>>[vector<16xi32>, vector<16xi32>], vector<16xf32>,
        %sub3A_462 = arith.subf %add3A_457, %gather3A_461 : vector<16xf32>
        %abs3A_463 = math.absf %sub3A_462 : vector<16xf32>
        %add3A_464 = arith.addf %add3A_435, %abs3A_463 : vector<16xf32>
        %gather3A_465 = tpu.vector_load_idx %arg17[%add3A_144, %broadcast_in_dim3A_453] : memref<640x64xf32, #tpu.memory_space<vmem>>[vector<16xi32>, vector<16xi32>], vector<16xf32>,
        %sub3A_466 = arith.subf %add3A_457, %gather3A_465 : vector<16xf32>
        %abs3A_467 = math.absf %sub3A_466 : vector<16xf32>
        %add3A_468 = arith.addf %add3A_439, %abs3A_467 : vector<16xf32>
        %gather3A_469 = tpu.vector_load_idx %arg17[%add3A_147, %broadcast_in_dim3A_453] : memref<640x64xf32, #tpu.memory_space<vmem>>[vector<16xi32>, vector<16xi32>], vector<16xf32>,
        %sub3A_470 = arith.subf %add3A_457, %gather3A_469 : vector<16xf32>
        %abs3A_471 = math.absf %sub3A_470 : vector<16xf32>
        %add3A_472 = arith.addf %add3A_443, %abs3A_471 : vector<16xf32>
        %gather3A_473 = tpu.vector_load_idx %arg17[%add3A_150, %broadcast_in_dim3A_453] : memref<640x64xf32, #tpu.memory_space<vmem>>[vector<16xi32>, vector<16xi32>], vector<16xf32>,
        %sub3A_474 = arith.subf %add3A_457, %gather3A_473 : vector<16xf32>
        %abs3A_475 = math.absf %sub3A_474 : vector<16xf32>
        %add3A_476 = arith.addf %add3A_447, %abs3A_475 : vector<16xf32>
        %gather3A_477 = tpu.vector_load_idx %arg17[%add3A_153, %broadcast_in_dim3A_453] : memref<640x64xf32, #tpu.memory_space<vmem>>[vector<16xi32>, vector<16xi32>], vector<16xf32>,
        %sub3A_478 = arith.subf %add3A_457, %gather3A_477 : vector<16xf32>
        %abs3A_479 = math.absf %sub3A_478 : vector<16xf32>
        %add3A_480 = arith.addf %add3A_451, %abs3A_479 : vector<16xf32>
        %broadcast_in_dim3A_481 = arith.constant 11 : i32
        %broadcast_in_dim3A_482 = vector.broadcast %broadcast_in_dim3A_481 : i32 to vector<16xi32>
        %gather3A_483 = tpu.vector_load_idx %arg14[%add3A_138, %broadcast_in_dim3A_482] : memref<128x64xf32, #tpu.memory_space<vmem>>[vector<16xi32>, vector<16xi32>], vector<16xf32>,
        %gather3A_484 = tpu.vector_load_idx %arg15[%add3A_138, %broadcast_in_dim3A_482] : memref<128x64xf32, #tpu.memory_space<vmem>>[vector<16xi32>, vector<16xi32>], vector<16xf32>,
        %gather3A_485 = tpu.vector_load_idx %arg16[%add3A_138, %broadcast_in_dim3A_482] : memref<128x64xf32, #tpu.memory_space<vmem>>[vector<16xi32>, vector<16xi32>], vector<16xf32>,
        %add3A_486 = arith.addf %gather3A_483, %gather3A_484 : vector<16xf32>
        %sub3A_487 = arith.subf %add3A_486, %gather3A_485 : vector<16xf32>
        %abs3A_488 = math.absf %sub3A_487 : vector<16xf32>
        %add3A_489 = arith.addf %add3A_460, %abs3A_488 : vector<16xf32>
        %gather3A_490 = tpu.vector_load_idx %arg17[%add3A_141, %broadcast_in_dim3A_482] : memref<640x64xf32, #tpu.memory_space<vmem>>[vector<16xi32>, vector<16xi32>], vector<16xf32>,
        %sub3A_491 = arith.subf %add3A_486, %gather3A_490 : vector<16xf32>
        %abs3A_492 = math.absf %sub3A_491 : vector<16xf32>
        %add3A_493 = arith.addf %add3A_464, %abs3A_492 : vector<16xf32>
        %gather3A_494 = tpu.vector_load_idx %arg17[%add3A_144, %broadcast_in_dim3A_482] : memref<640x64xf32, #tpu.memory_space<vmem>>[vector<16xi32>, vector<16xi32>], vector<16xf32>,
        %sub3A_495 = arith.subf %add3A_486, %gather3A_494 : vector<16xf32>
        %abs3A_496 = math.absf %sub3A_495 : vector<16xf32>
        %add3A_497 = arith.addf %add3A_468, %abs3A_496 : vector<16xf32>
        %gather3A_498 = tpu.vector_load_idx %arg17[%add3A_147, %broadcast_in_dim3A_482] : memref<640x64xf32, #tpu.memory_space<vmem>>[vector<16xi32>, vector<16xi32>], vector<16xf32>,
        %sub3A_499 = arith.subf %add3A_486, %gather3A_498 : vector<16xf32>
        %abs3A_500 = math.absf %sub3A_499 : vector<16xf32>
        %add3A_501 = arith.addf %add3A_472, %abs3A_500 : vector<16xf32>
        %gather3A_502 = tpu.vector_load_idx %arg17[%add3A_150, %broadcast_in_dim3A_482] : memref<640x64xf32, #tpu.memory_space<vmem>>[vector<16xi32>, vector<16xi32>], vector<16xf32>,
        %sub3A_503 = arith.subf %add3A_486, %gather3A_502 : vector<16xf32>
        %abs3A_504 = math.absf %sub3A_503 : vector<16xf32>
        %add3A_505 = arith.addf %add3A_476, %abs3A_504 : vector<16xf32>
        %gather3A_506 = tpu.vector_load_idx %arg17[%add3A_153, %broadcast_in_dim3A_482] : memref<640x64xf32, #tpu.memory_space<vmem>>[vector<16xi32>, vector<16xi32>], vector<16xf32>,
        %sub3A_507 = arith.subf %add3A_486, %gather3A_506 : vector<16xf32>
        %abs3A_508 = math.absf %sub3A_507 : vector<16xf32>
        %add3A_509 = arith.addf %add3A_480, %abs3A_508 : vector<16xf32>
        %broadcast_in_dim3A_510 = arith.constant 12 : i32
        %broadcast_in_dim3A_511 = vector.broadcast %broadcast_in_dim3A_510 : i32 to vector<16xi32>
        %gather3A_512 = tpu.vector_load_idx %arg14[%add3A_138, %broadcast_in_dim3A_511] : memref<128x64xf32, #tpu.memory_space<vmem>>[vector<16xi32>, vector<16xi32>], vector<16xf32>,
        %gather3A_513 = tpu.vector_load_idx %arg15[%add3A_138, %broadcast_in_dim3A_511] : memref<128x64xf32, #tpu.memory_space<vmem>>[vector<16xi32>, vector<16xi32>], vector<16xf32>,
        %gather3A_514 = tpu.vector_load_idx %arg16[%add3A_138, %broadcast_in_dim3A_511] : memref<128x64xf32, #tpu.memory_space<vmem>>[vector<16xi32>, vector<16xi32>], vector<16xf32>,
        %add3A_515 = arith.addf %gather3A_512, %gather3A_513 : vector<16xf32>
        %sub3A_516 = arith.subf %add3A_515, %gather3A_514 : vector<16xf32>
        %abs3A_517 = math.absf %sub3A_516 : vector<16xf32>
        %add3A_518 = arith.addf %add3A_489, %abs3A_517 : vector<16xf32>
        %gather3A_519 = tpu.vector_load_idx %arg17[%add3A_141, %broadcast_in_dim3A_511] : memref<640x64xf32, #tpu.memory_space<vmem>>[vector<16xi32>, vector<16xi32>], vector<16xf32>,
        %sub3A_520 = arith.subf %add3A_515, %gather3A_519 : vector<16xf32>
        %abs3A_521 = math.absf %sub3A_520 : vector<16xf32>
        %add3A_522 = arith.addf %add3A_493, %abs3A_521 : vector<16xf32>
        %gather3A_523 = tpu.vector_load_idx %arg17[%add3A_144, %broadcast_in_dim3A_511] : memref<640x64xf32, #tpu.memory_space<vmem>>[vector<16xi32>, vector<16xi32>], vector<16xf32>,
        %sub3A_524 = arith.subf %add3A_515, %gather3A_523 : vector<16xf32>
        %abs3A_525 = math.absf %sub3A_524 : vector<16xf32>
        %add3A_526 = arith.addf %add3A_497, %abs3A_525 : vector<16xf32>
        %gather3A_527 = tpu.vector_load_idx %arg17[%add3A_147, %broadcast_in_dim3A_511] : memref<640x64xf32, #tpu.memory_space<vmem>>[vector<16xi32>, vector<16xi32>], vector<16xf32>,
        %sub3A_528 = arith.subf %add3A_515, %gather3A_527 : vector<16xf32>
        %abs3A_529 = math.absf %sub3A_528 : vector<16xf32>
        %add3A_530 = arith.addf %add3A_501, %abs3A_529 : vector<16xf32>
        %gather3A_531 = tpu.vector_load_idx %arg17[%add3A_150, %broadcast_in_dim3A_511] : memref<640x64xf32, #tpu.memory_space<vmem>>[vector<16xi32>, vector<16xi32>], vector<16xf32>,
        %sub3A_532 = arith.subf %add3A_515, %gather3A_531 : vector<16xf32>
        %abs3A_533 = math.absf %sub3A_532 : vector<16xf32>
        %add3A_534 = arith.addf %add3A_505, %abs3A_533 : vector<16xf32>
        %gather3A_535 = tpu.vector_load_idx %arg17[%add3A_153, %broadcast_in_dim3A_511] : memref<640x64xf32, #tpu.memory_space<vmem>>[vector<16xi32>, vector<16xi32>], vector<16xf32>,
        %sub3A_536 = arith.subf %add3A_515, %gather3A_535 : vector<16xf32>
        %abs3A_537 = math.absf %sub3A_536 : vector<16xf32>
        %add3A_538 = arith.addf %add3A_509, %abs3A_537 : vector<16xf32>
        %broadcast_in_dim3A_539 = arith.constant 13 : i32
        %broadcast_in_dim3A_540 = vector.broadcast %broadcast_in_dim3A_539 : i32 to vector<16xi32>
        %gather3A_541 = tpu.vector_load_idx %arg14[%add3A_138, %broadcast_in_dim3A_540] : memref<128x64xf32, #tpu.memory_space<vmem>>[vector<16xi32>, vector<16xi32>], vector<16xf32>,
        %gather3A_542 = tpu.vector_load_idx %arg15[%add3A_138, %broadcast_in_dim3A_540] : memref<128x64xf32, #tpu.memory_space<vmem>>[vector<16xi32>, vector<16xi32>], vector<16xf32>,
        %gather3A_543 = tpu.vector_load_idx %arg16[%add3A_138, %broadcast_in_dim3A_540] : memref<128x64xf32, #tpu.memory_space<vmem>>[vector<16xi32>, vector<16xi32>], vector<16xf32>,
        %add3A_544 = arith.addf %gather3A_541, %gather3A_542 : vector<16xf32>
        %sub3A_545 = arith.subf %add3A_544, %gather3A_543 : vector<16xf32>
        %abs3A_546 = math.absf %sub3A_545 : vector<16xf32>
        %add3A_547 = arith.addf %add3A_518, %abs3A_546 : vector<16xf32>
        %gather3A_548 = tpu.vector_load_idx %arg17[%add3A_141, %broadcast_in_dim3A_540] : memref<640x64xf32, #tpu.memory_space<vmem>>[vector<16xi32>, vector<16xi32>], vector<16xf32>,
        %sub3A_549 = arith.subf %add3A_544, %gather3A_548 : vector<16xf32>
        %abs3A_550 = math.absf %sub3A_549 : vector<16xf32>
        %add3A_551 = arith.addf %add3A_522, %abs3A_550 : vector<16xf32>
        %gather3A_552 = tpu.vector_load_idx %arg17[%add3A_144, %broadcast_in_dim3A_540] : memref<640x64xf32, #tpu.memory_space<vmem>>[vector<16xi32>, vector<16xi32>], vector<16xf32>,
        %sub3A_553 = arith.subf %add3A_544, %gather3A_552 : vector<16xf32>
        %abs3A_554 = math.absf %sub3A_553 : vector<16xf32>
        %add3A_555 = arith.addf %add3A_526, %abs3A_554 : vector<16xf32>
        %gather3A_556 = tpu.vector_load_idx %arg17[%add3A_147, %broadcast_in_dim3A_540] : memref<640x64xf32, #tpu.memory_space<vmem>>[vector<16xi32>, vector<16xi32>], vector<16xf32>,
        %sub3A_557 = arith.subf %add3A_544, %gather3A_556 : vector<16xf32>
        %abs3A_558 = math.absf %sub3A_557 : vector<16xf32>
        %add3A_559 = arith.addf %add3A_530, %abs3A_558 : vector<16xf32>
        %gather3A_560 = tpu.vector_load_idx %arg17[%add3A_150, %broadcast_in_dim3A_540] : memref<640x64xf32, #tpu.memory_space<vmem>>[vector<16xi32>, vector<16xi32>], vector<16xf32>,
        %sub3A_561 = arith.subf %add3A_544, %gather3A_560 : vector<16xf32>
        %abs3A_562 = math.absf %sub3A_561 : vector<16xf32>
        %add3A_563 = arith.addf %add3A_534, %abs3A_562 : vector<16xf32>
        %gather3A_564 = tpu.vector_load_idx %arg17[%add3A_153, %broadcast_in_dim3A_540] : memref<640x64xf32, #tpu.memory_space<vmem>>[vector<16xi32>, vector<16xi32>], vector<16xf32>,
        %sub3A_565 = arith.subf %add3A_544, %gather3A_564 : vector<16xf32>
        %abs3A_566 = math.absf %sub3A_565 : vector<16xf32>
        %add3A_567 = arith.addf %add3A_538, %abs3A_566 : vector<16xf32>
        %broadcast_in_dim3A_568 = arith.constant 14 : i32
        %broadcast_in_dim3A_569 = vector.broadcast %broadcast_in_dim3A_568 : i32 to vector<16xi32>
        %gather3A_570 = tpu.vector_load_idx %arg14[%add3A_138, %broadcast_in_dim3A_569] : memref<128x64xf32, #tpu.memory_space<vmem>>[vector<16xi32>, vector<16xi32>], vector<16xf32>,
        %gather3A_571 = tpu.vector_load_idx %arg15[%add3A_138, %broadcast_in_dim3A_569] : memref<128x64xf32, #tpu.memory_space<vmem>>[vector<16xi32>, vector<16xi32>], vector<16xf32>,
        %gather3A_572 = tpu.vector_load_idx %arg16[%add3A_138, %broadcast_in_dim3A_569] : memref<128x64xf32, #tpu.memory_space<vmem>>[vector<16xi32>, vector<16xi32>], vector<16xf32>,
        %add3A_573 = arith.addf %gather3A_570, %gather3A_571 : vector<16xf32>
        %sub3A_574 = arith.subf %add3A_573, %gather3A_572 : vector<16xf32>
        %abs3A_575 = math.absf %sub3A_574 : vector<16xf32>
        %add3A_576 = arith.addf %add3A_547, %abs3A_575 : vector<16xf32>
        %gather3A_577 = tpu.vector_load_idx %arg17[%add3A_141, %broadcast_in_dim3A_569] : memref<640x64xf32, #tpu.memory_space<vmem>>[vector<16xi32>, vector<16xi32>], vector<16xf32>,
        %sub3A_578 = arith.subf %add3A_573, %gather3A_577 : vector<16xf32>
        %abs3A_579 = math.absf %sub3A_578 : vector<16xf32>
        %add3A_580 = arith.addf %add3A_551, %abs3A_579 : vector<16xf32>
        %gather3A_581 = tpu.vector_load_idx %arg17[%add3A_144, %broadcast_in_dim3A_569] : memref<640x64xf32, #tpu.memory_space<vmem>>[vector<16xi32>, vector<16xi32>], vector<16xf32>,
        %sub3A_582 = arith.subf %add3A_573, %gather3A_581 : vector<16xf32>
        %abs3A_583 = math.absf %sub3A_582 : vector<16xf32>
        %add3A_584 = arith.addf %add3A_555, %abs3A_583 : vector<16xf32>
        %gather3A_585 = tpu.vector_load_idx %arg17[%add3A_147, %broadcast_in_dim3A_569] : memref<640x64xf32, #tpu.memory_space<vmem>>[vector<16xi32>, vector<16xi32>], vector<16xf32>,
        %sub3A_586 = arith.subf %add3A_573, %gather3A_585 : vector<16xf32>
        %abs3A_587 = math.absf %sub3A_586 : vector<16xf32>
        %add3A_588 = arith.addf %add3A_559, %abs3A_587 : vector<16xf32>
        %gather3A_589 = tpu.vector_load_idx %arg17[%add3A_150, %broadcast_in_dim3A_569] : memref<640x64xf32, #tpu.memory_space<vmem>>[vector<16xi32>, vector<16xi32>], vector<16xf32>,
        %sub3A_590 = arith.subf %add3A_573, %gather3A_589 : vector<16xf32>
        %abs3A_591 = math.absf %sub3A_590 : vector<16xf32>
        %add3A_592 = arith.addf %add3A_563, %abs3A_591 : vector<16xf32>
        %gather3A_593 = tpu.vector_load_idx %arg17[%add3A_153, %broadcast_in_dim3A_569] : memref<640x64xf32, #tpu.memory_space<vmem>>[vector<16xi32>, vector<16xi32>], vector<16xf32>,
        %sub3A_594 = arith.subf %add3A_573, %gather3A_593 : vector<16xf32>
        %abs3A_595 = math.absf %sub3A_594 : vector<16xf32>
        %add3A_596 = arith.addf %add3A_567, %abs3A_595 : vector<16xf32>
        %broadcast_in_dim3A_597 = arith.constant 15 : i32
        %broadcast_in_dim3A_598 = vector.broadcast %broadcast_in_dim3A_597 : i32 to vector<16xi32>
        %gather3A_599 = tpu.vector_load_idx %arg14[%add3A_138, %broadcast_in_dim3A_598] : memref<128x64xf32, #tpu.memory_space<vmem>>[vector<16xi32>, vector<16xi32>], vector<16xf32>,
        %gather3A_600 = tpu.vector_load_idx %arg15[%add3A_138, %broadcast_in_dim3A_598] : memref<128x64xf32, #tpu.memory_space<vmem>>[vector<16xi32>, vector<16xi32>], vector<16xf32>,
        %gather3A_601 = tpu.vector_load_idx %arg16[%add3A_138, %broadcast_in_dim3A_598] : memref<128x64xf32, #tpu.memory_space<vmem>>[vector<16xi32>, vector<16xi32>], vector<16xf32>,
        %add3A_602 = arith.addf %gather3A_599, %gather3A_600 : vector<16xf32>
        %sub3A_603 = arith.subf %add3A_602, %gather3A_601 : vector<16xf32>
        %abs3A_604 = math.absf %sub3A_603 : vector<16xf32>
        %add3A_605 = arith.addf %add3A_576, %abs3A_604 : vector<16xf32>
        %gather3A_606 = tpu.vector_load_idx %arg17[%add3A_141, %broadcast_in_dim3A_598] : memref<640x64xf32, #tpu.memory_space<vmem>>[vector<16xi32>, vector<16xi32>], vector<16xf32>,
        %sub3A_607 = arith.subf %add3A_602, %gather3A_606 : vector<16xf32>
        %abs3A_608 = math.absf %sub3A_607 : vector<16xf32>
        %add3A_609 = arith.addf %add3A_580, %abs3A_608 : vector<16xf32>
        %gather3A_610 = tpu.vector_load_idx %arg17[%add3A_144, %broadcast_in_dim3A_598] : memref<640x64xf32, #tpu.memory_space<vmem>>[vector<16xi32>, vector<16xi32>], vector<16xf32>,
        %sub3A_611 = arith.subf %add3A_602, %gather3A_610 : vector<16xf32>
        %abs3A_612 = math.absf %sub3A_611 : vector<16xf32>
        %add3A_613 = arith.addf %add3A_584, %abs3A_612 : vector<16xf32>
        %gather3A_614 = tpu.vector_load_idx %arg17[%add3A_147, %broadcast_in_dim3A_598] : memref<640x64xf32, #tpu.memory_space<vmem>>[vector<16xi32>, vector<16xi32>], vector<16xf32>,
        %sub3A_615 = arith.subf %add3A_602, %gather3A_614 : vector<16xf32>
        %abs3A_616 = math.absf %sub3A_615 : vector<16xf32>
        %add3A_617 = arith.addf %add3A_588, %abs3A_616 : vector<16xf32>
        %gather3A_618 = tpu.vector_load_idx %arg17[%add3A_150, %broadcast_in_dim3A_598] : memref<640x64xf32, #tpu.memory_space<vmem>>[vector<16xi32>, vector<16xi32>], vector<16xf32>,
        %sub3A_619 = arith.subf %add3A_602, %gather3A_618 : vector<16xf32>
        %abs3A_620 = math.absf %sub3A_619 : vector<16xf32>
        %add3A_621 = arith.addf %add3A_592, %abs3A_620 : vector<16xf32>
        %gather3A_622 = tpu.vector_load_idx %arg17[%add3A_153, %broadcast_in_dim3A_598] : memref<640x64xf32, #tpu.memory_space<vmem>>[vector<16xi32>, vector<16xi32>], vector<16xf32>,
        %sub3A_623 = arith.subf %add3A_602, %gather3A_622 : vector<16xf32>
        %abs3A_624 = math.absf %sub3A_623 : vector<16xf32>
        %add3A_625 = arith.addf %add3A_596, %abs3A_624 : vector<16xf32>
        %broadcast_in_dim3A_626 = arith.constant 16 : i32
        %broadcast_in_dim3A_627 = vector.broadcast %broadcast_in_dim3A_626 : i32 to vector<16xi32>
        %gather3A_628 = tpu.vector_load_idx %arg14[%add3A_138, %broadcast_in_dim3A_627] : memref<128x64xf32, #tpu.memory_space<vmem>>[vector<16xi32>, vector<16xi32>], vector<16xf32>,
        %gather3A_629 = tpu.vector_load_idx %arg15[%add3A_138, %broadcast_in_dim3A_627] : memref<128x64xf32, #tpu.memory_space<vmem>>[vector<16xi32>, vector<16xi32>], vector<16xf32>,
        %gather3A_630 = tpu.vector_load_idx %arg16[%add3A_138, %broadcast_in_dim3A_627] : memref<128x64xf32, #tpu.memory_space<vmem>>[vector<16xi32>, vector<16xi32>], vector<16xf32>,
        %add3A_631 = arith.addf %gather3A_628, %gather3A_629 : vector<16xf32>
        %sub3A_632 = arith.subf %add3A_631, %gather3A_630 : vector<16xf32>
        %abs3A_633 = math.absf %sub3A_632 : vector<16xf32>
        %add3A_634 = arith.addf %add3A_605, %abs3A_633 : vector<16xf32>
        %gather3A_635 = tpu.vector_load_idx %arg17[%add3A_141, %broadcast_in_dim3A_627] : memref<640x64xf32, #tpu.memory_space<vmem>>[vector<16xi32>, vector<16xi32>], vector<16xf32>,
        %sub3A_636 = arith.subf %add3A_631, %gather3A_635 : vector<16xf32>
        %abs3A_637 = math.absf %sub3A_636 : vector<16xf32>
        %add3A_638 = arith.addf %add3A_609, %abs3A_637 : vector<16xf32>
        %gather3A_639 = tpu.vector_load_idx %arg17[%add3A_144, %broadcast_in_dim3A_627] : memref<640x64xf32, #tpu.memory_space<vmem>>[vector<16xi32>, vector<16xi32>], vector<16xf32>,
        %sub3A_640 = arith.subf %add3A_631, %gather3A_639 : vector<16xf32>
        %abs3A_641 = math.absf %sub3A_640 : vector<16xf32>
        %add3A_642 = arith.addf %add3A_613, %abs3A_641 : vector<16xf32>
        %gather3A_643 = tpu.vector_load_idx %arg17[%add3A_147, %broadcast_in_dim3A_627] : memref<640x64xf32, #tpu.memory_space<vmem>>[vector<16xi32>, vector<16xi32>], vector<16xf32>,
        %sub3A_644 = arith.subf %add3A_631, %gather3A_643 : vector<16xf32>
        %abs3A_645 = math.absf %sub3A_644 : vector<16xf32>
        %add3A_646 = arith.addf %add3A_617, %abs3A_645 : vector<16xf32>
        %gather3A_647 = tpu.vector_load_idx %arg17[%add3A_150, %broadcast_in_dim3A_627] : memref<640x64xf32, #tpu.memory_space<vmem>>[vector<16xi32>, vector<16xi32>], vector<16xf32>,
        %sub3A_648 = arith.subf %add3A_631, %gather3A_647 : vector<16xf32>
        %abs3A_649 = math.absf %sub3A_648 : vector<16xf32>
        %add3A_650 = arith.addf %add3A_621, %abs3A_649 : vector<16xf32>
        %gather3A_651 = tpu.vector_load_idx %arg17[%add3A_153, %broadcast_in_dim3A_627] : memref<640x64xf32, #tpu.memory_space<vmem>>[vector<16xi32>, vector<16xi32>], vector<16xf32>,
        %sub3A_652 = arith.subf %add3A_631, %gather3A_651 : vector<16xf32>
        %abs3A_653 = math.absf %sub3A_652 : vector<16xf32>
        %add3A_654 = arith.addf %add3A_625, %abs3A_653 : vector<16xf32>
        %broadcast_in_dim3A_655 = arith.constant 17 : i32
        %broadcast_in_dim3A_656 = vector.broadcast %broadcast_in_dim3A_655 : i32 to vector<16xi32>
        %gather3A_657 = tpu.vector_load_idx %arg14[%add3A_138, %broadcast_in_dim3A_656] : memref<128x64xf32, #tpu.memory_space<vmem>>[vector<16xi32>, vector<16xi32>], vector<16xf32>,
        %gather3A_658 = tpu.vector_load_idx %arg15[%add3A_138, %broadcast_in_dim3A_656] : memref<128x64xf32, #tpu.memory_space<vmem>>[vector<16xi32>, vector<16xi32>], vector<16xf32>,
        %gather3A_659 = tpu.vector_load_idx %arg16[%add3A_138, %broadcast_in_dim3A_656] : memref<128x64xf32, #tpu.memory_space<vmem>>[vector<16xi32>, vector<16xi32>], vector<16xf32>,
        %add3A_660 = arith.addf %gather3A_657, %gather3A_658 : vector<16xf32>
        %sub3A_661 = arith.subf %add3A_660, %gather3A_659 : vector<16xf32>
        %abs3A_662 = math.absf %sub3A_661 : vector<16xf32>
        %add3A_663 = arith.addf %add3A_634, %abs3A_662 : vector<16xf32>
        %gather3A_664 = tpu.vector_load_idx %arg17[%add3A_141, %broadcast_in_dim3A_656] : memref<640x64xf32, #tpu.memory_space<vmem>>[vector<16xi32>, vector<16xi32>], vector<16xf32>,
        %sub3A_665 = arith.subf %add3A_660, %gather3A_664 : vector<16xf32>
        %abs3A_666 = math.absf %sub3A_665 : vector<16xf32>
        %add3A_667 = arith.addf %add3A_638, %abs3A_666 : vector<16xf32>
        %gather3A_668 = tpu.vector_load_idx %arg17[%add3A_144, %broadcast_in_dim3A_656] : memref<640x64xf32, #tpu.memory_space<vmem>>[vector<16xi32>, vector<16xi32>], vector<16xf32>,
        %sub3A_669 = arith.subf %add3A_660, %gather3A_668 : vector<16xf32>
        %abs3A_670 = math.absf %sub3A_669 : vector<16xf32>
        %add3A_671 = arith.addf %add3A_642, %abs3A_670 : vector<16xf32>
        %gather3A_672 = tpu.vector_load_idx %arg17[%add3A_147, %broadcast_in_dim3A_656] : memref<640x64xf32, #tpu.memory_space<vmem>>[vector<16xi32>, vector<16xi32>], vector<16xf32>,
        %sub3A_673 = arith.subf %add3A_660, %gather3A_672 : vector<16xf32>
        %abs3A_674 = math.absf %sub3A_673 : vector<16xf32>
        %add3A_675 = arith.addf %add3A_646, %abs3A_674 : vector<16xf32>
        %gather3A_676 = tpu.vector_load_idx %arg17[%add3A_150, %broadcast_in_dim3A_656] : memref<640x64xf32, #tpu.memory_space<vmem>>[vector<16xi32>, vector<16xi32>], vector<16xf32>,
        %sub3A_677 = arith.subf %add3A_660, %gather3A_676 : vector<16xf32>
        %abs3A_678 = math.absf %sub3A_677 : vector<16xf32>
        %add3A_679 = arith.addf %add3A_650, %abs3A_678 : vector<16xf32>
        %gather3A_680 = tpu.vector_load_idx %arg17[%add3A_153, %broadcast_in_dim3A_656] : memref<640x64xf32, #tpu.memory_space<vmem>>[vector<16xi32>, vector<16xi32>], vector<16xf32>,
        %sub3A_681 = arith.subf %add3A_660, %gather3A_680 : vector<16xf32>
        %abs3A_682 = math.absf %sub3A_681 : vector<16xf32>
        %add3A_683 = arith.addf %add3A_654, %abs3A_682 : vector<16xf32>
        %broadcast_in_dim3A_684 = arith.constant 18 : i32
        %broadcast_in_dim3A_685 = vector.broadcast %broadcast_in_dim3A_684 : i32 to vector<16xi32>
        %gather3A_686 = tpu.vector_load_idx %arg14[%add3A_138, %broadcast_in_dim3A_685] : memref<128x64xf32, #tpu.memory_space<vmem>>[vector<16xi32>, vector<16xi32>], vector<16xf32>,
        %gather3A_687 = tpu.vector_load_idx %arg15[%add3A_138, %broadcast_in_dim3A_685] : memref<128x64xf32, #tpu.memory_space<vmem>>[vector<16xi32>, vector<16xi32>], vector<16xf32>,
        %gather3A_688 = tpu.vector_load_idx %arg16[%add3A_138, %broadcast_in_dim3A_685] : memref<128x64xf32, #tpu.memory_space<vmem>>[vector<16xi32>, vector<16xi32>], vector<16xf32>,
        %add3A_689 = arith.addf %gather3A_686, %gather3A_687 : vector<16xf32>
        %sub3A_690 = arith.subf %add3A_689, %gather3A_688 : vector<16xf32>
        %abs3A_691 = math.absf %sub3A_690 : vector<16xf32>
        %add3A_692 = arith.addf %add3A_663, %abs3A_691 : vector<16xf32>
        %gather3A_693 = tpu.vector_load_idx %arg17[%add3A_141, %broadcast_in_dim3A_685] : memref<640x64xf32, #tpu.memory_space<vmem>>[vector<16xi32>, vector<16xi32>], vector<16xf32>,
        %sub3A_694 = arith.subf %add3A_689, %gather3A_693 : vector<16xf32>
        %abs3A_695 = math.absf %sub3A_694 : vector<16xf32>
        %add3A_696 = arith.addf %add3A_667, %abs3A_695 : vector<16xf32>
        %gather3A_697 = tpu.vector_load_idx %arg17[%add3A_144, %broadcast_in_dim3A_685] : memref<640x64xf32, #tpu.memory_space<vmem>>[vector<16xi32>, vector<16xi32>], vector<16xf32>,
        %sub3A_698 = arith.subf %add3A_689, %gather3A_697 : vector<16xf32>
        %abs3A_699 = math.absf %sub3A_698 : vector<16xf32>
        %add3A_700 = arith.addf %add3A_671, %abs3A_699 : vector<16xf32>
        %gather3A_701 = tpu.vector_load_idx %arg17[%add3A_147, %broadcast_in_dim3A_685] : memref<640x64xf32, #tpu.memory_space<vmem>>[vector<16xi32>, vector<16xi32>], vector<16xf32>,
        %sub3A_702 = arith.subf %add3A_689, %gather3A_701 : vector<16xf32>
        %abs3A_703 = math.absf %sub3A_702 : vector<16xf32>
        %add3A_704 = arith.addf %add3A_675, %abs3A_703 : vector<16xf32>
        %gather3A_705 = tpu.vector_load_idx %arg17[%add3A_150, %broadcast_in_dim3A_685] : memref<640x64xf32, #tpu.memory_space<vmem>>[vector<16xi32>, vector<16xi32>], vector<16xf32>,
        %sub3A_706 = arith.subf %add3A_689, %gather3A_705 : vector<16xf32>
        %abs3A_707 = math.absf %sub3A_706 : vector<16xf32>
        %add3A_708 = arith.addf %add3A_679, %abs3A_707 : vector<16xf32>
        %gather3A_709 = tpu.vector_load_idx %arg17[%add3A_153, %broadcast_in_dim3A_685] : memref<640x64xf32, #tpu.memory_space<vmem>>[vector<16xi32>, vector<16xi32>], vector<16xf32>,
        %sub3A_710 = arith.subf %add3A_689, %gather3A_709 : vector<16xf32>
        %abs3A_711 = math.absf %sub3A_710 : vector<16xf32>
        %add3A_712 = arith.addf %add3A_683, %abs3A_711 : vector<16xf32>
        %broadcast_in_dim3A_713 = arith.constant 19 : i32
        %broadcast_in_dim3A_714 = vector.broadcast %broadcast_in_dim3A_713 : i32 to vector<16xi32>
        %gather3A_715 = tpu.vector_load_idx %arg14[%add3A_138, %broadcast_in_dim3A_714] : memref<128x64xf32, #tpu.memory_space<vmem>>[vector<16xi32>, vector<16xi32>], vector<16xf32>,
        %gather3A_716 = tpu.vector_load_idx %arg15[%add3A_138, %broadcast_in_dim3A_714] : memref<128x64xf32, #tpu.memory_space<vmem>>[vector<16xi32>, vector<16xi32>], vector<16xf32>,
        %gather3A_717 = tpu.vector_load_idx %arg16[%add3A_138, %broadcast_in_dim3A_714] : memref<128x64xf32, #tpu.memory_space<vmem>>[vector<16xi32>, vector<16xi32>], vector<16xf32>,
        %add3A_718 = arith.addf %gather3A_715, %gather3A_716 : vector<16xf32>
        %sub3A_719 = arith.subf %add3A_718, %gather3A_717 : vector<16xf32>
        %abs3A_720 = math.absf %sub3A_719 : vector<16xf32>
        %add3A_721 = arith.addf %add3A_692, %abs3A_720 : vector<16xf32>
        %gather3A_722 = tpu.vector_load_idx %arg17[%add3A_141, %broadcast_in_dim3A_714] : memref<640x64xf32, #tpu.memory_space<vmem>>[vector<16xi32>, vector<16xi32>], vector<16xf32>,
        %sub3A_723 = arith.subf %add3A_718, %gather3A_722 : vector<16xf32>
        %abs3A_724 = math.absf %sub3A_723 : vector<16xf32>
        %add3A_725 = arith.addf %add3A_696, %abs3A_724 : vector<16xf32>
        %gather3A_726 = tpu.vector_load_idx %arg17[%add3A_144, %broadcast_in_dim3A_714] : memref<640x64xf32, #tpu.memory_space<vmem>>[vector<16xi32>, vector<16xi32>], vector<16xf32>,
        %sub3A_727 = arith.subf %add3A_718, %gather3A_726 : vector<16xf32>
        %abs3A_728 = math.absf %sub3A_727 : vector<16xf32>
        %add3A_729 = arith.addf %add3A_700, %abs3A_728 : vector<16xf32>
        %gather3A_730 = tpu.vector_load_idx %arg17[%add3A_147, %broadcast_in_dim3A_714] : memref<640x64xf32, #tpu.memory_space<vmem>>[vector<16xi32>, vector<16xi32>], vector<16xf32>,
        %sub3A_731 = arith.subf %add3A_718, %gather3A_730 : vector<16xf32>
        %abs3A_732 = math.absf %sub3A_731 : vector<16xf32>
        %add3A_733 = arith.addf %add3A_704, %abs3A_732 : vector<16xf32>
        %gather3A_734 = tpu.vector_load_idx %arg17[%add3A_150, %broadcast_in_dim3A_714] : memref<640x64xf32, #tpu.memory_space<vmem>>[vector<16xi32>, vector<16xi32>], vector<16xf32>,
        %sub3A_735 = arith.subf %add3A_718, %gather3A_734 : vector<16xf32>
        %abs3A_736 = math.absf %sub3A_735 : vector<16xf32>
        %add3A_737 = arith.addf %add3A_708, %abs3A_736 : vector<16xf32>
        %gather3A_738 = tpu.vector_load_idx %arg17[%add3A_153, %broadcast_in_dim3A_714] : memref<640x64xf32, #tpu.memory_space<vmem>>[vector<16xi32>, vector<16xi32>], vector<16xf32>,
        %sub3A_739 = arith.subf %add3A_718, %gather3A_738 : vector<16xf32>
        %abs3A_740 = math.absf %sub3A_739 : vector<16xf32>
        %add3A_741 = arith.addf %add3A_712, %abs3A_740 : vector<16xf32>
        %broadcast_in_dim3A_742 = arith.constant 20 : i32
        %broadcast_in_dim3A_743 = vector.broadcast %broadcast_in_dim3A_742 : i32 to vector<16xi32>
        %gather3A_744 = tpu.vector_load_idx %arg14[%add3A_138, %broadcast_in_dim3A_743] : memref<128x64xf32, #tpu.memory_space<vmem>>[vector<16xi32>, vector<16xi32>], vector<16xf32>,
        %gather3A_745 = tpu.vector_load_idx %arg15[%add3A_138, %broadcast_in_dim3A_743] : memref<128x64xf32, #tpu.memory_space<vmem>>[vector<16xi32>, vector<16xi32>], vector<16xf32>,
        %gather3A_746 = tpu.vector_load_idx %arg16[%add3A_138, %broadcast_in_dim3A_743] : memref<128x64xf32, #tpu.memory_space<vmem>>[vector<16xi32>, vector<16xi32>], vector<16xf32>,
        %add3A_747 = arith.addf %gather3A_744, %gather3A_745 : vector<16xf32>
        %sub3A_748 = arith.subf %add3A_747, %gather3A_746 : vector<16xf32>
        %abs3A_749 = math.absf %sub3A_748 : vector<16xf32>
        %add3A_750 = arith.addf %add3A_721, %abs3A_749 : vector<16xf32>
        %gather3A_751 = tpu.vector_load_idx %arg17[%add3A_141, %broadcast_in_dim3A_743] : memref<640x64xf32, #tpu.memory_space<vmem>>[vector<16xi32>, vector<16xi32>], vector<16xf32>,
        %sub3A_752 = arith.subf %add3A_747, %gather3A_751 : vector<16xf32>
        %abs3A_753 = math.absf %sub3A_752 : vector<16xf32>
        %add3A_754 = arith.addf %add3A_725, %abs3A_753 : vector<16xf32>
        %gather3A_755 = tpu.vector_load_idx %arg17[%add3A_144, %broadcast_in_dim3A_743] : memref<640x64xf32, #tpu.memory_space<vmem>>[vector<16xi32>, vector<16xi32>], vector<16xf32>,
        %sub3A_756 = arith.subf %add3A_747, %gather3A_755 : vector<16xf32>
        %abs3A_757 = math.absf %sub3A_756 : vector<16xf32>
        %add3A_758 = arith.addf %add3A_729, %abs3A_757 : vector<16xf32>
        %gather3A_759 = tpu.vector_load_idx %arg17[%add3A_147, %broadcast_in_dim3A_743] : memref<640x64xf32, #tpu.memory_space<vmem>>[vector<16xi32>, vector<16xi32>], vector<16xf32>,
        %sub3A_760 = arith.subf %add3A_747, %gather3A_759 : vector<16xf32>
        %abs3A_761 = math.absf %sub3A_760 : vector<16xf32>
        %add3A_762 = arith.addf %add3A_733, %abs3A_761 : vector<16xf32>
        %gather3A_763 = tpu.vector_load_idx %arg17[%add3A_150, %broadcast_in_dim3A_743] : memref<640x64xf32, #tpu.memory_space<vmem>>[vector<16xi32>, vector<16xi32>], vector<16xf32>,
        %sub3A_764 = arith.subf %add3A_747, %gather3A_763 : vector<16xf32>
        %abs3A_765 = math.absf %sub3A_764 : vector<16xf32>
        %add3A_766 = arith.addf %add3A_737, %abs3A_765 : vector<16xf32>
        %gather3A_767 = tpu.vector_load_idx %arg17[%add3A_153, %broadcast_in_dim3A_743] : memref<640x64xf32, #tpu.memory_space<vmem>>[vector<16xi32>, vector<16xi32>], vector<16xf32>,
        %sub3A_768 = arith.subf %add3A_747, %gather3A_767 : vector<16xf32>
        %abs3A_769 = math.absf %sub3A_768 : vector<16xf32>
        %add3A_770 = arith.addf %add3A_741, %abs3A_769 : vector<16xf32>
        %broadcast_in_dim3A_771 = arith.constant 21 : i32
        %broadcast_in_dim3A_772 = vector.broadcast %broadcast_in_dim3A_771 : i32 to vector<16xi32>
        %gather3A_773 = tpu.vector_load_idx %arg14[%add3A_138, %broadcast_in_dim3A_772] : memref<128x64xf32, #tpu.memory_space<vmem>>[vector<16xi32>, vector<16xi32>], vector<16xf32>,
        %gather3A_774 = tpu.vector_load_idx %arg15[%add3A_138, %broadcast_in_dim3A_772] : memref<128x64xf32, #tpu.memory_space<vmem>>[vector<16xi32>, vector<16xi32>], vector<16xf32>,
        %gather3A_775 = tpu.vector_load_idx %arg16[%add3A_138, %broadcast_in_dim3A_772] : memref<128x64xf32, #tpu.memory_space<vmem>>[vector<16xi32>, vector<16xi32>], vector<16xf32>,
        %add3A_776 = arith.addf %gather3A_773, %gather3A_774 : vector<16xf32>
        %sub3A_777 = arith.subf %add3A_776, %gather3A_775 : vector<16xf32>
        %abs3A_778 = math.absf %sub3A_777 : vector<16xf32>
        %add3A_779 = arith.addf %add3A_750, %abs3A_778 : vector<16xf32>
        %gather3A_780 = tpu.vector_load_idx %arg17[%add3A_141, %broadcast_in_dim3A_772] : memref<640x64xf32, #tpu.memory_space<vmem>>[vector<16xi32>, vector<16xi32>], vector<16xf32>,
        %sub3A_781 = arith.subf %add3A_776, %gather3A_780 : vector<16xf32>
        %abs3A_782 = math.absf %sub3A_781 : vector<16xf32>
        %add3A_783 = arith.addf %add3A_754, %abs3A_782 : vector<16xf32>
        %gather3A_784 = tpu.vector_load_idx %arg17[%add3A_144, %broadcast_in_dim3A_772] : memref<640x64xf32, #tpu.memory_space<vmem>>[vector<16xi32>, vector<16xi32>], vector<16xf32>,
        %sub3A_785 = arith.subf %add3A_776, %gather3A_784 : vector<16xf32>
        %abs3A_786 = math.absf %sub3A_785 : vector<16xf32>
        %add3A_787 = arith.addf %add3A_758, %abs3A_786 : vector<16xf32>
        %gather3A_788 = tpu.vector_load_idx %arg17[%add3A_147, %broadcast_in_dim3A_772] : memref<640x64xf32, #tpu.memory_space<vmem>>[vector<16xi32>, vector<16xi32>], vector<16xf32>,
        %sub3A_789 = arith.subf %add3A_776, %gather3A_788 : vector<16xf32>
        %abs3A_790 = math.absf %sub3A_789 : vector<16xf32>
        %add3A_791 = arith.addf %add3A_762, %abs3A_790 : vector<16xf32>
        %gather3A_792 = tpu.vector_load_idx %arg17[%add3A_150, %broadcast_in_dim3A_772] : memref<640x64xf32, #tpu.memory_space<vmem>>[vector<16xi32>, vector<16xi32>], vector<16xf32>,
        %sub3A_793 = arith.subf %add3A_776, %gather3A_792 : vector<16xf32>
        %abs3A_794 = math.absf %sub3A_793 : vector<16xf32>
        %add3A_795 = arith.addf %add3A_766, %abs3A_794 : vector<16xf32>
        %gather3A_796 = tpu.vector_load_idx %arg17[%add3A_153, %broadcast_in_dim3A_772] : memref<640x64xf32, #tpu.memory_space<vmem>>[vector<16xi32>, vector<16xi32>], vector<16xf32>,
        %sub3A_797 = arith.subf %add3A_776, %gather3A_796 : vector<16xf32>
        %abs3A_798 = math.absf %sub3A_797 : vector<16xf32>
        %add3A_799 = arith.addf %add3A_770, %abs3A_798 : vector<16xf32>
        %broadcast_in_dim3A_800 = arith.constant 22 : i32
        %broadcast_in_dim3A_801 = vector.broadcast %broadcast_in_dim3A_800 : i32 to vector<16xi32>
        %gather3A_802 = tpu.vector_load_idx %arg14[%add3A_138, %broadcast_in_dim3A_801] : memref<128x64xf32, #tpu.memory_space<vmem>>[vector<16xi32>, vector<16xi32>], vector<16xf32>,
        %gather3A_803 = tpu.vector_load_idx %arg15[%add3A_138, %broadcast_in_dim3A_801] : memref<128x64xf32, #tpu.memory_space<vmem>>[vector<16xi32>, vector<16xi32>], vector<16xf32>,
        %gather3A_804 = tpu.vector_load_idx %arg16[%add3A_138, %broadcast_in_dim3A_801] : memref<128x64xf32, #tpu.memory_space<vmem>>[vector<16xi32>, vector<16xi32>], vector<16xf32>,
        %add3A_805 = arith.addf %gather3A_802, %gather3A_803 : vector<16xf32>
        %sub3A_806 = arith.subf %add3A_805, %gather3A_804 : vector<16xf32>
        %abs3A_807 = math.absf %sub3A_806 : vector<16xf32>
        %add3A_808 = arith.addf %add3A_779, %abs3A_807 : vector<16xf32>
        %gather3A_809 = tpu.vector_load_idx %arg17[%add3A_141, %broadcast_in_dim3A_801] : memref<640x64xf32, #tpu.memory_space<vmem>>[vector<16xi32>, vector<16xi32>], vector<16xf32>,
        %sub3A_810 = arith.subf %add3A_805, %gather3A_809 : vector<16xf32>
        %abs3A_811 = math.absf %sub3A_810 : vector<16xf32>
        %add3A_812 = arith.addf %add3A_783, %abs3A_811 : vector<16xf32>
        %gather3A_813 = tpu.vector_load_idx %arg17[%add3A_144, %broadcast_in_dim3A_801] : memref<640x64xf32, #tpu.memory_space<vmem>>[vector<16xi32>, vector<16xi32>], vector<16xf32>,
        %sub3A_814 = arith.subf %add3A_805, %gather3A_813 : vector<16xf32>
        %abs3A_815 = math.absf %sub3A_814 : vector<16xf32>
        %add3A_816 = arith.addf %add3A_787, %abs3A_815 : vector<16xf32>
        %gather3A_817 = tpu.vector_load_idx %arg17[%add3A_147, %broadcast_in_dim3A_801] : memref<640x64xf32, #tpu.memory_space<vmem>>[vector<16xi32>, vector<16xi32>], vector<16xf32>,
        %sub3A_818 = arith.subf %add3A_805, %gather3A_817 : vector<16xf32>
        %abs3A_819 = math.absf %sub3A_818 : vector<16xf32>
        %add3A_820 = arith.addf %add3A_791, %abs3A_819 : vector<16xf32>
        %gather3A_821 = tpu.vector_load_idx %arg17[%add3A_150, %broadcast_in_dim3A_801] : memref<640x64xf32, #tpu.memory_space<vmem>>[vector<16xi32>, vector<16xi32>], vector<16xf32>,
        %sub3A_822 = arith.subf %add3A_805, %gather3A_821 : vector<16xf32>
        %abs3A_823 = math.absf %sub3A_822 : vector<16xf32>
        %add3A_824 = arith.addf %add3A_795, %abs3A_823 : vector<16xf32>
        %gather3A_825 = tpu.vector_load_idx %arg17[%add3A_153, %broadcast_in_dim3A_801] : memref<640x64xf32, #tpu.memory_space<vmem>>[vector<16xi32>, vector<16xi32>], vector<16xf32>,
        %sub3A_826 = arith.subf %add3A_805, %gather3A_825 : vector<16xf32>
        %abs3A_827 = math.absf %sub3A_826 : vector<16xf32>
        %add3A_828 = arith.addf %add3A_799, %abs3A_827 : vector<16xf32>
        %broadcast_in_dim3A_829 = arith.constant 23 : i32
        %broadcast_in_dim3A_830 = vector.broadcast %broadcast_in_dim3A_829 : i32 to vector<16xi32>
        %gather3A_831 = tpu.vector_load_idx %arg14[%add3A_138, %broadcast_in_dim3A_830] : memref<128x64xf32, #tpu.memory_space<vmem>>[vector<16xi32>, vector<16xi32>], vector<16xf32>,
        %gather3A_832 = tpu.vector_load_idx %arg15[%add3A_138, %broadcast_in_dim3A_830] : memref<128x64xf32, #tpu.memory_space<vmem>>[vector<16xi32>, vector<16xi32>], vector<16xf32>,
        %gather3A_833 = tpu.vector_load_idx %arg16[%add3A_138, %broadcast_in_dim3A_830] : memref<128x64xf32, #tpu.memory_space<vmem>>[vector<16xi32>, vector<16xi32>], vector<16xf32>,
        %add3A_834 = arith.addf %gather3A_831, %gather3A_832 : vector<16xf32>
        %sub3A_835 = arith.subf %add3A_834, %gather3A_833 : vector<16xf32>
        %abs3A_836 = math.absf %sub3A_835 : vector<16xf32>
        %add3A_837 = arith.addf %add3A_808, %abs3A_836 : vector<16xf32>
        %gather3A_838 = tpu.vector_load_idx %arg17[%add3A_141, %broadcast_in_dim3A_830] : memref<640x64xf32, #tpu.memory_space<vmem>>[vector<16xi32>, vector<16xi32>], vector<16xf32>,
        %sub3A_839 = arith.subf %add3A_834, %gather3A_838 : vector<16xf32>
        %abs3A_840 = math.absf %sub3A_839 : vector<16xf32>
        %add3A_841 = arith.addf %add3A_812, %abs3A_840 : vector<16xf32>
        %gather3A_842 = tpu.vector_load_idx %arg17[%add3A_144, %broadcast_in_dim3A_830] : memref<640x64xf32, #tpu.memory_space<vmem>>[vector<16xi32>, vector<16xi32>], vector<16xf32>,
        %sub3A_843 = arith.subf %add3A_834, %gather3A_842 : vector<16xf32>
        %abs3A_844 = math.absf %sub3A_843 : vector<16xf32>
        %add3A_845 = arith.addf %add3A_816, %abs3A_844 : vector<16xf32>
        %gather3A_846 = tpu.vector_load_idx %arg17[%add3A_147, %broadcast_in_dim3A_830] : memref<640x64xf32, #tpu.memory_space<vmem>>[vector<16xi32>, vector<16xi32>], vector<16xf32>,
        %sub3A_847 = arith.subf %add3A_834, %gather3A_846 : vector<16xf32>
        %abs3A_848 = math.absf %sub3A_847 : vector<16xf32>
        %add3A_849 = arith.addf %add3A_820, %abs3A_848 : vector<16xf32>
        %gather3A_850 = tpu.vector_load_idx %arg17[%add3A_150, %broadcast_in_dim3A_830] : memref<640x64xf32, #tpu.memory_space<vmem>>[vector<16xi32>, vector<16xi32>], vector<16xf32>,
        %sub3A_851 = arith.subf %add3A_834, %gather3A_850 : vector<16xf32>
        %abs3A_852 = math.absf %sub3A_851 : vector<16xf32>
        %add3A_853 = arith.addf %add3A_824, %abs3A_852 : vector<16xf32>
        %gather3A_854 = tpu.vector_load_idx %arg17[%add3A_153, %broadcast_in_dim3A_830] : memref<640x64xf32, #tpu.memory_space<vmem>>[vector<16xi32>, vector<16xi32>], vector<16xf32>,
        %sub3A_855 = arith.subf %add3A_834, %gather3A_854 : vector<16xf32>
        %abs3A_856 = math.absf %sub3A_855 : vector<16xf32>
        %add3A_857 = arith.addf %add3A_828, %abs3A_856 : vector<16xf32>
        %broadcast_in_dim3A_858 = arith.constant 24 : i32
        %broadcast_in_dim3A_859 = vector.broadcast %broadcast_in_dim3A_858 : i32 to vector<16xi32>
        %gather3A_860 = tpu.vector_load_idx %arg14[%add3A_138, %broadcast_in_dim3A_859] : memref<128x64xf32, #tpu.memory_space<vmem>>[vector<16xi32>, vector<16xi32>], vector<16xf32>,
        %gather3A_861 = tpu.vector_load_idx %arg15[%add3A_138, %broadcast_in_dim3A_859] : memref<128x64xf32, #tpu.memory_space<vmem>>[vector<16xi32>, vector<16xi32>], vector<16xf32>,
        %gather3A_862 = tpu.vector_load_idx %arg16[%add3A_138, %broadcast_in_dim3A_859] : memref<128x64xf32, #tpu.memory_space<vmem>>[vector<16xi32>, vector<16xi32>], vector<16xf32>,
        %add3A_863 = arith.addf %gather3A_860, %gather3A_861 : vector<16xf32>
        %sub3A_864 = arith.subf %add3A_863, %gather3A_862 : vector<16xf32>
        %abs3A_865 = math.absf %sub3A_864 : vector<16xf32>
        %add3A_866 = arith.addf %add3A_837, %abs3A_865 : vector<16xf32>
        %gather3A_867 = tpu.vector_load_idx %arg17[%add3A_141, %broadcast_in_dim3A_859] : memref<640x64xf32, #tpu.memory_space<vmem>>[vector<16xi32>, vector<16xi32>], vector<16xf32>,
        %sub3A_868 = arith.subf %add3A_863, %gather3A_867 : vector<16xf32>
        %abs3A_869 = math.absf %sub3A_868 : vector<16xf32>
        %add3A_870 = arith.addf %add3A_841, %abs3A_869 : vector<16xf32>
        %gather3A_871 = tpu.vector_load_idx %arg17[%add3A_144, %broadcast_in_dim3A_859] : memref<640x64xf32, #tpu.memory_space<vmem>>[vector<16xi32>, vector<16xi32>], vector<16xf32>,
        %sub3A_872 = arith.subf %add3A_863, %gather3A_871 : vector<16xf32>
        %abs3A_873 = math.absf %sub3A_872 : vector<16xf32>
        %add3A_874 = arith.addf %add3A_845, %abs3A_873 : vector<16xf32>
        %gather3A_875 = tpu.vector_load_idx %arg17[%add3A_147, %broadcast_in_dim3A_859] : memref<640x64xf32, #tpu.memory_space<vmem>>[vector<16xi32>, vector<16xi32>], vector<16xf32>,
        %sub3A_876 = arith.subf %add3A_863, %gather3A_875 : vector<16xf32>
        %abs3A_877 = math.absf %sub3A_876 : vector<16xf32>
        %add3A_878 = arith.addf %add3A_849, %abs3A_877 : vector<16xf32>
        %gather3A_879 = tpu.vector_load_idx %arg17[%add3A_150, %broadcast_in_dim3A_859] : memref<640x64xf32, #tpu.memory_space<vmem>>[vector<16xi32>, vector<16xi32>], vector<16xf32>,
        %sub3A_880 = arith.subf %add3A_863, %gather3A_879 : vector<16xf32>
        %abs3A_881 = math.absf %sub3A_880 : vector<16xf32>
        %add3A_882 = arith.addf %add3A_853, %abs3A_881 : vector<16xf32>
        %gather3A_883 = tpu.vector_load_idx %arg17[%add3A_153, %broadcast_in_dim3A_859] : memref<640x64xf32, #tpu.memory_space<vmem>>[vector<16xi32>, vector<16xi32>], vector<16xf32>,
        %sub3A_884 = arith.subf %add3A_863, %gather3A_883 : vector<16xf32>
        %abs3A_885 = math.absf %sub3A_884 : vector<16xf32>
        %add3A_886 = arith.addf %add3A_857, %abs3A_885 : vector<16xf32>
        %broadcast_in_dim3A_887 = arith.constant 25 : i32
        %broadcast_in_dim3A_888 = vector.broadcast %broadcast_in_dim3A_887 : i32 to vector<16xi32>
        %gather3A_889 = tpu.vector_load_idx %arg14[%add3A_138, %broadcast_in_dim3A_888] : memref<128x64xf32, #tpu.memory_space<vmem>>[vector<16xi32>, vector<16xi32>], vector<16xf32>,
        %gather3A_890 = tpu.vector_load_idx %arg15[%add3A_138, %broadcast_in_dim3A_888] : memref<128x64xf32, #tpu.memory_space<vmem>>[vector<16xi32>, vector<16xi32>], vector<16xf32>,
        %gather3A_891 = tpu.vector_load_idx %arg16[%add3A_138, %broadcast_in_dim3A_888] : memref<128x64xf32, #tpu.memory_space<vmem>>[vector<16xi32>, vector<16xi32>], vector<16xf32>,
        %add3A_892 = arith.addf %gather3A_889, %gather3A_890 : vector<16xf32>
        %sub3A_893 = arith.subf %add3A_892, %gather3A_891 : vector<16xf32>
        %abs3A_894 = math.absf %sub3A_893 : vector<16xf32>
        %add3A_895 = arith.addf %add3A_866, %abs3A_894 : vector<16xf32>
        %gather3A_896 = tpu.vector_load_idx %arg17[%add3A_141, %broadcast_in_dim3A_888] : memref<640x64xf32, #tpu.memory_space<vmem>>[vector<16xi32>, vector<16xi32>], vector<16xf32>,
        %sub3A_897 = arith.subf %add3A_892, %gather3A_896 : vector<16xf32>
        %abs3A_898 = math.absf %sub3A_897 : vector<16xf32>
        %add3A_899 = arith.addf %add3A_870, %abs3A_898 : vector<16xf32>
        %gather3A_900 = tpu.vector_load_idx %arg17[%add3A_144, %broadcast_in_dim3A_888] : memref<640x64xf32, #tpu.memory_space<vmem>>[vector<16xi32>, vector<16xi32>], vector<16xf32>,
        %sub3A_901 = arith.subf %add3A_892, %gather3A_900 : vector<16xf32>
        %abs3A_902 = math.absf %sub3A_901 : vector<16xf32>
        %add3A_903 = arith.addf %add3A_874, %abs3A_902 : vector<16xf32>
        %gather3A_904 = tpu.vector_load_idx %arg17[%add3A_147, %broadcast_in_dim3A_888] : memref<640x64xf32, #tpu.memory_space<vmem>>[vector<16xi32>, vector<16xi32>], vector<16xf32>,
        %sub3A_905 = arith.subf %add3A_892, %gather3A_904 : vector<16xf32>
        %abs3A_906 = math.absf %sub3A_905 : vector<16xf32>
        %add3A_907 = arith.addf %add3A_878, %abs3A_906 : vector<16xf32>
        %gather3A_908 = tpu.vector_load_idx %arg17[%add3A_150, %broadcast_in_dim3A_888] : memref<640x64xf32, #tpu.memory_space<vmem>>[vector<16xi32>, vector<16xi32>], vector<16xf32>,
        %sub3A_909 = arith.subf %add3A_892, %gather3A_908 : vector<16xf32>
        %abs3A_910 = math.absf %sub3A_909 : vector<16xf32>
        %add3A_911 = arith.addf %add3A_882, %abs3A_910 : vector<16xf32>
        %gather3A_912 = tpu.vector_load_idx %arg17[%add3A_153, %broadcast_in_dim3A_888] : memref<640x64xf32, #tpu.memory_space<vmem>>[vector<16xi32>, vector<16xi32>], vector<16xf32>,
        %sub3A_913 = arith.subf %add3A_892, %gather3A_912 : vector<16xf32>
        %abs3A_914 = math.absf %sub3A_913 : vector<16xf32>
        %add3A_915 = arith.addf %add3A_886, %abs3A_914 : vector<16xf32>
        %broadcast_in_dim3A_916 = arith.constant 26 : i32
        %broadcast_in_dim3A_917 = vector.broadcast %broadcast_in_dim3A_916 : i32 to vector<16xi32>
        %gather3A_918 = tpu.vector_load_idx %arg14[%add3A_138, %broadcast_in_dim3A_917] : memref<128x64xf32, #tpu.memory_space<vmem>>[vector<16xi32>, vector<16xi32>], vector<16xf32>,
        %gather3A_919 = tpu.vector_load_idx %arg15[%add3A_138, %broadcast_in_dim3A_917] : memref<128x64xf32, #tpu.memory_space<vmem>>[vector<16xi32>, vector<16xi32>], vector<16xf32>,
        %gather3A_920 = tpu.vector_load_idx %arg16[%add3A_138, %broadcast_in_dim3A_917] : memref<128x64xf32, #tpu.memory_space<vmem>>[vector<16xi32>, vector<16xi32>], vector<16xf32>,
        %add3A_921 = arith.addf %gather3A_918, %gather3A_919 : vector<16xf32>
        %sub3A_922 = arith.subf %add3A_921, %gather3A_920 : vector<16xf32>
        %abs3A_923 = math.absf %sub3A_922 : vector<16xf32>
        %add3A_924 = arith.addf %add3A_895, %abs3A_923 : vector<16xf32>
        %gather3A_925 = tpu.vector_load_idx %arg17[%add3A_141, %broadcast_in_dim3A_917] : memref<640x64xf32, #tpu.memory_space<vmem>>[vector<16xi32>, vector<16xi32>], vector<16xf32>,
        %sub3A_926 = arith.subf %add3A_921, %gather3A_925 : vector<16xf32>
        %abs3A_927 = math.absf %sub3A_926 : vector<16xf32>
        %add3A_928 = arith.addf %add3A_899, %abs3A_927 : vector<16xf32>
        %gather3A_929 = tpu.vector_load_idx %arg17[%add3A_144, %broadcast_in_dim3A_917] : memref<640x64xf32, #tpu.memory_space<vmem>>[vector<16xi32>, vector<16xi32>], vector<16xf32>,
        %sub3A_930 = arith.subf %add3A_921, %gather3A_929 : vector<16xf32>
        %abs3A_931 = math.absf %sub3A_930 : vector<16xf32>
        %add3A_932 = arith.addf %add3A_903, %abs3A_931 : vector<16xf32>
        %gather3A_933 = tpu.vector_load_idx %arg17[%add3A_147, %broadcast_in_dim3A_917] : memref<640x64xf32, #tpu.memory_space<vmem>>[vector<16xi32>, vector<16xi32>], vector<16xf32>,
        %sub3A_934 = arith.subf %add3A_921, %gather3A_933 : vector<16xf32>
        %abs3A_935 = math.absf %sub3A_934 : vector<16xf32>
        %add3A_936 = arith.addf %add3A_907, %abs3A_935 : vector<16xf32>
        %gather3A_937 = tpu.vector_load_idx %arg17[%add3A_150, %broadcast_in_dim3A_917] : memref<640x64xf32, #tpu.memory_space<vmem>>[vector<16xi32>, vector<16xi32>], vector<16xf32>,
        %sub3A_938 = arith.subf %add3A_921, %gather3A_937 : vector<16xf32>
        %abs3A_939 = math.absf %sub3A_938 : vector<16xf32>
        %add3A_940 = arith.addf %add3A_911, %abs3A_939 : vector<16xf32>
        %gather3A_941 = tpu.vector_load_idx %arg17[%add3A_153, %broadcast_in_dim3A_917] : memref<640x64xf32, #tpu.memory_space<vmem>>[vector<16xi32>, vector<16xi32>], vector<16xf32>,
        %sub3A_942 = arith.subf %add3A_921, %gather3A_941 : vector<16xf32>
        %abs3A_943 = math.absf %sub3A_942 : vector<16xf32>
        %add3A_944 = arith.addf %add3A_915, %abs3A_943 : vector<16xf32>
        %broadcast_in_dim3A_945 = arith.constant 27 : i32
        %broadcast_in_dim3A_946 = vector.broadcast %broadcast_in_dim3A_945 : i32 to vector<16xi32>
        %gather3A_947 = tpu.vector_load_idx %arg14[%add3A_138, %broadcast_in_dim3A_946] : memref<128x64xf32, #tpu.memory_space<vmem>>[vector<16xi32>, vector<16xi32>], vector<16xf32>,
        %gather3A_948 = tpu.vector_load_idx %arg15[%add3A_138, %broadcast_in_dim3A_946] : memref<128x64xf32, #tpu.memory_space<vmem>>[vector<16xi32>, vector<16xi32>], vector<16xf32>,
        %gather3A_949 = tpu.vector_load_idx %arg16[%add3A_138, %broadcast_in_dim3A_946] : memref<128x64xf32, #tpu.memory_space<vmem>>[vector<16xi32>, vector<16xi32>], vector<16xf32>,
        %add3A_950 = arith.addf %gather3A_947, %gather3A_948 : vector<16xf32>
        %sub3A_951 = arith.subf %add3A_950, %gather3A_949 : vector<16xf32>
        %abs3A_952 = math.absf %sub3A_951 : vector<16xf32>
        %add3A_953 = arith.addf %add3A_924, %abs3A_952 : vector<16xf32>
        %gather3A_954 = tpu.vector_load_idx %arg17[%add3A_141, %broadcast_in_dim3A_946] : memref<640x64xf32, #tpu.memory_space<vmem>>[vector<16xi32>, vector<16xi32>], vector<16xf32>,
        %sub3A_955 = arith.subf %add3A_950, %gather3A_954 : vector<16xf32>
        %abs3A_956 = math.absf %sub3A_955 : vector<16xf32>
        %add3A_957 = arith.addf %add3A_928, %abs3A_956 : vector<16xf32>
        %gather3A_958 = tpu.vector_load_idx %arg17[%add3A_144, %broadcast_in_dim3A_946] : memref<640x64xf32, #tpu.memory_space<vmem>>[vector<16xi32>, vector<16xi32>], vector<16xf32>,
        %sub3A_959 = arith.subf %add3A_950, %gather3A_958 : vector<16xf32>
        %abs3A_960 = math.absf %sub3A_959 : vector<16xf32>
        %add3A_961 = arith.addf %add3A_932, %abs3A_960 : vector<16xf32>
        %gather3A_962 = tpu.vector_load_idx %arg17[%add3A_147, %broadcast_in_dim3A_946] : memref<640x64xf32, #tpu.memory_space<vmem>>[vector<16xi32>, vector<16xi32>], vector<16xf32>,
        %sub3A_963 = arith.subf %add3A_950, %gather3A_962 : vector<16xf32>
        %abs3A_964 = math.absf %sub3A_963 : vector<16xf32>
        %add3A_965 = arith.addf %add3A_936, %abs3A_964 : vector<16xf32>
        %gather3A_966 = tpu.vector_load_idx %arg17[%add3A_150, %broadcast_in_dim3A_946] : memref<640x64xf32, #tpu.memory_space<vmem>>[vector<16xi32>, vector<16xi32>], vector<16xf32>,
        %sub3A_967 = arith.subf %add3A_950, %gather3A_966 : vector<16xf32>
        %abs3A_968 = math.absf %sub3A_967 : vector<16xf32>
        %add3A_969 = arith.addf %add3A_940, %abs3A_968 : vector<16xf32>
        %gather3A_970 = tpu.vector_load_idx %arg17[%add3A_153, %broadcast_in_dim3A_946] : memref<640x64xf32, #tpu.memory_space<vmem>>[vector<16xi32>, vector<16xi32>], vector<16xf32>,
        %sub3A_971 = arith.subf %add3A_950, %gather3A_970 : vector<16xf32>
        %abs3A_972 = math.absf %sub3A_971 : vector<16xf32>
        %add3A_973 = arith.addf %add3A_944, %abs3A_972 : vector<16xf32>
        %broadcast_in_dim3A_974 = arith.constant 28 : i32
        %broadcast_in_dim3A_975 = vector.broadcast %broadcast_in_dim3A_974 : i32 to vector<16xi32>
        %gather3A_976 = tpu.vector_load_idx %arg14[%add3A_138, %broadcast_in_dim3A_975] : memref<128x64xf32, #tpu.memory_space<vmem>>[vector<16xi32>, vector<16xi32>], vector<16xf32>,
        %gather3A_977 = tpu.vector_load_idx %arg15[%add3A_138, %broadcast_in_dim3A_975] : memref<128x64xf32, #tpu.memory_space<vmem>>[vector<16xi32>, vector<16xi32>], vector<16xf32>,
        %gather3A_978 = tpu.vector_load_idx %arg16[%add3A_138, %broadcast_in_dim3A_975] : memref<128x64xf32, #tpu.memory_space<vmem>>[vector<16xi32>, vector<16xi32>], vector<16xf32>,
        %add3A_979 = arith.addf %gather3A_976, %gather3A_977 : vector<16xf32>
        %sub3A_980 = arith.subf %add3A_979, %gather3A_978 : vector<16xf32>
        %abs3A_981 = math.absf %sub3A_980 : vector<16xf32>
        %add3A_982 = arith.addf %add3A_953, %abs3A_981 : vector<16xf32>
        %gather3A_983 = tpu.vector_load_idx %arg17[%add3A_141, %broadcast_in_dim3A_975] : memref<640x64xf32, #tpu.memory_space<vmem>>[vector<16xi32>, vector<16xi32>], vector<16xf32>,
        %sub3A_984 = arith.subf %add3A_979, %gather3A_983 : vector<16xf32>
        %abs3A_985 = math.absf %sub3A_984 : vector<16xf32>
        %add3A_986 = arith.addf %add3A_957, %abs3A_985 : vector<16xf32>
        %gather3A_987 = tpu.vector_load_idx %arg17[%add3A_144, %broadcast_in_dim3A_975] : memref<640x64xf32, #tpu.memory_space<vmem>>[vector<16xi32>, vector<16xi32>], vector<16xf32>,
        %sub3A_988 = arith.subf %add3A_979, %gather3A_987 : vector<16xf32>
        %abs3A_989 = math.absf %sub3A_988 : vector<16xf32>
        %add3A_990 = arith.addf %add3A_961, %abs3A_989 : vector<16xf32>
        %gather3A_991 = tpu.vector_load_idx %arg17[%add3A_147, %broadcast_in_dim3A_975] : memref<640x64xf32, #tpu.memory_space<vmem>>[vector<16xi32>, vector<16xi32>], vector<16xf32>,
        %sub3A_992 = arith.subf %add3A_979, %gather3A_991 : vector<16xf32>
        %abs3A_993 = math.absf %sub3A_992 : vector<16xf32>
        %add3A_994 = arith.addf %add3A_965, %abs3A_993 : vector<16xf32>
        %gather3A_995 = tpu.vector_load_idx %arg17[%add3A_150, %broadcast_in_dim3A_975] : memref<640x64xf32, #tpu.memory_space<vmem>>[vector<16xi32>, vector<16xi32>], vector<16xf32>,
        %sub3A_996 = arith.subf %add3A_979, %gather3A_995 : vector<16xf32>
        %abs3A_997 = math.absf %sub3A_996 : vector<16xf32>
        %add3A_998 = arith.addf %add3A_969, %abs3A_997 : vector<16xf32>
        %gather3A_999 = tpu.vector_load_idx %arg17[%add3A_153, %broadcast_in_dim3A_975] : memref<640x64xf32, #tpu.memory_space<vmem>>[vector<16xi32>, vector<16xi32>], vector<16xf32>,
        %sub3A_1000 = arith.subf %add3A_979, %gather3A_999 : vector<16xf32>
        %abs3A_1001 = math.absf %sub3A_1000 : vector<16xf32>
        %add3A_1002 = arith.addf %add3A_973, %abs3A_1001 : vector<16xf32>
        %broadcast_in_dim3A_1003 = arith.constant 29 : i32
        %broadcast_in_dim3A_1004 = vector.broadcast %broadcast_in_dim3A_1003 : i32 to vector<16xi32>
        %gather3A_1005 = tpu.vector_load_idx %arg14[%add3A_138, %broadcast_in_dim3A_1004] : memref<128x64xf32, #tpu.memory_space<vmem>>[vector<16xi32>, vector<16xi32>], vector<16xf32>,
        %gather3A_1006 = tpu.vector_load_idx %arg15[%add3A_138, %broadcast_in_dim3A_1004] : memref<128x64xf32, #tpu.memory_space<vmem>>[vector<16xi32>, vector<16xi32>], vector<16xf32>,
        %gather3A_1007 = tpu.vector_load_idx %arg16[%add3A_138, %broadcast_in_dim3A_1004] : memref<128x64xf32, #tpu.memory_space<vmem>>[vector<16xi32>, vector<16xi32>], vector<16xf32>,
        %add3A_1008 = arith.addf %gather3A_1005, %gather3A_1006 : vector<16xf32>
        %sub3A_1009 = arith.subf %add3A_1008, %gather3A_1007 : vector<16xf32>
        %abs3A_1010 = math.absf %sub3A_1009 : vector<16xf32>
        %add3A_1011 = arith.addf %add3A_982, %abs3A_1010 : vector<16xf32>
        %gather3A_1012 = tpu.vector_load_idx %arg17[%add3A_141, %broadcast_in_dim3A_1004] : memref<640x64xf32, #tpu.memory_space<vmem>>[vector<16xi32>, vector<16xi32>], vector<16xf32>,
        %sub3A_1013 = arith.subf %add3A_1008, %gather3A_1012 : vector<16xf32>
        %abs3A_1014 = math.absf %sub3A_1013 : vector<16xf32>
        %add3A_1015 = arith.addf %add3A_986, %abs3A_1014 : vector<16xf32>
        %gather3A_1016 = tpu.vector_load_idx %arg17[%add3A_144, %broadcast_in_dim3A_1004] : memref<640x64xf32, #tpu.memory_space<vmem>>[vector<16xi32>, vector<16xi32>], vector<16xf32>,
        %sub3A_1017 = arith.subf %add3A_1008, %gather3A_1016 : vector<16xf32>
        %abs3A_1018 = math.absf %sub3A_1017 : vector<16xf32>
        %add3A_1019 = arith.addf %add3A_990, %abs3A_1018 : vector<16xf32>
        %gather3A_1020 = tpu.vector_load_idx %arg17[%add3A_147, %broadcast_in_dim3A_1004] : memref<640x64xf32, #tpu.memory_space<vmem>>[vector<16xi32>, vector<16xi32>], vector<16xf32>,
        %sub3A_1021 = arith.subf %add3A_1008, %gather3A_1020 : vector<16xf32>
        %abs3A_1022 = math.absf %sub3A_1021 : vector<16xf32>
        %add3A_1023 = arith.addf %add3A_994, %abs3A_1022 : vector<16xf32>
        %gather3A_1024 = tpu.vector_load_idx %arg17[%add3A_150, %broadcast_in_dim3A_1004] : memref<640x64xf32, #tpu.memory_space<vmem>>[vector<16xi32>, vector<16xi32>], vector<16xf32>,
        %sub3A_1025 = arith.subf %add3A_1008, %gather3A_1024 : vector<16xf32>
        %abs3A_1026 = math.absf %sub3A_1025 : vector<16xf32>
        %add3A_1027 = arith.addf %add3A_998, %abs3A_1026 : vector<16xf32>
        %gather3A_1028 = tpu.vector_load_idx %arg17[%add3A_153, %broadcast_in_dim3A_1004] : memref<640x64xf32, #tpu.memory_space<vmem>>[vector<16xi32>, vector<16xi32>], vector<16xf32>,
        %sub3A_1029 = arith.subf %add3A_1008, %gather3A_1028 : vector<16xf32>
        %abs3A_1030 = math.absf %sub3A_1029 : vector<16xf32>
        %add3A_1031 = arith.addf %add3A_1002, %abs3A_1030 : vector<16xf32>
        %broadcast_in_dim3A_1032 = arith.constant 30 : i32
        %broadcast_in_dim3A_1033 = vector.broadcast %broadcast_in_dim3A_1032 : i32 to vector<16xi32>
        %gather3A_1034 = tpu.vector_load_idx %arg14[%add3A_138, %broadcast_in_dim3A_1033] : memref<128x64xf32, #tpu.memory_space<vmem>>[vector<16xi32>, vector<16xi32>], vector<16xf32>,
        %gather3A_1035 = tpu.vector_load_idx %arg15[%add3A_138, %broadcast_in_dim3A_1033] : memref<128x64xf32, #tpu.memory_space<vmem>>[vector<16xi32>, vector<16xi32>], vector<16xf32>,
        %gather3A_1036 = tpu.vector_load_idx %arg16[%add3A_138, %broadcast_in_dim3A_1033] : memref<128x64xf32, #tpu.memory_space<vmem>>[vector<16xi32>, vector<16xi32>], vector<16xf32>,
        %add3A_1037 = arith.addf %gather3A_1034, %gather3A_1035 : vector<16xf32>
        %sub3A_1038 = arith.subf %add3A_1037, %gather3A_1036 : vector<16xf32>
        %abs3A_1039 = math.absf %sub3A_1038 : vector<16xf32>
        %add3A_1040 = arith.addf %add3A_1011, %abs3A_1039 : vector<16xf32>
        %gather3A_1041 = tpu.vector_load_idx %arg17[%add3A_141, %broadcast_in_dim3A_1033] : memref<640x64xf32, #tpu.memory_space<vmem>>[vector<16xi32>, vector<16xi32>], vector<16xf32>,
        %sub3A_1042 = arith.subf %add3A_1037, %gather3A_1041 : vector<16xf32>
        %abs3A_1043 = math.absf %sub3A_1042 : vector<16xf32>
        %add3A_1044 = arith.addf %add3A_1015, %abs3A_1043 : vector<16xf32>
        %gather3A_1045 = tpu.vector_load_idx %arg17[%add3A_144, %broadcast_in_dim3A_1033] : memref<640x64xf32, #tpu.memory_space<vmem>>[vector<16xi32>, vector<16xi32>], vector<16xf32>,
        %sub3A_1046 = arith.subf %add3A_1037, %gather3A_1045 : vector<16xf32>
        %abs3A_1047 = math.absf %sub3A_1046 : vector<16xf32>
        %add3A_1048 = arith.addf %add3A_1019, %abs3A_1047 : vector<16xf32>
        %gather3A_1049 = tpu.vector_load_idx %arg17[%add3A_147, %broadcast_in_dim3A_1033] : memref<640x64xf32, #tpu.memory_space<vmem>>[vector<16xi32>, vector<16xi32>], vector<16xf32>,
        %sub3A_1050 = arith.subf %add3A_1037, %gather3A_1049 : vector<16xf32>
        %abs3A_1051 = math.absf %sub3A_1050 : vector<16xf32>
        %add3A_1052 = arith.addf %add3A_1023, %abs3A_1051 : vector<16xf32>
        %gather3A_1053 = tpu.vector_load_idx %arg17[%add3A_150, %broadcast_in_dim3A_1033] : memref<640x64xf32, #tpu.memory_space<vmem>>[vector<16xi32>, vector<16xi32>], vector<16xf32>,
        %sub3A_1054 = arith.subf %add3A_1037, %gather3A_1053 : vector<16xf32>
        %abs3A_1055 = math.absf %sub3A_1054 : vector<16xf32>
        %add3A_1056 = arith.addf %add3A_1027, %abs3A_1055 : vector<16xf32>
        %gather3A_1057 = tpu.vector_load_idx %arg17[%add3A_153, %broadcast_in_dim3A_1033] : memref<640x64xf32, #tpu.memory_space<vmem>>[vector<16xi32>, vector<16xi32>], vector<16xf32>,
        %sub3A_1058 = arith.subf %add3A_1037, %gather3A_1057 : vector<16xf32>
        %abs3A_1059 = math.absf %sub3A_1058 : vector<16xf32>
        %add3A_1060 = arith.addf %add3A_1031, %abs3A_1059 : vector<16xf32>
        %broadcast_in_dim3A_1061 = arith.constant 31 : i32
        %broadcast_in_dim3A_1062 = vector.broadcast %broadcast_in_dim3A_1061 : i32 to vector<16xi32>
        %gather3A_1063 = tpu.vector_load_idx %arg14[%add3A_138, %broadcast_in_dim3A_1062] : memref<128x64xf32, #tpu.memory_space<vmem>>[vector<16xi32>, vector<16xi32>], vector<16xf32>,
        %gather3A_1064 = tpu.vector_load_idx %arg15[%add3A_138, %broadcast_in_dim3A_1062] : memref<128x64xf32, #tpu.memory_space<vmem>>[vector<16xi32>, vector<16xi32>], vector<16xf32>,
        %gather3A_1065 = tpu.vector_load_idx %arg16[%add3A_138, %broadcast_in_dim3A_1062] : memref<128x64xf32, #tpu.memory_space<vmem>>[vector<16xi32>, vector<16xi32>], vector<16xf32>,
        %add3A_1066 = arith.addf %gather3A_1063, %gather3A_1064 : vector<16xf32>
        %sub3A_1067 = arith.subf %add3A_1066, %gather3A_1065 : vector<16xf32>
        %abs3A_1068 = math.absf %sub3A_1067 : vector<16xf32>
        %add3A_1069 = arith.addf %add3A_1040, %abs3A_1068 : vector<16xf32>
        %gather3A_1070 = tpu.vector_load_idx %arg17[%add3A_141, %broadcast_in_dim3A_1062] : memref<640x64xf32, #tpu.memory_space<vmem>>[vector<16xi32>, vector<16xi32>], vector<16xf32>,
        %sub3A_1071 = arith.subf %add3A_1066, %gather3A_1070 : vector<16xf32>
        %abs3A_1072 = math.absf %sub3A_1071 : vector<16xf32>
        %add3A_1073 = arith.addf %add3A_1044, %abs3A_1072 : vector<16xf32>
        %gather3A_1074 = tpu.vector_load_idx %arg17[%add3A_144, %broadcast_in_dim3A_1062] : memref<640x64xf32, #tpu.memory_space<vmem>>[vector<16xi32>, vector<16xi32>], vector<16xf32>,
        %sub3A_1075 = arith.subf %add3A_1066, %gather3A_1074 : vector<16xf32>
        %abs3A_1076 = math.absf %sub3A_1075 : vector<16xf32>
        %add3A_1077 = arith.addf %add3A_1048, %abs3A_1076 : vector<16xf32>
        %gather3A_1078 = tpu.vector_load_idx %arg17[%add3A_147, %broadcast_in_dim3A_1062] : memref<640x64xf32, #tpu.memory_space<vmem>>[vector<16xi32>, vector<16xi32>], vector<16xf32>,
        %sub3A_1079 = arith.subf %add3A_1066, %gather3A_1078 : vector<16xf32>
        %abs3A_1080 = math.absf %sub3A_1079 : vector<16xf32>
        %add3A_1081 = arith.addf %add3A_1052, %abs3A_1080 : vector<16xf32>
        %gather3A_1082 = tpu.vector_load_idx %arg17[%add3A_150, %broadcast_in_dim3A_1062] : memref<640x64xf32, #tpu.memory_space<vmem>>[vector<16xi32>, vector<16xi32>], vector<16xf32>,
        %sub3A_1083 = arith.subf %add3A_1066, %gather3A_1082 : vector<16xf32>
        %abs3A_1084 = math.absf %sub3A_1083 : vector<16xf32>
        %add3A_1085 = arith.addf %add3A_1056, %abs3A_1084 : vector<16xf32>
        %gather3A_1086 = tpu.vector_load_idx %arg17[%add3A_153, %broadcast_in_dim3A_1062] : memref<640x64xf32, #tpu.memory_space<vmem>>[vector<16xi32>, vector<16xi32>], vector<16xf32>,
        %sub3A_1087 = arith.subf %add3A_1066, %gather3A_1086 : vector<16xf32>
        %abs3A_1088 = math.absf %sub3A_1087 : vector<16xf32>
        %add3A_1089 = arith.addf %add3A_1060, %abs3A_1088 : vector<16xf32>
        %broadcast_in_dim3A_1090 = arith.constant 32 : i32
        %broadcast_in_dim3A_1091 = vector.broadcast %broadcast_in_dim3A_1090 : i32 to vector<16xi32>
        %gather3A_1092 = tpu.vector_load_idx %arg14[%add3A_138, %broadcast_in_dim3A_1091] : memref<128x64xf32, #tpu.memory_space<vmem>>[vector<16xi32>, vector<16xi32>], vector<16xf32>,
        %gather3A_1093 = tpu.vector_load_idx %arg15[%add3A_138, %broadcast_in_dim3A_1091] : memref<128x64xf32, #tpu.memory_space<vmem>>[vector<16xi32>, vector<16xi32>], vector<16xf32>,
        %gather3A_1094 = tpu.vector_load_idx %arg16[%add3A_138, %broadcast_in_dim3A_1091] : memref<128x64xf32, #tpu.memory_space<vmem>>[vector<16xi32>, vector<16xi32>], vector<16xf32>,
        %add3A_1095 = arith.addf %gather3A_1092, %gather3A_1093 : vector<16xf32>
        %sub3A_1096 = arith.subf %add3A_1095, %gather3A_1094 : vector<16xf32>
        %abs3A_1097 = math.absf %sub3A_1096 : vector<16xf32>
        %add3A_1098 = arith.addf %add3A_1069, %abs3A_1097 : vector<16xf32>
        %gather3A_1099 = tpu.vector_load_idx %arg17[%add3A_141, %broadcast_in_dim3A_1091] : memref<640x64xf32, #tpu.memory_space<vmem>>[vector<16xi32>, vector<16xi32>], vector<16xf32>,
        %sub3A_1100 = arith.subf %add3A_1095, %gather3A_1099 : vector<16xf32>
        %abs3A_1101 = math.absf %sub3A_1100 : vector<16xf32>
        %add3A_1102 = arith.addf %add3A_1073, %abs3A_1101 : vector<16xf32>
        %gather3A_1103 = tpu.vector_load_idx %arg17[%add3A_144, %broadcast_in_dim3A_1091] : memref<640x64xf32, #tpu.memory_space<vmem>>[vector<16xi32>, vector<16xi32>], vector<16xf32>,
        %sub3A_1104 = arith.subf %add3A_1095, %gather3A_1103 : vector<16xf32>
        %abs3A_1105 = math.absf %sub3A_1104 : vector<16xf32>
        %add3A_1106 = arith.addf %add3A_1077, %abs3A_1105 : vector<16xf32>
        %gather3A_1107 = tpu.vector_load_idx %arg17[%add3A_147, %broadcast_in_dim3A_1091] : memref<640x64xf32, #tpu.memory_space<vmem>>[vector<16xi32>, vector<16xi32>], vector<16xf32>,
        %sub3A_1108 = arith.subf %add3A_1095, %gather3A_1107 : vector<16xf32>
        %abs3A_1109 = math.absf %sub3A_1108 : vector<16xf32>
        %add3A_1110 = arith.addf %add3A_1081, %abs3A_1109 : vector<16xf32>
        %gather3A_1111 = tpu.vector_load_idx %arg17[%add3A_150, %broadcast_in_dim3A_1091] : memref<640x64xf32, #tpu.memory_space<vmem>>[vector<16xi32>, vector<16xi32>], vector<16xf32>,
        %sub3A_1112 = arith.subf %add3A_1095, %gather3A_1111 : vector<16xf32>
        %abs3A_1113 = math.absf %sub3A_1112 : vector<16xf32>
        %add3A_1114 = arith.addf %add3A_1085, %abs3A_1113 : vector<16xf32>
        %gather3A_1115 = tpu.vector_load_idx %arg17[%add3A_153, %broadcast_in_dim3A_1091] : memref<640x64xf32, #tpu.memory_space<vmem>>[vector<16xi32>, vector<16xi32>], vector<16xf32>,
        %sub3A_1116 = arith.subf %add3A_1095, %gather3A_1115 : vector<16xf32>
        %abs3A_1117 = math.absf %sub3A_1116 : vector<16xf32>
        %add3A_1118 = arith.addf %add3A_1089, %abs3A_1117 : vector<16xf32>
        %broadcast_in_dim3A_1119 = arith.constant 33 : i32
        %broadcast_in_dim3A_1120 = vector.broadcast %broadcast_in_dim3A_1119 : i32 to vector<16xi32>
        %gather3A_1121 = tpu.vector_load_idx %arg14[%add3A_138, %broadcast_in_dim3A_1120] : memref<128x64xf32, #tpu.memory_space<vmem>>[vector<16xi32>, vector<16xi32>], vector<16xf32>,
        %gather3A_1122 = tpu.vector_load_idx %arg15[%add3A_138, %broadcast_in_dim3A_1120] : memref<128x64xf32, #tpu.memory_space<vmem>>[vector<16xi32>, vector<16xi32>], vector<16xf32>,
        %gather3A_1123 = tpu.vector_load_idx %arg16[%add3A_138, %broadcast_in_dim3A_1120] : memref<128x64xf32, #tpu.memory_space<vmem>>[vector<16xi32>, vector<16xi32>], vector<16xf32>,
        %add3A_1124 = arith.addf %gather3A_1121, %gather3A_1122 : vector<16xf32>
        %sub3A_1125 = arith.subf %add3A_1124, %gather3A_1123 : vector<16xf32>
        %abs3A_1126 = math.absf %sub3A_1125 : vector<16xf32>
        %add3A_1127 = arith.addf %add3A_1098, %abs3A_1126 : vector<16xf32>
        %gather3A_1128 = tpu.vector_load_idx %arg17[%add3A_141, %broadcast_in_dim3A_1120] : memref<640x64xf32, #tpu.memory_space<vmem>>[vector<16xi32>, vector<16xi32>], vector<16xf32>,
        %sub3A_1129 = arith.subf %add3A_1124, %gather3A_1128 : vector<16xf32>
        %abs3A_1130 = math.absf %sub3A_1129 : vector<16xf32>
        %add3A_1131 = arith.addf %add3A_1102, %abs3A_1130 : vector<16xf32>
        %gather3A_1132 = tpu.vector_load_idx %arg17[%add3A_144, %broadcast_in_dim3A_1120] : memref<640x64xf32, #tpu.memory_space<vmem>>[vector<16xi32>, vector<16xi32>], vector<16xf32>,
        %sub3A_1133 = arith.subf %add3A_1124, %gather3A_1132 : vector<16xf32>
        %abs3A_1134 = math.absf %sub3A_1133 : vector<16xf32>
        %add3A_1135 = arith.addf %add3A_1106, %abs3A_1134 : vector<16xf32>
        %gather3A_1136 = tpu.vector_load_idx %arg17[%add3A_147, %broadcast_in_dim3A_1120] : memref<640x64xf32, #tpu.memory_space<vmem>>[vector<16xi32>, vector<16xi32>], vector<16xf32>,
        %sub3A_1137 = arith.subf %add3A_1124, %gather3A_1136 : vector<16xf32>
        %abs3A_1138 = math.absf %sub3A_1137 : vector<16xf32>
        %add3A_1139 = arith.addf %add3A_1110, %abs3A_1138 : vector<16xf32>
        %gather3A_1140 = tpu.vector_load_idx %arg17[%add3A_150, %broadcast_in_dim3A_1120] : memref<640x64xf32, #tpu.memory_space<vmem>>[vector<16xi32>, vector<16xi32>], vector<16xf32>,
        %sub3A_1141 = arith.subf %add3A_1124, %gather3A_1140 : vector<16xf32>
        %abs3A_1142 = math.absf %sub3A_1141 : vector<16xf32>
        %add3A_1143 = arith.addf %add3A_1114, %abs3A_1142 : vector<16xf32>
        %gather3A_1144 = tpu.vector_load_idx %arg17[%add3A_153, %broadcast_in_dim3A_1120] : memref<640x64xf32, #tpu.memory_space<vmem>>[vector<16xi32>, vector<16xi32>], vector<16xf32>,
        %sub3A_1145 = arith.subf %add3A_1124, %gather3A_1144 : vector<16xf32>
        %abs3A_1146 = math.absf %sub3A_1145 : vector<16xf32>
        %add3A_1147 = arith.addf %add3A_1118, %abs3A_1146 : vector<16xf32>
        %broadcast_in_dim3A_1148 = arith.constant 34 : i32
        %broadcast_in_dim3A_1149 = vector.broadcast %broadcast_in_dim3A_1148 : i32 to vector<16xi32>
        %gather3A_1150 = tpu.vector_load_idx %arg14[%add3A_138, %broadcast_in_dim3A_1149] : memref<128x64xf32, #tpu.memory_space<vmem>>[vector<16xi32>, vector<16xi32>], vector<16xf32>,
        %gather3A_1151 = tpu.vector_load_idx %arg15[%add3A_138, %broadcast_in_dim3A_1149] : memref<128x64xf32, #tpu.memory_space<vmem>>[vector<16xi32>, vector<16xi32>], vector<16xf32>,
        %gather3A_1152 = tpu.vector_load_idx %arg16[%add3A_138, %broadcast_in_dim3A_1149] : memref<128x64xf32, #tpu.memory_space<vmem>>[vector<16xi32>, vector<16xi32>], vector<16xf32>,
        %add3A_1153 = arith.addf %gather3A_1150, %gather3A_1151 : vector<16xf32>
        %sub3A_1154 = arith.subf %add3A_1153, %gather3A_1152 : vector<16xf32>
        %abs3A_1155 = math.absf %sub3A_1154 : vector<16xf32>
        %add3A_1156 = arith.addf %add3A_1127, %abs3A_1155 : vector<16xf32>
        %gather3A_1157 = tpu.vector_load_idx %arg17[%add3A_141, %broadcast_in_dim3A_1149] : memref<640x64xf32, #tpu.memory_space<vmem>>[vector<16xi32>, vector<16xi32>], vector<16xf32>,
        %sub3A_1158 = arith.subf %add3A_1153, %gather3A_1157 : vector<16xf32>
        %abs3A_1159 = math.absf %sub3A_1158 : vector<16xf32>
        %add3A_1160 = arith.addf %add3A_1131, %abs3A_1159 : vector<16xf32>
        %gather3A_1161 = tpu.vector_load_idx %arg17[%add3A_144, %broadcast_in_dim3A_1149] : memref<640x64xf32, #tpu.memory_space<vmem>>[vector<16xi32>, vector<16xi32>], vector<16xf32>,
        %sub3A_1162 = arith.subf %add3A_1153, %gather3A_1161 : vector<16xf32>
        %abs3A_1163 = math.absf %sub3A_1162 : vector<16xf32>
        %add3A_1164 = arith.addf %add3A_1135, %abs3A_1163 : vector<16xf32>
        %gather3A_1165 = tpu.vector_load_idx %arg17[%add3A_147, %broadcast_in_dim3A_1149] : memref<640x64xf32, #tpu.memory_space<vmem>>[vector<16xi32>, vector<16xi32>], vector<16xf32>,
        %sub3A_1166 = arith.subf %add3A_1153, %gather3A_1165 : vector<16xf32>
        %abs3A_1167 = math.absf %sub3A_1166 : vector<16xf32>
        %add3A_1168 = arith.addf %add3A_1139, %abs3A_1167 : vector<16xf32>
        %gather3A_1169 = tpu.vector_load_idx %arg17[%add3A_150, %broadcast_in_dim3A_1149] : memref<640x64xf32, #tpu.memory_space<vmem>>[vector<16xi32>, vector<16xi32>], vector<16xf32>,
        %sub3A_1170 = arith.subf %add3A_1153, %gather3A_1169 : vector<16xf32>
        %abs3A_1171 = math.absf %sub3A_1170 : vector<16xf32>
        %add3A_1172 = arith.addf %add3A_1143, %abs3A_1171 : vector<16xf32>
        %gather3A_1173 = tpu.vector_load_idx %arg17[%add3A_153, %broadcast_in_dim3A_1149] : memref<640x64xf32, #tpu.memory_space<vmem>>[vector<16xi32>, vector<16xi32>], vector<16xf32>,
        %sub3A_1174 = arith.subf %add3A_1153, %gather3A_1173 : vector<16xf32>
        %abs3A_1175 = math.absf %sub3A_1174 : vector<16xf32>
        %add3A_1176 = arith.addf %add3A_1147, %abs3A_1175 : vector<16xf32>
        %broadcast_in_dim3A_1177 = arith.constant 35 : i32
        %broadcast_in_dim3A_1178 = vector.broadcast %broadcast_in_dim3A_1177 : i32 to vector<16xi32>
        %gather3A_1179 = tpu.vector_load_idx %arg14[%add3A_138, %broadcast_in_dim3A_1178] : memref<128x64xf32, #tpu.memory_space<vmem>>[vector<16xi32>, vector<16xi32>], vector<16xf32>,
        %gather3A_1180 = tpu.vector_load_idx %arg15[%add3A_138, %broadcast_in_dim3A_1178] : memref<128x64xf32, #tpu.memory_space<vmem>>[vector<16xi32>, vector<16xi32>], vector<16xf32>,
        %gather3A_1181 = tpu.vector_load_idx %arg16[%add3A_138, %broadcast_in_dim3A_1178] : memref<128x64xf32, #tpu.memory_space<vmem>>[vector<16xi32>, vector<16xi32>], vector<16xf32>,
        %add3A_1182 = arith.addf %gather3A_1179, %gather3A_1180 : vector<16xf32>
        %sub3A_1183 = arith.subf %add3A_1182, %gather3A_1181 : vector<16xf32>
        %abs3A_1184 = math.absf %sub3A_1183 : vector<16xf32>
        %add3A_1185 = arith.addf %add3A_1156, %abs3A_1184 : vector<16xf32>
        %gather3A_1186 = tpu.vector_load_idx %arg17[%add3A_141, %broadcast_in_dim3A_1178] : memref<640x64xf32, #tpu.memory_space<vmem>>[vector<16xi32>, vector<16xi32>], vector<16xf32>,
        %sub3A_1187 = arith.subf %add3A_1182, %gather3A_1186 : vector<16xf32>
        %abs3A_1188 = math.absf %sub3A_1187 : vector<16xf32>
        %add3A_1189 = arith.addf %add3A_1160, %abs3A_1188 : vector<16xf32>
        %gather3A_1190 = tpu.vector_load_idx %arg17[%add3A_144, %broadcast_in_dim3A_1178] : memref<640x64xf32, #tpu.memory_space<vmem>>[vector<16xi32>, vector<16xi32>], vector<16xf32>,
        %sub3A_1191 = arith.subf %add3A_1182, %gather3A_1190 : vector<16xf32>
        %abs3A_1192 = math.absf %sub3A_1191 : vector<16xf32>
        %add3A_1193 = arith.addf %add3A_1164, %abs3A_1192 : vector<16xf32>
        %gather3A_1194 = tpu.vector_load_idx %arg17[%add3A_147, %broadcast_in_dim3A_1178] : memref<640x64xf32, #tpu.memory_space<vmem>>[vector<16xi32>, vector<16xi32>], vector<16xf32>,
        %sub3A_1195 = arith.subf %add3A_1182, %gather3A_1194 : vector<16xf32>
        %abs3A_1196 = math.absf %sub3A_1195 : vector<16xf32>
        %add3A_1197 = arith.addf %add3A_1168, %abs3A_1196 : vector<16xf32>
        %gather3A_1198 = tpu.vector_load_idx %arg17[%add3A_150, %broadcast_in_dim3A_1178] : memref<640x64xf32, #tpu.memory_space<vmem>>[vector<16xi32>, vector<16xi32>], vector<16xf32>,
        %sub3A_1199 = arith.subf %add3A_1182, %gather3A_1198 : vector<16xf32>
        %abs3A_1200 = math.absf %sub3A_1199 : vector<16xf32>
        %add3A_1201 = arith.addf %add3A_1172, %abs3A_1200 : vector<16xf32>
        %gather3A_1202 = tpu.vector_load_idx %arg17[%add3A_153, %broadcast_in_dim3A_1178] : memref<640x64xf32, #tpu.memory_space<vmem>>[vector<16xi32>, vector<16xi32>], vector<16xf32>,
        %sub3A_1203 = arith.subf %add3A_1182, %gather3A_1202 : vector<16xf32>
        %abs3A_1204 = math.absf %sub3A_1203 : vector<16xf32>
        %add3A_1205 = arith.addf %add3A_1176, %abs3A_1204 : vector<16xf32>
        %broadcast_in_dim3A_1206 = arith.constant 36 : i32
        %broadcast_in_dim3A_1207 = vector.broadcast %broadcast_in_dim3A_1206 : i32 to vector<16xi32>
        %gather3A_1208 = tpu.vector_load_idx %arg14[%add3A_138, %broadcast_in_dim3A_1207] : memref<128x64xf32, #tpu.memory_space<vmem>>[vector<16xi32>, vector<16xi32>], vector<16xf32>,
        %gather3A_1209 = tpu.vector_load_idx %arg15[%add3A_138, %broadcast_in_dim3A_1207] : memref<128x64xf32, #tpu.memory_space<vmem>>[vector<16xi32>, vector<16xi32>], vector<16xf32>,
        %gather3A_1210 = tpu.vector_load_idx %arg16[%add3A_138, %broadcast_in_dim3A_1207] : memref<128x64xf32, #tpu.memory_space<vmem>>[vector<16xi32>, vector<16xi32>], vector<16xf32>,
        %add3A_1211 = arith.addf %gather3A_1208, %gather3A_1209 : vector<16xf32>
        %sub3A_1212 = arith.subf %add3A_1211, %gather3A_1210 : vector<16xf32>
        %abs3A_1213 = math.absf %sub3A_1212 : vector<16xf32>
        %add3A_1214 = arith.addf %add3A_1185, %abs3A_1213 : vector<16xf32>
        %gather3A_1215 = tpu.vector_load_idx %arg17[%add3A_141, %broadcast_in_dim3A_1207] : memref<640x64xf32, #tpu.memory_space<vmem>>[vector<16xi32>, vector<16xi32>], vector<16xf32>,
        %sub3A_1216 = arith.subf %add3A_1211, %gather3A_1215 : vector<16xf32>
        %abs3A_1217 = math.absf %sub3A_1216 : vector<16xf32>
        %add3A_1218 = arith.addf %add3A_1189, %abs3A_1217 : vector<16xf32>
        %gather3A_1219 = tpu.vector_load_idx %arg17[%add3A_144, %broadcast_in_dim3A_1207] : memref<640x64xf32, #tpu.memory_space<vmem>>[vector<16xi32>, vector<16xi32>], vector<16xf32>,
        %sub3A_1220 = arith.subf %add3A_1211, %gather3A_1219 : vector<16xf32>
        %abs3A_1221 = math.absf %sub3A_1220 : vector<16xf32>
        %add3A_1222 = arith.addf %add3A_1193, %abs3A_1221 : vector<16xf32>
        %gather3A_1223 = tpu.vector_load_idx %arg17[%add3A_147, %broadcast_in_dim3A_1207] : memref<640x64xf32, #tpu.memory_space<vmem>>[vector<16xi32>, vector<16xi32>], vector<16xf32>,
        %sub3A_1224 = arith.subf %add3A_1211, %gather3A_1223 : vector<16xf32>
        %abs3A_1225 = math.absf %sub3A_1224 : vector<16xf32>
        %add3A_1226 = arith.addf %add3A_1197, %abs3A_1225 : vector<16xf32>
        %gather3A_1227 = tpu.vector_load_idx %arg17[%add3A_150, %broadcast_in_dim3A_1207] : memref<640x64xf32, #tpu.memory_space<vmem>>[vector<16xi32>, vector<16xi32>], vector<16xf32>,
        %sub3A_1228 = arith.subf %add3A_1211, %gather3A_1227 : vector<16xf32>
        %abs3A_1229 = math.absf %sub3A_1228 : vector<16xf32>
        %add3A_1230 = arith.addf %add3A_1201, %abs3A_1229 : vector<16xf32>
        %gather3A_1231 = tpu.vector_load_idx %arg17[%add3A_153, %broadcast_in_dim3A_1207] : memref<640x64xf32, #tpu.memory_space<vmem>>[vector<16xi32>, vector<16xi32>], vector<16xf32>,
        %sub3A_1232 = arith.subf %add3A_1211, %gather3A_1231 : vector<16xf32>
        %abs3A_1233 = math.absf %sub3A_1232 : vector<16xf32>
        %add3A_1234 = arith.addf %add3A_1205, %abs3A_1233 : vector<16xf32>
        %broadcast_in_dim3A_1235 = arith.constant 37 : i32
        %broadcast_in_dim3A_1236 = vector.broadcast %broadcast_in_dim3A_1235 : i32 to vector<16xi32>
        %gather3A_1237 = tpu.vector_load_idx %arg14[%add3A_138, %broadcast_in_dim3A_1236] : memref<128x64xf32, #tpu.memory_space<vmem>>[vector<16xi32>, vector<16xi32>], vector<16xf32>,
        %gather3A_1238 = tpu.vector_load_idx %arg15[%add3A_138, %broadcast_in_dim3A_1236] : memref<128x64xf32, #tpu.memory_space<vmem>>[vector<16xi32>, vector<16xi32>], vector<16xf32>,
        %gather3A_1239 = tpu.vector_load_idx %arg16[%add3A_138, %broadcast_in_dim3A_1236] : memref<128x64xf32, #tpu.memory_space<vmem>>[vector<16xi32>, vector<16xi32>], vector<16xf32>,
        %add3A_1240 = arith.addf %gather3A_1237, %gather3A_1238 : vector<16xf32>
        %sub3A_1241 = arith.subf %add3A_1240, %gather3A_1239 : vector<16xf32>
        %abs3A_1242 = math.absf %sub3A_1241 : vector<16xf32>
        %add3A_1243 = arith.addf %add3A_1214, %abs3A_1242 : vector<16xf32>
        %gather3A_1244 = tpu.vector_load_idx %arg17[%add3A_141, %broadcast_in_dim3A_1236] : memref<640x64xf32, #tpu.memory_space<vmem>>[vector<16xi32>, vector<16xi32>], vector<16xf32>,
        %sub3A_1245 = arith.subf %add3A_1240, %gather3A_1244 : vector<16xf32>
        %abs3A_1246 = math.absf %sub3A_1245 : vector<16xf32>
        %add3A_1247 = arith.addf %add3A_1218, %abs3A_1246 : vector<16xf32>
        %gather3A_1248 = tpu.vector_load_idx %arg17[%add3A_144, %broadcast_in_dim3A_1236] : memref<640x64xf32, #tpu.memory_space<vmem>>[vector<16xi32>, vector<16xi32>], vector<16xf32>,
        %sub3A_1249 = arith.subf %add3A_1240, %gather3A_1248 : vector<16xf32>
        %abs3A_1250 = math.absf %sub3A_1249 : vector<16xf32>
        %add3A_1251 = arith.addf %add3A_1222, %abs3A_1250 : vector<16xf32>
        %gather3A_1252 = tpu.vector_load_idx %arg17[%add3A_147, %broadcast_in_dim3A_1236] : memref<640x64xf32, #tpu.memory_space<vmem>>[vector<16xi32>, vector<16xi32>], vector<16xf32>,
        %sub3A_1253 = arith.subf %add3A_1240, %gather3A_1252 : vector<16xf32>
        %abs3A_1254 = math.absf %sub3A_1253 : vector<16xf32>
        %add3A_1255 = arith.addf %add3A_1226, %abs3A_1254 : vector<16xf32>
        %gather3A_1256 = tpu.vector_load_idx %arg17[%add3A_150, %broadcast_in_dim3A_1236] : memref<640x64xf32, #tpu.memory_space<vmem>>[vector<16xi32>, vector<16xi32>], vector<16xf32>,
        %sub3A_1257 = arith.subf %add3A_1240, %gather3A_1256 : vector<16xf32>
        %abs3A_1258 = math.absf %sub3A_1257 : vector<16xf32>
        %add3A_1259 = arith.addf %add3A_1230, %abs3A_1258 : vector<16xf32>
        %gather3A_1260 = tpu.vector_load_idx %arg17[%add3A_153, %broadcast_in_dim3A_1236] : memref<640x64xf32, #tpu.memory_space<vmem>>[vector<16xi32>, vector<16xi32>], vector<16xf32>,
        %sub3A_1261 = arith.subf %add3A_1240, %gather3A_1260 : vector<16xf32>
        %abs3A_1262 = math.absf %sub3A_1261 : vector<16xf32>
        %add3A_1263 = arith.addf %add3A_1234, %abs3A_1262 : vector<16xf32>
        %broadcast_in_dim3A_1264 = arith.constant 38 : i32
        %broadcast_in_dim3A_1265 = vector.broadcast %broadcast_in_dim3A_1264 : i32 to vector<16xi32>
        %gather3A_1266 = tpu.vector_load_idx %arg14[%add3A_138, %broadcast_in_dim3A_1265] : memref<128x64xf32, #tpu.memory_space<vmem>>[vector<16xi32>, vector<16xi32>], vector<16xf32>,
        %gather3A_1267 = tpu.vector_load_idx %arg15[%add3A_138, %broadcast_in_dim3A_1265] : memref<128x64xf32, #tpu.memory_space<vmem>>[vector<16xi32>, vector<16xi32>], vector<16xf32>,
        %gather3A_1268 = tpu.vector_load_idx %arg16[%add3A_138, %broadcast_in_dim3A_1265] : memref<128x64xf32, #tpu.memory_space<vmem>>[vector<16xi32>, vector<16xi32>], vector<16xf32>,
        %add3A_1269 = arith.addf %gather3A_1266, %gather3A_1267 : vector<16xf32>
        %sub3A_1270 = arith.subf %add3A_1269, %gather3A_1268 : vector<16xf32>
        %abs3A_1271 = math.absf %sub3A_1270 : vector<16xf32>
        %add3A_1272 = arith.addf %add3A_1243, %abs3A_1271 : vector<16xf32>
        %gather3A_1273 = tpu.vector_load_idx %arg17[%add3A_141, %broadcast_in_dim3A_1265] : memref<640x64xf32, #tpu.memory_space<vmem>>[vector<16xi32>, vector<16xi32>], vector<16xf32>,
        %sub3A_1274 = arith.subf %add3A_1269, %gather3A_1273 : vector<16xf32>
        %abs3A_1275 = math.absf %sub3A_1274 : vector<16xf32>
        %add3A_1276 = arith.addf %add3A_1247, %abs3A_1275 : vector<16xf32>
        %gather3A_1277 = tpu.vector_load_idx %arg17[%add3A_144, %broadcast_in_dim3A_1265] : memref<640x64xf32, #tpu.memory_space<vmem>>[vector<16xi32>, vector<16xi32>], vector<16xf32>,
        %sub3A_1278 = arith.subf %add3A_1269, %gather3A_1277 : vector<16xf32>
        %abs3A_1279 = math.absf %sub3A_1278 : vector<16xf32>
        %add3A_1280 = arith.addf %add3A_1251, %abs3A_1279 : vector<16xf32>
        %gather3A_1281 = tpu.vector_load_idx %arg17[%add3A_147, %broadcast_in_dim3A_1265] : memref<640x64xf32, #tpu.memory_space<vmem>>[vector<16xi32>, vector<16xi32>], vector<16xf32>,
        %sub3A_1282 = arith.subf %add3A_1269, %gather3A_1281 : vector<16xf32>
        %abs3A_1283 = math.absf %sub3A_1282 : vector<16xf32>
        %add3A_1284 = arith.addf %add3A_1255, %abs3A_1283 : vector<16xf32>
        %gather3A_1285 = tpu.vector_load_idx %arg17[%add3A_150, %broadcast_in_dim3A_1265] : memref<640x64xf32, #tpu.memory_space<vmem>>[vector<16xi32>, vector<16xi32>], vector<16xf32>,
        %sub3A_1286 = arith.subf %add3A_1269, %gather3A_1285 : vector<16xf32>
        %abs3A_1287 = math.absf %sub3A_1286 : vector<16xf32>
        %add3A_1288 = arith.addf %add3A_1259, %abs3A_1287 : vector<16xf32>
        %gather3A_1289 = tpu.vector_load_idx %arg17[%add3A_153, %broadcast_in_dim3A_1265] : memref<640x64xf32, #tpu.memory_space<vmem>>[vector<16xi32>, vector<16xi32>], vector<16xf32>,
        %sub3A_1290 = arith.subf %add3A_1269, %gather3A_1289 : vector<16xf32>
        %abs3A_1291 = math.absf %sub3A_1290 : vector<16xf32>
        %add3A_1292 = arith.addf %add3A_1263, %abs3A_1291 : vector<16xf32>
        %broadcast_in_dim3A_1293 = arith.constant 39 : i32
        %broadcast_in_dim3A_1294 = vector.broadcast %broadcast_in_dim3A_1293 : i32 to vector<16xi32>
        %gather3A_1295 = tpu.vector_load_idx %arg14[%add3A_138, %broadcast_in_dim3A_1294] : memref<128x64xf32, #tpu.memory_space<vmem>>[vector<16xi32>, vector<16xi32>], vector<16xf32>,
        %gather3A_1296 = tpu.vector_load_idx %arg15[%add3A_138, %broadcast_in_dim3A_1294] : memref<128x64xf32, #tpu.memory_space<vmem>>[vector<16xi32>, vector<16xi32>], vector<16xf32>,
        %gather3A_1297 = tpu.vector_load_idx %arg16[%add3A_138, %broadcast_in_dim3A_1294] : memref<128x64xf32, #tpu.memory_space<vmem>>[vector<16xi32>, vector<16xi32>], vector<16xf32>,
        %add3A_1298 = arith.addf %gather3A_1295, %gather3A_1296 : vector<16xf32>
        %sub3A_1299 = arith.subf %add3A_1298, %gather3A_1297 : vector<16xf32>
        %abs3A_1300 = math.absf %sub3A_1299 : vector<16xf32>
        %add3A_1301 = arith.addf %add3A_1272, %abs3A_1300 : vector<16xf32>
        %gather3A_1302 = tpu.vector_load_idx %arg17[%add3A_141, %broadcast_in_dim3A_1294] : memref<640x64xf32, #tpu.memory_space<vmem>>[vector<16xi32>, vector<16xi32>], vector<16xf32>,
        %sub3A_1303 = arith.subf %add3A_1298, %gather3A_1302 : vector<16xf32>
        %abs3A_1304 = math.absf %sub3A_1303 : vector<16xf32>
        %add3A_1305 = arith.addf %add3A_1276, %abs3A_1304 : vector<16xf32>
        %gather3A_1306 = tpu.vector_load_idx %arg17[%add3A_144, %broadcast_in_dim3A_1294] : memref<640x64xf32, #tpu.memory_space<vmem>>[vector<16xi32>, vector<16xi32>], vector<16xf32>,
        %sub3A_1307 = arith.subf %add3A_1298, %gather3A_1306 : vector<16xf32>
        %abs3A_1308 = math.absf %sub3A_1307 : vector<16xf32>
        %add3A_1309 = arith.addf %add3A_1280, %abs3A_1308 : vector<16xf32>
        %gather3A_1310 = tpu.vector_load_idx %arg17[%add3A_147, %broadcast_in_dim3A_1294] : memref<640x64xf32, #tpu.memory_space<vmem>>[vector<16xi32>, vector<16xi32>], vector<16xf32>,
        %sub3A_1311 = arith.subf %add3A_1298, %gather3A_1310 : vector<16xf32>
        %abs3A_1312 = math.absf %sub3A_1311 : vector<16xf32>
        %add3A_1313 = arith.addf %add3A_1284, %abs3A_1312 : vector<16xf32>
        %gather3A_1314 = tpu.vector_load_idx %arg17[%add3A_150, %broadcast_in_dim3A_1294] : memref<640x64xf32, #tpu.memory_space<vmem>>[vector<16xi32>, vector<16xi32>], vector<16xf32>,
        %sub3A_1315 = arith.subf %add3A_1298, %gather3A_1314 : vector<16xf32>
        %abs3A_1316 = math.absf %sub3A_1315 : vector<16xf32>
        %add3A_1317 = arith.addf %add3A_1288, %abs3A_1316 : vector<16xf32>
        %gather3A_1318 = tpu.vector_load_idx %arg17[%add3A_153, %broadcast_in_dim3A_1294] : memref<640x64xf32, #tpu.memory_space<vmem>>[vector<16xi32>, vector<16xi32>], vector<16xf32>,
        %sub3A_1319 = arith.subf %add3A_1298, %gather3A_1318 : vector<16xf32>
        %abs3A_1320 = math.absf %sub3A_1319 : vector<16xf32>
        %add3A_1321 = arith.addf %add3A_1292, %abs3A_1320 : vector<16xf32>
        %broadcast_in_dim3A_1322 = arith.constant 40 : i32
        %broadcast_in_dim3A_1323 = vector.broadcast %broadcast_in_dim3A_1322 : i32 to vector<16xi32>
        %gather3A_1324 = tpu.vector_load_idx %arg14[%add3A_138, %broadcast_in_dim3A_1323] : memref<128x64xf32, #tpu.memory_space<vmem>>[vector<16xi32>, vector<16xi32>], vector<16xf32>,
        %gather3A_1325 = tpu.vector_load_idx %arg15[%add3A_138, %broadcast_in_dim3A_1323] : memref<128x64xf32, #tpu.memory_space<vmem>>[vector<16xi32>, vector<16xi32>], vector<16xf32>,
        %gather3A_1326 = tpu.vector_load_idx %arg16[%add3A_138, %broadcast_in_dim3A_1323] : memref<128x64xf32, #tpu.memory_space<vmem>>[vector<16xi32>, vector<16xi32>], vector<16xf32>,
        %add3A_1327 = arith.addf %gather3A_1324, %gather3A_1325 : vector<16xf32>
        %sub3A_1328 = arith.subf %add3A_1327, %gather3A_1326 : vector<16xf32>
        %abs3A_1329 = math.absf %sub3A_1328 : vector<16xf32>
        %add3A_1330 = arith.addf %add3A_1301, %abs3A_1329 : vector<16xf32>
        %gather3A_1331 = tpu.vector_load_idx %arg17[%add3A_141, %broadcast_in_dim3A_1323] : memref<640x64xf32, #tpu.memory_space<vmem>>[vector<16xi32>, vector<16xi32>], vector<16xf32>,
        %sub3A_1332 = arith.subf %add3A_1327, %gather3A_1331 : vector<16xf32>
        %abs3A_1333 = math.absf %sub3A_1332 : vector<16xf32>
        %add3A_1334 = arith.addf %add3A_1305, %abs3A_1333 : vector<16xf32>
        %gather3A_1335 = tpu.vector_load_idx %arg17[%add3A_144, %broadcast_in_dim3A_1323] : memref<640x64xf32, #tpu.memory_space<vmem>>[vector<16xi32>, vector<16xi32>], vector<16xf32>,
        %sub3A_1336 = arith.subf %add3A_1327, %gather3A_1335 : vector<16xf32>
        %abs3A_1337 = math.absf %sub3A_1336 : vector<16xf32>
        %add3A_1338 = arith.addf %add3A_1309, %abs3A_1337 : vector<16xf32>
        %gather3A_1339 = tpu.vector_load_idx %arg17[%add3A_147, %broadcast_in_dim3A_1323] : memref<640x64xf32, #tpu.memory_space<vmem>>[vector<16xi32>, vector<16xi32>], vector<16xf32>,
        %sub3A_1340 = arith.subf %add3A_1327, %gather3A_1339 : vector<16xf32>
        %abs3A_1341 = math.absf %sub3A_1340 : vector<16xf32>
        %add3A_1342 = arith.addf %add3A_1313, %abs3A_1341 : vector<16xf32>
        %gather3A_1343 = tpu.vector_load_idx %arg17[%add3A_150, %broadcast_in_dim3A_1323] : memref<640x64xf32, #tpu.memory_space<vmem>>[vector<16xi32>, vector<16xi32>], vector<16xf32>,
        %sub3A_1344 = arith.subf %add3A_1327, %gather3A_1343 : vector<16xf32>
        %abs3A_1345 = math.absf %sub3A_1344 : vector<16xf32>
        %add3A_1346 = arith.addf %add3A_1317, %abs3A_1345 : vector<16xf32>
        %gather3A_1347 = tpu.vector_load_idx %arg17[%add3A_153, %broadcast_in_dim3A_1323] : memref<640x64xf32, #tpu.memory_space<vmem>>[vector<16xi32>, vector<16xi32>], vector<16xf32>,
        %sub3A_1348 = arith.subf %add3A_1327, %gather3A_1347 : vector<16xf32>
        %abs3A_1349 = math.absf %sub3A_1348 : vector<16xf32>
        %add3A_1350 = arith.addf %add3A_1321, %abs3A_1349 : vector<16xf32>
        %broadcast_in_dim3A_1351 = arith.constant 41 : i32
        %broadcast_in_dim3A_1352 = vector.broadcast %broadcast_in_dim3A_1351 : i32 to vector<16xi32>
        %gather3A_1353 = tpu.vector_load_idx %arg14[%add3A_138, %broadcast_in_dim3A_1352] : memref<128x64xf32, #tpu.memory_space<vmem>>[vector<16xi32>, vector<16xi32>], vector<16xf32>,
        %gather3A_1354 = tpu.vector_load_idx %arg15[%add3A_138, %broadcast_in_dim3A_1352] : memref<128x64xf32, #tpu.memory_space<vmem>>[vector<16xi32>, vector<16xi32>], vector<16xf32>,
        %gather3A_1355 = tpu.vector_load_idx %arg16[%add3A_138, %broadcast_in_dim3A_1352] : memref<128x64xf32, #tpu.memory_space<vmem>>[vector<16xi32>, vector<16xi32>], vector<16xf32>,
        %add3A_1356 = arith.addf %gather3A_1353, %gather3A_1354 : vector<16xf32>
        %sub3A_1357 = arith.subf %add3A_1356, %gather3A_1355 : vector<16xf32>
        %abs3A_1358 = math.absf %sub3A_1357 : vector<16xf32>
        %add3A_1359 = arith.addf %add3A_1330, %abs3A_1358 : vector<16xf32>
        %gather3A_1360 = tpu.vector_load_idx %arg17[%add3A_141, %broadcast_in_dim3A_1352] : memref<640x64xf32, #tpu.memory_space<vmem>>[vector<16xi32>, vector<16xi32>], vector<16xf32>,
        %sub3A_1361 = arith.subf %add3A_1356, %gather3A_1360 : vector<16xf32>
        %abs3A_1362 = math.absf %sub3A_1361 : vector<16xf32>
        %add3A_1363 = arith.addf %add3A_1334, %abs3A_1362 : vector<16xf32>
        %gather3A_1364 = tpu.vector_load_idx %arg17[%add3A_144, %broadcast_in_dim3A_1352] : memref<640x64xf32, #tpu.memory_space<vmem>>[vector<16xi32>, vector<16xi32>], vector<16xf32>,
        %sub3A_1365 = arith.subf %add3A_1356, %gather3A_1364 : vector<16xf32>
        %abs3A_1366 = math.absf %sub3A_1365 : vector<16xf32>
        %add3A_1367 = arith.addf %add3A_1338, %abs3A_1366 : vector<16xf32>
        %gather3A_1368 = tpu.vector_load_idx %arg17[%add3A_147, %broadcast_in_dim3A_1352] : memref<640x64xf32, #tpu.memory_space<vmem>>[vector<16xi32>, vector<16xi32>], vector<16xf32>,
        %sub3A_1369 = arith.subf %add3A_1356, %gather3A_1368 : vector<16xf32>
        %abs3A_1370 = math.absf %sub3A_1369 : vector<16xf32>
        %add3A_1371 = arith.addf %add3A_1342, %abs3A_1370 : vector<16xf32>
        %gather3A_1372 = tpu.vector_load_idx %arg17[%add3A_150, %broadcast_in_dim3A_1352] : memref<640x64xf32, #tpu.memory_space<vmem>>[vector<16xi32>, vector<16xi32>], vector<16xf32>,
        %sub3A_1373 = arith.subf %add3A_1356, %gather3A_1372 : vector<16xf32>
        %abs3A_1374 = math.absf %sub3A_1373 : vector<16xf32>
        %add3A_1375 = arith.addf %add3A_1346, %abs3A_1374 : vector<16xf32>
        %gather3A_1376 = tpu.vector_load_idx %arg17[%add3A_153, %broadcast_in_dim3A_1352] : memref<640x64xf32, #tpu.memory_space<vmem>>[vector<16xi32>, vector<16xi32>], vector<16xf32>,
        %sub3A_1377 = arith.subf %add3A_1356, %gather3A_1376 : vector<16xf32>
        %abs3A_1378 = math.absf %sub3A_1377 : vector<16xf32>
        %add3A_1379 = arith.addf %add3A_1350, %abs3A_1378 : vector<16xf32>
        %broadcast_in_dim3A_1380 = arith.constant 42 : i32
        %broadcast_in_dim3A_1381 = vector.broadcast %broadcast_in_dim3A_1380 : i32 to vector<16xi32>
        %gather3A_1382 = tpu.vector_load_idx %arg14[%add3A_138, %broadcast_in_dim3A_1381] : memref<128x64xf32, #tpu.memory_space<vmem>>[vector<16xi32>, vector<16xi32>], vector<16xf32>,
        %gather3A_1383 = tpu.vector_load_idx %arg15[%add3A_138, %broadcast_in_dim3A_1381] : memref<128x64xf32, #tpu.memory_space<vmem>>[vector<16xi32>, vector<16xi32>], vector<16xf32>,
        %gather3A_1384 = tpu.vector_load_idx %arg16[%add3A_138, %broadcast_in_dim3A_1381] : memref<128x64xf32, #tpu.memory_space<vmem>>[vector<16xi32>, vector<16xi32>], vector<16xf32>,
        %add3A_1385 = arith.addf %gather3A_1382, %gather3A_1383 : vector<16xf32>
        %sub3A_1386 = arith.subf %add3A_1385, %gather3A_1384 : vector<16xf32>
        %abs3A_1387 = math.absf %sub3A_1386 : vector<16xf32>
        %add3A_1388 = arith.addf %add3A_1359, %abs3A_1387 : vector<16xf32>
        %gather3A_1389 = tpu.vector_load_idx %arg17[%add3A_141, %broadcast_in_dim3A_1381] : memref<640x64xf32, #tpu.memory_space<vmem>>[vector<16xi32>, vector<16xi32>], vector<16xf32>,
        %sub3A_1390 = arith.subf %add3A_1385, %gather3A_1389 : vector<16xf32>
        %abs3A_1391 = math.absf %sub3A_1390 : vector<16xf32>
        %add3A_1392 = arith.addf %add3A_1363, %abs3A_1391 : vector<16xf32>
        %gather3A_1393 = tpu.vector_load_idx %arg17[%add3A_144, %broadcast_in_dim3A_1381] : memref<640x64xf32, #tpu.memory_space<vmem>>[vector<16xi32>, vector<16xi32>], vector<16xf32>,
        %sub3A_1394 = arith.subf %add3A_1385, %gather3A_1393 : vector<16xf32>
        %abs3A_1395 = math.absf %sub3A_1394 : vector<16xf32>
        %add3A_1396 = arith.addf %add3A_1367, %abs3A_1395 : vector<16xf32>
        %gather3A_1397 = tpu.vector_load_idx %arg17[%add3A_147, %broadcast_in_dim3A_1381] : memref<640x64xf32, #tpu.memory_space<vmem>>[vector<16xi32>, vector<16xi32>], vector<16xf32>,
        %sub3A_1398 = arith.subf %add3A_1385, %gather3A_1397 : vector<16xf32>
        %abs3A_1399 = math.absf %sub3A_1398 : vector<16xf32>
        %add3A_1400 = arith.addf %add3A_1371, %abs3A_1399 : vector<16xf32>
        %gather3A_1401 = tpu.vector_load_idx %arg17[%add3A_150, %broadcast_in_dim3A_1381] : memref<640x64xf32, #tpu.memory_space<vmem>>[vector<16xi32>, vector<16xi32>], vector<16xf32>,
        %sub3A_1402 = arith.subf %add3A_1385, %gather3A_1401 : vector<16xf32>
        %abs3A_1403 = math.absf %sub3A_1402 : vector<16xf32>
        %add3A_1404 = arith.addf %add3A_1375, %abs3A_1403 : vector<16xf32>
        %gather3A_1405 = tpu.vector_load_idx %arg17[%add3A_153, %broadcast_in_dim3A_1381] : memref<640x64xf32, #tpu.memory_space<vmem>>[vector<16xi32>, vector<16xi32>], vector<16xf32>,
        %sub3A_1406 = arith.subf %add3A_1385, %gather3A_1405 : vector<16xf32>
        %abs3A_1407 = math.absf %sub3A_1406 : vector<16xf32>
        %add3A_1408 = arith.addf %add3A_1379, %abs3A_1407 : vector<16xf32>
        %broadcast_in_dim3A_1409 = arith.constant 43 : i32
        %broadcast_in_dim3A_1410 = vector.broadcast %broadcast_in_dim3A_1409 : i32 to vector<16xi32>
        %gather3A_1411 = tpu.vector_load_idx %arg14[%add3A_138, %broadcast_in_dim3A_1410] : memref<128x64xf32, #tpu.memory_space<vmem>>[vector<16xi32>, vector<16xi32>], vector<16xf32>,
        %gather3A_1412 = tpu.vector_load_idx %arg15[%add3A_138, %broadcast_in_dim3A_1410] : memref<128x64xf32, #tpu.memory_space<vmem>>[vector<16xi32>, vector<16xi32>], vector<16xf32>,
        %gather3A_1413 = tpu.vector_load_idx %arg16[%add3A_138, %broadcast_in_dim3A_1410] : memref<128x64xf32, #tpu.memory_space<vmem>>[vector<16xi32>, vector<16xi32>], vector<16xf32>,
        %add3A_1414 = arith.addf %gather3A_1411, %gather3A_1412 : vector<16xf32>
        %sub3A_1415 = arith.subf %add3A_1414, %gather3A_1413 : vector<16xf32>
        %abs3A_1416 = math.absf %sub3A_1415 : vector<16xf32>
        %add3A_1417 = arith.addf %add3A_1388, %abs3A_1416 : vector<16xf32>
        %gather3A_1418 = tpu.vector_load_idx %arg17[%add3A_141, %broadcast_in_dim3A_1410] : memref<640x64xf32, #tpu.memory_space<vmem>>[vector<16xi32>, vector<16xi32>], vector<16xf32>,
        %sub3A_1419 = arith.subf %add3A_1414, %gather3A_1418 : vector<16xf32>
        %abs3A_1420 = math.absf %sub3A_1419 : vector<16xf32>
        %add3A_1421 = arith.addf %add3A_1392, %abs3A_1420 : vector<16xf32>
        %gather3A_1422 = tpu.vector_load_idx %arg17[%add3A_144, %broadcast_in_dim3A_1410] : memref<640x64xf32, #tpu.memory_space<vmem>>[vector<16xi32>, vector<16xi32>], vector<16xf32>,
        %sub3A_1423 = arith.subf %add3A_1414, %gather3A_1422 : vector<16xf32>
        %abs3A_1424 = math.absf %sub3A_1423 : vector<16xf32>
        %add3A_1425 = arith.addf %add3A_1396, %abs3A_1424 : vector<16xf32>
        %gather3A_1426 = tpu.vector_load_idx %arg17[%add3A_147, %broadcast_in_dim3A_1410] : memref<640x64xf32, #tpu.memory_space<vmem>>[vector<16xi32>, vector<16xi32>], vector<16xf32>,
        %sub3A_1427 = arith.subf %add3A_1414, %gather3A_1426 : vector<16xf32>
        %abs3A_1428 = math.absf %sub3A_1427 : vector<16xf32>
        %add3A_1429 = arith.addf %add3A_1400, %abs3A_1428 : vector<16xf32>
        %gather3A_1430 = tpu.vector_load_idx %arg17[%add3A_150, %broadcast_in_dim3A_1410] : memref<640x64xf32, #tpu.memory_space<vmem>>[vector<16xi32>, vector<16xi32>], vector<16xf32>,
        %sub3A_1431 = arith.subf %add3A_1414, %gather3A_1430 : vector<16xf32>
        %abs3A_1432 = math.absf %sub3A_1431 : vector<16xf32>
        %add3A_1433 = arith.addf %add3A_1404, %abs3A_1432 : vector<16xf32>
        %gather3A_1434 = tpu.vector_load_idx %arg17[%add3A_153, %broadcast_in_dim3A_1410] : memref<640x64xf32, #tpu.memory_space<vmem>>[vector<16xi32>, vector<16xi32>], vector<16xf32>,
        %sub3A_1435 = arith.subf %add3A_1414, %gather3A_1434 : vector<16xf32>
        %abs3A_1436 = math.absf %sub3A_1435 : vector<16xf32>
        %add3A_1437 = arith.addf %add3A_1408, %abs3A_1436 : vector<16xf32>
        %broadcast_in_dim3A_1438 = arith.constant 44 : i32
        %broadcast_in_dim3A_1439 = vector.broadcast %broadcast_in_dim3A_1438 : i32 to vector<16xi32>
        %gather3A_1440 = tpu.vector_load_idx %arg14[%add3A_138, %broadcast_in_dim3A_1439] : memref<128x64xf32, #tpu.memory_space<vmem>>[vector<16xi32>, vector<16xi32>], vector<16xf32>,
        %gather3A_1441 = tpu.vector_load_idx %arg15[%add3A_138, %broadcast_in_dim3A_1439] : memref<128x64xf32, #tpu.memory_space<vmem>>[vector<16xi32>, vector<16xi32>], vector<16xf32>,
        %gather3A_1442 = tpu.vector_load_idx %arg16[%add3A_138, %broadcast_in_dim3A_1439] : memref<128x64xf32, #tpu.memory_space<vmem>>[vector<16xi32>, vector<16xi32>], vector<16xf32>,
        %add3A_1443 = arith.addf %gather3A_1440, %gather3A_1441 : vector<16xf32>
        %sub3A_1444 = arith.subf %add3A_1443, %gather3A_1442 : vector<16xf32>
        %abs3A_1445 = math.absf %sub3A_1444 : vector<16xf32>
        %add3A_1446 = arith.addf %add3A_1417, %abs3A_1445 : vector<16xf32>
        %gather3A_1447 = tpu.vector_load_idx %arg17[%add3A_141, %broadcast_in_dim3A_1439] : memref<640x64xf32, #tpu.memory_space<vmem>>[vector<16xi32>, vector<16xi32>], vector<16xf32>,
        %sub3A_1448 = arith.subf %add3A_1443, %gather3A_1447 : vector<16xf32>
        %abs3A_1449 = math.absf %sub3A_1448 : vector<16xf32>
        %add3A_1450 = arith.addf %add3A_1421, %abs3A_1449 : vector<16xf32>
        %gather3A_1451 = tpu.vector_load_idx %arg17[%add3A_144, %broadcast_in_dim3A_1439] : memref<640x64xf32, #tpu.memory_space<vmem>>[vector<16xi32>, vector<16xi32>], vector<16xf32>,
        %sub3A_1452 = arith.subf %add3A_1443, %gather3A_1451 : vector<16xf32>
        %abs3A_1453 = math.absf %sub3A_1452 : vector<16xf32>
        %add3A_1454 = arith.addf %add3A_1425, %abs3A_1453 : vector<16xf32>
        %gather3A_1455 = tpu.vector_load_idx %arg17[%add3A_147, %broadcast_in_dim3A_1439] : memref<640x64xf32, #tpu.memory_space<vmem>>[vector<16xi32>, vector<16xi32>], vector<16xf32>,
        %sub3A_1456 = arith.subf %add3A_1443, %gather3A_1455 : vector<16xf32>
        %abs3A_1457 = math.absf %sub3A_1456 : vector<16xf32>
        %add3A_1458 = arith.addf %add3A_1429, %abs3A_1457 : vector<16xf32>
        %gather3A_1459 = tpu.vector_load_idx %arg17[%add3A_150, %broadcast_in_dim3A_1439] : memref<640x64xf32, #tpu.memory_space<vmem>>[vector<16xi32>, vector<16xi32>], vector<16xf32>,
        %sub3A_1460 = arith.subf %add3A_1443, %gather3A_1459 : vector<16xf32>
        %abs3A_1461 = math.absf %sub3A_1460 : vector<16xf32>
        %add3A_1462 = arith.addf %add3A_1433, %abs3A_1461 : vector<16xf32>
        %gather3A_1463 = tpu.vector_load_idx %arg17[%add3A_153, %broadcast_in_dim3A_1439] : memref<640x64xf32, #tpu.memory_space<vmem>>[vector<16xi32>, vector<16xi32>], vector<16xf32>,
        %sub3A_1464 = arith.subf %add3A_1443, %gather3A_1463 : vector<16xf32>
        %abs3A_1465 = math.absf %sub3A_1464 : vector<16xf32>
        %add3A_1466 = arith.addf %add3A_1437, %abs3A_1465 : vector<16xf32>
        %broadcast_in_dim3A_1467 = arith.constant 45 : i32
        %broadcast_in_dim3A_1468 = vector.broadcast %broadcast_in_dim3A_1467 : i32 to vector<16xi32>
        %gather3A_1469 = tpu.vector_load_idx %arg14[%add3A_138, %broadcast_in_dim3A_1468] : memref<128x64xf32, #tpu.memory_space<vmem>>[vector<16xi32>, vector<16xi32>], vector<16xf32>,
        %gather3A_1470 = tpu.vector_load_idx %arg15[%add3A_138, %broadcast_in_dim3A_1468] : memref<128x64xf32, #tpu.memory_space<vmem>>[vector<16xi32>, vector<16xi32>], vector<16xf32>,
        %gather3A_1471 = tpu.vector_load_idx %arg16[%add3A_138, %broadcast_in_dim3A_1468] : memref<128x64xf32, #tpu.memory_space<vmem>>[vector<16xi32>, vector<16xi32>], vector<16xf32>,
        %add3A_1472 = arith.addf %gather3A_1469, %gather3A_1470 : vector<16xf32>
        %sub3A_1473 = arith.subf %add3A_1472, %gather3A_1471 : vector<16xf32>
        %abs3A_1474 = math.absf %sub3A_1473 : vector<16xf32>
        %add3A_1475 = arith.addf %add3A_1446, %abs3A_1474 : vector<16xf32>
        %gather3A_1476 = tpu.vector_load_idx %arg17[%add3A_141, %broadcast_in_dim3A_1468] : memref<640x64xf32, #tpu.memory_space<vmem>>[vector<16xi32>, vector<16xi32>], vector<16xf32>,
        %sub3A_1477 = arith.subf %add3A_1472, %gather3A_1476 : vector<16xf32>
        %abs3A_1478 = math.absf %sub3A_1477 : vector<16xf32>
        %add3A_1479 = arith.addf %add3A_1450, %abs3A_1478 : vector<16xf32>
        %gather3A_1480 = tpu.vector_load_idx %arg17[%add3A_144, %broadcast_in_dim3A_1468] : memref<640x64xf32, #tpu.memory_space<vmem>>[vector<16xi32>, vector<16xi32>], vector<16xf32>,
        %sub3A_1481 = arith.subf %add3A_1472, %gather3A_1480 : vector<16xf32>
        %abs3A_1482 = math.absf %sub3A_1481 : vector<16xf32>
        %add3A_1483 = arith.addf %add3A_1454, %abs3A_1482 : vector<16xf32>
        %gather3A_1484 = tpu.vector_load_idx %arg17[%add3A_147, %broadcast_in_dim3A_1468] : memref<640x64xf32, #tpu.memory_space<vmem>>[vector<16xi32>, vector<16xi32>], vector<16xf32>,
        %sub3A_1485 = arith.subf %add3A_1472, %gather3A_1484 : vector<16xf32>
        %abs3A_1486 = math.absf %sub3A_1485 : vector<16xf32>
        %add3A_1487 = arith.addf %add3A_1458, %abs3A_1486 : vector<16xf32>
        %gather3A_1488 = tpu.vector_load_idx %arg17[%add3A_150, %broadcast_in_dim3A_1468] : memref<640x64xf32, #tpu.memory_space<vmem>>[vector<16xi32>, vector<16xi32>], vector<16xf32>,
        %sub3A_1489 = arith.subf %add3A_1472, %gather3A_1488 : vector<16xf32>
        %abs3A_1490 = math.absf %sub3A_1489 : vector<16xf32>
        %add3A_1491 = arith.addf %add3A_1462, %abs3A_1490 : vector<16xf32>
        %gather3A_1492 = tpu.vector_load_idx %arg17[%add3A_153, %broadcast_in_dim3A_1468] : memref<640x64xf32, #tpu.memory_space<vmem>>[vector<16xi32>, vector<16xi32>], vector<16xf32>,
        %sub3A_1493 = arith.subf %add3A_1472, %gather3A_1492 : vector<16xf32>
        %abs3A_1494 = math.absf %sub3A_1493 : vector<16xf32>
        %add3A_1495 = arith.addf %add3A_1466, %abs3A_1494 : vector<16xf32>
        %broadcast_in_dim3A_1496 = arith.constant 46 : i32
        %broadcast_in_dim3A_1497 = vector.broadcast %broadcast_in_dim3A_1496 : i32 to vector<16xi32>
        %gather3A_1498 = tpu.vector_load_idx %arg14[%add3A_138, %broadcast_in_dim3A_1497] : memref<128x64xf32, #tpu.memory_space<vmem>>[vector<16xi32>, vector<16xi32>], vector<16xf32>,
        %gather3A_1499 = tpu.vector_load_idx %arg15[%add3A_138, %broadcast_in_dim3A_1497] : memref<128x64xf32, #tpu.memory_space<vmem>>[vector<16xi32>, vector<16xi32>], vector<16xf32>,
        %gather3A_1500 = tpu.vector_load_idx %arg16[%add3A_138, %broadcast_in_dim3A_1497] : memref<128x64xf32, #tpu.memory_space<vmem>>[vector<16xi32>, vector<16xi32>], vector<16xf32>,
        %add3A_1501 = arith.addf %gather3A_1498, %gather3A_1499 : vector<16xf32>
        %sub3A_1502 = arith.subf %add3A_1501, %gather3A_1500 : vector<16xf32>
        %abs3A_1503 = math.absf %sub3A_1502 : vector<16xf32>
        %add3A_1504 = arith.addf %add3A_1475, %abs3A_1503 : vector<16xf32>
        %gather3A_1505 = tpu.vector_load_idx %arg17[%add3A_141, %broadcast_in_dim3A_1497] : memref<640x64xf32, #tpu.memory_space<vmem>>[vector<16xi32>, vector<16xi32>], vector<16xf32>,
        %sub3A_1506 = arith.subf %add3A_1501, %gather3A_1505 : vector<16xf32>
        %abs3A_1507 = math.absf %sub3A_1506 : vector<16xf32>
        %add3A_1508 = arith.addf %add3A_1479, %abs3A_1507 : vector<16xf32>
        %gather3A_1509 = tpu.vector_load_idx %arg17[%add3A_144, %broadcast_in_dim3A_1497] : memref<640x64xf32, #tpu.memory_space<vmem>>[vector<16xi32>, vector<16xi32>], vector<16xf32>,
        %sub3A_1510 = arith.subf %add3A_1501, %gather3A_1509 : vector<16xf32>
        %abs3A_1511 = math.absf %sub3A_1510 : vector<16xf32>
        %add3A_1512 = arith.addf %add3A_1483, %abs3A_1511 : vector<16xf32>
        %gather3A_1513 = tpu.vector_load_idx %arg17[%add3A_147, %broadcast_in_dim3A_1497] : memref<640x64xf32, #tpu.memory_space<vmem>>[vector<16xi32>, vector<16xi32>], vector<16xf32>,
        %sub3A_1514 = arith.subf %add3A_1501, %gather3A_1513 : vector<16xf32>
        %abs3A_1515 = math.absf %sub3A_1514 : vector<16xf32>
        %add3A_1516 = arith.addf %add3A_1487, %abs3A_1515 : vector<16xf32>
        %gather3A_1517 = tpu.vector_load_idx %arg17[%add3A_150, %broadcast_in_dim3A_1497] : memref<640x64xf32, #tpu.memory_space<vmem>>[vector<16xi32>, vector<16xi32>], vector<16xf32>,
        %sub3A_1518 = arith.subf %add3A_1501, %gather3A_1517 : vector<16xf32>
        %abs3A_1519 = math.absf %sub3A_1518 : vector<16xf32>
        %add3A_1520 = arith.addf %add3A_1491, %abs3A_1519 : vector<16xf32>
        %gather3A_1521 = tpu.vector_load_idx %arg17[%add3A_153, %broadcast_in_dim3A_1497] : memref<640x64xf32, #tpu.memory_space<vmem>>[vector<16xi32>, vector<16xi32>], vector<16xf32>,
        %sub3A_1522 = arith.subf %add3A_1501, %gather3A_1521 : vector<16xf32>
        %abs3A_1523 = math.absf %sub3A_1522 : vector<16xf32>
        %add3A_1524 = arith.addf %add3A_1495, %abs3A_1523 : vector<16xf32>
        %broadcast_in_dim3A_1525 = arith.constant 47 : i32
        %broadcast_in_dim3A_1526 = vector.broadcast %broadcast_in_dim3A_1525 : i32 to vector<16xi32>
        %gather3A_1527 = tpu.vector_load_idx %arg14[%add3A_138, %broadcast_in_dim3A_1526] : memref<128x64xf32, #tpu.memory_space<vmem>>[vector<16xi32>, vector<16xi32>], vector<16xf32>,
        %gather3A_1528 = tpu.vector_load_idx %arg15[%add3A_138, %broadcast_in_dim3A_1526] : memref<128x64xf32, #tpu.memory_space<vmem>>[vector<16xi32>, vector<16xi32>], vector<16xf32>,
        %gather3A_1529 = tpu.vector_load_idx %arg16[%add3A_138, %broadcast_in_dim3A_1526] : memref<128x64xf32, #tpu.memory_space<vmem>>[vector<16xi32>, vector<16xi32>], vector<16xf32>,
        %add3A_1530 = arith.addf %gather3A_1527, %gather3A_1528 : vector<16xf32>
        %sub3A_1531 = arith.subf %add3A_1530, %gather3A_1529 : vector<16xf32>
        %abs3A_1532 = math.absf %sub3A_1531 : vector<16xf32>
        %add3A_1533 = arith.addf %add3A_1504, %abs3A_1532 : vector<16xf32>
        %gather3A_1534 = tpu.vector_load_idx %arg17[%add3A_141, %broadcast_in_dim3A_1526] : memref<640x64xf32, #tpu.memory_space<vmem>>[vector<16xi32>, vector<16xi32>], vector<16xf32>,
        %sub3A_1535 = arith.subf %add3A_1530, %gather3A_1534 : vector<16xf32>
        %abs3A_1536 = math.absf %sub3A_1535 : vector<16xf32>
        %add3A_1537 = arith.addf %add3A_1508, %abs3A_1536 : vector<16xf32>
        %gather3A_1538 = tpu.vector_load_idx %arg17[%add3A_144, %broadcast_in_dim3A_1526] : memref<640x64xf32, #tpu.memory_space<vmem>>[vector<16xi32>, vector<16xi32>], vector<16xf32>,
        %sub3A_1539 = arith.subf %add3A_1530, %gather3A_1538 : vector<16xf32>
        %abs3A_1540 = math.absf %sub3A_1539 : vector<16xf32>
        %add3A_1541 = arith.addf %add3A_1512, %abs3A_1540 : vector<16xf32>
        %gather3A_1542 = tpu.vector_load_idx %arg17[%add3A_147, %broadcast_in_dim3A_1526] : memref<640x64xf32, #tpu.memory_space<vmem>>[vector<16xi32>, vector<16xi32>], vector<16xf32>,
        %sub3A_1543 = arith.subf %add3A_1530, %gather3A_1542 : vector<16xf32>
        %abs3A_1544 = math.absf %sub3A_1543 : vector<16xf32>
        %add3A_1545 = arith.addf %add3A_1516, %abs3A_1544 : vector<16xf32>
        %gather3A_1546 = tpu.vector_load_idx %arg17[%add3A_150, %broadcast_in_dim3A_1526] : memref<640x64xf32, #tpu.memory_space<vmem>>[vector<16xi32>, vector<16xi32>], vector<16xf32>,
        %sub3A_1547 = arith.subf %add3A_1530, %gather3A_1546 : vector<16xf32>
        %abs3A_1548 = math.absf %sub3A_1547 : vector<16xf32>
        %add3A_1549 = arith.addf %add3A_1520, %abs3A_1548 : vector<16xf32>
        %gather3A_1550 = tpu.vector_load_idx %arg17[%add3A_153, %broadcast_in_dim3A_1526] : memref<640x64xf32, #tpu.memory_space<vmem>>[vector<16xi32>, vector<16xi32>], vector<16xf32>,
        %sub3A_1551 = arith.subf %add3A_1530, %gather3A_1550 : vector<16xf32>
        %abs3A_1552 = math.absf %sub3A_1551 : vector<16xf32>
        %add3A_1553 = arith.addf %add3A_1524, %abs3A_1552 : vector<16xf32>
        %broadcast_in_dim3A_1554 = arith.constant 48 : i32
        %broadcast_in_dim3A_1555 = vector.broadcast %broadcast_in_dim3A_1554 : i32 to vector<16xi32>
        %gather3A_1556 = tpu.vector_load_idx %arg14[%add3A_138, %broadcast_in_dim3A_1555] : memref<128x64xf32, #tpu.memory_space<vmem>>[vector<16xi32>, vector<16xi32>], vector<16xf32>,
        %gather3A_1557 = tpu.vector_load_idx %arg15[%add3A_138, %broadcast_in_dim3A_1555] : memref<128x64xf32, #tpu.memory_space<vmem>>[vector<16xi32>, vector<16xi32>], vector<16xf32>,
        %gather3A_1558 = tpu.vector_load_idx %arg16[%add3A_138, %broadcast_in_dim3A_1555] : memref<128x64xf32, #tpu.memory_space<vmem>>[vector<16xi32>, vector<16xi32>], vector<16xf32>,
        %add3A_1559 = arith.addf %gather3A_1556, %gather3A_1557 : vector<16xf32>
        %sub3A_1560 = arith.subf %add3A_1559, %gather3A_1558 : vector<16xf32>
        %abs3A_1561 = math.absf %sub3A_1560 : vector<16xf32>
        %add3A_1562 = arith.addf %add3A_1533, %abs3A_1561 : vector<16xf32>
        %gather3A_1563 = tpu.vector_load_idx %arg17[%add3A_141, %broadcast_in_dim3A_1555] : memref<640x64xf32, #tpu.memory_space<vmem>>[vector<16xi32>, vector<16xi32>], vector<16xf32>,
        %sub3A_1564 = arith.subf %add3A_1559, %gather3A_1563 : vector<16xf32>
        %abs3A_1565 = math.absf %sub3A_1564 : vector<16xf32>
        %add3A_1566 = arith.addf %add3A_1537, %abs3A_1565 : vector<16xf32>
        %gather3A_1567 = tpu.vector_load_idx %arg17[%add3A_144, %broadcast_in_dim3A_1555] : memref<640x64xf32, #tpu.memory_space<vmem>>[vector<16xi32>, vector<16xi32>], vector<16xf32>,
        %sub3A_1568 = arith.subf %add3A_1559, %gather3A_1567 : vector<16xf32>
        %abs3A_1569 = math.absf %sub3A_1568 : vector<16xf32>
        %add3A_1570 = arith.addf %add3A_1541, %abs3A_1569 : vector<16xf32>
        %gather3A_1571 = tpu.vector_load_idx %arg17[%add3A_147, %broadcast_in_dim3A_1555] : memref<640x64xf32, #tpu.memory_space<vmem>>[vector<16xi32>, vector<16xi32>], vector<16xf32>,
        %sub3A_1572 = arith.subf %add3A_1559, %gather3A_1571 : vector<16xf32>
        %abs3A_1573 = math.absf %sub3A_1572 : vector<16xf32>
        %add3A_1574 = arith.addf %add3A_1545, %abs3A_1573 : vector<16xf32>
        %gather3A_1575 = tpu.vector_load_idx %arg17[%add3A_150, %broadcast_in_dim3A_1555] : memref<640x64xf32, #tpu.memory_space<vmem>>[vector<16xi32>, vector<16xi32>], vector<16xf32>,
        %sub3A_1576 = arith.subf %add3A_1559, %gather3A_1575 : vector<16xf32>
        %abs3A_1577 = math.absf %sub3A_1576 : vector<16xf32>
        %add3A_1578 = arith.addf %add3A_1549, %abs3A_1577 : vector<16xf32>
        %gather3A_1579 = tpu.vector_load_idx %arg17[%add3A_153, %broadcast_in_dim3A_1555] : memref<640x64xf32, #tpu.memory_space<vmem>>[vector<16xi32>, vector<16xi32>], vector<16xf32>,
        %sub3A_1580 = arith.subf %add3A_1559, %gather3A_1579 : vector<16xf32>
        %abs3A_1581 = math.absf %sub3A_1580 : vector<16xf32>
        %add3A_1582 = arith.addf %add3A_1553, %abs3A_1581 : vector<16xf32>
        %broadcast_in_dim3A_1583 = arith.constant 49 : i32
        %broadcast_in_dim3A_1584 = vector.broadcast %broadcast_in_dim3A_1583 : i32 to vector<16xi32>
        %gather3A_1585 = tpu.vector_load_idx %arg14[%add3A_138, %broadcast_in_dim3A_1584] : memref<128x64xf32, #tpu.memory_space<vmem>>[vector<16xi32>, vector<16xi32>], vector<16xf32>,
        %gather3A_1586 = tpu.vector_load_idx %arg15[%add3A_138, %broadcast_in_dim3A_1584] : memref<128x64xf32, #tpu.memory_space<vmem>>[vector<16xi32>, vector<16xi32>], vector<16xf32>,
        %gather3A_1587 = tpu.vector_load_idx %arg16[%add3A_138, %broadcast_in_dim3A_1584] : memref<128x64xf32, #tpu.memory_space<vmem>>[vector<16xi32>, vector<16xi32>], vector<16xf32>,
        %add3A_1588 = arith.addf %gather3A_1585, %gather3A_1586 : vector<16xf32>
        %sub3A_1589 = arith.subf %add3A_1588, %gather3A_1587 : vector<16xf32>
        %abs3A_1590 = math.absf %sub3A_1589 : vector<16xf32>
        %add3A_1591 = arith.addf %add3A_1562, %abs3A_1590 : vector<16xf32>
        %gather3A_1592 = tpu.vector_load_idx %arg17[%add3A_141, %broadcast_in_dim3A_1584] : memref<640x64xf32, #tpu.memory_space<vmem>>[vector<16xi32>, vector<16xi32>], vector<16xf32>,
        %sub3A_1593 = arith.subf %add3A_1588, %gather3A_1592 : vector<16xf32>
        %abs3A_1594 = math.absf %sub3A_1593 : vector<16xf32>
        %add3A_1595 = arith.addf %add3A_1566, %abs3A_1594 : vector<16xf32>
        %gather3A_1596 = tpu.vector_load_idx %arg17[%add3A_144, %broadcast_in_dim3A_1584] : memref<640x64xf32, #tpu.memory_space<vmem>>[vector<16xi32>, vector<16xi32>], vector<16xf32>,
        %sub3A_1597 = arith.subf %add3A_1588, %gather3A_1596 : vector<16xf32>
        %abs3A_1598 = math.absf %sub3A_1597 : vector<16xf32>
        %add3A_1599 = arith.addf %add3A_1570, %abs3A_1598 : vector<16xf32>
        %gather3A_1600 = tpu.vector_load_idx %arg17[%add3A_147, %broadcast_in_dim3A_1584] : memref<640x64xf32, #tpu.memory_space<vmem>>[vector<16xi32>, vector<16xi32>], vector<16xf32>,
        %sub3A_1601 = arith.subf %add3A_1588, %gather3A_1600 : vector<16xf32>
        %abs3A_1602 = math.absf %sub3A_1601 : vector<16xf32>
        %add3A_1603 = arith.addf %add3A_1574, %abs3A_1602 : vector<16xf32>
        %gather3A_1604 = tpu.vector_load_idx %arg17[%add3A_150, %broadcast_in_dim3A_1584] : memref<640x64xf32, #tpu.memory_space<vmem>>[vector<16xi32>, vector<16xi32>], vector<16xf32>,
        %sub3A_1605 = arith.subf %add3A_1588, %gather3A_1604 : vector<16xf32>
        %abs3A_1606 = math.absf %sub3A_1605 : vector<16xf32>
        %add3A_1607 = arith.addf %add3A_1578, %abs3A_1606 : vector<16xf32>
        %gather3A_1608 = tpu.vector_load_idx %arg17[%add3A_153, %broadcast_in_dim3A_1584] : memref<640x64xf32, #tpu.memory_space<vmem>>[vector<16xi32>, vector<16xi32>], vector<16xf32>,
        %sub3A_1609 = arith.subf %add3A_1588, %gather3A_1608 : vector<16xf32>
        %abs3A_1610 = math.absf %sub3A_1609 : vector<16xf32>
        %add3A_1611 = arith.addf %add3A_1582, %abs3A_1610 : vector<16xf32>
        %broadcast_in_dim3A_1612 = arith.constant 50 : i32
        %broadcast_in_dim3A_1613 = vector.broadcast %broadcast_in_dim3A_1612 : i32 to vector<16xi32>
        %gather3A_1614 = tpu.vector_load_idx %arg14[%add3A_138, %broadcast_in_dim3A_1613] : memref<128x64xf32, #tpu.memory_space<vmem>>[vector<16xi32>, vector<16xi32>], vector<16xf32>,
        %gather3A_1615 = tpu.vector_load_idx %arg15[%add3A_138, %broadcast_in_dim3A_1613] : memref<128x64xf32, #tpu.memory_space<vmem>>[vector<16xi32>, vector<16xi32>], vector<16xf32>,
        %gather3A_1616 = tpu.vector_load_idx %arg16[%add3A_138, %broadcast_in_dim3A_1613] : memref<128x64xf32, #tpu.memory_space<vmem>>[vector<16xi32>, vector<16xi32>], vector<16xf32>,
        %add3A_1617 = arith.addf %gather3A_1614, %gather3A_1615 : vector<16xf32>
        %sub3A_1618 = arith.subf %add3A_1617, %gather3A_1616 : vector<16xf32>
        %abs3A_1619 = math.absf %sub3A_1618 : vector<16xf32>
        %add3A_1620 = arith.addf %add3A_1591, %abs3A_1619 : vector<16xf32>
        %gather3A_1621 = tpu.vector_load_idx %arg17[%add3A_141, %broadcast_in_dim3A_1613] : memref<640x64xf32, #tpu.memory_space<vmem>>[vector<16xi32>, vector<16xi32>], vector<16xf32>,
        %sub3A_1622 = arith.subf %add3A_1617, %gather3A_1621 : vector<16xf32>
        %abs3A_1623 = math.absf %sub3A_1622 : vector<16xf32>
        %add3A_1624 = arith.addf %add3A_1595, %abs3A_1623 : vector<16xf32>
        %gather3A_1625 = tpu.vector_load_idx %arg17[%add3A_144, %broadcast_in_dim3A_1613] : memref<640x64xf32, #tpu.memory_space<vmem>>[vector<16xi32>, vector<16xi32>], vector<16xf32>,
        %sub3A_1626 = arith.subf %add3A_1617, %gather3A_1625 : vector<16xf32>
        %abs3A_1627 = math.absf %sub3A_1626 : vector<16xf32>
        %add3A_1628 = arith.addf %add3A_1599, %abs3A_1627 : vector<16xf32>
        %gather3A_1629 = tpu.vector_load_idx %arg17[%add3A_147, %broadcast_in_dim3A_1613] : memref<640x64xf32, #tpu.memory_space<vmem>>[vector<16xi32>, vector<16xi32>], vector<16xf32>,
        %sub3A_1630 = arith.subf %add3A_1617, %gather3A_1629 : vector<16xf32>
        %abs3A_1631 = math.absf %sub3A_1630 : vector<16xf32>
        %add3A_1632 = arith.addf %add3A_1603, %abs3A_1631 : vector<16xf32>
        %gather3A_1633 = tpu.vector_load_idx %arg17[%add3A_150, %broadcast_in_dim3A_1613] : memref<640x64xf32, #tpu.memory_space<vmem>>[vector<16xi32>, vector<16xi32>], vector<16xf32>,
        %sub3A_1634 = arith.subf %add3A_1617, %gather3A_1633 : vector<16xf32>
        %abs3A_1635 = math.absf %sub3A_1634 : vector<16xf32>
        %add3A_1636 = arith.addf %add3A_1607, %abs3A_1635 : vector<16xf32>
        %gather3A_1637 = tpu.vector_load_idx %arg17[%add3A_153, %broadcast_in_dim3A_1613] : memref<640x64xf32, #tpu.memory_space<vmem>>[vector<16xi32>, vector<16xi32>], vector<16xf32>,
        %sub3A_1638 = arith.subf %add3A_1617, %gather3A_1637 : vector<16xf32>
        %abs3A_1639 = math.absf %sub3A_1638 : vector<16xf32>
        %add3A_1640 = arith.addf %add3A_1611, %abs3A_1639 : vector<16xf32>
        %broadcast_in_dim3A_1641 = arith.constant 51 : i32
        %broadcast_in_dim3A_1642 = vector.broadcast %broadcast_in_dim3A_1641 : i32 to vector<16xi32>
        %gather3A_1643 = tpu.vector_load_idx %arg14[%add3A_138, %broadcast_in_dim3A_1642] : memref<128x64xf32, #tpu.memory_space<vmem>>[vector<16xi32>, vector<16xi32>], vector<16xf32>,
        %gather3A_1644 = tpu.vector_load_idx %arg15[%add3A_138, %broadcast_in_dim3A_1642] : memref<128x64xf32, #tpu.memory_space<vmem>>[vector<16xi32>, vector<16xi32>], vector<16xf32>,
        %gather3A_1645 = tpu.vector_load_idx %arg16[%add3A_138, %broadcast_in_dim3A_1642] : memref<128x64xf32, #tpu.memory_space<vmem>>[vector<16xi32>, vector<16xi32>], vector<16xf32>,
        %add3A_1646 = arith.addf %gather3A_1643, %gather3A_1644 : vector<16xf32>
        %sub3A_1647 = arith.subf %add3A_1646, %gather3A_1645 : vector<16xf32>
        %abs3A_1648 = math.absf %sub3A_1647 : vector<16xf32>
        %add3A_1649 = arith.addf %add3A_1620, %abs3A_1648 : vector<16xf32>
        %gather3A_1650 = tpu.vector_load_idx %arg17[%add3A_141, %broadcast_in_dim3A_1642] : memref<640x64xf32, #tpu.memory_space<vmem>>[vector<16xi32>, vector<16xi32>], vector<16xf32>,
        %sub3A_1651 = arith.subf %add3A_1646, %gather3A_1650 : vector<16xf32>
        %abs3A_1652 = math.absf %sub3A_1651 : vector<16xf32>
        %add3A_1653 = arith.addf %add3A_1624, %abs3A_1652 : vector<16xf32>
        %gather3A_1654 = tpu.vector_load_idx %arg17[%add3A_144, %broadcast_in_dim3A_1642] : memref<640x64xf32, #tpu.memory_space<vmem>>[vector<16xi32>, vector<16xi32>], vector<16xf32>,
        %sub3A_1655 = arith.subf %add3A_1646, %gather3A_1654 : vector<16xf32>
        %abs3A_1656 = math.absf %sub3A_1655 : vector<16xf32>
        %add3A_1657 = arith.addf %add3A_1628, %abs3A_1656 : vector<16xf32>
        %gather3A_1658 = tpu.vector_load_idx %arg17[%add3A_147, %broadcast_in_dim3A_1642] : memref<640x64xf32, #tpu.memory_space<vmem>>[vector<16xi32>, vector<16xi32>], vector<16xf32>,
        %sub3A_1659 = arith.subf %add3A_1646, %gather3A_1658 : vector<16xf32>
        %abs3A_1660 = math.absf %sub3A_1659 : vector<16xf32>
        %add3A_1661 = arith.addf %add3A_1632, %abs3A_1660 : vector<16xf32>
        %gather3A_1662 = tpu.vector_load_idx %arg17[%add3A_150, %broadcast_in_dim3A_1642] : memref<640x64xf32, #tpu.memory_space<vmem>>[vector<16xi32>, vector<16xi32>], vector<16xf32>,
        %sub3A_1663 = arith.subf %add3A_1646, %gather3A_1662 : vector<16xf32>
        %abs3A_1664 = math.absf %sub3A_1663 : vector<16xf32>
        %add3A_1665 = arith.addf %add3A_1636, %abs3A_1664 : vector<16xf32>
        %gather3A_1666 = tpu.vector_load_idx %arg17[%add3A_153, %broadcast_in_dim3A_1642] : memref<640x64xf32, #tpu.memory_space<vmem>>[vector<16xi32>, vector<16xi32>], vector<16xf32>,
        %sub3A_1667 = arith.subf %add3A_1646, %gather3A_1666 : vector<16xf32>
        %abs3A_1668 = math.absf %sub3A_1667 : vector<16xf32>
        %add3A_1669 = arith.addf %add3A_1640, %abs3A_1668 : vector<16xf32>
        %broadcast_in_dim3A_1670 = arith.constant 52 : i32
        %broadcast_in_dim3A_1671 = vector.broadcast %broadcast_in_dim3A_1670 : i32 to vector<16xi32>
        %gather3A_1672 = tpu.vector_load_idx %arg14[%add3A_138, %broadcast_in_dim3A_1671] : memref<128x64xf32, #tpu.memory_space<vmem>>[vector<16xi32>, vector<16xi32>], vector<16xf32>,
        %gather3A_1673 = tpu.vector_load_idx %arg15[%add3A_138, %broadcast_in_dim3A_1671] : memref<128x64xf32, #tpu.memory_space<vmem>>[vector<16xi32>, vector<16xi32>], vector<16xf32>,
        %gather3A_1674 = tpu.vector_load_idx %arg16[%add3A_138, %broadcast_in_dim3A_1671] : memref<128x64xf32, #tpu.memory_space<vmem>>[vector<16xi32>, vector<16xi32>], vector<16xf32>,
        %add3A_1675 = arith.addf %gather3A_1672, %gather3A_1673 : vector<16xf32>
        %sub3A_1676 = arith.subf %add3A_1675, %gather3A_1674 : vector<16xf32>
        %abs3A_1677 = math.absf %sub3A_1676 : vector<16xf32>
        %add3A_1678 = arith.addf %add3A_1649, %abs3A_1677 : vector<16xf32>
        %gather3A_1679 = tpu.vector_load_idx %arg17[%add3A_141, %broadcast_in_dim3A_1671] : memref<640x64xf32, #tpu.memory_space<vmem>>[vector<16xi32>, vector<16xi32>], vector<16xf32>,
        %sub3A_1680 = arith.subf %add3A_1675, %gather3A_1679 : vector<16xf32>
        %abs3A_1681 = math.absf %sub3A_1680 : vector<16xf32>
        %add3A_1682 = arith.addf %add3A_1653, %abs3A_1681 : vector<16xf32>
        %gather3A_1683 = tpu.vector_load_idx %arg17[%add3A_144, %broadcast_in_dim3A_1671] : memref<640x64xf32, #tpu.memory_space<vmem>>[vector<16xi32>, vector<16xi32>], vector<16xf32>,
        %sub3A_1684 = arith.subf %add3A_1675, %gather3A_1683 : vector<16xf32>
        %abs3A_1685 = math.absf %sub3A_1684 : vector<16xf32>
        %add3A_1686 = arith.addf %add3A_1657, %abs3A_1685 : vector<16xf32>
        %gather3A_1687 = tpu.vector_load_idx %arg17[%add3A_147, %broadcast_in_dim3A_1671] : memref<640x64xf32, #tpu.memory_space<vmem>>[vector<16xi32>, vector<16xi32>], vector<16xf32>,
        %sub3A_1688 = arith.subf %add3A_1675, %gather3A_1687 : vector<16xf32>
        %abs3A_1689 = math.absf %sub3A_1688 : vector<16xf32>
        %add3A_1690 = arith.addf %add3A_1661, %abs3A_1689 : vector<16xf32>
        %gather3A_1691 = tpu.vector_load_idx %arg17[%add3A_150, %broadcast_in_dim3A_1671] : memref<640x64xf32, #tpu.memory_space<vmem>>[vector<16xi32>, vector<16xi32>], vector<16xf32>,
        %sub3A_1692 = arith.subf %add3A_1675, %gather3A_1691 : vector<16xf32>
        %abs3A_1693 = math.absf %sub3A_1692 : vector<16xf32>
        %add3A_1694 = arith.addf %add3A_1665, %abs3A_1693 : vector<16xf32>
        %gather3A_1695 = tpu.vector_load_idx %arg17[%add3A_153, %broadcast_in_dim3A_1671] : memref<640x64xf32, #tpu.memory_space<vmem>>[vector<16xi32>, vector<16xi32>], vector<16xf32>,
        %sub3A_1696 = arith.subf %add3A_1675, %gather3A_1695 : vector<16xf32>
        %abs3A_1697 = math.absf %sub3A_1696 : vector<16xf32>
        %add3A_1698 = arith.addf %add3A_1669, %abs3A_1697 : vector<16xf32>
        %broadcast_in_dim3A_1699 = arith.constant 53 : i32
        %broadcast_in_dim3A_1700 = vector.broadcast %broadcast_in_dim3A_1699 : i32 to vector<16xi32>
        %gather3A_1701 = tpu.vector_load_idx %arg14[%add3A_138, %broadcast_in_dim3A_1700] : memref<128x64xf32, #tpu.memory_space<vmem>>[vector<16xi32>, vector<16xi32>], vector<16xf32>,
        %gather3A_1702 = tpu.vector_load_idx %arg15[%add3A_138, %broadcast_in_dim3A_1700] : memref<128x64xf32, #tpu.memory_space<vmem>>[vector<16xi32>, vector<16xi32>], vector<16xf32>,
        %gather3A_1703 = tpu.vector_load_idx %arg16[%add3A_138, %broadcast_in_dim3A_1700] : memref<128x64xf32, #tpu.memory_space<vmem>>[vector<16xi32>, vector<16xi32>], vector<16xf32>,
        %add3A_1704 = arith.addf %gather3A_1701, %gather3A_1702 : vector<16xf32>
        %sub3A_1705 = arith.subf %add3A_1704, %gather3A_1703 : vector<16xf32>
        %abs3A_1706 = math.absf %sub3A_1705 : vector<16xf32>
        %add3A_1707 = arith.addf %add3A_1678, %abs3A_1706 : vector<16xf32>
        %gather3A_1708 = tpu.vector_load_idx %arg17[%add3A_141, %broadcast_in_dim3A_1700] : memref<640x64xf32, #tpu.memory_space<vmem>>[vector<16xi32>, vector<16xi32>], vector<16xf32>,
        %sub3A_1709 = arith.subf %add3A_1704, %gather3A_1708 : vector<16xf32>
        %abs3A_1710 = math.absf %sub3A_1709 : vector<16xf32>
        %add3A_1711 = arith.addf %add3A_1682, %abs3A_1710 : vector<16xf32>
        %gather3A_1712 = tpu.vector_load_idx %arg17[%add3A_144, %broadcast_in_dim3A_1700] : memref<640x64xf32, #tpu.memory_space<vmem>>[vector<16xi32>, vector<16xi32>], vector<16xf32>,
        %sub3A_1713 = arith.subf %add3A_1704, %gather3A_1712 : vector<16xf32>
        %abs3A_1714 = math.absf %sub3A_1713 : vector<16xf32>
        %add3A_1715 = arith.addf %add3A_1686, %abs3A_1714 : vector<16xf32>
        %gather3A_1716 = tpu.vector_load_idx %arg17[%add3A_147, %broadcast_in_dim3A_1700] : memref<640x64xf32, #tpu.memory_space<vmem>>[vector<16xi32>, vector<16xi32>], vector<16xf32>,
        %sub3A_1717 = arith.subf %add3A_1704, %gather3A_1716 : vector<16xf32>
        %abs3A_1718 = math.absf %sub3A_1717 : vector<16xf32>
        %add3A_1719 = arith.addf %add3A_1690, %abs3A_1718 : vector<16xf32>
        %gather3A_1720 = tpu.vector_load_idx %arg17[%add3A_150, %broadcast_in_dim3A_1700] : memref<640x64xf32, #tpu.memory_space<vmem>>[vector<16xi32>, vector<16xi32>], vector<16xf32>,
        %sub3A_1721 = arith.subf %add3A_1704, %gather3A_1720 : vector<16xf32>
        %abs3A_1722 = math.absf %sub3A_1721 : vector<16xf32>
        %add3A_1723 = arith.addf %add3A_1694, %abs3A_1722 : vector<16xf32>
        %gather3A_1724 = tpu.vector_load_idx %arg17[%add3A_153, %broadcast_in_dim3A_1700] : memref<640x64xf32, #tpu.memory_space<vmem>>[vector<16xi32>, vector<16xi32>], vector<16xf32>,
        %sub3A_1725 = arith.subf %add3A_1704, %gather3A_1724 : vector<16xf32>
        %abs3A_1726 = math.absf %sub3A_1725 : vector<16xf32>
        %add3A_1727 = arith.addf %add3A_1698, %abs3A_1726 : vector<16xf32>
        %broadcast_in_dim3A_1728 = arith.constant 54 : i32
        %broadcast_in_dim3A_1729 = vector.broadcast %broadcast_in_dim3A_1728 : i32 to vector<16xi32>
        %gather3A_1730 = tpu.vector_load_idx %arg14[%add3A_138, %broadcast_in_dim3A_1729] : memref<128x64xf32, #tpu.memory_space<vmem>>[vector<16xi32>, vector<16xi32>], vector<16xf32>,
        %gather3A_1731 = tpu.vector_load_idx %arg15[%add3A_138, %broadcast_in_dim3A_1729] : memref<128x64xf32, #tpu.memory_space<vmem>>[vector<16xi32>, vector<16xi32>], vector<16xf32>,
        %gather3A_1732 = tpu.vector_load_idx %arg16[%add3A_138, %broadcast_in_dim3A_1729] : memref<128x64xf32, #tpu.memory_space<vmem>>[vector<16xi32>, vector<16xi32>], vector<16xf32>,
        %add3A_1733 = arith.addf %gather3A_1730, %gather3A_1731 : vector<16xf32>
        %sub3A_1734 = arith.subf %add3A_1733, %gather3A_1732 : vector<16xf32>
        %abs3A_1735 = math.absf %sub3A_1734 : vector<16xf32>
        %add3A_1736 = arith.addf %add3A_1707, %abs3A_1735 : vector<16xf32>
        %gather3A_1737 = tpu.vector_load_idx %arg17[%add3A_141, %broadcast_in_dim3A_1729] : memref<640x64xf32, #tpu.memory_space<vmem>>[vector<16xi32>, vector<16xi32>], vector<16xf32>,
        %sub3A_1738 = arith.subf %add3A_1733, %gather3A_1737 : vector<16xf32>
        %abs3A_1739 = math.absf %sub3A_1738 : vector<16xf32>
        %add3A_1740 = arith.addf %add3A_1711, %abs3A_1739 : vector<16xf32>
        %gather3A_1741 = tpu.vector_load_idx %arg17[%add3A_144, %broadcast_in_dim3A_1729] : memref<640x64xf32, #tpu.memory_space<vmem>>[vector<16xi32>, vector<16xi32>], vector<16xf32>,
        %sub3A_1742 = arith.subf %add3A_1733, %gather3A_1741 : vector<16xf32>
        %abs3A_1743 = math.absf %sub3A_1742 : vector<16xf32>
        %add3A_1744 = arith.addf %add3A_1715, %abs3A_1743 : vector<16xf32>
        %gather3A_1745 = tpu.vector_load_idx %arg17[%add3A_147, %broadcast_in_dim3A_1729] : memref<640x64xf32, #tpu.memory_space<vmem>>[vector<16xi32>, vector<16xi32>], vector<16xf32>,
        %sub3A_1746 = arith.subf %add3A_1733, %gather3A_1745 : vector<16xf32>
        %abs3A_1747 = math.absf %sub3A_1746 : vector<16xf32>
        %add3A_1748 = arith.addf %add3A_1719, %abs3A_1747 : vector<16xf32>
        %gather3A_1749 = tpu.vector_load_idx %arg17[%add3A_150, %broadcast_in_dim3A_1729] : memref<640x64xf32, #tpu.memory_space<vmem>>[vector<16xi32>, vector<16xi32>], vector<16xf32>,
        %sub3A_1750 = arith.subf %add3A_1733, %gather3A_1749 : vector<16xf32>
        %abs3A_1751 = math.absf %sub3A_1750 : vector<16xf32>
        %add3A_1752 = arith.addf %add3A_1723, %abs3A_1751 : vector<16xf32>
        %gather3A_1753 = tpu.vector_load_idx %arg17[%add3A_153, %broadcast_in_dim3A_1729] : memref<640x64xf32, #tpu.memory_space<vmem>>[vector<16xi32>, vector<16xi32>], vector<16xf32>,
        %sub3A_1754 = arith.subf %add3A_1733, %gather3A_1753 : vector<16xf32>
        %abs3A_1755 = math.absf %sub3A_1754 : vector<16xf32>
        %add3A_1756 = arith.addf %add3A_1727, %abs3A_1755 : vector<16xf32>
        %broadcast_in_dim3A_1757 = arith.constant 55 : i32
        %broadcast_in_dim3A_1758 = vector.broadcast %broadcast_in_dim3A_1757 : i32 to vector<16xi32>
        %gather3A_1759 = tpu.vector_load_idx %arg14[%add3A_138, %broadcast_in_dim3A_1758] : memref<128x64xf32, #tpu.memory_space<vmem>>[vector<16xi32>, vector<16xi32>], vector<16xf32>,
        %gather3A_1760 = tpu.vector_load_idx %arg15[%add3A_138, %broadcast_in_dim3A_1758] : memref<128x64xf32, #tpu.memory_space<vmem>>[vector<16xi32>, vector<16xi32>], vector<16xf32>,
        %gather3A_1761 = tpu.vector_load_idx %arg16[%add3A_138, %broadcast_in_dim3A_1758] : memref<128x64xf32, #tpu.memory_space<vmem>>[vector<16xi32>, vector<16xi32>], vector<16xf32>,
        %add3A_1762 = arith.addf %gather3A_1759, %gather3A_1760 : vector<16xf32>
        %sub3A_1763 = arith.subf %add3A_1762, %gather3A_1761 : vector<16xf32>
        %abs3A_1764 = math.absf %sub3A_1763 : vector<16xf32>
        %add3A_1765 = arith.addf %add3A_1736, %abs3A_1764 : vector<16xf32>
        %gather3A_1766 = tpu.vector_load_idx %arg17[%add3A_141, %broadcast_in_dim3A_1758] : memref<640x64xf32, #tpu.memory_space<vmem>>[vector<16xi32>, vector<16xi32>], vector<16xf32>,
        %sub3A_1767 = arith.subf %add3A_1762, %gather3A_1766 : vector<16xf32>
        %abs3A_1768 = math.absf %sub3A_1767 : vector<16xf32>
        %add3A_1769 = arith.addf %add3A_1740, %abs3A_1768 : vector<16xf32>
        %gather3A_1770 = tpu.vector_load_idx %arg17[%add3A_144, %broadcast_in_dim3A_1758] : memref<640x64xf32, #tpu.memory_space<vmem>>[vector<16xi32>, vector<16xi32>], vector<16xf32>,
        %sub3A_1771 = arith.subf %add3A_1762, %gather3A_1770 : vector<16xf32>
        %abs3A_1772 = math.absf %sub3A_1771 : vector<16xf32>
        %add3A_1773 = arith.addf %add3A_1744, %abs3A_1772 : vector<16xf32>
        %gather3A_1774 = tpu.vector_load_idx %arg17[%add3A_147, %broadcast_in_dim3A_1758] : memref<640x64xf32, #tpu.memory_space<vmem>>[vector<16xi32>, vector<16xi32>], vector<16xf32>,
        %sub3A_1775 = arith.subf %add3A_1762, %gather3A_1774 : vector<16xf32>
        %abs3A_1776 = math.absf %sub3A_1775 : vector<16xf32>
        %add3A_1777 = arith.addf %add3A_1748, %abs3A_1776 : vector<16xf32>
        %gather3A_1778 = tpu.vector_load_idx %arg17[%add3A_150, %broadcast_in_dim3A_1758] : memref<640x64xf32, #tpu.memory_space<vmem>>[vector<16xi32>, vector<16xi32>], vector<16xf32>,
        %sub3A_1779 = arith.subf %add3A_1762, %gather3A_1778 : vector<16xf32>
        %abs3A_1780 = math.absf %sub3A_1779 : vector<16xf32>
        %add3A_1781 = arith.addf %add3A_1752, %abs3A_1780 : vector<16xf32>
        %gather3A_1782 = tpu.vector_load_idx %arg17[%add3A_153, %broadcast_in_dim3A_1758] : memref<640x64xf32, #tpu.memory_space<vmem>>[vector<16xi32>, vector<16xi32>], vector<16xf32>,
        %sub3A_1783 = arith.subf %add3A_1762, %gather3A_1782 : vector<16xf32>
        %abs3A_1784 = math.absf %sub3A_1783 : vector<16xf32>
        %add3A_1785 = arith.addf %add3A_1756, %abs3A_1784 : vector<16xf32>
        %broadcast_in_dim3A_1786 = arith.constant 56 : i32
        %broadcast_in_dim3A_1787 = vector.broadcast %broadcast_in_dim3A_1786 : i32 to vector<16xi32>
        %gather3A_1788 = tpu.vector_load_idx %arg14[%add3A_138, %broadcast_in_dim3A_1787] : memref<128x64xf32, #tpu.memory_space<vmem>>[vector<16xi32>, vector<16xi32>], vector<16xf32>,
        %gather3A_1789 = tpu.vector_load_idx %arg15[%add3A_138, %broadcast_in_dim3A_1787] : memref<128x64xf32, #tpu.memory_space<vmem>>[vector<16xi32>, vector<16xi32>], vector<16xf32>,
        %gather3A_1790 = tpu.vector_load_idx %arg16[%add3A_138, %broadcast_in_dim3A_1787] : memref<128x64xf32, #tpu.memory_space<vmem>>[vector<16xi32>, vector<16xi32>], vector<16xf32>,
        %add3A_1791 = arith.addf %gather3A_1788, %gather3A_1789 : vector<16xf32>
        %sub3A_1792 = arith.subf %add3A_1791, %gather3A_1790 : vector<16xf32>
        %abs3A_1793 = math.absf %sub3A_1792 : vector<16xf32>
        %add3A_1794 = arith.addf %add3A_1765, %abs3A_1793 : vector<16xf32>
        %gather3A_1795 = tpu.vector_load_idx %arg17[%add3A_141, %broadcast_in_dim3A_1787] : memref<640x64xf32, #tpu.memory_space<vmem>>[vector<16xi32>, vector<16xi32>], vector<16xf32>,
        %sub3A_1796 = arith.subf %add3A_1791, %gather3A_1795 : vector<16xf32>
        %abs3A_1797 = math.absf %sub3A_1796 : vector<16xf32>
        %add3A_1798 = arith.addf %add3A_1769, %abs3A_1797 : vector<16xf32>
        %gather3A_1799 = tpu.vector_load_idx %arg17[%add3A_144, %broadcast_in_dim3A_1787] : memref<640x64xf32, #tpu.memory_space<vmem>>[vector<16xi32>, vector<16xi32>], vector<16xf32>,
        %sub3A_1800 = arith.subf %add3A_1791, %gather3A_1799 : vector<16xf32>
        %abs3A_1801 = math.absf %sub3A_1800 : vector<16xf32>
        %add3A_1802 = arith.addf %add3A_1773, %abs3A_1801 : vector<16xf32>
        %gather3A_1803 = tpu.vector_load_idx %arg17[%add3A_147, %broadcast_in_dim3A_1787] : memref<640x64xf32, #tpu.memory_space<vmem>>[vector<16xi32>, vector<16xi32>], vector<16xf32>,
        %sub3A_1804 = arith.subf %add3A_1791, %gather3A_1803 : vector<16xf32>
        %abs3A_1805 = math.absf %sub3A_1804 : vector<16xf32>
        %add3A_1806 = arith.addf %add3A_1777, %abs3A_1805 : vector<16xf32>
        %gather3A_1807 = tpu.vector_load_idx %arg17[%add3A_150, %broadcast_in_dim3A_1787] : memref<640x64xf32, #tpu.memory_space<vmem>>[vector<16xi32>, vector<16xi32>], vector<16xf32>,
        %sub3A_1808 = arith.subf %add3A_1791, %gather3A_1807 : vector<16xf32>
        %abs3A_1809 = math.absf %sub3A_1808 : vector<16xf32>
        %add3A_1810 = arith.addf %add3A_1781, %abs3A_1809 : vector<16xf32>
        %gather3A_1811 = tpu.vector_load_idx %arg17[%add3A_153, %broadcast_in_dim3A_1787] : memref<640x64xf32, #tpu.memory_space<vmem>>[vector<16xi32>, vector<16xi32>], vector<16xf32>,
        %sub3A_1812 = arith.subf %add3A_1791, %gather3A_1811 : vector<16xf32>
        %abs3A_1813 = math.absf %sub3A_1812 : vector<16xf32>
        %add3A_1814 = arith.addf %add3A_1785, %abs3A_1813 : vector<16xf32>
        %broadcast_in_dim3A_1815 = arith.constant 57 : i32
        %broadcast_in_dim3A_1816 = vector.broadcast %broadcast_in_dim3A_1815 : i32 to vector<16xi32>
        %gather3A_1817 = tpu.vector_load_idx %arg14[%add3A_138, %broadcast_in_dim3A_1816] : memref<128x64xf32, #tpu.memory_space<vmem>>[vector<16xi32>, vector<16xi32>], vector<16xf32>,
        %gather3A_1818 = tpu.vector_load_idx %arg15[%add3A_138, %broadcast_in_dim3A_1816] : memref<128x64xf32, #tpu.memory_space<vmem>>[vector<16xi32>, vector<16xi32>], vector<16xf32>,
        %gather3A_1819 = tpu.vector_load_idx %arg16[%add3A_138, %broadcast_in_dim3A_1816] : memref<128x64xf32, #tpu.memory_space<vmem>>[vector<16xi32>, vector<16xi32>], vector<16xf32>,
        %add3A_1820 = arith.addf %gather3A_1817, %gather3A_1818 : vector<16xf32>
        %sub3A_1821 = arith.subf %add3A_1820, %gather3A_1819 : vector<16xf32>
        %abs3A_1822 = math.absf %sub3A_1821 : vector<16xf32>
        %add3A_1823 = arith.addf %add3A_1794, %abs3A_1822 : vector<16xf32>
        %gather3A_1824 = tpu.vector_load_idx %arg17[%add3A_141, %broadcast_in_dim3A_1816] : memref<640x64xf32, #tpu.memory_space<vmem>>[vector<16xi32>, vector<16xi32>], vector<16xf32>,
        %sub3A_1825 = arith.subf %add3A_1820, %gather3A_1824 : vector<16xf32>
        %abs3A_1826 = math.absf %sub3A_1825 : vector<16xf32>
        %add3A_1827 = arith.addf %add3A_1798, %abs3A_1826 : vector<16xf32>
        %gather3A_1828 = tpu.vector_load_idx %arg17[%add3A_144, %broadcast_in_dim3A_1816] : memref<640x64xf32, #tpu.memory_space<vmem>>[vector<16xi32>, vector<16xi32>], vector<16xf32>,
        %sub3A_1829 = arith.subf %add3A_1820, %gather3A_1828 : vector<16xf32>
        %abs3A_1830 = math.absf %sub3A_1829 : vector<16xf32>
        %add3A_1831 = arith.addf %add3A_1802, %abs3A_1830 : vector<16xf32>
        %gather3A_1832 = tpu.vector_load_idx %arg17[%add3A_147, %broadcast_in_dim3A_1816] : memref<640x64xf32, #tpu.memory_space<vmem>>[vector<16xi32>, vector<16xi32>], vector<16xf32>,
        %sub3A_1833 = arith.subf %add3A_1820, %gather3A_1832 : vector<16xf32>
        %abs3A_1834 = math.absf %sub3A_1833 : vector<16xf32>
        %add3A_1835 = arith.addf %add3A_1806, %abs3A_1834 : vector<16xf32>
        %gather3A_1836 = tpu.vector_load_idx %arg17[%add3A_150, %broadcast_in_dim3A_1816] : memref<640x64xf32, #tpu.memory_space<vmem>>[vector<16xi32>, vector<16xi32>], vector<16xf32>,
        %sub3A_1837 = arith.subf %add3A_1820, %gather3A_1836 : vector<16xf32>
        %abs3A_1838 = math.absf %sub3A_1837 : vector<16xf32>
        %add3A_1839 = arith.addf %add3A_1810, %abs3A_1838 : vector<16xf32>
        %gather3A_1840 = tpu.vector_load_idx %arg17[%add3A_153, %broadcast_in_dim3A_1816] : memref<640x64xf32, #tpu.memory_space<vmem>>[vector<16xi32>, vector<16xi32>], vector<16xf32>,
        %sub3A_1841 = arith.subf %add3A_1820, %gather3A_1840 : vector<16xf32>
        %abs3A_1842 = math.absf %sub3A_1841 : vector<16xf32>
        %add3A_1843 = arith.addf %add3A_1814, %abs3A_1842 : vector<16xf32>
        %broadcast_in_dim3A_1844 = arith.constant 58 : i32
        %broadcast_in_dim3A_1845 = vector.broadcast %broadcast_in_dim3A_1844 : i32 to vector<16xi32>
        %gather3A_1846 = tpu.vector_load_idx %arg14[%add3A_138, %broadcast_in_dim3A_1845] : memref<128x64xf32, #tpu.memory_space<vmem>>[vector<16xi32>, vector<16xi32>], vector<16xf32>,
        %gather3A_1847 = tpu.vector_load_idx %arg15[%add3A_138, %broadcast_in_dim3A_1845] : memref<128x64xf32, #tpu.memory_space<vmem>>[vector<16xi32>, vector<16xi32>], vector<16xf32>,
        %gather3A_1848 = tpu.vector_load_idx %arg16[%add3A_138, %broadcast_in_dim3A_1845] : memref<128x64xf32, #tpu.memory_space<vmem>>[vector<16xi32>, vector<16xi32>], vector<16xf32>,
        %add3A_1849 = arith.addf %gather3A_1846, %gather3A_1847 : vector<16xf32>
        %sub3A_1850 = arith.subf %add3A_1849, %gather3A_1848 : vector<16xf32>
        %abs3A_1851 = math.absf %sub3A_1850 : vector<16xf32>
        %add3A_1852 = arith.addf %add3A_1823, %abs3A_1851 : vector<16xf32>
        %gather3A_1853 = tpu.vector_load_idx %arg17[%add3A_141, %broadcast_in_dim3A_1845] : memref<640x64xf32, #tpu.memory_space<vmem>>[vector<16xi32>, vector<16xi32>], vector<16xf32>,
        %sub3A_1854 = arith.subf %add3A_1849, %gather3A_1853 : vector<16xf32>
        %abs3A_1855 = math.absf %sub3A_1854 : vector<16xf32>
        %add3A_1856 = arith.addf %add3A_1827, %abs3A_1855 : vector<16xf32>
        %gather3A_1857 = tpu.vector_load_idx %arg17[%add3A_144, %broadcast_in_dim3A_1845] : memref<640x64xf32, #tpu.memory_space<vmem>>[vector<16xi32>, vector<16xi32>], vector<16xf32>,
        %sub3A_1858 = arith.subf %add3A_1849, %gather3A_1857 : vector<16xf32>
        %abs3A_1859 = math.absf %sub3A_1858 : vector<16xf32>
        %add3A_1860 = arith.addf %add3A_1831, %abs3A_1859 : vector<16xf32>
        %gather3A_1861 = tpu.vector_load_idx %arg17[%add3A_147, %broadcast_in_dim3A_1845] : memref<640x64xf32, #tpu.memory_space<vmem>>[vector<16xi32>, vector<16xi32>], vector<16xf32>,
        %sub3A_1862 = arith.subf %add3A_1849, %gather3A_1861 : vector<16xf32>
        %abs3A_1863 = math.absf %sub3A_1862 : vector<16xf32>
        %add3A_1864 = arith.addf %add3A_1835, %abs3A_1863 : vector<16xf32>
        %gather3A_1865 = tpu.vector_load_idx %arg17[%add3A_150, %broadcast_in_dim3A_1845] : memref<640x64xf32, #tpu.memory_space<vmem>>[vector<16xi32>, vector<16xi32>], vector<16xf32>,
        %sub3A_1866 = arith.subf %add3A_1849, %gather3A_1865 : vector<16xf32>
        %abs3A_1867 = math.absf %sub3A_1866 : vector<16xf32>
        %add3A_1868 = arith.addf %add3A_1839, %abs3A_1867 : vector<16xf32>
        %gather3A_1869 = tpu.vector_load_idx %arg17[%add3A_153, %broadcast_in_dim3A_1845] : memref<640x64xf32, #tpu.memory_space<vmem>>[vector<16xi32>, vector<16xi32>], vector<16xf32>,
        %sub3A_1870 = arith.subf %add3A_1849, %gather3A_1869 : vector<16xf32>
        %abs3A_1871 = math.absf %sub3A_1870 : vector<16xf32>
        %add3A_1872 = arith.addf %add3A_1843, %abs3A_1871 : vector<16xf32>
        %broadcast_in_dim3A_1873 = arith.constant 59 : i32
        %broadcast_in_dim3A_1874 = vector.broadcast %broadcast_in_dim3A_1873 : i32 to vector<16xi32>
        %gather3A_1875 = tpu.vector_load_idx %arg14[%add3A_138, %broadcast_in_dim3A_1874] : memref<128x64xf32, #tpu.memory_space<vmem>>[vector<16xi32>, vector<16xi32>], vector<16xf32>,
        %gather3A_1876 = tpu.vector_load_idx %arg15[%add3A_138, %broadcast_in_dim3A_1874] : memref<128x64xf32, #tpu.memory_space<vmem>>[vector<16xi32>, vector<16xi32>], vector<16xf32>,
        %gather3A_1877 = tpu.vector_load_idx %arg16[%add3A_138, %broadcast_in_dim3A_1874] : memref<128x64xf32, #tpu.memory_space<vmem>>[vector<16xi32>, vector<16xi32>], vector<16xf32>,
        %add3A_1878 = arith.addf %gather3A_1875, %gather3A_1876 : vector<16xf32>
        %sub3A_1879 = arith.subf %add3A_1878, %gather3A_1877 : vector<16xf32>
        %abs3A_1880 = math.absf %sub3A_1879 : vector<16xf32>
        %add3A_1881 = arith.addf %add3A_1852, %abs3A_1880 : vector<16xf32>
        %gather3A_1882 = tpu.vector_load_idx %arg17[%add3A_141, %broadcast_in_dim3A_1874] : memref<640x64xf32, #tpu.memory_space<vmem>>[vector<16xi32>, vector<16xi32>], vector<16xf32>,
        %sub3A_1883 = arith.subf %add3A_1878, %gather3A_1882 : vector<16xf32>
        %abs3A_1884 = math.absf %sub3A_1883 : vector<16xf32>
        %add3A_1885 = arith.addf %add3A_1856, %abs3A_1884 : vector<16xf32>
        %gather3A_1886 = tpu.vector_load_idx %arg17[%add3A_144, %broadcast_in_dim3A_1874] : memref<640x64xf32, #tpu.memory_space<vmem>>[vector<16xi32>, vector<16xi32>], vector<16xf32>,
        %sub3A_1887 = arith.subf %add3A_1878, %gather3A_1886 : vector<16xf32>
        %abs3A_1888 = math.absf %sub3A_1887 : vector<16xf32>
        %add3A_1889 = arith.addf %add3A_1860, %abs3A_1888 : vector<16xf32>
        %gather3A_1890 = tpu.vector_load_idx %arg17[%add3A_147, %broadcast_in_dim3A_1874] : memref<640x64xf32, #tpu.memory_space<vmem>>[vector<16xi32>, vector<16xi32>], vector<16xf32>,
        %sub3A_1891 = arith.subf %add3A_1878, %gather3A_1890 : vector<16xf32>
        %abs3A_1892 = math.absf %sub3A_1891 : vector<16xf32>
        %add3A_1893 = arith.addf %add3A_1864, %abs3A_1892 : vector<16xf32>
        %gather3A_1894 = tpu.vector_load_idx %arg17[%add3A_150, %broadcast_in_dim3A_1874] : memref<640x64xf32, #tpu.memory_space<vmem>>[vector<16xi32>, vector<16xi32>], vector<16xf32>,
        %sub3A_1895 = arith.subf %add3A_1878, %gather3A_1894 : vector<16xf32>
        %abs3A_1896 = math.absf %sub3A_1895 : vector<16xf32>
        %add3A_1897 = arith.addf %add3A_1868, %abs3A_1896 : vector<16xf32>
        %gather3A_1898 = tpu.vector_load_idx %arg17[%add3A_153, %broadcast_in_dim3A_1874] : memref<640x64xf32, #tpu.memory_space<vmem>>[vector<16xi32>, vector<16xi32>], vector<16xf32>,
        %sub3A_1899 = arith.subf %add3A_1878, %gather3A_1898 : vector<16xf32>
        %abs3A_1900 = math.absf %sub3A_1899 : vector<16xf32>
        %add3A_1901 = arith.addf %add3A_1872, %abs3A_1900 : vector<16xf32>
        %broadcast_in_dim3A_1902 = arith.constant 60 : i32
        %broadcast_in_dim3A_1903 = vector.broadcast %broadcast_in_dim3A_1902 : i32 to vector<16xi32>
        %gather3A_1904 = tpu.vector_load_idx %arg14[%add3A_138, %broadcast_in_dim3A_1903] : memref<128x64xf32, #tpu.memory_space<vmem>>[vector<16xi32>, vector<16xi32>], vector<16xf32>,
        %gather3A_1905 = tpu.vector_load_idx %arg15[%add3A_138, %broadcast_in_dim3A_1903] : memref<128x64xf32, #tpu.memory_space<vmem>>[vector<16xi32>, vector<16xi32>], vector<16xf32>,
        %gather3A_1906 = tpu.vector_load_idx %arg16[%add3A_138, %broadcast_in_dim3A_1903] : memref<128x64xf32, #tpu.memory_space<vmem>>[vector<16xi32>, vector<16xi32>], vector<16xf32>,
        %add3A_1907 = arith.addf %gather3A_1904, %gather3A_1905 : vector<16xf32>
        %sub3A_1908 = arith.subf %add3A_1907, %gather3A_1906 : vector<16xf32>
        %abs3A_1909 = math.absf %sub3A_1908 : vector<16xf32>
        %add3A_1910 = arith.addf %add3A_1881, %abs3A_1909 : vector<16xf32>
        %gather3A_1911 = tpu.vector_load_idx %arg17[%add3A_141, %broadcast_in_dim3A_1903] : memref<640x64xf32, #tpu.memory_space<vmem>>[vector<16xi32>, vector<16xi32>], vector<16xf32>,
        %sub3A_1912 = arith.subf %add3A_1907, %gather3A_1911 : vector<16xf32>
        %abs3A_1913 = math.absf %sub3A_1912 : vector<16xf32>
        %add3A_1914 = arith.addf %add3A_1885, %abs3A_1913 : vector<16xf32>
        %gather3A_1915 = tpu.vector_load_idx %arg17[%add3A_144, %broadcast_in_dim3A_1903] : memref<640x64xf32, #tpu.memory_space<vmem>>[vector<16xi32>, vector<16xi32>], vector<16xf32>,
        %sub3A_1916 = arith.subf %add3A_1907, %gather3A_1915 : vector<16xf32>
        %abs3A_1917 = math.absf %sub3A_1916 : vector<16xf32>
        %add3A_1918 = arith.addf %add3A_1889, %abs3A_1917 : vector<16xf32>
        %gather3A_1919 = tpu.vector_load_idx %arg17[%add3A_147, %broadcast_in_dim3A_1903] : memref<640x64xf32, #tpu.memory_space<vmem>>[vector<16xi32>, vector<16xi32>], vector<16xf32>,
        %sub3A_1920 = arith.subf %add3A_1907, %gather3A_1919 : vector<16xf32>
        %abs3A_1921 = math.absf %sub3A_1920 : vector<16xf32>
        %add3A_1922 = arith.addf %add3A_1893, %abs3A_1921 : vector<16xf32>
        %gather3A_1923 = tpu.vector_load_idx %arg17[%add3A_150, %broadcast_in_dim3A_1903] : memref<640x64xf32, #tpu.memory_space<vmem>>[vector<16xi32>, vector<16xi32>], vector<16xf32>,
        %sub3A_1924 = arith.subf %add3A_1907, %gather3A_1923 : vector<16xf32>
        %abs3A_1925 = math.absf %sub3A_1924 : vector<16xf32>
        %add3A_1926 = arith.addf %add3A_1897, %abs3A_1925 : vector<16xf32>
        %gather3A_1927 = tpu.vector_load_idx %arg17[%add3A_153, %broadcast_in_dim3A_1903] : memref<640x64xf32, #tpu.memory_space<vmem>>[vector<16xi32>, vector<16xi32>], vector<16xf32>,
        %sub3A_1928 = arith.subf %add3A_1907, %gather3A_1927 : vector<16xf32>
        %abs3A_1929 = math.absf %sub3A_1928 : vector<16xf32>
        %add3A_1930 = arith.addf %add3A_1901, %abs3A_1929 : vector<16xf32>
        %broadcast_in_dim3A_1931 = arith.constant 61 : i32
        %broadcast_in_dim3A_1932 = vector.broadcast %broadcast_in_dim3A_1931 : i32 to vector<16xi32>
        %gather3A_1933 = tpu.vector_load_idx %arg14[%add3A_138, %broadcast_in_dim3A_1932] : memref<128x64xf32, #tpu.memory_space<vmem>>[vector<16xi32>, vector<16xi32>], vector<16xf32>,
        %gather3A_1934 = tpu.vector_load_idx %arg15[%add3A_138, %broadcast_in_dim3A_1932] : memref<128x64xf32, #tpu.memory_space<vmem>>[vector<16xi32>, vector<16xi32>], vector<16xf32>,
        %gather3A_1935 = tpu.vector_load_idx %arg16[%add3A_138, %broadcast_in_dim3A_1932] : memref<128x64xf32, #tpu.memory_space<vmem>>[vector<16xi32>, vector<16xi32>], vector<16xf32>,
        %add3A_1936 = arith.addf %gather3A_1933, %gather3A_1934 : vector<16xf32>
        %sub3A_1937 = arith.subf %add3A_1936, %gather3A_1935 : vector<16xf32>
        %abs3A_1938 = math.absf %sub3A_1937 : vector<16xf32>
        %add3A_1939 = arith.addf %add3A_1910, %abs3A_1938 : vector<16xf32>
        %gather3A_1940 = tpu.vector_load_idx %arg17[%add3A_141, %broadcast_in_dim3A_1932] : memref<640x64xf32, #tpu.memory_space<vmem>>[vector<16xi32>, vector<16xi32>], vector<16xf32>,
        %sub3A_1941 = arith.subf %add3A_1936, %gather3A_1940 : vector<16xf32>
        %abs3A_1942 = math.absf %sub3A_1941 : vector<16xf32>
        %add3A_1943 = arith.addf %add3A_1914, %abs3A_1942 : vector<16xf32>
        %gather3A_1944 = tpu.vector_load_idx %arg17[%add3A_144, %broadcast_in_dim3A_1932] : memref<640x64xf32, #tpu.memory_space<vmem>>[vector<16xi32>, vector<16xi32>], vector<16xf32>,
        %sub3A_1945 = arith.subf %add3A_1936, %gather3A_1944 : vector<16xf32>
        %abs3A_1946 = math.absf %sub3A_1945 : vector<16xf32>
        %add3A_1947 = arith.addf %add3A_1918, %abs3A_1946 : vector<16xf32>
        %gather3A_1948 = tpu.vector_load_idx %arg17[%add3A_147, %broadcast_in_dim3A_1932] : memref<640x64xf32, #tpu.memory_space<vmem>>[vector<16xi32>, vector<16xi32>], vector<16xf32>,
        %sub3A_1949 = arith.subf %add3A_1936, %gather3A_1948 : vector<16xf32>
        %abs3A_1950 = math.absf %sub3A_1949 : vector<16xf32>
        %add3A_1951 = arith.addf %add3A_1922, %abs3A_1950 : vector<16xf32>
        %gather3A_1952 = tpu.vector_load_idx %arg17[%add3A_150, %broadcast_in_dim3A_1932] : memref<640x64xf32, #tpu.memory_space<vmem>>[vector<16xi32>, vector<16xi32>], vector<16xf32>,
        %sub3A_1953 = arith.subf %add3A_1936, %gather3A_1952 : vector<16xf32>
        %abs3A_1954 = math.absf %sub3A_1953 : vector<16xf32>
        %add3A_1955 = arith.addf %add3A_1926, %abs3A_1954 : vector<16xf32>
        %gather3A_1956 = tpu.vector_load_idx %arg17[%add3A_153, %broadcast_in_dim3A_1932] : memref<640x64xf32, #tpu.memory_space<vmem>>[vector<16xi32>, vector<16xi32>], vector<16xf32>,
        %sub3A_1957 = arith.subf %add3A_1936, %gather3A_1956 : vector<16xf32>
        %abs3A_1958 = math.absf %sub3A_1957 : vector<16xf32>
        %add3A_1959 = arith.addf %add3A_1930, %abs3A_1958 : vector<16xf32>
        %broadcast_in_dim3A_1960 = arith.constant 62 : i32
        %broadcast_in_dim3A_1961 = vector.broadcast %broadcast_in_dim3A_1960 : i32 to vector<16xi32>
        %gather3A_1962 = tpu.vector_load_idx %arg14[%add3A_138, %broadcast_in_dim3A_1961] : memref<128x64xf32, #tpu.memory_space<vmem>>[vector<16xi32>, vector<16xi32>], vector<16xf32>,
        %gather3A_1963 = tpu.vector_load_idx %arg15[%add3A_138, %broadcast_in_dim3A_1961] : memref<128x64xf32, #tpu.memory_space<vmem>>[vector<16xi32>, vector<16xi32>], vector<16xf32>,
        %gather3A_1964 = tpu.vector_load_idx %arg16[%add3A_138, %broadcast_in_dim3A_1961] : memref<128x64xf32, #tpu.memory_space<vmem>>[vector<16xi32>, vector<16xi32>], vector<16xf32>,
        %add3A_1965 = arith.addf %gather3A_1962, %gather3A_1963 : vector<16xf32>
        %sub3A_1966 = arith.subf %add3A_1965, %gather3A_1964 : vector<16xf32>
        %abs3A_1967 = math.absf %sub3A_1966 : vector<16xf32>
        %add3A_1968 = arith.addf %add3A_1939, %abs3A_1967 : vector<16xf32>
        %gather3A_1969 = tpu.vector_load_idx %arg17[%add3A_141, %broadcast_in_dim3A_1961] : memref<640x64xf32, #tpu.memory_space<vmem>>[vector<16xi32>, vector<16xi32>], vector<16xf32>,
        %sub3A_1970 = arith.subf %add3A_1965, %gather3A_1969 : vector<16xf32>
        %abs3A_1971 = math.absf %sub3A_1970 : vector<16xf32>
        %add3A_1972 = arith.addf %add3A_1943, %abs3A_1971 : vector<16xf32>
        %gather3A_1973 = tpu.vector_load_idx %arg17[%add3A_144, %broadcast_in_dim3A_1961] : memref<640x64xf32, #tpu.memory_space<vmem>>[vector<16xi32>, vector<16xi32>], vector<16xf32>,
        %sub3A_1974 = arith.subf %add3A_1965, %gather3A_1973 : vector<16xf32>
        %abs3A_1975 = math.absf %sub3A_1974 : vector<16xf32>
        %add3A_1976 = arith.addf %add3A_1947, %abs3A_1975 : vector<16xf32>
        %gather3A_1977 = tpu.vector_load_idx %arg17[%add3A_147, %broadcast_in_dim3A_1961] : memref<640x64xf32, #tpu.memory_space<vmem>>[vector<16xi32>, vector<16xi32>], vector<16xf32>,
        %sub3A_1978 = arith.subf %add3A_1965, %gather3A_1977 : vector<16xf32>
        %abs3A_1979 = math.absf %sub3A_1978 : vector<16xf32>
        %add3A_1980 = arith.addf %add3A_1951, %abs3A_1979 : vector<16xf32>
        %gather3A_1981 = tpu.vector_load_idx %arg17[%add3A_150, %broadcast_in_dim3A_1961] : memref<640x64xf32, #tpu.memory_space<vmem>>[vector<16xi32>, vector<16xi32>], vector<16xf32>,
        %sub3A_1982 = arith.subf %add3A_1965, %gather3A_1981 : vector<16xf32>
        %abs3A_1983 = math.absf %sub3A_1982 : vector<16xf32>
        %add3A_1984 = arith.addf %add3A_1955, %abs3A_1983 : vector<16xf32>
        %gather3A_1985 = tpu.vector_load_idx %arg17[%add3A_153, %broadcast_in_dim3A_1961] : memref<640x64xf32, #tpu.memory_space<vmem>>[vector<16xi32>, vector<16xi32>], vector<16xf32>,
        %sub3A_1986 = arith.subf %add3A_1965, %gather3A_1985 : vector<16xf32>
        %abs3A_1987 = math.absf %sub3A_1986 : vector<16xf32>
        %add3A_1988 = arith.addf %add3A_1959, %abs3A_1987 : vector<16xf32>
        %broadcast_in_dim3A_1989 = arith.constant 63 : i32
        %broadcast_in_dim3A_1990 = vector.broadcast %broadcast_in_dim3A_1989 : i32 to vector<16xi32>
        %gather3A_1991 = tpu.vector_load_idx %arg14[%add3A_138, %broadcast_in_dim3A_1990] : memref<128x64xf32, #tpu.memory_space<vmem>>[vector<16xi32>, vector<16xi32>], vector<16xf32>,
        %gather3A_1992 = tpu.vector_load_idx %arg15[%add3A_138, %broadcast_in_dim3A_1990] : memref<128x64xf32, #tpu.memory_space<vmem>>[vector<16xi32>, vector<16xi32>], vector<16xf32>,
        %gather3A_1993 = tpu.vector_load_idx %arg16[%add3A_138, %broadcast_in_dim3A_1990] : memref<128x64xf32, #tpu.memory_space<vmem>>[vector<16xi32>, vector<16xi32>], vector<16xf32>,
        %add3A_1994 = arith.addf %gather3A_1991, %gather3A_1992 : vector<16xf32>
        %sub3A_1995 = arith.subf %add3A_1994, %gather3A_1993 : vector<16xf32>
        %abs3A_1996 = math.absf %sub3A_1995 : vector<16xf32>
        %add3A_1997 = arith.addf %add3A_1968, %abs3A_1996 : vector<16xf32>
        %gather3A_1998 = tpu.vector_load_idx %arg17[%add3A_141, %broadcast_in_dim3A_1990] : memref<640x64xf32, #tpu.memory_space<vmem>>[vector<16xi32>, vector<16xi32>], vector<16xf32>,
        %sub3A_1999 = arith.subf %add3A_1994, %gather3A_1998 : vector<16xf32>
        %abs3A_2000 = math.absf %sub3A_1999 : vector<16xf32>
        %add3A_2001 = arith.addf %add3A_1972, %abs3A_2000 : vector<16xf32>
        %gather3A_2002 = tpu.vector_load_idx %arg17[%add3A_144, %broadcast_in_dim3A_1990] : memref<640x64xf32, #tpu.memory_space<vmem>>[vector<16xi32>, vector<16xi32>], vector<16xf32>,
        %sub3A_2003 = arith.subf %add3A_1994, %gather3A_2002 : vector<16xf32>
        %abs3A_2004 = math.absf %sub3A_2003 : vector<16xf32>
        %add3A_2005 = arith.addf %add3A_1976, %abs3A_2004 : vector<16xf32>
        %gather3A_2006 = tpu.vector_load_idx %arg17[%add3A_147, %broadcast_in_dim3A_1990] : memref<640x64xf32, #tpu.memory_space<vmem>>[vector<16xi32>, vector<16xi32>], vector<16xf32>,
        %sub3A_2007 = arith.subf %add3A_1994, %gather3A_2006 : vector<16xf32>
        %abs3A_2008 = math.absf %sub3A_2007 : vector<16xf32>
        %add3A_2009 = arith.addf %add3A_1980, %abs3A_2008 : vector<16xf32>
        %gather3A_2010 = tpu.vector_load_idx %arg17[%add3A_150, %broadcast_in_dim3A_1990] : memref<640x64xf32, #tpu.memory_space<vmem>>[vector<16xi32>, vector<16xi32>], vector<16xf32>,
        %sub3A_2011 = arith.subf %add3A_1994, %gather3A_2010 : vector<16xf32>
        %abs3A_2012 = math.absf %sub3A_2011 : vector<16xf32>
        %add3A_2013 = arith.addf %add3A_1984, %abs3A_2012 : vector<16xf32>
        %gather3A_2014 = tpu.vector_load_idx %arg17[%add3A_153, %broadcast_in_dim3A_1990] : memref<640x64xf32, #tpu.memory_space<vmem>>[vector<16xi32>, vector<16xi32>], vector<16xf32>,
        %sub3A_2015 = arith.subf %add3A_1994, %gather3A_2014 : vector<16xf32>
        %abs3A_2016 = math.absf %sub3A_2015 : vector<16xf32>
        %add3A_2017 = arith.addf %add3A_1988, %abs3A_2016 : vector<16xf32>
        %mul3A_2018 = arith.constant 16 : i32
        %mul3A_2019 = arith.muli %scan3A_134, %mul3A_2018 : i32
        %swap3A = arith.index_cast %mul3A_2019 : i32 to index
        %swap3A_2020 = tpu.vector_load %arg18[%swap3A] {strides = array<i32>} : memref<128xf32, #tpu.memory_space<vmem>>, vector<16xf32>,
        tpu.vector_store %arg18[%swap3A], %add3A_1997 {strides = array<i32>} : memref<128xf32, #tpu.memory_space<vmem>>, vector<16xf32>,
        %mul3A_2021 = arith.constant 16 : i32
        %mul3A_2022 = arith.muli %scan3A_134, %mul3A_2021 : i32
        %add3A_2023 = arith.constant 0 : i32
        %add3A_2024 = arith.addi %add3A_2023, %mul3A_2022 : i32
        %swap3A_2025 = arith.index_cast %add3A_2024 : i32 to index
        %swap3A_2026 = tpu.vector_load %arg19[%swap3A_2025] {strides = array<i32>} : memref<640xf32, #tpu.memory_space<vmem>>, vector<16xf32>,
        tpu.vector_store %arg19[%swap3A_2025], %add3A_2001 {strides = array<i32>} : memref<640xf32, #tpu.memory_space<vmem>>, vector<16xf32>,
        %mul3A_2027 = arith.constant 16 : i32
        %mul3A_2028 = arith.muli %scan3A_134, %mul3A_2027 : i32
        %add3A_2029 = arith.constant 128 : i32
        %add3A_2030 = arith.addi %add3A_2029, %mul3A_2028 : i32
        %swap3A_2031 = arith.index_cast %add3A_2030 : i32 to index
        %swap3A_2032 = tpu.vector_load %arg19[%swap3A_2031] {strides = array<i32>} : memref<640xf32, #tpu.memory_space<vmem>>, vector<16xf32>,
        tpu.vector_store %arg19[%swap3A_2031], %add3A_2005 {strides = array<i32>} : memref<640xf32, #tpu.memory_space<vmem>>, vector<16xf32>,
        %mul3A_2033 = arith.constant 16 : i32
        %mul3A_2034 = arith.muli %scan3A_134, %mul3A_2033 : i32
        %add3A_2035 = arith.constant 256 : i32
        %add3A_2036 = arith.addi %add3A_2035, %mul3A_2034 : i32
        %swap3A_2037 = arith.index_cast %add3A_2036 : i32 to index
        %swap3A_2038 = tpu.vector_load %arg19[%swap3A_2037] {strides = array<i32>} : memref<640xf32, #tpu.memory_space<vmem>>, vector<16xf32>,
        tpu.vector_store %arg19[%swap3A_2037], %add3A_2009 {strides = array<i32>} : memref<640xf32, #tpu.memory_space<vmem>>, vector<16xf32>,
        %mul3A_2039 = arith.constant 16 : i32
        %mul3A_2040 = arith.muli %scan3A_134, %mul3A_2039 : i32
        %add3A_2041 = arith.constant 384 : i32
        %add3A_2042 = arith.addi %add3A_2041, %mul3A_2040 : i32
        %swap3A_2043 = arith.index_cast %add3A_2042 : i32 to index
        %swap3A_2044 = tpu.vector_load %arg19[%swap3A_2043] {strides = array<i32>} : memref<640xf32, #tpu.memory_space<vmem>>, vector<16xf32>,
        tpu.vector_store %arg19[%swap3A_2043], %add3A_2013 {strides = array<i32>} : memref<640xf32, #tpu.memory_space<vmem>>, vector<16xf32>,
        %mul3A_2045 = arith.constant 16 : i32
        %mul3A_2046 = arith.muli %scan3A_134, %mul3A_2045 : i32
        %add3A_2047 = arith.constant 512 : i32
        %add3A_2048 = arith.addi %add3A_2047, %mul3A_2046 : i32
        %swap3A_2049 = arith.index_cast %add3A_2048 : i32 to index
        %swap3A_2050 = tpu.vector_load %arg19[%swap3A_2049] {strides = array<i32>} : memref<640xf32, #tpu.memory_space<vmem>>, vector<16xf32>,
        tpu.vector_store %arg19[%swap3A_2049], %add3A_2017 {strides = array<i32>} : memref<640xf32, #tpu.memory_space<vmem>>, vector<16xf32>,
      }
      %scan3A_123 = arith.constant 8 : i32
      "tpu.region"() ({
        %run_scoped3A = tpu.sem_alloc : memref<!tpu.dma_semaphore, #tpu.memory_space<semaphore_mem>>
        %dma_start3A_134 = tpu.memref_slice %arg8[%multiple_of3A] : memref<16384xf32, #tpu.memory_space<hbm>> -> memref<128xf32, #tpu.memory_space<hbm>>
        %dma_start3A_135 = tpu.memref_slice %arg8[%multiple_of3A] : memref<16384xf32, #tpu.memory_space<hbm>> -> memref<128xf32, #tpu.memory_space<hbm>>
        tpu.enqueue_dma source(%arg18 : memref<128xf32, #tpu.memory_space<vmem>>) target(%dma_start3A_135 : memref<128xf32, #tpu.memory_space<hbm>>) target_semaphore(%run_scoped3A : memref<!tpu.dma_semaphore, #tpu.memory_space<semaphore_mem>>)
        %dma_wait3A_136 = tpu.memref_slice %arg8[%multiple_of3A] : memref<16384xf32, #tpu.memory_space<hbm>> -> memref<128xf32, #tpu.memory_space<hbm>>
        %dma_wait3A_137 = tpu.memref_slice %arg8[%multiple_of3A] : memref<16384xf32, #tpu.memory_space<hbm>> -> memref<128xf32, #tpu.memory_space<hbm>>
        tpu.wait_dma2 semaphore(%run_scoped3A : memref<!tpu.dma_semaphore, #tpu.memory_space<semaphore_mem>>) src(%arg18 : memref<128xf32, #tpu.memory_space<vmem>>) dst(%dma_wait3A_137 : memref<128xf32, #tpu.memory_space<hbm>>)
        tpu.yield
      }) : () -> ()
      %add3A_124 = arith.constant 0 : i32
      %add3A_125 = arith.addi %add3A_124, %multiple_of3A : i32
      "tpu.region"() ({
        %run_scoped3A = tpu.sem_alloc : memref<!tpu.dma_semaphore, #tpu.memory_space<semaphore_mem>>
        %dma_start3A_134 = arith.constant 0 : i32
        %dma_start3A_135 = tpu.memref_slice %arg19[%dma_start3A_134] : memref<640xf32, #tpu.memory_space<vmem>> -> memref<128xf32, #tpu.memory_space<vmem>>
        %dma_start3A_136 = tpu.memref_slice %arg9[%add3A_125] : memref<81920xf32, #tpu.memory_space<hbm>> -> memref<128xf32, #tpu.memory_space<hbm>>
        %dma_start3A_137 = tpu.memref_slice %arg9[%add3A_125] : memref<81920xf32, #tpu.memory_space<hbm>> -> memref<128xf32, #tpu.memory_space<hbm>>
        %dma_start3A_138 = arith.constant 0 : i32
        %dma_start3A_139 = tpu.memref_slice %arg19[%dma_start3A_138] : memref<640xf32, #tpu.memory_space<vmem>> -> memref<128xf32, #tpu.memory_space<vmem>>
        tpu.enqueue_dma source(%dma_start3A_139 : memref<128xf32, #tpu.memory_space<vmem>>) target(%dma_start3A_137 : memref<128xf32, #tpu.memory_space<hbm>>) target_semaphore(%run_scoped3A : memref<!tpu.dma_semaphore, #tpu.memory_space<semaphore_mem>>)
        %dma_wait3A_140 = arith.constant 0 : i32
        %dma_wait3A_141 = tpu.memref_slice %arg19[%dma_wait3A_140] : memref<640xf32, #tpu.memory_space<vmem>> -> memref<128xf32, #tpu.memory_space<vmem>>
        %dma_wait3A_142 = tpu.memref_slice %arg9[%add3A_125] : memref<81920xf32, #tpu.memory_space<hbm>> -> memref<128xf32, #tpu.memory_space<hbm>>
        %dma_wait3A_143 = tpu.memref_slice %arg9[%add3A_125] : memref<81920xf32, #tpu.memory_space<hbm>> -> memref<128xf32, #tpu.memory_space<hbm>>
        %dma_wait3A_144 = arith.constant 0 : i32
        %dma_wait3A_145 = tpu.memref_slice %arg19[%dma_wait3A_144] : memref<640xf32, #tpu.memory_space<vmem>> -> memref<128xf32, #tpu.memory_space<vmem>>
        tpu.wait_dma2 semaphore(%run_scoped3A : memref<!tpu.dma_semaphore, #tpu.memory_space<semaphore_mem>>) src(%dma_wait3A_145 : memref<128xf32, #tpu.memory_space<vmem>>) dst(%dma_wait3A_143 : memref<128xf32, #tpu.memory_space<hbm>>)
        tpu.yield
      }) : () -> ()
      %add3A_126 = arith.constant 16384 : i32
      %add3A_127 = arith.addi %add3A_126, %multiple_of3A : i32
      "tpu.region"() ({
        %run_scoped3A = tpu.sem_alloc : memref<!tpu.dma_semaphore, #tpu.memory_space<semaphore_mem>>
        %dma_start3A_134 = arith.constant 128 : i32
        %dma_start3A_135 = tpu.memref_slice %arg19[%dma_start3A_134] : memref<640xf32, #tpu.memory_space<vmem>> -> memref<128xf32, #tpu.memory_space<vmem>>
        %dma_start3A_136 = tpu.memref_slice %arg9[%add3A_127] : memref<81920xf32, #tpu.memory_space<hbm>> -> memref<128xf32, #tpu.memory_space<hbm>>
        %dma_start3A_137 = tpu.memref_slice %arg9[%add3A_127] : memref<81920xf32, #tpu.memory_space<hbm>> -> memref<128xf32, #tpu.memory_space<hbm>>
        %dma_start3A_138 = arith.constant 128 : i32
        %dma_start3A_139 = tpu.memref_slice %arg19[%dma_start3A_138] : memref<640xf32, #tpu.memory_space<vmem>> -> memref<128xf32, #tpu.memory_space<vmem>>
        tpu.enqueue_dma source(%dma_start3A_139 : memref<128xf32, #tpu.memory_space<vmem>>) target(%dma_start3A_137 : memref<128xf32, #tpu.memory_space<hbm>>) target_semaphore(%run_scoped3A : memref<!tpu.dma_semaphore, #tpu.memory_space<semaphore_mem>>)
        %dma_wait3A_140 = arith.constant 128 : i32
        %dma_wait3A_141 = tpu.memref_slice %arg19[%dma_wait3A_140] : memref<640xf32, #tpu.memory_space<vmem>> -> memref<128xf32, #tpu.memory_space<vmem>>
        %dma_wait3A_142 = tpu.memref_slice %arg9[%add3A_127] : memref<81920xf32, #tpu.memory_space<hbm>> -> memref<128xf32, #tpu.memory_space<hbm>>
        %dma_wait3A_143 = tpu.memref_slice %arg9[%add3A_127] : memref<81920xf32, #tpu.memory_space<hbm>> -> memref<128xf32, #tpu.memory_space<hbm>>
        %dma_wait3A_144 = arith.constant 128 : i32
        %dma_wait3A_145 = tpu.memref_slice %arg19[%dma_wait3A_144] : memref<640xf32, #tpu.memory_space<vmem>> -> memref<128xf32, #tpu.memory_space<vmem>>
        tpu.wait_dma2 semaphore(%run_scoped3A : memref<!tpu.dma_semaphore, #tpu.memory_space<semaphore_mem>>) src(%dma_wait3A_145 : memref<128xf32, #tpu.memory_space<vmem>>) dst(%dma_wait3A_143 : memref<128xf32, #tpu.memory_space<hbm>>)
        tpu.yield
      }) : () -> ()
      %add3A_128 = arith.constant 32768 : i32
      %add3A_129 = arith.addi %add3A_128, %multiple_of3A : i32
      "tpu.region"() ({
        %run_scoped3A = tpu.sem_alloc : memref<!tpu.dma_semaphore, #tpu.memory_space<semaphore_mem>>
        %dma_start3A_134 = arith.constant 256 : i32
        %dma_start3A_135 = tpu.memref_slice %arg19[%dma_start3A_134] : memref<640xf32, #tpu.memory_space<vmem>> -> memref<128xf32, #tpu.memory_space<vmem>>
        %dma_start3A_136 = tpu.memref_slice %arg9[%add3A_129] : memref<81920xf32, #tpu.memory_space<hbm>> -> memref<128xf32, #tpu.memory_space<hbm>>
        %dma_start3A_137 = tpu.memref_slice %arg9[%add3A_129] : memref<81920xf32, #tpu.memory_space<hbm>> -> memref<128xf32, #tpu.memory_space<hbm>>
        %dma_start3A_138 = arith.constant 256 : i32
        %dma_start3A_139 = tpu.memref_slice %arg19[%dma_start3A_138] : memref<640xf32, #tpu.memory_space<vmem>> -> memref<128xf32, #tpu.memory_space<vmem>>
        tpu.enqueue_dma source(%dma_start3A_139 : memref<128xf32, #tpu.memory_space<vmem>>) target(%dma_start3A_137 : memref<128xf32, #tpu.memory_space<hbm>>) target_semaphore(%run_scoped3A : memref<!tpu.dma_semaphore, #tpu.memory_space<semaphore_mem>>)
        %dma_wait3A_140 = arith.constant 256 : i32
        %dma_wait3A_141 = tpu.memref_slice %arg19[%dma_wait3A_140] : memref<640xf32, #tpu.memory_space<vmem>> -> memref<128xf32, #tpu.memory_space<vmem>>
        %dma_wait3A_142 = tpu.memref_slice %arg9[%add3A_129] : memref<81920xf32, #tpu.memory_space<hbm>> -> memref<128xf32, #tpu.memory_space<hbm>>
        %dma_wait3A_143 = tpu.memref_slice %arg9[%add3A_129] : memref<81920xf32, #tpu.memory_space<hbm>> -> memref<128xf32, #tpu.memory_space<hbm>>
        %dma_wait3A_144 = arith.constant 256 : i32
        %dma_wait3A_145 = tpu.memref_slice %arg19[%dma_wait3A_144] : memref<640xf32, #tpu.memory_space<vmem>> -> memref<128xf32, #tpu.memory_space<vmem>>
        tpu.wait_dma2 semaphore(%run_scoped3A : memref<!tpu.dma_semaphore, #tpu.memory_space<semaphore_mem>>) src(%dma_wait3A_145 : memref<128xf32, #tpu.memory_space<vmem>>) dst(%dma_wait3A_143 : memref<128xf32, #tpu.memory_space<hbm>>)
        tpu.yield
      }) : () -> ()
      %add3A_130 = arith.constant 49152 : i32
      %add3A_131 = arith.addi %add3A_130, %multiple_of3A : i32
      "tpu.region"() ({
        %run_scoped3A = tpu.sem_alloc : memref<!tpu.dma_semaphore, #tpu.memory_space<semaphore_mem>>
        %dma_start3A_134 = arith.constant 384 : i32
        %dma_start3A_135 = tpu.memref_slice %arg19[%dma_start3A_134] : memref<640xf32, #tpu.memory_space<vmem>> -> memref<128xf32, #tpu.memory_space<vmem>>
        %dma_start3A_136 = tpu.memref_slice %arg9[%add3A_131] : memref<81920xf32, #tpu.memory_space<hbm>> -> memref<128xf32, #tpu.memory_space<hbm>>
        %dma_start3A_137 = tpu.memref_slice %arg9[%add3A_131] : memref<81920xf32, #tpu.memory_space<hbm>> -> memref<128xf32, #tpu.memory_space<hbm>>
        %dma_start3A_138 = arith.constant 384 : i32
        %dma_start3A_139 = tpu.memref_slice %arg19[%dma_start3A_138] : memref<640xf32, #tpu.memory_space<vmem>> -> memref<128xf32, #tpu.memory_space<vmem>>
        tpu.enqueue_dma source(%dma_start3A_139 : memref<128xf32, #tpu.memory_space<vmem>>) target(%dma_start3A_137 : memref<128xf32, #tpu.memory_space<hbm>>) target_semaphore(%run_scoped3A : memref<!tpu.dma_semaphore, #tpu.memory_space<semaphore_mem>>)
        %dma_wait3A_140 = arith.constant 384 : i32
        %dma_wait3A_141 = tpu.memref_slice %arg19[%dma_wait3A_140] : memref<640xf32, #tpu.memory_space<vmem>> -> memref<128xf32, #tpu.memory_space<vmem>>
        %dma_wait3A_142 = tpu.memref_slice %arg9[%add3A_131] : memref<81920xf32, #tpu.memory_space<hbm>> -> memref<128xf32, #tpu.memory_space<hbm>>
        %dma_wait3A_143 = tpu.memref_slice %arg9[%add3A_131] : memref<81920xf32, #tpu.memory_space<hbm>> -> memref<128xf32, #tpu.memory_space<hbm>>
        %dma_wait3A_144 = arith.constant 384 : i32
        %dma_wait3A_145 = tpu.memref_slice %arg19[%dma_wait3A_144] : memref<640xf32, #tpu.memory_space<vmem>> -> memref<128xf32, #tpu.memory_space<vmem>>
        tpu.wait_dma2 semaphore(%run_scoped3A : memref<!tpu.dma_semaphore, #tpu.memory_space<semaphore_mem>>) src(%dma_wait3A_145 : memref<128xf32, #tpu.memory_space<vmem>>) dst(%dma_wait3A_143 : memref<128xf32, #tpu.memory_space<hbm>>)
        tpu.yield
      }) : () -> ()
      %add3A_132 = arith.constant 65536 : i32
      %add3A_133 = arith.addi %add3A_132, %multiple_of3A : i32
      "tpu.region"() ({
        %run_scoped3A = tpu.sem_alloc : memref<!tpu.dma_semaphore, #tpu.memory_space<semaphore_mem>>
        %dma_start3A_134 = arith.constant 512 : i32
        %dma_start3A_135 = tpu.memref_slice %arg19[%dma_start3A_134] : memref<640xf32, #tpu.memory_space<vmem>> -> memref<128xf32, #tpu.memory_space<vmem>>
        %dma_start3A_136 = tpu.memref_slice %arg9[%add3A_133] : memref<81920xf32, #tpu.memory_space<hbm>> -> memref<128xf32, #tpu.memory_space<hbm>>
        %dma_start3A_137 = tpu.memref_slice %arg9[%add3A_133] : memref<81920xf32, #tpu.memory_space<hbm>> -> memref<128xf32, #tpu.memory_space<hbm>>
        %dma_start3A_138 = arith.constant 512 : i32
        %dma_start3A_139 = tpu.memref_slice %arg19[%dma_start3A_138] : memref<640xf32, #tpu.memory_space<vmem>> -> memref<128xf32, #tpu.memory_space<vmem>>
        tpu.enqueue_dma source(%dma_start3A_139 : memref<128xf32, #tpu.memory_space<vmem>>) target(%dma_start3A_137 : memref<128xf32, #tpu.memory_space<hbm>>) target_semaphore(%run_scoped3A : memref<!tpu.dma_semaphore, #tpu.memory_space<semaphore_mem>>)
        %dma_wait3A_140 = arith.constant 512 : i32
        %dma_wait3A_141 = tpu.memref_slice %arg19[%dma_wait3A_140] : memref<640xf32, #tpu.memory_space<vmem>> -> memref<128xf32, #tpu.memory_space<vmem>>
        %dma_wait3A_142 = tpu.memref_slice %arg9[%add3A_133] : memref<81920xf32, #tpu.memory_space<hbm>> -> memref<128xf32, #tpu.memory_space<hbm>>
        %dma_wait3A_143 = tpu.memref_slice %arg9[%add3A_133] : memref<81920xf32, #tpu.memory_space<hbm>> -> memref<128xf32, #tpu.memory_space<hbm>>
        %dma_wait3A_144 = arith.constant 512 : i32
        %dma_wait3A_145 = tpu.memref_slice %arg19[%dma_wait3A_144] : memref<640xf32, #tpu.memory_space<vmem>> -> memref<128xf32, #tpu.memory_space<vmem>>
        tpu.wait_dma2 semaphore(%run_scoped3A : memref<!tpu.dma_semaphore, #tpu.memory_space<semaphore_mem>>) src(%dma_wait3A_145 : memref<128xf32, #tpu.memory_space<vmem>>) dst(%dma_wait3A_143 : memref<128xf32, #tpu.memory_space<hbm>>)
        tpu.yield
      }) : () -> ()
    }
    %scan3A_7 = arith.constant 4 : i32
    return
  }
}

</mosaic_0001>

<sc_bundles>
// kernel: kernel.3.cloned.1.call-start
scs
__scs_entry_jumppad:
0x0: {  	(pc) =	sbr.rel $0x88, $3  }
0x1: {  	(tag) =	ssettag $0x0;
	lr =	simm.s32 $0x1  }
0x2: {  	[smem:$0x3F9B] =	sst lr;
	_ =	strace $0xD0000000  }
0x3: {  	_ = 	snop  }
0x4: {  	_ = 	snop  }
0x5: {  	_ = 	snop  }
0x6: {  	_ = 	snop  }
0x7: {  	_ = 	snop  }
__scs_overlays_trampoline_lowered:
0x8: {  	[smem:$0x3FAA] =	sst s0  }
0x9: {  	[smem:$0x3FAB] =	sst s1  }
0xa: {  	[smem:$0x3FAC] =	sst s2  }
0xb: {  	[smem:$0x3FAD] =	sst s3  }
0xc: {  	[smem:$0x3FAE] =	sst s4  }
0xd: {  	[smem:$0x3FAF] =	sst s5  }
0xe: {  	[smem:$0x3FB0] =	sst s6  }
0xf: {  	[smem:$0x3FB1] =	sst s7  }
0x10: {  	[smem:$0x3FB2] =	sst s8  }
0x11: {  	[smem:$0x3FB3] =	sst s9;
	s0 =	simm.s32 @!p0 $0x0  }
0x12: {  	s1 =	sld [smem:$0x3F99];
	s0 =	simm.s32 @p0 $0x1  }
0x13: {  	[smem:$0x3FB4] =	sst s0;
	s0 =	simm.s32 @!p1 $0x0  }
0x14: {  	s2 =	sld [smem:$0x3F98];
	s0 =	simm.s32 @p1 $0x1  }
0x15: {  	[smem:$0x3FB5] =	sst s0;
	s0 =	simm.s32 @!p2 $0x0  }
0x16: {  	s3 =	sld [smem:$0x3FDB];
	s0 =	simm.s32 @p2 $0x1  }
0x17: {  	s4 =	simm.s32 $0x1BF5;
	[smem:$0x3FB7] =	sst s0  }
0x18: {  	s0 =	sld [smem:$0x3F9A];
	_ =	swait.ge [sflag:s4], $0x0  }
0x19: {  	s7 =	sld [smem:$0x3F9B]  }
0x1a: {  	s8 =	sadd.s32 $0xFFFFE003, lr  }
0x1b: {  	s9 =	sadd.s32 $0xFFFFFEF7, lr;
	s5 =	simm.s32 $0xFFFFFFFF;
	p2 =	slt.u32 s8, $0xFFFFF086  }
0x1c: {  	p1 =	slt.u32 s9, $0xF7A;
	s5 =	simm.s32 @!p2 $0x0  }
0x1d: {  	s5 =	simm.s32 @p1 $0x1;
	p0 =	seq.s32 s7, s2  }
0x1e: {  	s7 =	smul.u32 @!p0 $0xF7A, s2;
	p2 =	seq.s32 @!p0 s5, $0x0  }
0x1f: {  	s9 =	smul.u32 $0xF7A, s1;
	s8 =	simm.s32 @!p0 $0x1BF5;
	p2 =	por !p2, p0  }
0x20: {  	[sflag:s8] =	ssyncset.s32 @!p0 $0xFFFFF086;
	s6 =	sadd.s32 @!p0 s3, s7;
	s7 =	simm.s32 @!p0 $0x108  }
0x21: {  	s3 =	sadd.s32 s3, s9;
	s6 =	sadd.s32 @!p0 $0x88, s6;
	s7 =	simm.s32 @p2 $0x1082  }
0x22: {  	[simem:s7], [sflag:s8] =	dma.local @!p0 [hbm:s6], $0xF7A  }
0x23: {  	s9 =	sor.u32 $0xD0000000, s2;
	s6 =	simm.s32 $0x108;
	_ =	swait.ge @!p0 [sflag:s8], $0x0  }
0x24: {  	s3 =	sadd.s32 $0x88, s3;
	s6 =	simm.s32 @!p1 $0x1082;
	[sflag:s4] =	ssyncset.s32 $0xFFFFF086  }
0x25: {  	[simem:s6], [sflag:s4] =	dma.local [hbm:s3], $0xF7A  }
0x26: {  	[smem:$0x3F9B] =	sst s1;
	(tag) =	ssettag s2;
	_ =	strace s9  }
0x27: {  	s1 =	sld [smem:$0x3FAB]  }
0x28: {  	s2 =	sld [smem:$0x3FAC]  }
0x29: {  	s4 =	sld [smem:$0x3FAE]  }
0x2a: {  	p0 =	seq.s32 s5, $0x0;
	s5 =	sld [smem:$0x3FAF]  }
0x2b: {  	s6 =	sld [smem:$0x3FB0]  }
0x2c: {  	s7 =	sld [smem:$0x3FB1]  }
0x2d: {  	s3 =	simm.s32 $0x108;
	s8 =	sld [smem:$0x3FB2]  }
0x2e: {  	s3 =	simm.s32 @!p0 $0x1082;
	s9 =	sld [smem:$0x3FB3]  }
0x2f: {  	lr =	sadd.s32 s0, s3;
	s0 =	sld [smem:$0x3FAA]  }
0x30: {  	s3 =	sld [smem:$0x3FAD]  }
0x31: {  	[smem:$0x3FB6] =	sst s10  }
0x32: {  	s10 =	sld [smem:$0x3FB4];
	_ =	sdelay $0x3  }
0x33: {  	p0 =	seq.s32 s10, $0x1;
	s10 =	sld [smem:$0x3FB6];
	_ =	sdelay $0x3  }
0x34: {  	[smem:$0x3FB6] =	sst s10  }
0x35: {  	s10 =	sld [smem:$0x3FB5];
	_ =	sdelay $0x3  }
0x36: {  	p1 =	seq.s32 s10, $0x1;
	s10 =	sld [smem:$0x3FB6];
	_ =	sdelay $0x3  }
0x37: {  	[smem:$0x3FB6] =	sst s10  }
0x38: {  	s10 =	sld [smem:$0x3FB7]  }
0x39: {  	_ = 	snop;
	(pc) =	sbr.ind lr, $3  }
0x3a: {  	_ = 	snop  }
0x3b: {  	_ = 	snop  }
0x3c: {  	p2 =	seq.s32 s10, $0x1;
	s10 =	sld [smem:$0x3FB6]  }
0x3d: {  	_ =	shalt  }
0x3e: {  	_ =	shalt  }
0x3f: {  	_ =	shalt  }
0x40: {  	_ =	shalt  }
0x41: {  	_ =	shalt  }
0x42: {  	_ =	shalt  }
0x43: {  	_ =	shalt  }
0x44: {  	_ =	shalt  }
0x45: {  	_ =	shalt  }
0x46: {  	_ =	shalt  }
0x47: {  	_ =	shalt  }
0x48: {  	_ =	shalt  }
0x49: {  	_ =	shalt  }
0x4a: {  	_ =	shalt  }
0x4b: {  	_ =	shalt  }
0x4c: {  	_ =	shalt  }
0x4d: {  	_ =	shalt  }
0x4e: {  	_ =	shalt  }
0x4f: {  	_ =	shalt  }
0x50: {  	_ =	shalt  }
0x51: {  	_ =	shalt  }
0x52: {  	_ =	shalt  }
0x53: {  	_ =	shalt  }
0x54: {  	_ =	shalt  }
0x55: {  	_ =	shalt  }
0x56: {  	_ =	shalt  }
0x57: {  	_ =	shalt  }
0x58: {  	_ =	shalt  }
0x59: {  	_ =	shalt  }
0x5a: {  	_ =	shalt  }
0x5b: {  	_ =	shalt  }
0x5c: {  	_ =	shalt  }
0x5d: {  	_ =	shalt  }
0x5e: {  	_ =	shalt  }
0x5f: {  	_ =	shalt  }
0x60: {  	_ =	shalt  }
0x61: {  	_ =	shalt  }
0x62: {  	_ =	shalt  }
0x63: {  	_ =	shalt  }
0x64: {  	_ =	shalt  }
0x65: {  	_ =	shalt  }
0x66: {  	_ =	shalt  }
0x67: {  	_ =	shalt  }
0x68: {  	_ =	shalt  }
0x69: {  	_ =	shalt  }
0x6a: {  	_ =	shalt  }
0x6b: {  	_ =	shalt  }
0x6c: {  	_ =	shalt  }
0x6d: {  	_ =	shalt  }
0x6e: {  	_ =	shalt  }
0x6f: {  	_ =	shalt  }
0x70: {  	_ =	shalt  }
0x71: {  	_ =	shalt  }
0x72: {  	_ =	shalt  }
0x73: {  	_ =	shalt  }
0x74: {  	_ =	shalt  }
0x75: {  	_ =	shalt  }
0x76: {  	_ =	shalt  }
0x77: {  	_ =	shalt  }
0x78: {  	_ =	shalt  }
0x79: {  	_ =	shalt  }
0x7a: {  	_ =	shalt  }
0x7b: {  	_ =	shalt  }
0x7c: {  	_ =	shalt  }
0x7d: {  	_ =	shalt  }
0x7e: {  	_ =	shalt  }
0x7f: {  	_ =	shalt  }
0x80: {  	_ =	shalt  }
0x81: {  	_ =	shalt  }
0x82: {  	_ =	shalt  }
0x83: {  	_ =	shalt  }
0x84: {  	_ =	shalt  }
0x85: {  	_ =	shalt  }
0x86: {  	_ =	shalt  }
0x87: {  	_ =	shalt  }
.Lfunc_end0:
.L_simem_size_0:
called_computation_lowered:
.L_overlay_start_0:
0x88: {  	s2 =	sld [smem:$0x3FD9]  }
0x89: {  	s3 =	sld [smem:$0x3FFE];
	_ =	sdelay $0x1  }
0x8a: {  	s1 =	srdreg.scid  }
0x8b: {  	s0 =	sand.u32 $0x1, s1  }
0x8c: {  	s14 =	sshll.u32 s0, $0xA;
	s2 =	sadd.s32 s3, s2  }
0x8d: {  	s2 =	sadd.s32 s2, s14  }
0x8e: {  	[smem:$0x3FC2] =	sst s2  }
0x8f: {  	_ = 	snop  }
0x90: {  	s2 =	sld [smem:$0x3FD0]  }
0x91: {  	s15 =	sld [smem:$0x3FC9]  }
0x92: {  	s4 =	sld [smem:$0x3FC8]  }
0x93: {  	s6 =	simm.s32 $0xA;
	s7 =	simm.s32 $0x10;
	s5 =	sld [smem:$0x3FC7]  }
0x94: {  	[smem:s7], [sflag:s6] =	dma.local [hbm:s2], $0x1  }
0x95: {  	_ =	swait.eq [sflag:s6], $0x1  }
0x96: {  	[sflag:s6] =	ssyncset.done $0x0  }
0x97: {  	s16 =	sld [smem:$0x10];
	[sflag:s6] =	ssyncadd.s32 $0xFFFFFFFF  }
0x98: {  	s17 =	sld [smem:$0x11];
	(tm) =	ssettm $0x1  }
0x99: {  	s18 =	sld [smem:$0x3FFB];
	_ =	sdelay $0x3  }
0x9a: {  	_ =	strace s18  }
0x9b: {  	s7 =	sld [smem:$0x3FFC];
	_ =	sdelay $0x3  }
0x9c: {  	_ =	strace s7  }
0x9d: {  	s7 =	sld [smem:$0x3FFD];
	_ =	sdelay $0x3  }
0x9e: {  	_ =	strace s7  }
0x9f: {  	_ =	strace $0x8FFFFFFF  }
0xa0: {  	s19 =	sld [smem:$0x3FDB];
	_ =	sdelay $0x1  }
0xa1: {  	s8 =	simm.s32 $_scs_section_size  }
0xa2: {  	s9 =	simm.s32 $_size__tile_overlayer_lowered;
	s10 =	simm.s32 $_tile_overlayer_lowered  }
0xa3: {  	s22 =	simm.s32 $0x1BFF;
	s21 =	sshll.u32 s10, $0x1;
	s7 =	sadd.s32 s8, s19  }
0xa4: {  	s11 =	simm.s32 $0x0;
	s20 =	sshll.u32 s9, $0x1;
	s9 =	sadd.s32 s21, s7  }
0xa5: {  	[timem:s11], [sflag:s22] =	dma.local [hbm:s9], s20  }
0xa6: {  	_ =	swait.ge [sflag:s22], s20  }
0xa7: {  	s8 =	ssub.s32 $0x0, s20;
	[sflag:s22] =	ssyncset.done $0x0  }
0xa8: {  	[sflag:s22] =	ssyncadd.s32 s8;
	_ =	sdelay $0x1  }
0xa9: {  	s23 =	simm.s32 $0x1B8B  }
0xaa: {  	_ =	swait.ge [sflag:s23], $0x1  }
0xab: {  	[sflag:s23] =	ssyncset.done $0x0  }
0xac: {  	s25 =	simm.s32 $0x1B8E;
	s24 =	sld [smem:$0x3FFE];
	[sflag:s23] =	ssyncadd.s32 $0xFFFFFFFF  }
0xad: {  	s26 =	simm.s32 $execute0_lowered;
	[smem:$0x3FD2] =	sst s25  }
0xae: {  	s9 =	sshll.u32 s26, $0x1;
	_ =	strace $0x80000046;
	[dreg:$0x1] =	wrdreg $0xFFFFFFFF  }
0xaf: {  	s28 =	simm.s32 $_size_execute0_lowered;
	s7 =	sadd.s32 s7, s9;
	[dreg:$0x0] =	wrdreg $0x0  }
0xb0: {  	s9 =	sshll.u32 s28, $0x1;
	[dreg:$0x2] =	wrdreg s7  }
0xb1: {  	[dreg:$0x3] =	wrdreg s9  }
0xb2: {  	[dreg:$0x4] =	wrdreg $0xC0  }
0xb3: {  	_ =	task [dreg:s11], $0x5FFFF  }
0xb4: {  	[dreg:$0x1] =	wrdreg $0xFFFFFFFF  }
0xb5: {  	[dreg:$0x0] =	wrdreg $0x60  }
0xb6: {  	[dreg:$0x2] =	wrdreg s15  }
0xb7: {  	[dreg:$0x3] =	wrdreg s4  }
0xb8: {  	[dreg:$0x4] =	wrdreg s5  }
0xb9: {  	[dreg:$0x5] =	wrdreg s17  }
0xba: {  	[dreg:$0x6] =	wrdreg s24  }
0xbb: {  	[dreg:$0x7] =	wrdreg s16  }
0xbc: {  	[dreg:$0x8] =	wrdreg $0x9  }
0xbd: {  	_ =	task.clear_ibuf [dreg:s11], $0x9FFFF;
	_ =	strace $0x90000046  }
0xbe: {  	s29 =	simm.s32 $0x9;
	_ =	strace $0x80000048  }
0xbf: {  	_ =	swait.ge [sflag:s29], $0x1  }
0xc0: {  	[sflag:s29] =	ssyncadd.s32 $0xFFFFFFFF  }
0xc1: {  	_ =	strace $0x90000048  }
0xc2: {  	_ =	sfence  }
0xc3: {  	s30 =	sld [smem:$0x0];
	_ =	sdelay $0x2  }
0xc4: {  	s31 =	sshll.u32 s1, $0xD;
	s1 =	sshrl.u32 s1, $0x2  }
0xc5: {  	s3 =	sand.u32 $0x4000, s31;
	s1 =	sadd.s32 s1, s30  }
0xc6: {  	s0 =	sor.u32 s3, s0;
	s1 =	sshll.u32 s1, $0x11  }
0xc7: {  	s0 =	sor.u32 s1, s0  }
0xc8: {  	s0 =	sadd.s32 $0x8F2B, s0  }
0xc9: {  	[sflag:s0] =	ssyncadd.remote.s32 $0x1  }
0xca: {  	_ =	sfence.sel $0xFFFF  }
0xcb: {  	[dreg:$0x0] =	wrdreg $0xFFFFFFFF;
	(pc) =	sbr.abs _section_cstart, $3  }
0xcc: {  	[dreg:$0x1] =	wrdreg $0xFFFFFFFF  }
0xcd: {  	_ =	task.clear_ibuf [dreg:s11], $0x2FFFF;
	_ =	strace $0x9FFFFFFF  }
0xce: {  	(tm) =	ssettm $0x7FFFFFFF  }
0xcf: {  	_ =	shalt  }
tec
execute0_lowered:
.L_overlay_start_1:
0x0: {  	(tag) =	ssettag $0x1  }
0x1: {  	s4 =	rddreg [dreg:$0x3]  }
0x2: {  	s0 =	rddreg [dreg:$0x4];
	s6 =	simm.s32 $0x0  }
0x3: {  	s1 =	srdreg.scid;
	s5 =	stileid.u32;
	s13 =	simm.s32 $0x2  }
0x4: {  	s14 =	simm.s32 $0x80;
	s15 =	simm.s32 $0x100;
	s16 =	simm.s32 $0x180  }
0x5: {  	s17 =	simm.s32 $0x200;
	s18 =	simm.s32 $0x280;
	s19 =	simm.s32 $0x300  }
0x6: {  	s20 =	simm.s32 $0x380;
	s21 =	simm.s32 $0x400;
	s22 =	simm.s32 $0x2400  }
0x7: {  	s23 =	simm.s32 $0x4400;
	s24 =	simm.s32 $0x6400;
	s30 =	simm.s32 $0x1  }
0x8: {  	s12 =	simm.s32 $0x10580;
	[smem:$0x7FF] =	sst s6;
	s1 =	sand.u32 $0x1, s1  }
0x9: {  	v0 =	vlaneseq.u32;
	s8 =	sadd.s32 $0xF43000, s0;
	s9 =	sadd.s32 $0xC00, s0;
	s2 =	ssub.s32 $0x2, s1  }
0xa: {  	s29 =	sshll.u32 s5, $0x7;
	s10 =	sadd.s32 $0x2C00, s0;
	v0 =	vmul.u32 $0x40, v0;
	s3 =	sshrl.u32 s2, $0x1  }
0xb: {  	_ =	strace $0x80000047;
	s1 =	sshll.u32 s1, $0x6;
	s2 =	ssub.s32 s2, s3  }
0xc: {  	s11 =	sor.u32 s1, s29;
	v1 =	vor.u32 $0x8000, v0;
	s1 =	simm.s32 $0x10600;
	s31 =	smax.u32 s2, $0x1  }
0xd: {  	v2 =	vor.u32 $0x6000, v0;
	v3 =	vor.u32 $0x4000, v0;
	v4 =	vor.u32 $0x2000, v0;
	s3 =	simm.s32 $0x0;
	s2 =	simm.s32 $0x10680;
	[dreg:$0x7] =	wrdreg s31  }
.LBB2_1:
0xe: {  	[dreg:$0x8] =	wrdreg s3;
	s3 =	simm.s32 $0x0  }
.LBB2_2:
0xf: {  	s0 =	sshll.u32 s3, $0x4  }
0x10: {  	s25 =	rddreg [dreg:$0x0];
	s5 =	sadd.s32 s11, s0  }
0x11: {  	s0 =	sadd.s32 s25, s5;
	s25 =	simm.s32 $0x0  }
0x12: {  	[tilespmem:s25], [sflag:$0x2] =	stream.linear.gather [hbm4b:s0+s25], $0x80, $0x38;
	[tilespmem:$0x10700] =	vst v63  }
0x13: {  	_ =	swait.ge [sflag:s13], $0x80  }
0x14: {  	[sflag:s13] =	ssyncset.done $0x0  }
0x15: {  	[sflag:s13] =	ssyncadd.s32 $0xFFFFFF80  }
0x16: {  	s26 =	rddreg [dreg:$0x1]  }
0x17: {  	s0 =	sadd.s32 s26, s5  }
0x18: {  	[tilespmem:s14], [sflag:$0x2] =	stream.linear.gather [hbm4b:s0+s25], $0x80, $0x38;
	[tilespmem:$0x10700] =	vst v63  }
0x19: {  	_ =	swait.ge [sflag:s13], $0x80  }
0x1a: {  	[sflag:s13] =	ssyncset.done $0x0  }
0x1b: {  	[sflag:s13] =	ssyncadd.s32 $0xFFFFFF80  }
0x1c: {  	s7 =	rddreg [dreg:$0x2]  }
0x1d: {  	s0 =	sadd.s32 s7, s5  }
0x1e: {  	[tilespmem:s15], [sflag:$0x2] =	stream.linear.gather [hbm4b:s0+s25], $0x80, $0x38;
	[tilespmem:$0x10700] =	vst v63  }
0x1f: {  	_ =	swait.ge [sflag:s13], $0x80  }
0x20: {  	[sflag:s13] =	ssyncset.done $0x0  }
0x21: {  	s26 =	sadd.s32 s4, s5;
	[sflag:s13] =	ssyncadd.s32 $0xFFFFFF80  }
0x22: {  	[tilespmem:s16], [sflag:$0x2] =	stream.linear.gather [hbm4b:s26+s25], $0x80, $0x38;
	[tilespmem:$0x10700] =	vst v63  }
0x23: {  	_ =	swait.ge [sflag:s13], $0x80  }
0x24: {  	s26 =	sor.u32 $0x800, s5;
	[sflag:s13] =	ssyncset.done $0x0  }
0x25: {  	s7 =	sadd.s32 s4, s26;
	[sflag:s13] =	ssyncadd.s32 $0xFFFFFF80  }
0x26: {  	[tilespmem:s17], [sflag:$0x2] =	stream.linear.gather [hbm4b:s7+s25], $0x80, $0x38;
	[tilespmem:$0x10700] =	vst v63  }
0x27: {  	_ =	swait.ge [sflag:s13], $0x80  }
0x28: {  	s28 =	sor.u32 $0x1000, s5;
	[sflag:s13] =	ssyncset.done $0x0  }
0x29: {  	s7 =	sadd.s32 s4, s28;
	[sflag:s13] =	ssyncadd.s32 $0xFFFFFF80  }
0x2a: {  	[tilespmem:s18], [sflag:$0x2] =	stream.linear.gather [hbm4b:s7+s25], $0x80, $0x38;
	[tilespmem:$0x10700] =	vst v63  }
0x2b: {  	_ =	swait.ge [sflag:s13], $0x80  }
0x2c: {  	s29 =	sor.u32 $0x1800, s5;
	[sflag:s13] =	ssyncset.done $0x0  }
0x2d: {  	s7 =	sadd.s32 s4, s29;
	[sflag:s13] =	ssyncadd.s32 $0xFFFFFF80  }
0x2e: {  	[tilespmem:s19], [sflag:$0x2] =	stream.linear.gather [hbm4b:s7+s25], $0x80, $0x38;
	[tilespmem:$0x10700] =	vst v63  }
0x2f: {  	_ =	swait.ge [sflag:s13], $0x80  }
0x30: {  	s31 =	sor.u32 $0x2000, s5;
	[sflag:s13] =	ssyncset.done $0x0  }
0x31: {  	s7 =	sadd.s32 s4, s31;
	[sflag:s13] =	ssyncadd.s32 $0xFFFFFF80  }
0x32: {  	[tilespmem:s20], [sflag:$0x2] =	stream.linear.gather [hbm4b:s7+s25], $0x80, $0x38;
	[tilespmem:$0x10700] =	vst v63  }
0x33: {  	_ =	swait.ge [sflag:s13], $0x80  }
0x34: {  	[sflag:s13] =	ssyncset.done $0x0  }
0x35: {  	[sflag:s13] =	ssyncadd.s32 $0xFFFFFF80  }
0x36: {  	[tilespmem:s21], [sflag:$0x1] =	stream.indirect.gather [hbm4b:s8+s14], $0x40, s25, s14, $0xb8;
	[tilespmem:$0x10700] =	vst v63  }
0x37: {  	_ = 	snop  }
0x38: {  	[tilespmem:s22], [sflag:$0x1] =	stream.indirect.gather [hbm4b:s9+s14], $0x40, s14, s14, $0xb8;
	[tilespmem:$0x10700] =	vst v63  }
0x39: {  	_ = 	snop  }
0x3a: {  	[tilespmem:s23], [sflag:$0x1] =	stream.indirect.gather [hbm4b:s8+s14], $0x40, s15, s14, $0xb8;
	[tilespmem:$0x10700] =	vst v63  }
0x3b: {  	_ = 	snop  }
0x3c: {  	[tilespmem:s24], [sflag:$0x1] =	stream.indirect.gather [hbm4b:s8+s14], $0x40, s16, s14, $0xb8;
	[tilespmem:$0x10700] =	vst v63  }
0x3d: {  	s7 =	simm.s32 $0x8400  }
0x3e: {  	[tilespmem:s7], [sflag:$0x1] =	stream.indirect.gather [hbm4b:s8+s14], $0x40, s17, s14, $0xb8;
	[tilespmem:$0x10700] =	vst v63  }
0x3f: {  	s7 =	simm.s32 $0xA400  }
0x40: {  	[tilespmem:s7], [sflag:$0x1] =	stream.indirect.gather [hbm4b:s8+s14], $0x40, s18, s14, $0xb8;
	[tilespmem:$0x10700] =	vst v63  }
0x41: {  	s7 =	simm.s32 $0xC400  }
0x42: {  	[tilespmem:s7], [sflag:$0x1] =	stream.indirect.gather [hbm4b:s8+s14], $0x40, s19, s14, $0xb8;
	[tilespmem:$0x10700] =	vst v63  }
0x43: {  	s7 =	simm.s32 $0xE400  }
0x44: {  	[tilespmem:s7], [sflag:$0x1] =	stream.indirect.gather [hbm4b:s8+s14], $0x40, s20, s14, $0xb8;
	[tilespmem:$0x10700] =	vst v63  }
0x45: {  	_ =	swait.ge [sflag:s30], $0x2000  }
0x46: {  	[sflag:s30] =	ssyncset.done $0x0  }
0x47: {  	[sflag:s30] =	ssyncadd.s32 $0xFFFFE000  }
0x48: {  	_ =	swait.ge [sflag:s30], $0x2000  }
0x49: {  	[sflag:s30] =	ssyncset.done $0x0  }
0x4a: {  	[sflag:s30] =	ssyncadd.s32 $0xFFFFE000  }
0x4b: {  	_ =	swait.ge [sflag:s30], $0x2000  }
0x4c: {  	[sflag:s30] =	ssyncset.done $0x0  }
0x4d: {  	[sflag:s30] =	ssyncadd.s32 $0xFFFFE000  }
0x4e: {  	_ =	swait.ge [sflag:s30], $0x2000  }
0x4f: {  	[sflag:s30] =	ssyncset.done $0x0  }
0x50: {  	[sflag:s30] =	ssyncadd.s32 $0xFFFFE000  }
0x51: {  	_ =	swait.ge [sflag:s30], $0x2000  }
0x52: {  	[sflag:s30] =	ssyncset.done $0x0  }
0x53: {  	[sflag:s30] =	ssyncadd.s32 $0xFFFFE000  }
0x54: {  	_ =	swait.ge [sflag:s30], $0x2000  }
0x55: {  	[sflag:s30] =	ssyncset.done $0x0  }
0x56: {  	[sflag:s30] =	ssyncadd.s32 $0xFFFFE000  }
0x57: {  	_ =	swait.ge [sflag:s30], $0x2000  }
0x58: {  	[sflag:s30] =	ssyncset.done $0x0  }
0x59: {  	[sflag:s30] =	ssyncadd.s32 $0xFFFFE000  }
0x5a: {  	_ =	swait.ge [sflag:s30], $0x2000  }
0x5b: {  	[sflag:s30] =	ssyncset.done $0x0  }
0x5c: {  	s0 =	simm.s32 $0x10400;
	s7 =	simm.s32 $0x10580;
	[sflag:s30] =	ssyncadd.s32 $0xFFFFE000  }
.LBB2_3:
0x5d: {  	v5 =	vmov s25  }
0x5e: {  	v5 =	vshll.u32 v5, $0x6  }
0x5f: {  	v9 =	vor.u32 v0, v5;
	_ =	sdelay $0x3  }
0x60: {  	v8 =	vor.u32 v4, v5  }
0x61: {  	v7 =	vor.u32 v3, v5;
	v10 =	vld.idx.msk [tilespmem:v9+s21+$0x0], $0xffff  }
0x62: {  	v6 =	vor.u32 v2, v5;
	v11 =	vld.idx.msk [tilespmem:v9+s22+$0x0], $0xffff  }
0x63: {  	v5 =	vor.u32 v1, v5;
	v12 =	vld.idx.msk [tilespmem:v9+s23+$0x0], $0xffff  }
0x64: {  	v14 =	vor.u32 $0x1, v9;
	v13 =	vld.idx.msk [tilespmem:v9+s24+$0x0], $0xffff  }
0x65: {  	v15 =	vld.idx.msk [tilespmem:v8+s24+$0x0], $0xffff  }
0x66: {  	v16 =	vld.idx.msk [tilespmem:v7+s24+$0x0], $0xffff  }
0x67: {  	v17 =	vld.idx.msk [tilespmem:v6+s24+$0x0], $0xffff  }
0x68: {  	v19 =	vor.u32 $0x1, v8;
	v18 =	vld.idx.msk [tilespmem:v5+s24+$0x0], $0xffff  }
0x69: {  	v21 =	vor.u32 $0x1, v7;
	v20 =	vld.idx.msk [tilespmem:v14+s21+$0x0], $0xffff  }
0x6a: {  	v22 =	vor.u32 $0x1, v6;
	v50 =	vld.idx.msk [tilespmem:v14+s22+$0x0], $0xffff  }
0x6b: {  	v24 =	vor.u32 $0x1, v5;
	v23 =	vld.idx.msk [tilespmem:v14+s23+$0x0], $0xffff  }
0x6c: {  	v25 =	vor.u32 $0x2, v9;
	v14 =	vld.idx.msk [tilespmem:v14+s24+$0x0], $0xffff  }
0x6d: {  	v19 =	vld.idx.msk [tilespmem:v19+s24+$0x0], $0xffff  }
0x6e: {  	v21 =	vld.idx.msk [tilespmem:v21+s24+$0x0], $0xffff  }
0x6f: {  	v22 =	vld.idx.msk [tilespmem:v22+s24+$0x0], $0xffff  }
0x70: {  	v52 =	vor.u32 $0x2, v8;
	v51 =	vld.idx.msk [tilespmem:v24+s24+$0x0], $0xffff  }
0x71: {  	v26 =	vor.u32 $0x2, v7;
	v53 =	vld.idx.msk [tilespmem:v25+s21+$0x0], $0xffff  }
0x72: {  	v28 =	vor.u32 $0x2, v6;
	v27 =	vld.idx.msk [tilespmem:v25+s22+$0x0], $0xffff  }
0x73: {  	v30 =	vor.u32 $0x2, v5;
	v29 =	vld.idx.msk [tilespmem:v25+s23+$0x0], $0xffff  }
0x74: {  	v31 =	vor.u32 $0x3, v9;
	v25 =	vld.idx.msk [tilespmem:v25+s24+$0x0], $0xffff  }
0x75: {  	v24 =	vld.idx.msk [tilespmem:v52+s24+$0x0], $0xffff  }
0x76: {  	v55 =	vld.idx.msk [tilespmem:v26+s24+$0x0], $0xffff  }
0x77: {  	v34 =	vor.u32 $0x3, v6;
	v58 =	vld.idx.msk [tilespmem:v28+s24+$0x0], $0xffff;
	v10 =	vadd.f32 v11, v10  }
0x78: {  	v60 =	vor.u32 $0x3, v8;
	v63 =	vor.u32 $0x3, v7;
	v37 =	vor.u32 $0x3, v5;
	v59 =	vld.idx.msk [tilespmem:v30+s24+$0x0], $0xffff  }
0x79: {  	v39 =	vor.u32 $0x4, v9;
	v62 =	vld.idx.msk [tilespmem:v31+s21+$0x0], $0xffff;
	v11 =	vadd.f32 v50, v20;
	v12 =	vsub.f32 v10, v12  }
0x7a: {  	v45 =	vor.u32 $0x4, v8;
	v33 =	vld.idx.msk [tilespmem:v31+s22+$0x0], $0xffff;
	v13 =	vsub.f32 v10, v13;
	v15 =	vsub.f32 v10, v15  }
0x7b: {  	v48 =	vor.u32 $0x4, v7;
	v36 =	vld.idx.msk [tilespmem:v31+s23+$0x0], $0xffff;
	v16 =	vsub.f32 v10, v16;
	v17 =	vsub.f32 v10, v17  }
0x7c: {  	v43 =	vld.idx.msk [tilespmem:v34+s24+$0x0], $0xffff;
	v34 =	vor.u32 $0x5, v6;
	v10 =	vsub.f32 v10, v18;
	v18 =	vadd.f32 v27, v53  }
0x7d: {  	v44 =	vld.idx.msk [tilespmem:v37+s24+$0x0], $0xffff;
	v37 =	vor.u32 $0x5, v5;
	v23 =	vsub.f32 v11, v23;
	v14 =	vsub.f32 v11, v14  }
0x7e: {  	v38 =	vld.idx.msk [tilespmem:v31+s24+$0x0], $0xffff;
	v50 =	vor.u32 $0x4, v6;
	v19 =	vsub.f32 v11, v19;
	v21 =	vsub.f32 v11, v21  }
0x7f: {  	v47 =	vld.idx.msk [tilespmem:v39+s21+$0x0], $0xffff;
	v53 =	vor.u32 $0x4, v5;
	v22 =	vsub.f32 v11, v22;
	v11 =	vsub.f32 v11, v51  }
0x80: {  	v49 =	vld.idx.msk [tilespmem:v39+s22+$0x0], $0xffff;
	v12 =	vand.u32 $0x7FFFFFFF, v12;
	v13 =	vand.u32 $0x7FFFFFFF, v13;
	v15 =	vand.u32 $0x7FFFFFFF, v15  }
0x81: {  	v52 =	vld.idx.msk [tilespmem:v39+s23+$0x0], $0xffff;
	v16 =	vand.u32 $0x7FFFFFFF, v16;
	v32 =	vsub.f32 v18, v29;
	v35 =	vsub.f32 v18, v25  }
0x82: {  	v24 =	vsub.f32 v18, v24;
	v23 =	vand.u32 $0x7FFFFFFF, v23;
	v56 =	vand.u32 $0x7FFFFFFF, v21;
	v21 =	vld.idx.msk [tilespmem:v63+s24+$0x0], $0xffff  }
0x83: {  	v14 =	vand.u32 $0x7FFFFFFF, v14;
	v54 =	vand.u32 $0x7FFFFFFF, v19;
	v12 =	vadd.f32 v23, v12;
	v23 =	vld.idx.msk [tilespmem:v60+s24+$0x0], $0xffff  }
0x84: {  	v17 =	vand.u32 $0x7FFFFFFF, v17;
	v13 =	vadd.f32 v14, v13;
	v14 =	vadd.f32 v54, v15;
	v54 =	vld.idx.msk [tilespmem:v39+s24+$0x0], $0xffff  }
0x85: {  	v19 =	vsub.f32 v18, v55;
	v55 =	vor.u32 $0x5, v9;
	v40 =	vand.u32 $0x7FFFFFFF, v24;
	v24 =	vld.idx.msk [tilespmem:v45+s24+$0x0], $0xffff  }
0x86: {  	v57 =	vand.u32 $0x7FFFFFFF, v22;
	v22 =	vsub.f32 v18, v58;
	v18 =	vsub.f32 v18, v59;
	v59 =	vld.idx.msk [tilespmem:v50+s24+$0x0], $0xffff  }
0x87: {  	v61 =	vadd.f32 v57, v17;
	v17 =	vadd.f32 v33, v62;
	v41 =	vand.u32 $0x7FFFFFFF, v19;
	v19 =	vld.idx.msk [tilespmem:v48+s24+$0x0], $0xffff  }
0x88: {  	v10 =	vand.u32 $0x7FFFFFFF, v10;
	v11 =	vand.u32 $0x7FFFFFFF, v11;
	v15 =	vadd.f32 v56, v16;
	v60 =	vld.idx.msk [tilespmem:v53+s24+$0x0], $0xffff  }
0x89: {  	v10 =	vadd.f32 v11, v10;
	v42 =	vand.u32 $0x7FFFFFFF, v22;
	v22 =	vsub.f32 v17, v43;
	v43 =	vld.idx.msk [tilespmem:v34+s24+$0x0], $0xffff  }
0x8a: {  	v11 =	vand.u32 $0x7FFFFFFF, v35;
	v16 =	vadd.f32 v49, v47;
	v39 =	vor.u32 $0x6, v9;
	v62 =	vld.idx.msk [tilespmem:v55+s21+$0x0], $0xffff  }
0x8b: {  	v11 =	vadd.f32 v11, v13;
	v13 =	vadd.f32 v40, v14;
	v33 =	vld.idx.msk [tilespmem:v55+s22+$0x0], $0xffff  }
0x8c: {  	v63 =	vor.u32 $0x5, v7;
	v46 =	vadd.f32 v42, v61;
	v25 =	vsub.f32 v17, v36;
	v36 =	vld.idx.msk [tilespmem:v55+s23+$0x0], $0xffff  }
0x8d: {  	v50 =	vor.u32 $0x6, v6;
	v51 =	vsub.f32 v17, v38;
	v21 =	vsub.f32 v17, v21;
	v38 =	vld.idx.msk [tilespmem:v55+s24+$0x0], $0xffff  }
0x8e: {  	v58 =	vand.u32 $0x7FFFFFFF, v22;
	v23 =	vsub.f32 v17, v23;
	v17 =	vsub.f32 v17, v44;
	v44 =	vld.idx.msk [tilespmem:v37+s24+$0x0], $0xffff  }
0x8f: {  	v26 =	vand.u32 $0x7FFFFFFF, v32;
	v14 =	vadd.f32 v41, v15;
	v15 =	vadd.f32 v58, v46;
	v46 =	vld.idx.msk [tilespmem:v39+s21+$0x0], $0xffff  }
0x90: {  	v45 =	vor.u32 $0x6, v8;
	v18 =	vand.u32 $0x7FFFFFFF, v18;
	v53 =	vor.u32 $0x6, v5;
	v49 =	vld.idx.msk [tilespmem:v39+s22+$0x0], $0xffff  }
0x91: {  	v12 =	vadd.f32 v26, v12;
	v61 =	vor.u32 $0x5, v8;
	v32 =	vsub.f32 v16, v52;
	v52 =	vld.idx.msk [tilespmem:v39+s23+$0x0], $0xffff  }
0x92: {  	v47 =	vor.u32 $0x6, v7;
	v10 =	vadd.f32 v18, v10;
	v35 =	vsub.f32 v16, v54;
	v54 =	vld.idx.msk [tilespmem:v39+s24+$0x0], $0xffff  }
0x93: {  	v34 =	vor.u32 $0x7, v6;
	v25 =	vand.u32 $0x7FFFFFFF, v25;
	v22 =	vsub.f32 v16, v59;
	v59 =	vld.idx.msk [tilespmem:v50+s24+$0x0], $0xffff  }
0x94: {  	v55 =	vor.u32 $0x7, v9;
	v24 =	vsub.f32 v16, v24;
	v57 =	vand.u32 $0x7FFFFFFF, v21;
	v21 =	vld.idx.msk [tilespmem:v63+s24+$0x0], $0xffff  }
0x95: {  	v18 =	vand.u32 $0x7FFFFFFF, v51;
	v19 =	vsub.f32 v16, v19;
	v16 =	vsub.f32 v16, v60;
	v60 =	vld.idx.msk [tilespmem:v53+s24+$0x0], $0xffff  }
0x96: {  	v12 =	vadd.f32 v25, v12;
	v39 =	vor.u32 $0x8, v9;
	v56 =	vand.u32 $0x7FFFFFFF, v23;
	v23 =	vld.idx.msk [tilespmem:v61+s24+$0x0], $0xffff  }
0x97: {  	v11 =	vadd.f32 v18, v11;
	v25 =	vand.u32 $0x7FFFFFFF, v32;
	v40 =	vand.u32 $0x7FFFFFFF, v24;
	v24 =	vld.idx.msk [tilespmem:v45+s24+$0x0], $0xffff  }
0x98: {  	v37 =	vor.u32 $0x7, v5;
	v50 =	vor.u32 $0x8, v6;
	v41 =	vand.u32 $0x7FFFFFFF, v19;
	v19 =	vld.idx.msk [tilespmem:v47+s24+$0x0], $0xffff  }
0x99: {  	v14 =	vadd.f32 v57, v14;
	v17 =	vand.u32 $0x7FFFFFFF, v17;
	v18 =	vadd.f32 v33, v62;
	v62 =	vld.idx.msk [tilespmem:v55+s21+$0x0], $0xffff  }
0x9a: {  	v12 =	vadd.f32 v25, v12;
	v10 =	vadd.f32 v17, v10;
	v17 =	vand.u32 $0x7FFFFFFF, v35;
	v33 =	vld.idx.msk [tilespmem:v55+s22+$0x0], $0xffff  }
0x9b: {  	v42 =	vand.u32 $0x7FFFFFFF, v22;
	v11 =	vadd.f32 v17, v11;
	v17 =	vadd.f32 v49, v46;
	v46 =	vld.idx.msk [tilespmem:v39+s21+$0x0], $0xffff  }
0x9c: {  	v63 =	vor.u32 $0x7, v7;
	v13 =	vadd.f32 v56, v13;
	v15 =	vadd.f32 v42, v15;
	v49 =	vld.idx.msk [tilespmem:v39+s22+$0x0], $0xffff  }
0x9d: {  	v53 =	vor.u32 $0x8, v5;
	v14 =	vadd.f32 v41, v14;
	v48 =	vsub.f32 v18, v36;
	v36 =	vld.idx.msk [tilespmem:v55+s23+$0x0], $0xffff  }
0x9e: {  	v61 =	vor.u32 $0x7, v8;
	v13 =	vadd.f32 v40, v13;
	v51 =	vsub.f32 v18, v38;
	v38 =	vld.idx.msk [tilespmem:v55+s24+$0x0], $0xffff  }
0x9f: {  	v45 =	vor.u32 $0x8, v8;
	v21 =	vsub.f32 v18, v21;
	v22 =	vsub.f32 v18, v43;
	v43 =	vld.idx.msk [tilespmem:v34+s24+$0x0], $0xffff  }
0xa0: {  	v16 =	vand.u32 $0x7FFFFFFF, v16;
	v23 =	vsub.f32 v18, v23;
	v18 =	vsub.f32 v18, v44;
	v44 =	vld.idx.msk [tilespmem:v37+s24+$0x0], $0xffff  }
0xa1: {  	v47 =	vor.u32 $0x8, v7;
	v10 =	vadd.f32 v16, v10;
	v32 =	vsub.f32 v17, v52;
	v52 =	vld.idx.msk [tilespmem:v39+s23+$0x0], $0xffff  }
0xa2: {  	v55 =	vor.u32 $0x9, v9;
	v34 =	vor.u32 $0x9, v6;
	v35 =	vsub.f32 v17, v54;
	v54 =	vld.idx.msk [tilespmem:v39+s24+$0x0], $0xffff  }
0xa3: {  	v24 =	vsub.f32 v17, v24;
	v37 =	vor.u32 $0x9, v5;
	v57 =	vand.u32 $0x7FFFFFFF, v21;
	v21 =	vld.idx.msk [tilespmem:v63+s24+$0x0], $0xffff  }
0xa4: {  	v39 =	vor.u32 $0xA, v9;
	v58 =	vand.u32 $0x7FFFFFFF, v22;
	v22 =	vsub.f32 v17, v59;
	v59 =	vld.idx.msk [tilespmem:v50+s24+$0x0], $0xffff  }
0xa5: {  	v25 =	vand.u32 $0x7FFFFFFF, v48;
	v19 =	vsub.f32 v17, v19;
	v17 =	vsub.f32 v17, v60;
	v60 =	vld.idx.msk [tilespmem:v53+s24+$0x0], $0xffff  }
0xa6: {  	v16 =	vand.u32 $0x7FFFFFFF, v51;
	v63 =	vor.u32 $0x9, v7;
	v56 =	vand.u32 $0x7FFFFFFF, v23;
	v23 =	vld.idx.msk [tilespmem:v61+s24+$0x0], $0xffff  }
0xa7: {  	v50 =	vor.u32 $0xA, v6;
	v12 =	vadd.f32 v25, v12;
	v40 =	vand.u32 $0x7FFFFFFF, v24;
	v24 =	vld.idx.msk [tilespmem:v45+s24+$0x0], $0xffff  }
0xa8: {  	v11 =	vadd.f32 v16, v11;
	v14 =	vadd.f32 v57, v14;
	v41 =	vand.u32 $0x7FFFFFFF, v19;
	v19 =	vld.idx.msk [tilespmem:v47+s24+$0x0], $0xffff  }
0xa9: {  	v53 =	vor.u32 $0xA, v5;
	v15 =	vadd.f32 v58, v15;
	v16 =	vadd.f32 v33, v62;
	v62 =	vld.idx.msk [tilespmem:v55+s21+$0x0], $0xffff  }
0xaa: {  	v18 =	vand.u32 $0x7FFFFFFF, v18;
	v25 =	vand.u32 $0x7FFFFFFF, v32;
	v61 =	vor.u32 $0x9, v8;
	v33 =	vld.idx.msk [tilespmem:v55+s22+$0x0], $0xffff  }
0xab: {  	v45 =	vor.u32 $0xA, v8;
	v13 =	vadd.f32 v56, v13;
	v48 =	vsub.f32 v16, v36;
	v36 =	vld.idx.msk [tilespmem:v55+s23+$0x0], $0xffff  }
0xac: {  	v10 =	vadd.f32 v18, v10;
	v18 =	vand.u32 $0x7FFFFFFF, v35;
	v51 =	vsub.f32 v16, v38;
	v38 =	vld.idx.msk [tilespmem:v55+s24+$0x0], $0xffff  }
0xad: {  	v42 =	vand.u32 $0x7FFFFFFF, v22;
	v12 =	vadd.f32 v25, v12;
	v22 =	vsub.f32 v16, v43;
	v43 =	vld.idx.msk [tilespmem:v34+s24+$0x0], $0xffff  }
0xae: {  	v17 =	vand.u32 $0x7FFFFFFF, v17;
	v11 =	vadd.f32 v18, v11;
	v18 =	vadd.f32 v49, v46;
	v46 =	vld.idx.msk [tilespmem:v39+s21+$0x0], $0xffff  }
0xaf: {  	v47 =	vor.u32 $0xA, v7;
	v14 =	vadd.f32 v41, v14;
	v15 =	vadd.f32 v42, v15;
	v49 =	vld.idx.msk [tilespmem:v39+s22+$0x0], $0xffff  }
0xb0: {  	v55 =	vor.u32 $0xB, v9;
	v13 =	vadd.f32 v40, v13;
	v32 =	vsub.f32 v18, v52;
	v52 =	vld.idx.msk [tilespmem:v39+s23+$0x0], $0xffff  }
0xb1: {  	v34 =	vor.u32 $0xB, v6;
	v10 =	vadd.f32 v17, v10;
	v35 =	vsub.f32 v18, v54;
	v54 =	vld.idx.msk [tilespmem:v39+s24+$0x0], $0xffff  }
0xb2: {  	v21 =	vsub.f32 v16, v21;
	v58 =	vand.u32 $0x7FFFFFFF, v22;
	v22 =	vsub.f32 v18, v59;
	v59 =	vld.idx.msk [tilespmem:v50+s24+$0x0], $0xffff  }
0xb3: {  	v25 =	vand.u32 $0x7FFFFFFF, v48;
	v23 =	vsub.f32 v16, v23;
	v16 =	vsub.f32 v16, v44;
	v44 =	vld.idx.msk [tilespmem:v37+s24+$0x0], $0xffff  }
0xb4: {  	v17 =	vand.u32 $0x7FFFFFFF, v51;
	v24 =	vsub.f32 v18, v24;
	v57 =	vand.u32 $0x7FFFFFFF, v21;
	v21 =	vld.idx.msk [tilespmem:v63+s24+$0x0], $0xffff  }
0xb5: {  	v39 =	vor.u32 $0xC, v9;
	v19 =	vsub.f32 v18, v19;
	v18 =	vsub.f32 v18, v60;
	v60 =	vld.idx.msk [tilespmem:v53+s24+$0x0], $0xffff  }
0xb6: {  	v50 =	vor.u32 $0xC, v6;
	v12 =	vadd.f32 v25, v12;
	v56 =	vand.u32 $0x7FFFFFFF, v23;
	v23 =	vld.idx.msk [tilespmem:v61+s24+$0x0], $0xffff  }
0xb7: {  	v11 =	vadd.f32 v17, v11;
	v15 =	vadd.f32 v58, v15;
	v40 =	vand.u32 $0x7FFFFFFF, v24;
	v24 =	vld.idx.msk [tilespmem:v45+s24+$0x0], $0xffff  }
0xb8: {  	v37 =	vor.u32 $0xB, v5;
	v25 =	vand.u32 $0x7FFFFFFF, v32;
	v17 =	vadd.f32 v33, v62;
	v62 =	vld.idx.msk [tilespmem:v55+s21+$0x0], $0xffff  }
0xb9: {  	v42 =	vand.u32 $0x7FFFFFFF, v22;
	v63 =	vor.u32 $0xB, v7;
	v53 =	vor.u32 $0xC, v5;
	v33 =	vld.idx.msk [tilespmem:v55+s22+$0x0], $0xffff  }
0xba: {  	v14 =	vadd.f32 v57, v14;
	v12 =	vadd.f32 v25, v12;
	v41 =	vand.u32 $0x7FFFFFFF, v19;
	v19 =	vld.idx.msk [tilespmem:v47+s24+$0x0], $0xffff  }
0xbb: {  	v16 =	vand.u32 $0x7FFFFFFF, v16;
	v15 =	vadd.f32 v42, v15;
	v48 =	vsub.f32 v17, v36;
	v36 =	vld.idx.msk [tilespmem:v55+s23+$0x0], $0xffff  }
0xbc: {  	v61 =	vor.u32 $0xB, v8;
	v13 =	vadd.f32 v56, v13;
	v51 =	vsub.f32 v17, v38;
	v38 =	vld.idx.msk [tilespmem:v55+s24+$0x0], $0xffff  }
0xbd: {  	v10 =	vadd.f32 v16, v10;
	v16 =	vand.u32 $0x7FFFFFFF, v35;
	v22 =	vsub.f32 v17, v43;
	v43 =	vld.idx.msk [tilespmem:v34+s24+$0x0], $0xffff  }
0xbe: {  	v45 =	vor.u32 $0xC, v8;
	v11 =	vadd.f32 v16, v11;
	v16 =	vadd.f32 v49, v46;
	v46 =	vld.idx.msk [tilespmem:v39+s21+$0x0], $0xffff  }
0xbf: {  	v18 =	vand.u32 $0x7FFFFFFF, v18;
	v47 =	vor.u32 $0xC, v7;
	v14 =	vadd.f32 v41, v14;
	v49 =	vld.idx.msk [tilespmem:v39+s22+$0x0], $0xffff  }
0xc0: {  	v55 =	vor.u32 $0xD, v9;
	v13 =	vadd.f32 v40, v13;
	v32 =	vsub.f32 v16, v52;
	v52 =	vld.idx.msk [tilespmem:v39+s23+$0x0], $0xffff  }
0xc1: {  	v34 =	vor.u32 $0xD, v6;
	v10 =	vadd.f32 v18, v10;
	v35 =	vsub.f32 v16, v54;
	v54 =	vld.idx.msk [tilespmem:v39+s24+$0x0], $0xffff  }
0xc2: {  	v21 =	vsub.f32 v17, v21;
	v58 =	vand.u32 $0x7FFFFFFF, v22;
	v22 =	vsub.f32 v16, v59;
	v59 =	vld.idx.msk [tilespmem:v50+s24+$0x0], $0xffff  }
0xc3: {  	v25 =	vand.u32 $0x7FFFFFFF, v48;
	v23 =	vsub.f32 v17, v23;
	v17 =	vsub.f32 v17, v44;
	v44 =	vld.idx.msk [tilespmem:v37+s24+$0x0], $0xffff  }
0xc4: {  	v18 =	vand.u32 $0x7FFFFFFF, v51;
	v24 =	vsub.f32 v16, v24;
	v57 =	vand.u32 $0x7FFFFFFF, v21;
	v21 =	vld.idx.msk [tilespmem:v63+s24+$0x0], $0xffff  }
0xc5: {  	v39 =	vor.u32 $0xE, v9;
	v19 =	vsub.f32 v16, v19;
	v16 =	vsub.f32 v16, v60;
	v60 =	vld.idx.msk [tilespmem:v53+s24+$0x0], $0xffff  }
0xc6: {  	v50 =	vor.u32 $0xE, v6;
	v12 =	vadd.f32 v25, v12;
	v56 =	vand.u32 $0x7FFFFFFF, v23;
	v23 =	vld.idx.msk [tilespmem:v61+s24+$0x0], $0xffff  }
0xc7: {  	v11 =	vadd.f32 v18, v11;
	v15 =	vadd.f32 v58, v15;
	v40 =	vand.u32 $0x7FFFFFFF, v24;
	v24 =	vld.idx.msk [tilespmem:v45+s24+$0x0], $0xffff  }
0xc8: {  	v18 =	vadd.f32 v33, v62;
	v37 =	vor.u32 $0xD, v5;
	v25 =	vand.u32 $0x7FFFFFFF, v32;
	v62 =	vld.idx.msk [tilespmem:v55+s21+$0x0], $0xffff  }
0xc9: {  	v42 =	vand.u32 $0x7FFFFFFF, v22;
	v63 =	vor.u32 $0xD, v7;
	v14 =	vadd.f32 v57, v14;
	v33 =	vld.idx.msk [tilespmem:v55+s22+$0x0], $0xffff  }
0xca: {  	v53 =	vor.u32 $0xE, v5;
	v12 =	vadd.f32 v25, v12;
	v48 =	vsub.f32 v18, v36;
	v36 =	vld.idx.msk [tilespmem:v55+s23+$0x0], $0xffff  }
0xcb: {  	v17 =	vand.u32 $0x7FFFFFFF, v17;
	v15 =	vadd.f32 v42, v15;
	v51 =	vsub.f32 v18, v38;
	v38 =	vld.idx.msk [tilespmem:v55+s24+$0x0], $0xffff  }
0xcc: {  	v22 =	vsub.f32 v18, v43;
	v61 =	vor.u32 $0xD, v8;
	v43 =	vld.idx.msk [tilespmem:v34+s24+$0x0], $0xffff;
	v13 =	vadd.f32 v56, v13  }
0xcd: {  	v10 =	vadd.f32 v17, v10;
	v17 =	vand.u32 $0x7FFFFFFF, v35;
	v41 =	vand.u32 $0x7FFFFFFF, v19;
	v19 =	vld.idx.msk [tilespmem:v47+s24+$0x0], $0xffff  }
0xce: {  	v45 =	vor.u32 $0xE, v8;
	v11 =	vadd.f32 v17, v11;
	v17 =	vadd.f32 v49, v46;
	v46 =	vld.idx.msk [tilespmem:v39+s21+$0x0], $0xffff  }
0xcf: {  	v55 =	vor.u32 $0xF, v9;
	v34 =	vor.u32 $0xF, v6;
	v14 =	vadd.f32 v41, v14;
	v49 =	vld.idx.msk [tilespmem:v39+s22+$0x0], $0xffff  }
0xd0: {  	v16 =	vand.u32 $0x7FFFFFFF, v16;
	v13 =	vadd.f32 v40, v13;
	v32 =	vsub.f32 v17, v52;
	v52 =	vld.idx.msk [tilespmem:v39+s23+$0x0], $0xffff  }
0xd1: {  	v47 =	vor.u32 $0xE, v7;
	v10 =	vadd.f32 v16, v10;
	v35 =	vsub.f32 v17, v54;
	v54 =	vld.idx.msk [tilespmem:v39+s24+$0x0], $0xffff  }
0xd2: {  	v58 =	vand.u32 $0x7FFFFFFF, v22;
	v21 =	vsub.f32 v18, v21;
	v22 =	vsub.f32 v17, v59;
	v59 =	vld.idx.msk [tilespmem:v50+s24+$0x0], $0xffff  }
0xd3: {  	v16 =	vand.u32 $0x7FFFFFFF, v51;
	v23 =	vsub.f32 v18, v23;
	v18 =	vsub.f32 v18, v44;
	v44 =	vld.idx.msk [tilespmem:v37+s24+$0x0], $0xffff  }
0xd4: {  	v25 =	vand.u32 $0x7FFFFFFF, v48;
	v11 =	vadd.f32 v16, v11;
	v16 =	vadd.f32 v33, v62;
	v62 =	vld.idx.msk [tilespmem:v55+s21+$0x0], $0xffff  }
0xd5: {  	v12 =	vadd.f32 v25, v12;
	v15 =	vadd.f32 v58, v15;
	v39 =	vor.u32 $0x10, v9;
	v33 =	vld.idx.msk [tilespmem:v55+s22+$0x0], $0xffff  }
0xd6: {  	v50 =	vor.u32 $0x10, v6;
	v24 =	vsub.f32 v17, v24;
	v57 =	vand.u32 $0x7FFFFFFF, v21;
	v21 =	vld.idx.msk [tilespmem:v63+s24+$0x0], $0xffff  }
0xd7: {  	v37 =	vor.u32 $0xF, v5;
	v19 =	vsub.f32 v17, v19;
	v17 =	vsub.f32 v17, v60;
	v60 =	vld.idx.msk [tilespmem:v53+s24+$0x0], $0xffff  }
0xd8: {  	v25 =	vand.u32 $0x7FFFFFFF, v32;
	v42 =	vand.u32 $0x7FFFFFFF, v22;
	v56 =	vand.u32 $0x7FFFFFFF, v23;
	v23 =	vld.idx.msk [tilespmem:v61+s24+$0x0], $0xffff  }
0xd9: {  	v63 =	vor.u32 $0xF, v7;
	v14 =	vadd.f32 v57, v14;
	v40 =	vand.u32 $0x7FFFFFFF, v24;
	v24 =	vld.idx.msk [tilespmem:v45+s24+$0x0], $0xffff  }
0xda: {  	v53 =	vor.u32 $0x10, v5;
	v12 =	vadd.f32 v25, v12;
	v48 =	vsub.f32 v16, v36;
	v36 =	vld.idx.msk [tilespmem:v55+s23+$0x0], $0xffff  }
0xdb: {  	v18 =	vand.u32 $0x7FFFFFFF, v18;
	v15 =	vadd.f32 v42, v15;
	v51 =	vsub.f32 v16, v38;
	v38 =	vld.idx.msk [tilespmem:v55+s24+$0x0], $0xffff  }
0xdc: {  	v22 =	vsub.f32 v16, v43;
	v61 =	vor.u32 $0xF, v8;
	v43 =	vld.idx.msk [tilespmem:v34+s24+$0x0], $0xffff;
	v13 =	vadd.f32 v56, v13  }
0xdd: {  	v10 =	vadd.f32 v18, v10;
	v18 =	vand.u32 $0x7FFFFFFF, v35;
	v41 =	vand.u32 $0x7FFFFFFF, v19;
	v19 =	vld.idx.msk [tilespmem:v47+s24+$0x0], $0xffff  }
0xde: {  	v45 =	vor.u32 $0x10, v8;
	v11 =	vadd.f32 v18, v11;
	v18 =	vadd.f32 v49, v46;
	v46 =	vld.idx.msk [tilespmem:v39+s21+$0x0], $0xffff  }
0xdf: {  	v55 =	vor.u32 $0x11, v9;
	v34 =	vor.u32 $0x11, v6;
	v14 =	vadd.f32 v41, v14;
	v49 =	vld.idx.msk [tilespmem:v39+s22+$0x0], $0xffff  }
0xe0: {  	v17 =	vand.u32 $0x7FFFFFFF, v17;
	v13 =	vadd.f32 v40, v13;
	v32 =	vsub.f32 v18, v52;
	v52 =	vld.idx.msk [tilespmem:v39+s23+$0x0], $0xffff  }
0xe1: {  	v47 =	vor.u32 $0x10, v7;
	v10 =	vadd.f32 v17, v10;
	v35 =	vsub.f32 v18, v54;
	v54 =	vld.idx.msk [tilespmem:v39+s24+$0x0], $0xffff  }
0xe2: {  	v58 =	vand.u32 $0x7FFFFFFF, v22;
	v21 =	vsub.f32 v16, v21;
	v22 =	vsub.f32 v18, v59;
	v59 =	vld.idx.msk [tilespmem:v50+s24+$0x0], $0xffff  }
0xe3: {  	v17 =	vand.u32 $0x7FFFFFFF, v51;
	v23 =	vsub.f32 v16, v23;
	v16 =	vsub.f32 v16, v44;
	v44 =	vld.idx.msk [tilespmem:v37+s24+$0x0], $0xffff  }
0xe4: {  	v25 =	vand.u32 $0x7FFFFFFF, v48;
	v11 =	vadd.f32 v17, v11;
	v17 =	vadd.f32 v33, v62;
	v62 =	vld.idx.msk [tilespmem:v55+s21+$0x0], $0xffff  }
0xe5: {  	v12 =	vadd.f32 v25, v12;
	v15 =	vadd.f32 v58, v15;
	v39 =	vor.u32 $0x12, v9;
	v33 =	vld.idx.msk [tilespmem:v55+s22+$0x0], $0xffff  }
0xe6: {  	v50 =	vor.u32 $0x12, v6;
	v24 =	vsub.f32 v18, v24;
	v57 =	vand.u32 $0x7FFFFFFF, v21;
	v21 =	vld.idx.msk [tilespmem:v63+s24+$0x0], $0xffff  }
0xe7: {  	v37 =	vor.u32 $0x11, v5;
	v19 =	vsub.f32 v18, v19;
	v18 =	vsub.f32 v18, v60;
	v60 =	vld.idx.msk [tilespmem:v53+s24+$0x0], $0xffff  }
0xe8: {  	v25 =	vand.u32 $0x7FFFFFFF, v32;
	v42 =	vand.u32 $0x7FFFFFFF, v22;
	v48 =	vsub.f32 v17, v36;
	v36 =	vld.idx.msk [tilespmem:v55+s23+$0x0], $0xffff  }
0xe9: {  	v51 =	vsub.f32 v17, v38;
	v22 =	vsub.f32 v17, v43;
	v63 =	vor.u32 $0x11, v7;
	v38 =	vld.idx.msk [tilespmem:v55+s24+$0x0], $0xffff  }
0xea: {  	v43 =	vld.idx.msk [tilespmem:v34+s24+$0x0], $0xffff;
	v53 =	vor.u32 $0x12, v5;
	v55 =	vor.u32 $0x13, v9;
	v34 =	vor.u32 $0x13, v6  }
0xeb: {  	v56 =	vand.u32 $0x7FFFFFFF, v23;
	v14 =	vadd.f32 v57, v14;
	v16 =	vand.u32 $0x7FFFFFFF, v16;
	v23 =	vld.idx.msk [tilespmem:v61+s24+$0x0], $0xffff  }
0xec: {  	v12 =	vadd.f32 v25, v12;
	v40 =	vand.u32 $0x7FFFFFFF, v24;
	v15 =	vadd.f32 v42, v15;
	v24 =	vld.idx.msk [tilespmem:v45+s24+$0x0], $0xffff  }
0xed: {  	v10 =	vadd.f32 v16, v10;
	v16 =	vand.u32 $0x7FFFFFFF, v35;
	v41 =	vand.u32 $0x7FFFFFFF, v19;
	v19 =	vld.idx.msk [tilespmem:v47+s24+$0x0], $0xffff  }
0xee: {  	v61 =	vor.u32 $0x11, v8;
	v11 =	vadd.f32 v16, v11;
	v16 =	vadd.f32 v49, v46;
	v46 =	vld.idx.msk [tilespmem:v39+s21+$0x0], $0xffff  }
0xef: {  	v13 =	vadd.f32 v56, v13;
	v25 =	vand.u32 $0x7FFFFFFF, v48;
	v14 =	vadd.f32 v41, v14;
	v49 =	vld.idx.msk [tilespmem:v39+s22+$0x0], $0xffff  }
0xf0: {  	v58 =	vand.u32 $0x7FFFFFFF, v22;
	v12 =	vadd.f32 v25, v12;
	v32 =	vsub.f32 v16, v52;
	v52 =	vld.idx.msk [tilespmem:v39+s23+$0x0], $0xffff  }
0xf1: {  	v18 =	vand.u32 $0x7FFFFFFF, v18;
	v15 =	vadd.f32 v58, v15;
	v35 =	vsub.f32 v16, v54;
	v54 =	vld.idx.msk [tilespmem:v39+s24+$0x0], $0xffff  }
0xf2: {  	v10 =	vadd.f32 v18, v10;
	v18 =	vand.u32 $0x7FFFFFFF, v51;
	v22 =	vsub.f32 v16, v59;
	v59 =	vld.idx.msk [tilespmem:v50+s24+$0x0], $0xffff  }
0xf3: {  	v45 =	vor.u32 $0x12, v8;
	v11 =	vadd.f32 v18, v11;
	v18 =	vadd.f32 v33, v62;
	v62 =	vld.idx.msk [tilespmem:v55+s21+$0x0], $0xffff  }
0xf4: {  	v47 =	vor.u32 $0x12, v7;
	v13 =	vadd.f32 v40, v13;
	v21 =	vsub.f32 v17, v21;
	v33 =	vld.idx.msk [tilespmem:v55+s22+$0x0], $0xffff  }
0xf5: {  	v39 =	vor.u32 $0x14, v9;
	v23 =	vsub.f32 v17, v23;
	v17 =	vsub.f32 v17, v44;
	v44 =	vld.idx.msk [tilespmem:v37+s24+$0x0], $0xffff  }
0xf6: {  	v50 =	vor.u32 $0x14, v6;
	v24 =	vsub.f32 v16, v24;
	v57 =	vand.u32 $0x7FFFFFFF, v21;
	v21 =	vld.idx.msk [tilespmem:v63+s24+$0x0], $0xffff  }
0xf7: {  	v37 =	vor.u32 $0x13, v5;
	v19 =	vsub.f32 v16, v19;
	v16 =	vsub.f32 v16, v60;
	v60 =	vld.idx.msk [tilespmem:v53+s24+$0x0], $0xffff  }
0xf8: {  	v25 =	vand.u32 $0x7FFFFFFF, v32;
	v42 =	vand.u32 $0x7FFFFFFF, v22;
	v48 =	vsub.f32 v18, v36;
	v36 =	vld.idx.msk [tilespmem:v55+s23+$0x0], $0xffff  }
0xf9: {  	v51 =	vsub.f32 v18, v38;
	v22 =	vsub.f32 v18, v43;
	v63 =	vor.u32 $0x13, v7;
	v38 =	vld.idx.msk [tilespmem:v55+s24+$0x0], $0xffff  }
0xfa: {  	v43 =	vld.idx.msk [tilespmem:v34+s24+$0x0], $0xffff;
	v53 =	vor.u32 $0x14, v5;
	v55 =	vor.u32 $0x15, v9;
	v34 =	vor.u32 $0x15, v6  }
0xfb: {  	v56 =	vand.u32 $0x7FFFFFFF, v23;
	v14 =	vadd.f32 v57, v14;
	v17 =	vand.u32 $0x7FFFFFFF, v17;
	v23 =	vld.idx.msk [tilespmem:v61+s24+$0x0], $0xffff  }
0xfc: {  	v12 =	vadd.f32 v25, v12;
	v40 =	vand.u32 $0x7FFFFFFF, v24;
	v15 =	vadd.f32 v42, v15;
	v24 =	vld.idx.msk [tilespmem:v45+s24+$0x0], $0xffff  }
0xfd: {  	v10 =	vadd.f32 v17, v10;
	v17 =	vand.u32 $0x7FFFFFFF, v35;
	v41 =	vand.u32 $0x7FFFFFFF, v19;
	v19 =	vld.idx.msk [tilespmem:v47+s24+$0x0], $0xffff  }
0xfe: {  	v61 =	vor.u32 $0x13, v8;
	v11 =	vadd.f32 v17, v11;
	v17 =	vadd.f32 v49, v46;
	v46 =	vld.idx.msk [tilespmem:v39+s21+$0x0], $0xffff  }
0xff: {  	v13 =	vadd.f32 v56, v13;
	v25 =	vand.u32 $0x7FFFFFFF, v48;
	v14 =	vadd.f32 v41, v14;
	v49 =	vld.idx.msk [tilespmem:v39+s22+$0x0], $0xffff  }
0x100: {  	v58 =	vand.u32 $0x7FFFFFFF, v22;
	v12 =	vadd.f32 v25, v12;
	v32 =	vsub.f32 v17, v52;
	v52 =	vld.idx.msk [tilespmem:v39+s23+$0x0], $0xffff  }
0x101: {  	v16 =	vand.u32 $0x7FFFFFFF, v16;
	v15 =	vadd.f32 v58, v15;
	v35 =	vsub.f32 v17, v54;
	v54 =	vld.idx.msk [tilespmem:v39+s24+$0x0], $0xffff  }
0x102: {  	v10 =	vadd.f32 v16, v10;
	v16 =	vand.u32 $0x7FFFFFFF, v51;
	v22 =	vsub.f32 v17, v59;
	v59 =	vld.idx.msk [tilespmem:v50+s24+$0x0], $0xffff  }
0x103: {  	v45 =	vor.u32 $0x14, v8;
	v11 =	vadd.f32 v16, v11;
	v16 =	vadd.f32 v33, v62;
	v62 =	vld.idx.msk [tilespmem:v55+s21+$0x0], $0xffff  }
0x104: {  	v47 =	vor.u32 $0x14, v7;
	v13 =	vadd.f32 v40, v13;
	v21 =	vsub.f32 v18, v21;
	v33 =	vld.idx.msk [tilespmem:v55+s22+$0x0], $0xffff  }
0x105: {  	v39 =	vor.u32 $0x16, v9;
	v23 =	vsub.f32 v18, v23;
	v18 =	vsub.f32 v18, v44;
	v44 =	vld.idx.msk [tilespmem:v37+s24+$0x0], $0xffff  }
0x106: {  	v50 =	vor.u32 $0x16, v6;
	v24 =	vsub.f32 v17, v24;
	v57 =	vand.u32 $0x7FFFFFFF, v21;
	v21 =	vld.idx.msk [tilespmem:v63+s24+$0x0], $0xffff  }
0x107: {  	v37 =	vor.u32 $0x15, v5;
	v19 =	vsub.f32 v17, v19;
	v17 =	vsub.f32 v17, v60;
	v60 =	vld.idx.msk [tilespmem:v53+s24+$0x0], $0xffff  }
0x108: {  	v25 =	vand.u32 $0x7FFFFFFF, v32;
	v42 =	vand.u32 $0x7FFFFFFF, v22;
	v48 =	vsub.f32 v16, v36;
	v36 =	vld.idx.msk [tilespmem:v55+s23+$0x0], $0xffff  }
0x109: {  	v51 =	vsub.f32 v16, v38;
	v22 =	vsub.f32 v16, v43;
	v63 =	vor.u32 $0x15, v7;
	v38 =	vld.idx.msk [tilespmem:v55+s24+$0x0], $0xffff  }
0x10a: {  	v43 =	vld.idx.msk [tilespmem:v34+s24+$0x0], $0xffff;
	v53 =	vor.u32 $0x16, v5;
	v55 =	vor.u32 $0x17, v9;
	v34 =	vor.u32 $0x17, v6  }
0x10b: {  	v56 =	vand.u32 $0x7FFFFFFF, v23;
	v14 =	vadd.f32 v57, v14;
	v18 =	vand.u32 $0x7FFFFFFF, v18;
	v23 =	vld.idx.msk [tilespmem:v61+s24+$0x0], $0xffff  }
0x10c: {  	v12 =	vadd.f32 v25, v12;
	v40 =	vand.u32 $0x7FFFFFFF, v24;
	v15 =	vadd.f32 v42, v15;
	v24 =	vld.idx.msk [tilespmem:v45+s24+$0x0], $0xffff  }
0x10d: {  	v10 =	vadd.f32 v18, v10;
	v18 =	vand.u32 $0x7FFFFFFF, v35;
	v41 =	vand.u32 $0x7FFFFFFF, v19;
	v19 =	vld.idx.msk [tilespmem:v47+s24+$0x0], $0xffff  }
0x10e: {  	v61 =	vor.u32 $0x15, v8;
	v11 =	vadd.f32 v18, v11;
	v18 =	vadd.f32 v49, v46;
	v46 =	vld.idx.msk [tilespmem:v39+s21+$0x0], $0xffff  }
0x10f: {  	v13 =	vadd.f32 v56, v13;
	v25 =	vand.u32 $0x7FFFFFFF, v48;
	v14 =	vadd.f32 v41, v14;
	v49 =	vld.idx.msk [tilespmem:v39+s22+$0x0], $0xffff  }
0x110: {  	v58 =	vand.u32 $0x7FFFFFFF, v22;
	v12 =	vadd.f32 v25, v12;
	v32 =	vsub.f32 v18, v52;
	v52 =	vld.idx.msk [tilespmem:v39+s23+$0x0], $0xffff  }
0x111: {  	v17 =	vand.u32 $0x7FFFFFFF, v17;
	v15 =	vadd.f32 v58, v15;
	v35 =	vsub.f32 v18, v54;
	v54 =	vld.idx.msk [tilespmem:v39+s24+$0x0], $0xffff  }
0x112: {  	v10 =	vadd.f32 v17, v10;
	v17 =	vand.u32 $0x7FFFFFFF, v51;
	v22 =	vsub.f32 v18, v59;
	v59 =	vld.idx.msk [tilespmem:v50+s24+$0x0], $0xffff  }
0x113: {  	v45 =	vor.u32 $0x16, v8;
	v11 =	vadd.f32 v17, v11;
	v17 =	vadd.f32 v33, v62;
	v62 =	vld.idx.msk [tilespmem:v55+s21+$0x0], $0xffff  }
0x114: {  	v47 =	vor.u32 $0x16, v7;
	v13 =	vadd.f32 v40, v13;
	v21 =	vsub.f32 v16, v21;
	v33 =	vld.idx.msk [tilespmem:v55+s22+$0x0], $0xffff  }
0x115: {  	v39 =	vor.u32 $0x18, v9;
	v23 =	vsub.f32 v16, v23;
	v16 =	vsub.f32 v16, v44;
	v44 =	vld.idx.msk [tilespmem:v37+s24+$0x0], $0xffff  }
0x116: {  	v50 =	vor.u32 $0x18, v6;
	v24 =	vsub.f32 v18, v24;
	v57 =	vand.u32 $0x7FFFFFFF, v21;
	v21 =	vld.idx.msk [tilespmem:v63+s24+$0x0], $0xffff  }
0x117: {  	v37 =	vor.u32 $0x17, v5;
	v19 =	vsub.f32 v18, v19;
	v18 =	vsub.f32 v18, v60;
	v60 =	vld.idx.msk [tilespmem:v53+s24+$0x0], $0xffff  }
0x118: {  	v25 =	vand.u32 $0x7FFFFFFF, v32;
	v42 =	vand.u32 $0x7FFFFFFF, v22;
	v48 =	vsub.f32 v17, v36;
	v36 =	vld.idx.msk [tilespmem:v55+s23+$0x0], $0xffff  }
0x119: {  	v51 =	vsub.f32 v17, v38;
	v22 =	vsub.f32 v17, v43;
	v63 =	vor.u32 $0x17, v7;
	v38 =	vld.idx.msk [tilespmem:v55+s24+$0x0], $0xffff  }
0x11a: {  	v43 =	vld.idx.msk [tilespmem:v34+s24+$0x0], $0xffff;
	v53 =	vor.u32 $0x18, v5;
	v55 =	vor.u32 $0x19, v9;
	v34 =	vor.u32 $0x19, v6  }
0x11b: {  	v56 =	vand.u32 $0x7FFFFFFF, v23;
	v14 =	vadd.f32 v57, v14;
	v16 =	vand.u32 $0x7FFFFFFF, v16;
	v23 =	vld.idx.msk [tilespmem:v61+s24+$0x0], $0xffff  }
0x11c: {  	v12 =	vadd.f32 v25, v12;
	v40 =	vand.u32 $0x7FFFFFFF, v24;
	v15 =	vadd.f32 v42, v15;
	v24 =	vld.idx.msk [tilespmem:v45+s24+$0x0], $0xffff  }
0x11d: {  	v10 =	vadd.f32 v16, v10;
	v16 =	vand.u32 $0x7FFFFFFF, v35;
	v41 =	vand.u32 $0x7FFFFFFF, v19;
	v19 =	vld.idx.msk [tilespmem:v47+s24+$0x0], $0xffff  }
0x11e: {  	v61 =	vor.u32 $0x17, v8;
	v11 =	vadd.f32 v16, v11;
	v16 =	vadd.f32 v49, v46;
	v46 =	vld.idx.msk [tilespmem:v39+s21+$0x0], $0xffff  }
0x11f: {  	v13 =	vadd.f32 v56, v13;
	v25 =	vand.u32 $0x7FFFFFFF, v48;
	v14 =	vadd.f32 v41, v14;
	v49 =	vld.idx.msk [tilespmem:v39+s22+$0x0], $0xffff  }
0x120: {  	v58 =	vand.u32 $0x7FFFFFFF, v22;
	v12 =	vadd.f32 v25, v12;
	v32 =	vsub.f32 v16, v52;
	v52 =	vld.idx.msk [tilespmem:v39+s23+$0x0], $0xffff  }
0x121: {  	v18 =	vand.u32 $0x7FFFFFFF, v18;
	v15 =	vadd.f32 v58, v15;
	v35 =	vsub.f32 v16, v54;
	v54 =	vld.idx.msk [tilespmem:v39+s24+$0x0], $0xffff  }
0x122: {  	v10 =	vadd.f32 v18, v10;
	v18 =	vand.u32 $0x7FFFFFFF, v51;
	v22 =	vsub.f32 v16, v59;
	v59 =	vld.idx.msk [tilespmem:v50+s24+$0x0], $0xffff  }
0x123: {  	v45 =	vor.u32 $0x18, v8;
	v11 =	vadd.f32 v18, v11;
	v18 =	vadd.f32 v33, v62;
	v62 =	vld.idx.msk [tilespmem:v55+s21+$0x0], $0xffff  }
0x124: {  	v47 =	vor.u32 $0x18, v7;
	v13 =	vadd.f32 v40, v13;
	v21 =	vsub.f32 v17, v21;
	v33 =	vld.idx.msk [tilespmem:v55+s22+$0x0], $0xffff  }
0x125: {  	v39 =	vor.u32 $0x1A, v9;
	v23 =	vsub.f32 v17, v23;
	v17 =	vsub.f32 v17, v44;
	v44 =	vld.idx.msk [tilespmem:v37+s24+$0x0], $0xffff  }
0x126: {  	v50 =	vor.u32 $0x1A, v6;
	v24 =	vsub.f32 v16, v24;
	v57 =	vand.u32 $0x7FFFFFFF, v21;
	v21 =	vld.idx.msk [tilespmem:v63+s24+$0x0], $0xffff  }
0x127: {  	v37 =	vor.u32 $0x19, v5;
	v19 =	vsub.f32 v16, v19;
	v16 =	vsub.f32 v16, v60;
	v60 =	vld.idx.msk [tilespmem:v53+s24+$0x0], $0xffff  }
0x128: {  	v25 =	vand.u32 $0x7FFFFFFF, v32;
	v42 =	vand.u32 $0x7FFFFFFF, v22;
	v48 =	vsub.f32 v18, v36;
	v36 =	vld.idx.msk [tilespmem:v55+s23+$0x0], $0xffff  }
0x129: {  	v51 =	vsub.f32 v18, v38;
	v22 =	vsub.f32 v18, v43;
	v63 =	vor.u32 $0x19, v7;
	v38 =	vld.idx.msk [tilespmem:v55+s24+$0x0], $0xffff  }
0x12a: {  	v43 =	vld.idx.msk [tilespmem:v34+s24+$0x0], $0xffff;
	v53 =	vor.u32 $0x1A, v5;
	v55 =	vor.u32 $0x1B, v9;
	v34 =	vor.u32 $0x1B, v6  }
0x12b: {  	v56 =	vand.u32 $0x7FFFFFFF, v23;
	v14 =	vadd.f32 v57, v14;
	v17 =	vand.u32 $0x7FFFFFFF, v17;
	v23 =	vld.idx.msk [tilespmem:v61+s24+$0x0], $0xffff  }
0x12c: {  	v12 =	vadd.f32 v25, v12;
	v40 =	vand.u32 $0x7FFFFFFF, v24;
	v15 =	vadd.f32 v42, v15;
	v24 =	vld.idx.msk [tilespmem:v45+s24+$0x0], $0xffff  }
0x12d: {  	v10 =	vadd.f32 v17, v10;
	v17 =	vand.u32 $0x7FFFFFFF, v35;
	v41 =	vand.u32 $0x7FFFFFFF, v19;
	v19 =	vld.idx.msk [tilespmem:v47+s24+$0x0], $0xffff  }
0x12e: {  	v61 =	vor.u32 $0x19, v8;
	v11 =	vadd.f32 v17, v11;
	v17 =	vadd.f32 v49, v46;
	v46 =	vld.idx.msk [tilespmem:v39+s21+$0x0], $0xffff  }
0x12f: {  	v13 =	vadd.f32 v56, v13;
	v25 =	vand.u32 $0x7FFFFFFF, v48;
	v14 =	vadd.f32 v41, v14;
	v49 =	vld.idx.msk [tilespmem:v39+s22+$0x0], $0xffff  }
0x130: {  	v58 =	vand.u32 $0x7FFFFFFF, v22;
	v12 =	vadd.f32 v25, v12;
	v32 =	vsub.f32 v17, v52;
	v52 =	vld.idx.msk [tilespmem:v39+s23+$0x0], $0xffff  }
0x131: {  	v16 =	vand.u32 $0x7FFFFFFF, v16;
	v15 =	vadd.f32 v58, v15;
	v35 =	vsub.f32 v17, v54;
	v54 =	vld.idx.msk [tilespmem:v39+s24+$0x0], $0xffff  }
0x132: {  	v10 =	vadd.f32 v16, v10;
	v16 =	vand.u32 $0x7FFFFFFF, v51;
	v22 =	vsub.f32 v17, v59;
	v59 =	vld.idx.msk [tilespmem:v50+s24+$0x0], $0xffff  }
0x133: {  	v45 =	vor.u32 $0x1A, v8;
	v11 =	vadd.f32 v16, v11;
	v16 =	vadd.f32 v33, v62;
	v62 =	vld.idx.msk [tilespmem:v55+s21+$0x0], $0xffff  }
0x134: {  	v47 =	vor.u32 $0x1A, v7;
	v13 =	vadd.f32 v40, v13;
	v21 =	vsub.f32 v18, v21;
	v33 =	vld.idx.msk [tilespmem:v55+s22+$0x0], $0xffff  }
0x135: {  	v39 =	vor.u32 $0x1C, v9;
	v23 =	vsub.f32 v18, v23;
	v18 =	vsub.f32 v18, v44;
	v44 =	vld.idx.msk [tilespmem:v37+s24+$0x0], $0xffff  }
0x136: {  	v50 =	vor.u32 $0x1C, v6;
	v24 =	vsub.f32 v17, v24;
	v57 =	vand.u32 $0x7FFFFFFF, v21;
	v21 =	vld.idx.msk [tilespmem:v63+s24+$0x0], $0xffff  }
0x137: {  	v37 =	vor.u32 $0x1B, v5;
	v19 =	vsub.f32 v17, v19;
	v17 =	vsub.f32 v17, v60;
	v60 =	vld.idx.msk [tilespmem:v53+s24+$0x0], $0xffff  }
0x138: {  	v25 =	vand.u32 $0x7FFFFFFF, v32;
	v42 =	vand.u32 $0x7FFFFFFF, v22;
	v48 =	vsub.f32 v16, v36;
	v36 =	vld.idx.msk [tilespmem:v55+s23+$0x0], $0xffff  }
0x139: {  	v51 =	vsub.f32 v16, v38;
	v22 =	vsub.f32 v16, v43;
	v63 =	vor.u32 $0x1B, v7;
	v38 =	vld.idx.msk [tilespmem:v55+s24+$0x0], $0xffff  }
0x13a: {  	v43 =	vld.idx.msk [tilespmem:v34+s24+$0x0], $0xffff;
	v53 =	vor.u32 $0x1C, v5;
	v55 =	vor.u32 $0x1D, v9;
	v34 =	vor.u32 $0x1D, v6  }
0x13b: {  	v56 =	vand.u32 $0x7FFFFFFF, v23;
	v14 =	vadd.f32 v57, v14;
	v18 =	vand.u32 $0x7FFFFFFF, v18;
	v23 =	vld.idx.msk [tilespmem:v61+s24+$0x0], $0xffff  }
0x13c: {  	v12 =	vadd.f32 v25, v12;
	v40 =	vand.u32 $0x7FFFFFFF, v24;
	v15 =	vadd.f32 v42, v15;
	v24 =	vld.idx.msk [tilespmem:v45+s24+$0x0], $0xffff  }
0x13d: {  	v10 =	vadd.f32 v18, v10;
	v18 =	vand.u32 $0x7FFFFFFF, v35;
	v41 =	vand.u32 $0x7FFFFFFF, v19;
	v19 =	vld.idx.msk [tilespmem:v47+s24+$0x0], $0xffff  }
0x13e: {  	v61 =	vor.u32 $0x1B, v8;
	v11 =	vadd.f32 v18, v11;
	v18 =	vadd.f32 v49, v46;
	v46 =	vld.idx.msk [tilespmem:v39+s21+$0x0], $0xffff  }
0x13f: {  	v13 =	vadd.f32 v56, v13;
	v25 =	vand.u32 $0x7FFFFFFF, v48;
	v14 =	vadd.f32 v41, v14;
	v49 =	vld.idx.msk [tilespmem:v39+s22+$0x0], $0xffff  }
0x140: {  	v58 =	vand.u32 $0x7FFFFFFF, v22;
	v12 =	vadd.f32 v25, v12;
	v32 =	vsub.f32 v18, v52;
	v52 =	vld.idx.msk [tilespmem:v39+s23+$0x0], $0xffff  }
0x141: {  	v17 =	vand.u32 $0x7FFFFFFF, v17;
	v15 =	vadd.f32 v58, v15;
	v35 =	vsub.f32 v18, v54;
	v54 =	vld.idx.msk [tilespmem:v39+s24+$0x0], $0xffff  }
0x142: {  	v10 =	vadd.f32 v17, v10;
	v17 =	vand.u32 $0x7FFFFFFF, v51;
	v22 =	vsub.f32 v18, v59;
	v59 =	vld.idx.msk [tilespmem:v50+s24+$0x0], $0xffff  }
0x143: {  	v45 =	vor.u32 $0x1C, v8;
	v11 =	vadd.f32 v17, v11;
	v17 =	vadd.f32 v33, v62;
	v62 =	vld.idx.msk [tilespmem:v55+s21+$0x0], $0xffff  }
0x144: {  	v47 =	vor.u32 $0x1C, v7;
	v13 =	vadd.f32 v40, v13;
	v21 =	vsub.f32 v16, v21;
	v33 =	vld.idx.msk [tilespmem:v55+s22+$0x0], $0xffff  }
0x145: {  	v39 =	vor.u32 $0x1E, v9;
	v23 =	vsub.f32 v16, v23;
	v16 =	vsub.f32 v16, v44;
	v44 =	vld.idx.msk [tilespmem:v37+s24+$0x0], $0xffff  }
0x146: {  	v50 =	vor.u32 $0x1E, v6;
	v24 =	vsub.f32 v18, v24;
	v57 =	vand.u32 $0x7FFFFFFF, v21;
	v21 =	vld.idx.msk [tilespmem:v63+s24+$0x0], $0xffff  }
0x147: {  	v37 =	vor.u32 $0x1D, v5;
	v19 =	vsub.f32 v18, v19;
	v18 =	vsub.f32 v18, v60;
	v60 =	vld.idx.msk [tilespmem:v53+s24+$0x0], $0xffff  }
0x148: {  	v25 =	vand.u32 $0x7FFFFFFF, v32;
	v42 =	vand.u32 $0x7FFFFFFF, v22;
	v48 =	vsub.f32 v17, v36;
	v36 =	vld.idx.msk [tilespmem:v55+s23+$0x0], $0xffff  }
0x149: {  	v51 =	vsub.f32 v17, v38;
	v22 =	vsub.f32 v17, v43;
	v63 =	vor.u32 $0x1D, v7;
	v38 =	vld.idx.msk [tilespmem:v55+s24+$0x0], $0xffff  }
0x14a: {  	v43 =	vld.idx.msk [tilespmem:v34+s24+$0x0], $0xffff;
	v53 =	vor.u32 $0x1E, v5;
	v55 =	vor.u32 $0x1F, v9;
	v34 =	vor.u32 $0x1F, v6  }
0x14b: {  	v56 =	vand.u32 $0x7FFFFFFF, v23;
	v14 =	vadd.f32 v57, v14;
	v16 =	vand.u32 $0x7FFFFFFF, v16;
	v23 =	vld.idx.msk [tilespmem:v61+s24+$0x0], $0xffff  }
0x14c: {  	v12 =	vadd.f32 v25, v12;
	v40 =	vand.u32 $0x7FFFFFFF, v24;
	v15 =	vadd.f32 v42, v15;
	v24 =	vld.idx.msk [tilespmem:v45+s24+$0x0], $0xffff  }
0x14d: {  	v10 =	vadd.f32 v16, v10;
	v16 =	vand.u32 $0x7FFFFFFF, v35;
	v41 =	vand.u32 $0x7FFFFFFF, v19;
	v19 =	vld.idx.msk [tilespmem:v47+s24+$0x0], $0xffff  }
0x14e: {  	v61 =	vor.u32 $0x1D, v8;
	v11 =	vadd.f32 v16, v11;
	v16 =	vadd.f32 v49, v46;
	v46 =	vld.idx.msk [tilespmem:v39+s21+$0x0], $0xffff  }
0x14f: {  	v13 =	vadd.f32 v56, v13;
	v25 =	vand.u32 $0x7FFFFFFF, v48;
	v14 =	vadd.f32 v41, v14;
	v49 =	vld.idx.msk [tilespmem:v39+s22+$0x0], $0xffff  }
0x150: {  	v58 =	vand.u32 $0x7FFFFFFF, v22;
	v12 =	vadd.f32 v25, v12;
	v32 =	vsub.f32 v16, v52;
	v52 =	vld.idx.msk [tilespmem:v39+s23+$0x0], $0xffff  }
0x151: {  	v18 =	vand.u32 $0x7FFFFFFF, v18;
	v15 =	vadd.f32 v58, v15;
	v35 =	vsub.f32 v16, v54;
	v54 =	vld.idx.msk [tilespmem:v39+s24+$0x0], $0xffff  }
0x152: {  	v10 =	vadd.f32 v18, v10;
	v18 =	vand.u32 $0x7FFFFFFF, v51;
	v22 =	vsub.f32 v16, v59;
	v59 =	vld.idx.msk [tilespmem:v50+s24+$0x0], $0xffff  }
0x153: {  	v45 =	vor.u32 $0x1E, v8;
	v11 =	vadd.f32 v18, v11;
	v18 =	vadd.f32 v33, v62;
	v62 =	vld.idx.msk [tilespmem:v55+s21+$0x0], $0xffff  }
0x154: {  	v47 =	vor.u32 $0x1E, v7;
	v13 =	vadd.f32 v40, v13;
	v21 =	vsub.f32 v17, v21;
	v33 =	vld.idx.msk [tilespmem:v55+s22+$0x0], $0xffff  }
0x155: {  	v39 =	vor.u32 $0x20, v9;
	v23 =	vsub.f32 v17, v23;
	v17 =	vsub.f32 v17, v44;
	v44 =	vld.idx.msk [tilespmem:v37+s24+$0x0], $0xffff  }
0x156: {  	v50 =	vor.u32 $0x20, v6;
	v24 =	vsub.f32 v16, v24;
	v57 =	vand.u32 $0x7FFFFFFF, v21;
	v21 =	vld.idx.msk [tilespmem:v63+s24+$0x0], $0xffff  }
0x157: {  	v37 =	vor.u32 $0x1F, v5;
	v19 =	vsub.f32 v16, v19;
	v16 =	vsub.f32 v16, v60;
	v60 =	vld.idx.msk [tilespmem:v53+s24+$0x0], $0xffff  }
0x158: {  	v25 =	vand.u32 $0x7FFFFFFF, v32;
	v42 =	vand.u32 $0x7FFFFFFF, v22;
	v48 =	vsub.f32 v18, v36;
	v36 =	vld.idx.msk [tilespmem:v55+s23+$0x0], $0xffff  }
0x159: {  	v51 =	vsub.f32 v18, v38;
	v22 =	vsub.f32 v18, v43;
	v63 =	vor.u32 $0x1F, v7;
	v38 =	vld.idx.msk [tilespmem:v55+s24+$0x0], $0xffff  }
0x15a: {  	v43 =	vld.idx.msk [tilespmem:v34+s24+$0x0], $0xffff;
	v53 =	vor.u32 $0x20, v5;
	v55 =	vor.u32 $0x21, v9;
	v34 =	vor.u32 $0x21, v6  }
0x15b: {  	v56 =	vand.u32 $0x7FFFFFFF, v23;
	v14 =	vadd.f32 v57, v14;
	v17 =	vand.u32 $0x7FFFFFFF, v17;
	v23 =	vld.idx.msk [tilespmem:v61+s24+$0x0], $0xffff  }
0x15c: {  	v12 =	vadd.f32 v25, v12;
	v40 =	vand.u32 $0x7FFFFFFF, v24;
	v15 =	vadd.f32 v42, v15;
	v24 =	vld.idx.msk [tilespmem:v45+s24+$0x0], $0xffff  }
0x15d: {  	v10 =	vadd.f32 v17, v10;
	v17 =	vand.u32 $0x7FFFFFFF, v35;
	v41 =	vand.u32 $0x7FFFFFFF, v19;
	v19 =	vld.idx.msk [tilespmem:v47+s24+$0x0], $0xffff  }
0x15e: {  	v61 =	vor.u32 $0x1F, v8;
	v11 =	vadd.f32 v17, v11;
	v17 =	vadd.f32 v49, v46;
	v46 =	vld.idx.msk [tilespmem:v39+s21+$0x0], $0xffff  }
0x15f: {  	v13 =	vadd.f32 v56, v13;
	v25 =	vand.u32 $0x7FFFFFFF, v48;
	v14 =	vadd.f32 v41, v14;
	v49 =	vld.idx.msk [tilespmem:v39+s22+$0x0], $0xffff  }
0x160: {  	v58 =	vand.u32 $0x7FFFFFFF, v22;
	v12 =	vadd.f32 v25, v12;
	v32 =	vsub.f32 v17, v52;
	v52 =	vld.idx.msk [tilespmem:v39+s23+$0x0], $0xffff  }
0x161: {  	v16 =	vand.u32 $0x7FFFFFFF, v16;
	v15 =	vadd.f32 v58, v15;
	v35 =	vsub.f32 v17, v54;
	v54 =	vld.idx.msk [tilespmem:v39+s24+$0x0], $0xffff  }
0x162: {  	v10 =	vadd.f32 v16, v10;
	v16 =	vand.u32 $0x7FFFFFFF, v51;
	v22 =	vsub.f32 v17, v59;
	v59 =	vld.idx.msk [tilespmem:v50+s24+$0x0], $0xffff  }
0x163: {  	v45 =	vor.u32 $0x20, v8;
	v11 =	vadd.f32 v16, v11;
	v16 =	vadd.f32 v33, v62;
	v62 =	vld.idx.msk [tilespmem:v55+s21+$0x0], $0xffff  }
0x164: {  	v47 =	vor.u32 $0x20, v7;
	v13 =	vadd.f32 v40, v13;
	v21 =	vsub.f32 v18, v21;
	v33 =	vld.idx.msk [tilespmem:v55+s22+$0x0], $0xffff  }
0x165: {  	v39 =	vor.u32 $0x22, v9;
	v23 =	vsub.f32 v18, v23;
	v18 =	vsub.f32 v18, v44;
	v44 =	vld.idx.msk [tilespmem:v37+s24+$0x0], $0xffff  }
0x166: {  	v50 =	vor.u32 $0x22, v6;
	v24 =	vsub.f32 v17, v24;
	v57 =	vand.u32 $0x7FFFFFFF, v21;
	v21 =	vld.idx.msk [tilespmem:v63+s24+$0x0], $0xffff  }
0x167: {  	v37 =	vor.u32 $0x21, v5;
	v19 =	vsub.f32 v17, v19;
	v17 =	vsub.f32 v17, v60;
	v60 =	vld.idx.msk [tilespmem:v53+s24+$0x0], $0xffff  }
0x168: {  	v25 =	vand.u32 $0x7FFFFFFF, v32;
	v42 =	vand.u32 $0x7FFFFFFF, v22;
	v48 =	vsub.f32 v16, v36;
	v36 =	vld.idx.msk [tilespmem:v55+s23+$0x0], $0xffff  }
0x169: {  	v51 =	vsub.f32 v16, v38;
	v22 =	vsub.f32 v16, v43;
	v63 =	vor.u32 $0x21, v7;
	v38 =	vld.idx.msk [tilespmem:v55+s24+$0x0], $0xffff  }
0x16a: {  	v43 =	vld.idx.msk [tilespmem:v34+s24+$0x0], $0xffff;
	v53 =	vor.u32 $0x22, v5;
	v55 =	vor.u32 $0x23, v9;
	v34 =	vor.u32 $0x23, v6  }
0x16b: {  	v56 =	vand.u32 $0x7FFFFFFF, v23;
	v14 =	vadd.f32 v57, v14;
	v18 =	vand.u32 $0x7FFFFFFF, v18;
	v23 =	vld.idx.msk [tilespmem:v61+s24+$0x0], $0xffff  }
0x16c: {  	v12 =	vadd.f32 v25, v12;
	v40 =	vand.u32 $0x7FFFFFFF, v24;
	v15 =	vadd.f32 v42, v15;
	v24 =	vld.idx.msk [tilespmem:v45+s24+$0x0], $0xffff  }
0x16d: {  	v10 =	vadd.f32 v18, v10;
	v18 =	vand.u32 $0x7FFFFFFF, v35;
	v41 =	vand.u32 $0x7FFFFFFF, v19;
	v19 =	vld.idx.msk [tilespmem:v47+s24+$0x0], $0xffff  }
0x16e: {  	v61 =	vor.u32 $0x21, v8;
	v11 =	vadd.f32 v18, v11;
	v18 =	vadd.f32 v49, v46;
	v46 =	vld.idx.msk [tilespmem:v39+s21+$0x0], $0xffff  }
0x16f: {  	v13 =	vadd.f32 v56, v13;
	v25 =	vand.u32 $0x7FFFFFFF, v48;
	v14 =	vadd.f32 v41, v14;
	v49 =	vld.idx.msk [tilespmem:v39+s22+$0x0], $0xffff  }
0x170: {  	v58 =	vand.u32 $0x7FFFFFFF, v22;
	v12 =	vadd.f32 v25, v12;
	v32 =	vsub.f32 v18, v52;
	v52 =	vld.idx.msk [tilespmem:v39+s23+$0x0], $0xffff  }
0x171: {  	v17 =	vand.u32 $0x7FFFFFFF, v17;
	v15 =	vadd.f32 v58, v15;
	v35 =	vsub.f32 v18, v54;
	v54 =	vld.idx.msk [tilespmem:v39+s24+$0x0], $0xffff  }
0x172: {  	v10 =	vadd.f32 v17, v10;
	v17 =	vand.u32 $0x7FFFFFFF, v51;
	v22 =	vsub.f32 v18, v59;
	v59 =	vld.idx.msk [tilespmem:v50+s24+$0x0], $0xffff  }
0x173: {  	v45 =	vor.u32 $0x22, v8;
	v11 =	vadd.f32 v17, v11;
	v17 =	vadd.f32 v33, v62;
	v62 =	vld.idx.msk [tilespmem:v55+s21+$0x0], $0xffff  }
0x174: {  	v47 =	vor.u32 $0x22, v7;
	v13 =	vadd.f32 v40, v13;
	v21 =	vsub.f32 v16, v21;
	v33 =	vld.idx.msk [tilespmem:v55+s22+$0x0], $0xffff  }
0x175: {  	v39 =	vor.u32 $0x24, v9;
	v23 =	vsub.f32 v16, v23;
	v16 =	vsub.f32 v16, v44;
	v44 =	vld.idx.msk [tilespmem:v37+s24+$0x0], $0xffff  }
0x176: {  	v50 =	vor.u32 $0x24, v6;
	v24 =	vsub.f32 v18, v24;
	v57 =	vand.u32 $0x7FFFFFFF, v21;
	v21 =	vld.idx.msk [tilespmem:v63+s24+$0x0], $0xffff  }
0x177: {  	v37 =	vor.u32 $0x23, v5;
	v19 =	vsub.f32 v18, v19;
	v18 =	vsub.f32 v18, v60;
	v60 =	vld.idx.msk [tilespmem:v53+s24+$0x0], $0xffff  }
0x178: {  	v25 =	vand.u32 $0x7FFFFFFF, v32;
	v42 =	vand.u32 $0x7FFFFFFF, v22;
	v48 =	vsub.f32 v17, v36;
	v36 =	vld.idx.msk [tilespmem:v55+s23+$0x0], $0xffff  }
0x179: {  	v51 =	vsub.f32 v17, v38;
	v22 =	vsub.f32 v17, v43;
	v63 =	vor.u32 $0x23, v7;
	v38 =	vld.idx.msk [tilespmem:v55+s24+$0x0], $0xffff  }
0x17a: {  	v43 =	vld.idx.msk [tilespmem:v34+s24+$0x0], $0xffff;
	v53 =	vor.u32 $0x24, v5;
	v55 =	vor.u32 $0x25, v9;
	v34 =	vor.u32 $0x25, v6  }
0x17b: {  	v56 =	vand.u32 $0x7FFFFFFF, v23;
	v14 =	vadd.f32 v57, v14;
	v16 =	vand.u32 $0x7FFFFFFF, v16;
	v23 =	vld.idx.msk [tilespmem:v61+s24+$0x0], $0xffff  }
0x17c: {  	v12 =	vadd.f32 v25, v12;
	v40 =	vand.u32 $0x7FFFFFFF, v24;
	v15 =	vadd.f32 v42, v15;
	v24 =	vld.idx.msk [tilespmem:v45+s24+$0x0], $0xffff  }
0x17d: {  	v10 =	vadd.f32 v16, v10;
	v16 =	vand.u32 $0x7FFFFFFF, v35;
	v41 =	vand.u32 $0x7FFFFFFF, v19;
	v19 =	vld.idx.msk [tilespmem:v47+s24+$0x0], $0xffff  }
0x17e: {  	v61 =	vor.u32 $0x23, v8;
	v11 =	vadd.f32 v16, v11;
	v16 =	vadd.f32 v49, v46;
	v46 =	vld.idx.msk [tilespmem:v39+s21+$0x0], $0xffff  }
0x17f: {  	v13 =	vadd.f32 v56, v13;
	v25 =	vand.u32 $0x7FFFFFFF, v48;
	v14 =	vadd.f32 v41, v14;
	v49 =	vld.idx.msk [tilespmem:v39+s22+$0x0], $0xffff  }
0x180: {  	v58 =	vand.u32 $0x7FFFFFFF, v22;
	v12 =	vadd.f32 v25, v12;
	v32 =	vsub.f32 v16, v52;
	v52 =	vld.idx.msk [tilespmem:v39+s23+$0x0], $0xffff  }
0x181: {  	v18 =	vand.u32 $0x7FFFFFFF, v18;
	v15 =	vadd.f32 v58, v15;
	v35 =	vsub.f32 v16, v54;
	v54 =	vld.idx.msk [tilespmem:v39+s24+$0x0], $0xffff  }
0x182: {  	v10 =	vadd.f32 v18, v10;
	v18 =	vand.u32 $0x7FFFFFFF, v51;
	v22 =	vsub.f32 v16, v59;
	v59 =	vld.idx.msk [tilespmem:v50+s24+$0x0], $0xffff  }
0x183: {  	v45 =	vor.u32 $0x24, v8;
	v11 =	vadd.f32 v18, v11;
	v18 =	vadd.f32 v33, v62;
	v62 =	vld.idx.msk [tilespmem:v55+s21+$0x0], $0xffff  }
0x184: {  	v47 =	vor.u32 $0x24, v7;
	v13 =	vadd.f32 v40, v13;
	v21 =	vsub.f32 v17, v21;
	v33 =	vld.idx.msk [tilespmem:v55+s22+$0x0], $0xffff  }
0x185: {  	v39 =	vor.u32 $0x26, v9;
	v23 =	vsub.f32 v17, v23;
	v17 =	vsub.f32 v17, v44;
	v44 =	vld.idx.msk [tilespmem:v37+s24+$0x0], $0xffff  }
0x186: {  	v50 =	vor.u32 $0x26, v6;
	v24 =	vsub.f32 v16, v24;
	v57 =	vand.u32 $0x7FFFFFFF, v21;
	v21 =	vld.idx.msk [tilespmem:v63+s24+$0x0], $0xffff  }
0x187: {  	v37 =	vor.u32 $0x25, v5;
	v19 =	vsub.f32 v16, v19;
	v16 =	vsub.f32 v16, v60;
	v60 =	vld.idx.msk [tilespmem:v53+s24+$0x0], $0xffff  }
0x188: {  	v25 =	vand.u32 $0x7FFFFFFF, v32;
	v42 =	vand.u32 $0x7FFFFFFF, v22;
	v48 =	vsub.f32 v18, v36;
	v36 =	vld.idx.msk [tilespmem:v55+s23+$0x0], $0xffff  }
0x189: {  	v51 =	vsub.f32 v18, v38;
	v22 =	vsub.f32 v18, v43;
	v63 =	vor.u32 $0x25, v7;
	v38 =	vld.idx.msk [tilespmem:v55+s24+$0x0], $0xffff  }
0x18a: {  	v43 =	vld.idx.msk [tilespmem:v34+s24+$0x0], $0xffff;
	v53 =	vor.u32 $0x26, v5;
	v55 =	vor.u32 $0x27, v9;
	v34 =	vor.u32 $0x27, v6  }
0x18b: {  	v56 =	vand.u32 $0x7FFFFFFF, v23;
	v14 =	vadd.f32 v57, v14;
	v17 =	vand.u32 $0x7FFFFFFF, v17;
	v23 =	vld.idx.msk [tilespmem:v61+s24+$0x0], $0xffff  }
0x18c: {  	v12 =	vadd.f32 v25, v12;
	v40 =	vand.u32 $0x7FFFFFFF, v24;
	v15 =	vadd.f32 v42, v15;
	v24 =	vld.idx.msk [tilespmem:v45+s24+$0x0], $0xffff  }
0x18d: {  	v10 =	vadd.f32 v17, v10;
	v17 =	vand.u32 $0x7FFFFFFF, v35;
	v41 =	vand.u32 $0x7FFFFFFF, v19;
	v19 =	vld.idx.msk [tilespmem:v47+s24+$0x0], $0xffff  }
0x18e: {  	v61 =	vor.u32 $0x25, v8;
	v11 =	vadd.f32 v17, v11;
	v17 =	vadd.f32 v49, v46;
	v46 =	vld.idx.msk [tilespmem:v39+s21+$0x0], $0xffff  }
0x18f: {  	v13 =	vadd.f32 v56, v13;
	v25 =	vand.u32 $0x7FFFFFFF, v48;
	v14 =	vadd.f32 v41, v14;
	v49 =	vld.idx.msk [tilespmem:v39+s22+$0x0], $0xffff  }
0x190: {  	v58 =	vand.u32 $0x7FFFFFFF, v22;
	v12 =	vadd.f32 v25, v12;
	v32 =	vsub.f32 v17, v52;
	v52 =	vld.idx.msk [tilespmem:v39+s23+$0x0], $0xffff  }
0x191: {  	v16 =	vand.u32 $0x7FFFFFFF, v16;
	v15 =	vadd.f32 v58, v15;
	v35 =	vsub.f32 v17, v54;
	v54 =	vld.idx.msk [tilespmem:v39+s24+$0x0], $0xffff  }
0x192: {  	v10 =	vadd.f32 v16, v10;
	v16 =	vand.u32 $0x7FFFFFFF, v51;
	v22 =	vsub.f32 v17, v59;
	v59 =	vld.idx.msk [tilespmem:v50+s24+$0x0], $0xffff  }
0x193: {  	v45 =	vor.u32 $0x26, v8;
	v11 =	vadd.f32 v16, v11;
	v16 =	vadd.f32 v33, v62;
	v62 =	vld.idx.msk [tilespmem:v55+s21+$0x0], $0xffff  }
0x194: {  	v47 =	vor.u32 $0x26, v7;
	v13 =	vadd.f32 v40, v13;
	v21 =	vsub.f32 v18, v21;
	v33 =	vld.idx.msk [tilespmem:v55+s22+$0x0], $0xffff  }
0x195: {  	v39 =	vor.u32 $0x28, v9;
	v23 =	vsub.f32 v18, v23;
	v18 =	vsub.f32 v18, v44;
	v44 =	vld.idx.msk [tilespmem:v37+s24+$0x0], $0xffff  }
0x196: {  	v50 =	vor.u32 $0x28, v6;
	v24 =	vsub.f32 v17, v24;
	v57 =	vand.u32 $0x7FFFFFFF, v21;
	v21 =	vld.idx.msk [tilespmem:v63+s24+$0x0], $0xffff  }
0x197: {  	v37 =	vor.u32 $0x27, v5;
	v19 =	vsub.f32 v17, v19;
	v17 =	vsub.f32 v17, v60;
	v60 =	vld.idx.msk [tilespmem:v53+s24+$0x0], $0xffff  }
0x198: {  	v25 =	vand.u32 $0x7FFFFFFF, v32;
	v42 =	vand.u32 $0x7FFFFFFF, v22;
	v48 =	vsub.f32 v16, v36;
	v36 =	vld.idx.msk [tilespmem:v55+s23+$0x0], $0xffff  }
0x199: {  	v51 =	vsub.f32 v16, v38;
	v22 =	vsub.f32 v16, v43;
	v63 =	vor.u32 $0x27, v7;
	v38 =	vld.idx.msk [tilespmem:v55+s24+$0x0], $0xffff  }
0x19a: {  	v43 =	vld.idx.msk [tilespmem:v34+s24+$0x0], $0xffff;
	v53 =	vor.u32 $0x28, v5;
	v55 =	vor.u32 $0x29, v9;
	v34 =	vor.u32 $0x29, v6  }
0x19b: {  	v56 =	vand.u32 $0x7FFFFFFF, v23;
	v14 =	vadd.f32 v57, v14;
	v18 =	vand.u32 $0x7FFFFFFF, v18;
	v23 =	vld.idx.msk [tilespmem:v61+s24+$0x0], $0xffff  }
0x19c: {  	v12 =	vadd.f32 v25, v12;
	v40 =	vand.u32 $0x7FFFFFFF, v24;
	v15 =	vadd.f32 v42, v15;
	v24 =	vld.idx.msk [tilespmem:v45+s24+$0x0], $0xffff  }
0x19d: {  	v10 =	vadd.f32 v18, v10;
	v18 =	vand.u32 $0x7FFFFFFF, v35;
	v41 =	vand.u32 $0x7FFFFFFF, v19;
	v19 =	vld.idx.msk [tilespmem:v47+s24+$0x0], $0xffff  }
0x19e: {  	v61 =	vor.u32 $0x27, v8;
	v11 =	vadd.f32 v18, v11;
	v18 =	vadd.f32 v49, v46;
	v46 =	vld.idx.msk [tilespmem:v39+s21+$0x0], $0xffff  }
0x19f: {  	v13 =	vadd.f32 v56, v13;
	v25 =	vand.u32 $0x7FFFFFFF, v48;
	v14 =	vadd.f32 v41, v14;
	v49 =	vld.idx.msk [tilespmem:v39+s22+$0x0], $0xffff  }
0x1a0: {  	v58 =	vand.u32 $0x7FFFFFFF, v22;
	v12 =	vadd.f32 v25, v12;
	v32 =	vsub.f32 v18, v52;
	v52 =	vld.idx.msk [tilespmem:v39+s23+$0x0], $0xffff  }
0x1a1: {  	v17 =	vand.u32 $0x7FFFFFFF, v17;
	v15 =	vadd.f32 v58, v15;
	v35 =	vsub.f32 v18, v54;
	v54 =	vld.idx.msk [tilespmem:v39+s24+$0x0], $0xffff  }
0x1a2: {  	v10 =	vadd.f32 v17, v10;
	v17 =	vand.u32 $0x7FFFFFFF, v51;
	v22 =	vsub.f32 v18, v59;
	v59 =	vld.idx.msk [tilespmem:v50+s24+$0x0], $0xffff  }
0x1a3: {  	v45 =	vor.u32 $0x28, v8;
	v11 =	vadd.f32 v17, v11;
	v17 =	vadd.f32 v33, v62;
	v62 =	vld.idx.msk [tilespmem:v55+s21+$0x0], $0xffff  }
0x1a4: {  	v47 =	vor.u32 $0x28, v7;
	v13 =	vadd.f32 v40, v13;
	v21 =	vsub.f32 v16, v21;
	v33 =	vld.idx.msk [tilespmem:v55+s22+$0x0], $0xffff  }
0x1a5: {  	v39 =	vor.u32 $0x2A, v9;
	v23 =	vsub.f32 v16, v23;
	v16 =	vsub.f32 v16, v44;
	v44 =	vld.idx.msk [tilespmem:v37+s24+$0x0], $0xffff  }
0x1a6: {  	v50 =	vor.u32 $0x2A, v6;
	v24 =	vsub.f32 v18, v24;
	v57 =	vand.u32 $0x7FFFFFFF, v21;
	v21 =	vld.idx.msk [tilespmem:v63+s24+$0x0], $0xffff  }
0x1a7: {  	v37 =	vor.u32 $0x29, v5;
	v19 =	vsub.f32 v18, v19;
	v18 =	vsub.f32 v18, v60;
	v60 =	vld.idx.msk [tilespmem:v53+s24+$0x0], $0xffff  }
0x1a8: {  	v25 =	vand.u32 $0x7FFFFFFF, v32;
	v42 =	vand.u32 $0x7FFFFFFF, v22;
	v48 =	vsub.f32 v17, v36;
	v36 =	vld.idx.msk [tilespmem:v55+s23+$0x0], $0xffff  }
0x1a9: {  	v51 =	vsub.f32 v17, v38;
	v22 =	vsub.f32 v17, v43;
	v63 =	vor.u32 $0x29, v7;
	v38 =	vld.idx.msk [tilespmem:v55+s24+$0x0], $0xffff  }
0x1aa: {  	v43 =	vld.idx.msk [tilespmem:v34+s24+$0x0], $0xffff;
	v53 =	vor.u32 $0x2A, v5;
	v55 =	vor.u32 $0x2B, v9;
	v34 =	vor.u32 $0x2B, v6  }
0x1ab: {  	v56 =	vand.u32 $0x7FFFFFFF, v23;
	v14 =	vadd.f32 v57, v14;
	v16 =	vand.u32 $0x7FFFFFFF, v16;
	v23 =	vld.idx.msk [tilespmem:v61+s24+$0x0], $0xffff  }
0x1ac: {  	v12 =	vadd.f32 v25, v12;
	v40 =	vand.u32 $0x7FFFFFFF, v24;
	v15 =	vadd.f32 v42, v15;
	v24 =	vld.idx.msk [tilespmem:v45+s24+$0x0], $0xffff  }
0x1ad: {  	v10 =	vadd.f32 v16, v10;
	v16 =	vand.u32 $0x7FFFFFFF, v35;
	v41 =	vand.u32 $0x7FFFFFFF, v19;
	v19 =	vld.idx.msk [tilespmem:v47+s24+$0x0], $0xffff  }
0x1ae: {  	v61 =	vor.u32 $0x29, v8;
	v11 =	vadd.f32 v16, v11;
	v16 =	vadd.f32 v49, v46;
	v46 =	vld.idx.msk [tilespmem:v39+s21+$0x0], $0xffff  }
0x1af: {  	v13 =	vadd.f32 v56, v13;
	v25 =	vand.u32 $0x7FFFFFFF, v48;
	v14 =	vadd.f32 v41, v14;
	v49 =	vld.idx.msk [tilespmem:v39+s22+$0x0], $0xffff  }
0x1b0: {  	v58 =	vand.u32 $0x7FFFFFFF, v22;
	v12 =	vadd.f32 v25, v12;
	v32 =	vsub.f32 v16, v52;
	v52 =	vld.idx.msk [tilespmem:v39+s23+$0x0], $0xffff  }
0x1b1: {  	v18 =	vand.u32 $0x7FFFFFFF, v18;
	v15 =	vadd.f32 v58, v15;
	v35 =	vsub.f32 v16, v54;
	v54 =	vld.idx.msk [tilespmem:v39+s24+$0x0], $0xffff  }
0x1b2: {  	v10 =	vadd.f32 v18, v10;
	v18 =	vand.u32 $0x7FFFFFFF, v51;
	v22 =	vsub.f32 v16, v59;
	v59 =	vld.idx.msk [tilespmem:v50+s24+$0x0], $0xffff  }
0x1b3: {  	v45 =	vor.u32 $0x2A, v8;
	v11 =	vadd.f32 v18, v11;
	v18 =	vadd.f32 v33, v62;
	v62 =	vld.idx.msk [tilespmem:v55+s21+$0x0], $0xffff  }
0x1b4: {  	v47 =	vor.u32 $0x2A, v7;
	v13 =	vadd.f32 v40, v13;
	v21 =	vsub.f32 v17, v21;
	v33 =	vld.idx.msk [tilespmem:v55+s22+$0x0], $0xffff  }
0x1b5: {  	v39 =	vor.u32 $0x2C, v9;
	v23 =	vsub.f32 v17, v23;
	v17 =	vsub.f32 v17, v44;
	v44 =	vld.idx.msk [tilespmem:v37+s24+$0x0], $0xffff  }
0x1b6: {  	v50 =	vor.u32 $0x2C, v6;
	v24 =	vsub.f32 v16, v24;
	v57 =	vand.u32 $0x7FFFFFFF, v21;
	v21 =	vld.idx.msk [tilespmem:v63+s24+$0x0], $0xffff  }
0x1b7: {  	v37 =	vor.u32 $0x2B, v5;
	v19 =	vsub.f32 v16, v19;
	v16 =	vsub.f32 v16, v60;
	v60 =	vld.idx.msk [tilespmem:v53+s24+$0x0], $0xffff  }
0x1b8: {  	v25 =	vand.u32 $0x7FFFFFFF, v32;
	v42 =	vand.u32 $0x7FFFFFFF, v22;
	v48 =	vsub.f32 v18, v36;
	v36 =	vld.idx.msk [tilespmem:v55+s23+$0x0], $0xffff  }
0x1b9: {  	v51 =	vsub.f32 v18, v38;
	v22 =	vsub.f32 v18, v43;
	v63 =	vor.u32 $0x2B, v7;
	v38 =	vld.idx.msk [tilespmem:v55+s24+$0x0], $0xffff  }
0x1ba: {  	v43 =	vld.idx.msk [tilespmem:v34+s24+$0x0], $0xffff;
	v53 =	vor.u32 $0x2C, v5;
	v55 =	vor.u32 $0x2D, v9;
	v34 =	vor.u32 $0x2D, v6  }
0x1bb: {  	v56 =	vand.u32 $0x7FFFFFFF, v23;
	v14 =	vadd.f32 v57, v14;
	v17 =	vand.u32 $0x7FFFFFFF, v17;
	v23 =	vld.idx.msk [tilespmem:v61+s24+$0x0], $0xffff  }
0x1bc: {  	v12 =	vadd.f32 v25, v12;
	v40 =	vand.u32 $0x7FFFFFFF, v24;
	v15 =	vadd.f32 v42, v15;
	v24 =	vld.idx.msk [tilespmem:v45+s24+$0x0], $0xffff  }
0x1bd: {  	v10 =	vadd.f32 v17, v10;
	v17 =	vand.u32 $0x7FFFFFFF, v35;
	v41 =	vand.u32 $0x7FFFFFFF, v19;
	v19 =	vld.idx.msk [tilespmem:v47+s24+$0x0], $0xffff  }
0x1be: {  	v61 =	vor.u32 $0x2B, v8;
	v11 =	vadd.f32 v17, v11;
	v17 =	vadd.f32 v49, v46;
	v46 =	vld.idx.msk [tilespmem:v39+s21+$0x0], $0xffff  }
0x1bf: {  	v13 =	vadd.f32 v56, v13;
	v25 =	vand.u32 $0x7FFFFFFF, v48;
	v14 =	vadd.f32 v41, v14;
	v49 =	vld.idx.msk [tilespmem:v39+s22+$0x0], $0xffff  }
0x1c0: {  	v58 =	vand.u32 $0x7FFFFFFF, v22;
	v12 =	vadd.f32 v25, v12;
	v32 =	vsub.f32 v17, v52;
	v52 =	vld.idx.msk [tilespmem:v39+s23+$0x0], $0xffff  }
0x1c1: {  	v16 =	vand.u32 $0x7FFFFFFF, v16;
	v15 =	vadd.f32 v58, v15;
	v35 =	vsub.f32 v17, v54;
	v54 =	vld.idx.msk [tilespmem:v39+s24+$0x0], $0xffff  }
0x1c2: {  	v10 =	vadd.f32 v16, v10;
	v16 =	vand.u32 $0x7FFFFFFF, v51;
	v22 =	vsub.f32 v17, v59;
	v59 =	vld.idx.msk [tilespmem:v50+s24+$0x0], $0xffff  }
0x1c3: {  	v45 =	vor.u32 $0x2C, v8;
	v11 =	vadd.f32 v16, v11;
	v16 =	vadd.f32 v33, v62;
	v62 =	vld.idx.msk [tilespmem:v55+s21+$0x0], $0xffff  }
0x1c4: {  	v47 =	vor.u32 $0x2C, v7;
	v13 =	vadd.f32 v40, v13;
	v21 =	vsub.f32 v18, v21;
	v33 =	vld.idx.msk [tilespmem:v55+s22+$0x0], $0xffff  }
0x1c5: {  	v39 =	vor.u32 $0x2E, v9;
	v23 =	vsub.f32 v18, v23;
	v18 =	vsub.f32 v18, v44;
	v44 =	vld.idx.msk [tilespmem:v37+s24+$0x0], $0xffff  }
0x1c6: {  	v50 =	vor.u32 $0x2E, v6;
	v24 =	vsub.f32 v17, v24;
	v57 =	vand.u32 $0x7FFFFFFF, v21;
	v21 =	vld.idx.msk [tilespmem:v63+s24+$0x0], $0xffff  }
0x1c7: {  	v37 =	vor.u32 $0x2D, v5;
	v19 =	vsub.f32 v17, v19;
	v17 =	vsub.f32 v17, v60;
	v60 =	vld.idx.msk [tilespmem:v53+s24+$0x0], $0xffff  }
0x1c8: {  	v25 =	vand.u32 $0x7FFFFFFF, v32;
	v42 =	vand.u32 $0x7FFFFFFF, v22;
	v48 =	vsub.f32 v16, v36;
	v36 =	vld.idx.msk [tilespmem:v55+s23+$0x0], $0xffff  }
0x1c9: {  	v51 =	vsub.f32 v16, v38;
	v22 =	vsub.f32 v16, v43;
	v63 =	vor.u32 $0x2D, v7;
	v38 =	vld.idx.msk [tilespmem:v55+s24+$0x0], $0xffff  }
0x1ca: {  	v43 =	vld.idx.msk [tilespmem:v34+s24+$0x0], $0xffff;
	v53 =	vor.u32 $0x2E, v5;
	v55 =	vor.u32 $0x2F, v9;
	v34 =	vor.u32 $0x2F, v6  }
0x1cb: {  	v56 =	vand.u32 $0x7FFFFFFF, v23;
	v14 =	vadd.f32 v57, v14;
	v18 =	vand.u32 $0x7FFFFFFF, v18;
	v23 =	vld.idx.msk [tilespmem:v61+s24+$0x0], $0xffff  }
0x1cc: {  	v12 =	vadd.f32 v25, v12;
	v40 =	vand.u32 $0x7FFFFFFF, v24;
	v15 =	vadd.f32 v42, v15;
	v24 =	vld.idx.msk [tilespmem:v45+s24+$0x0], $0xffff  }
0x1cd: {  	v10 =	vadd.f32 v18, v10;
	v18 =	vand.u32 $0x7FFFFFFF, v35;
	v41 =	vand.u32 $0x7FFFFFFF, v19;
	v19 =	vld.idx.msk [tilespmem:v47+s24+$0x0], $0xffff  }
0x1ce: {  	v61 =	vor.u32 $0x2D, v8;
	v11 =	vadd.f32 v18, v11;
	v18 =	vadd.f32 v49, v46;
	v46 =	vld.idx.msk [tilespmem:v39+s21+$0x0], $0xffff  }
0x1cf: {  	v13 =	vadd.f32 v56, v13;
	v25 =	vand.u32 $0x7FFFFFFF, v48;
	v14 =	vadd.f32 v41, v14;
	v49 =	vld.idx.msk [tilespmem:v39+s22+$0x0], $0xffff  }
0x1d0: {  	v58 =	vand.u32 $0x7FFFFFFF, v22;
	v12 =	vadd.f32 v25, v12;
	v32 =	vsub.f32 v18, v52;
	v52 =	vld.idx.msk [tilespmem:v39+s23+$0x0], $0xffff  }
0x1d1: {  	v17 =	vand.u32 $0x7FFFFFFF, v17;
	v15 =	vadd.f32 v58, v15;
	v35 =	vsub.f32 v18, v54;
	v54 =	vld.idx.msk [tilespmem:v39+s24+$0x0], $0xffff  }
0x1d2: {  	v10 =	vadd.f32 v17, v10;
	v17 =	vand.u32 $0x7FFFFFFF, v51;
	v22 =	vsub.f32 v18, v59;
	v59 =	vld.idx.msk [tilespmem:v50+s24+$0x0], $0xffff  }
0x1d3: {  	v45 =	vor.u32 $0x2E, v8;
	v11 =	vadd.f32 v17, v11;
	v17 =	vadd.f32 v33, v62;
	v62 =	vld.idx.msk [tilespmem:v55+s21+$0x0], $0xffff  }
0x1d4: {  	v47 =	vor.u32 $0x2E, v7;
	v13 =	vadd.f32 v40, v13;
	v21 =	vsub.f32 v16, v21;
	v33 =	vld.idx.msk [tilespmem:v55+s22+$0x0], $0xffff  }
0x1d5: {  	v39 =	vor.u32 $0x30, v9;
	v23 =	vsub.f32 v16, v23;
	v16 =	vsub.f32 v16, v44;
	v44 =	vld.idx.msk [tilespmem:v37+s24+$0x0], $0xffff  }
0x1d6: {  	v50 =	vor.u32 $0x30, v6;
	v24 =	vsub.f32 v18, v24;
	v57 =	vand.u32 $0x7FFFFFFF, v21;
	v21 =	vld.idx.msk [tilespmem:v63+s24+$0x0], $0xffff  }
0x1d7: {  	v37 =	vor.u32 $0x2F, v5;
	v19 =	vsub.f32 v18, v19;
	v18 =	vsub.f32 v18, v60;
	v60 =	vld.idx.msk [tilespmem:v53+s24+$0x0], $0xffff  }
0x1d8: {  	v25 =	vand.u32 $0x7FFFFFFF, v32;
	v42 =	vand.u32 $0x7FFFFFFF, v22;
	v48 =	vsub.f32 v17, v36;
	v36 =	vld.idx.msk [tilespmem:v55+s23+$0x0], $0xffff  }
0x1d9: {  	v51 =	vsub.f32 v17, v38;
	v22 =	vsub.f32 v17, v43;
	v63 =	vor.u32 $0x2F, v7;
	v38 =	vld.idx.msk [tilespmem:v55+s24+$0x0], $0xffff  }
0x1da: {  	v43 =	vld.idx.msk [tilespmem:v34+s24+$0x0], $0xffff;
	v53 =	vor.u32 $0x30, v5;
	v55 =	vor.u32 $0x31, v9;
	v34 =	vor.u32 $0x31, v6  }
0x1db: {  	v56 =	vand.u32 $0x7FFFFFFF, v23;
	v14 =	vadd.f32 v57, v14;
	v16 =	vand.u32 $0x7FFFFFFF, v16;
	v23 =	vld.idx.msk [tilespmem:v61+s24+$0x0], $0xffff  }
0x1dc: {  	v12 =	vadd.f32 v25, v12;
	v40 =	vand.u32 $0x7FFFFFFF, v24;
	v15 =	vadd.f32 v42, v15;
	v24 =	vld.idx.msk [tilespmem:v45+s24+$0x0], $0xffff  }
0x1dd: {  	v10 =	vadd.f32 v16, v10;
	v16 =	vand.u32 $0x7FFFFFFF, v35;
	v41 =	vand.u32 $0x7FFFFFFF, v19;
	v19 =	vld.idx.msk [tilespmem:v47+s24+$0x0], $0xffff  }
0x1de: {  	v61 =	vor.u32 $0x2F, v8;
	v11 =	vadd.f32 v16, v11;
	v16 =	vadd.f32 v49, v46;
	v46 =	vld.idx.msk [tilespmem:v39+s21+$0x0], $0xffff  }
0x1df: {  	v13 =	vadd.f32 v56, v13;
	v25 =	vand.u32 $0x7FFFFFFF, v48;
	v14 =	vadd.f32 v41, v14;
	v49 =	vld.idx.msk [tilespmem:v39+s22+$0x0], $0xffff  }
0x1e0: {  	v58 =	vand.u32 $0x7FFFFFFF, v22;
	v12 =	vadd.f32 v25, v12;
	v32 =	vsub.f32 v16, v52;
	v52 =	vld.idx.msk [tilespmem:v39+s23+$0x0], $0xffff  }
0x1e1: {  	v18 =	vand.u32 $0x7FFFFFFF, v18;
	v15 =	vadd.f32 v58, v15;
	v35 =	vsub.f32 v16, v54;
	v54 =	vld.idx.msk [tilespmem:v39+s24+$0x0], $0xffff  }
0x1e2: {  	v10 =	vadd.f32 v18, v10;
	v18 =	vand.u32 $0x7FFFFFFF, v51;
	v22 =	vsub.f32 v16, v59;
	v59 =	vld.idx.msk [tilespmem:v50+s24+$0x0], $0xffff  }
0x1e3: {  	v45 =	vor.u32 $0x30, v8;
	v11 =	vadd.f32 v18, v11;
	v18 =	vadd.f32 v33, v62;
	v62 =	vld.idx.msk [tilespmem:v55+s21+$0x0], $0xffff  }
0x1e4: {  	v47 =	vor.u32 $0x30, v7;
	v13 =	vadd.f32 v40, v13;
	v21 =	vsub.f32 v17, v21;
	v33 =	vld.idx.msk [tilespmem:v55+s22+$0x0], $0xffff  }
0x1e5: {  	v39 =	vor.u32 $0x32, v9;
	v23 =	vsub.f32 v17, v23;
	v17 =	vsub.f32 v17, v44;
	v44 =	vld.idx.msk [tilespmem:v37+s24+$0x0], $0xffff  }
0x1e6: {  	v50 =	vor.u32 $0x32, v6;
	v24 =	vsub.f32 v16, v24;
	v57 =	vand.u32 $0x7FFFFFFF, v21;
	v21 =	vld.idx.msk [tilespmem:v63+s24+$0x0], $0xffff  }
0x1e7: {  	v37 =	vor.u32 $0x31, v5;
	v19 =	vsub.f32 v16, v19;
	v16 =	vsub.f32 v16, v60;
	v60 =	vld.idx.msk [tilespmem:v53+s24+$0x0], $0xffff  }
0x1e8: {  	v25 =	vand.u32 $0x7FFFFFFF, v32;
	v42 =	vand.u32 $0x7FFFFFFF, v22;
	v48 =	vsub.f32 v18, v36;
	v36 =	vld.idx.msk [tilespmem:v55+s23+$0x0], $0xffff  }
0x1e9: {  	v51 =	vsub.f32 v18, v38;
	v22 =	vsub.f32 v18, v43;
	v63 =	vor.u32 $0x31, v7;
	v38 =	vld.idx.msk [tilespmem:v55+s24+$0x0], $0xffff  }
0x1ea: {  	v43 =	vld.idx.msk [tilespmem:v34+s24+$0x0], $0xffff;
	v53 =	vor.u32 $0x32, v5;
	v55 =	vor.u32 $0x33, v9;
	v34 =	vor.u32 $0x33, v6  }
0x1eb: {  	v56 =	vand.u32 $0x7FFFFFFF, v23;
	v14 =	vadd.f32 v57, v14;
	v17 =	vand.u32 $0x7FFFFFFF, v17;
	v23 =	vld.idx.msk [tilespmem:v61+s24+$0x0], $0xffff  }
0x1ec: {  	v12 =	vadd.f32 v25, v12;
	v40 =	vand.u32 $0x7FFFFFFF, v24;
	v15 =	vadd.f32 v42, v15;
	v24 =	vld.idx.msk [tilespmem:v45+s24+$0x0], $0xffff  }
0x1ed: {  	v10 =	vadd.f32 v17, v10;
	v17 =	vand.u32 $0x7FFFFFFF, v35;
	v41 =	vand.u32 $0x7FFFFFFF, v19;
	v19 =	vld.idx.msk [tilespmem:v47+s24+$0x0], $0xffff  }
0x1ee: {  	v61 =	vor.u32 $0x31, v8;
	v11 =	vadd.f32 v17, v11;
	v17 =	vadd.f32 v49, v46;
	v46 =	vld.idx.msk [tilespmem:v39+s21+$0x0], $0xffff  }
0x1ef: {  	v13 =	vadd.f32 v56, v13;
	v25 =	vand.u32 $0x7FFFFFFF, v48;
	v14 =	vadd.f32 v41, v14;
	v49 =	vld.idx.msk [tilespmem:v39+s22+$0x0], $0xffff  }
0x1f0: {  	v58 =	vand.u32 $0x7FFFFFFF, v22;
	v12 =	vadd.f32 v25, v12;
	v32 =	vsub.f32 v17, v52;
	v52 =	vld.idx.msk [tilespmem:v39+s23+$0x0], $0xffff  }
0x1f1: {  	v16 =	vand.u32 $0x7FFFFFFF, v16;
	v15 =	vadd.f32 v58, v15;
	v35 =	vsub.f32 v17, v54;
	v54 =	vld.idx.msk [tilespmem:v39+s24+$0x0], $0xffff  }
0x1f2: {  	v10 =	vadd.f32 v16, v10;
	v16 =	vand.u32 $0x7FFFFFFF, v51;
	v22 =	vsub.f32 v17, v59;
	v59 =	vld.idx.msk [tilespmem:v50+s24+$0x0], $0xffff  }
0x1f3: {  	v45 =	vor.u32 $0x32, v8;
	v11 =	vadd.f32 v16, v11;
	v16 =	vadd.f32 v33, v62;
	v62 =	vld.idx.msk [tilespmem:v55+s21+$0x0], $0xffff  }
0x1f4: {  	v47 =	vor.u32 $0x32, v7;
	v13 =	vadd.f32 v40, v13;
	v21 =	vsub.f32 v18, v21;
	v33 =	vld.idx.msk [tilespmem:v55+s22+$0x0], $0xffff  }
0x1f5: {  	v39 =	vor.u32 $0x34, v9;
	v23 =	vsub.f32 v18, v23;
	v18 =	vsub.f32 v18, v44;
	v44 =	vld.idx.msk [tilespmem:v37+s24+$0x0], $0xffff  }
0x1f6: {  	v50 =	vor.u32 $0x34, v6;
	v24 =	vsub.f32 v17, v24;
	v57 =	vand.u32 $0x7FFFFFFF, v21;
	v21 =	vld.idx.msk [tilespmem:v63+s24+$0x0], $0xffff  }
0x1f7: {  	v37 =	vor.u32 $0x33, v5;
	v19 =	vsub.f32 v17, v19;
	v17 =	vsub.f32 v17, v60;
	v60 =	vld.idx.msk [tilespmem:v53+s24+$0x0], $0xffff  }
0x1f8: {  	v25 =	vand.u32 $0x7FFFFFFF, v32;
	v42 =	vand.u32 $0x7FFFFFFF, v22;
	v48 =	vsub.f32 v16, v36;
	v36 =	vld.idx.msk [tilespmem:v55+s23+$0x0], $0xffff  }
0x1f9: {  	v51 =	vsub.f32 v16, v38;
	v22 =	vsub.f32 v16, v43;
	v63 =	vor.u32 $0x33, v7;
	v38 =	vld.idx.msk [tilespmem:v55+s24+$0x0], $0xffff  }
0x1fa: {  	v43 =	vld.idx.msk [tilespmem:v34+s24+$0x0], $0xffff;
	v53 =	vor.u32 $0x34, v5;
	v55 =	vor.u32 $0x35, v9;
	v34 =	vor.u32 $0x35, v6  }
0x1fb: {  	v56 =	vand.u32 $0x7FFFFFFF, v23;
	v14 =	vadd.f32 v57, v14;
	v18 =	vand.u32 $0x7FFFFFFF, v18;
	v23 =	vld.idx.msk [tilespmem:v61+s24+$0x0], $0xffff  }
0x1fc: {  	v12 =	vadd.f32 v25, v12;
	v40 =	vand.u32 $0x7FFFFFFF, v24;
	v15 =	vadd.f32 v42, v15;
	v24 =	vld.idx.msk [tilespmem:v45+s24+$0x0], $0xffff  }
0x1fd: {  	v10 =	vadd.f32 v18, v10;
	v18 =	vand.u32 $0x7FFFFFFF, v35;
	v41 =	vand.u32 $0x7FFFFFFF, v19;
	v19 =	vld.idx.msk [tilespmem:v47+s24+$0x0], $0xffff  }
0x1fe: {  	v61 =	vor.u32 $0x33, v8;
	v11 =	vadd.f32 v18, v11;
	v18 =	vadd.f32 v49, v46;
	v46 =	vld.idx.msk [tilespmem:v39+s21+$0x0], $0xffff  }
0x1ff: {  	v13 =	vadd.f32 v56, v13;
	v25 =	vand.u32 $0x7FFFFFFF, v48;
	v14 =	vadd.f32 v41, v14;
	v49 =	vld.idx.msk [tilespmem:v39+s22+$0x0], $0xffff  }
0x200: {  	v58 =	vand.u32 $0x7FFFFFFF, v22;
	v12 =	vadd.f32 v25, v12;
	v32 =	vsub.f32 v18, v52;
	v52 =	vld.idx.msk [tilespmem:v39+s23+$0x0], $0xffff  }
0x201: {  	v17 =	vand.u32 $0x7FFFFFFF, v17;
	v15 =	vadd.f32 v58, v15;
	v35 =	vsub.f32 v18, v54;
	v54 =	vld.idx.msk [tilespmem:v39+s24+$0x0], $0xffff  }
0x202: {  	v10 =	vadd.f32 v17, v10;
	v17 =	vand.u32 $0x7FFFFFFF, v51;
	v22 =	vsub.f32 v18, v59;
	v59 =	vld.idx.msk [tilespmem:v50+s24+$0x0], $0xffff  }
0x203: {  	v45 =	vor.u32 $0x34, v8;
	v11 =	vadd.f32 v17, v11;
	v17 =	vadd.f32 v33, v62;
	v62 =	vld.idx.msk [tilespmem:v55+s21+$0x0], $0xffff  }
0x204: {  	v47 =	vor.u32 $0x34, v7;
	v13 =	vadd.f32 v40, v13;
	v21 =	vsub.f32 v16, v21;
	v33 =	vld.idx.msk [tilespmem:v55+s22+$0x0], $0xffff  }
0x205: {  	v39 =	vor.u32 $0x36, v9;
	v23 =	vsub.f32 v16, v23;
	v16 =	vsub.f32 v16, v44;
	v44 =	vld.idx.msk [tilespmem:v37+s24+$0x0], $0xffff  }
0x206: {  	v50 =	vor.u32 $0x36, v6;
	v24 =	vsub.f32 v18, v24;
	v57 =	vand.u32 $0x7FFFFFFF, v21;
	v21 =	vld.idx.msk [tilespmem:v63+s24+$0x0], $0xffff  }
0x207: {  	v37 =	vor.u32 $0x35, v5;
	v19 =	vsub.f32 v18, v19;
	v18 =	vsub.f32 v18, v60;
	v60 =	vld.idx.msk [tilespmem:v53+s24+$0x0], $0xffff  }
0x208: {  	v25 =	vand.u32 $0x7FFFFFFF, v32;
	v42 =	vand.u32 $0x7FFFFFFF, v22;
	v48 =	vsub.f32 v17, v36;
	v36 =	vld.idx.msk [tilespmem:v55+s23+$0x0], $0xffff  }
0x209: {  	v51 =	vsub.f32 v17, v38;
	v22 =	vsub.f32 v17, v43;
	v63 =	vor.u32 $0x35, v7;
	v38 =	vld.idx.msk [tilespmem:v55+s24+$0x0], $0xffff  }
0x20a: {  	v43 =	vld.idx.msk [tilespmem:v34+s24+$0x0], $0xffff;
	v53 =	vor.u32 $0x36, v5;
	v55 =	vor.u32 $0x37, v9;
	v34 =	vor.u32 $0x37, v6  }
0x20b: {  	v56 =	vand.u32 $0x7FFFFFFF, v23;
	v14 =	vadd.f32 v57, v14;
	v16 =	vand.u32 $0x7FFFFFFF, v16  }
0x20c: {  	v12 =	vadd.f32 v25, v12;
	v40 =	vand.u32 $0x7FFFFFFF, v24;
	v15 =	vadd.f32 v42, v15  }
0x20d: {  	v13 =	vadd.f32 v56, v13;
	v10 =	vadd.f32 v16, v10;
	v16 =	vand.u32 $0x7FFFFFFF, v35  }
0x20e: {  	v41 =	vand.u32 $0x7FFFFFFF, v19;
	v25 =	vand.u32 $0x7FFFFFFF, v48;
	v11 =	vadd.f32 v16, v11  }
0x20f: {  	v58 =	vand.u32 $0x7FFFFFFF, v22;
	v14 =	vadd.f32 v41, v14;
	v12 =	vadd.f32 v25, v12  }
0x210: {  	v23 =	vld.idx.msk [tilespmem:v61+s24+$0x0], $0xffff;
	v18 =	vand.u32 $0x7FFFFFFF, v18;
	v16 =	vadd.f32 v49, v46;
	v15 =	vadd.f32 v58, v15  }
0x211: {  	v24 =	vld.idx.msk [tilespmem:v45+s24+$0x0], $0xffff;
	v13 =	vadd.f32 v40, v13;
	v10 =	vadd.f32 v18, v10;
	v18 =	vand.u32 $0x7FFFFFFF, v51  }
0x212: {  	v61 =	vor.u32 $0x35, v8;
	v19 =	vld.idx.msk [tilespmem:v47+s24+$0x0], $0xffff;
	v21 =	vsub.f32 v17, v21;
	v11 =	vadd.f32 v18, v11  }
0x213: {  	v45 =	vor.u32 $0x36, v8;
	v46 =	vld.idx.msk [tilespmem:v39+s21+$0x0], $0xffff;
	v32 =	vsub.f32 v16, v52;
	v35 =	vsub.f32 v16, v54  }
0x214: {  	v47 =	vor.u32 $0x36, v7;
	v49 =	vld.idx.msk [tilespmem:v39+s22+$0x0], $0xffff;
	v22 =	vsub.f32 v16, v59;
	v18 =	vadd.f32 v33, v62  }
0x215: {  	v52 =	vld.idx.msk [tilespmem:v39+s23+$0x0], $0xffff;
	v62 =	vor.u32 $0x37, v8;
	v33 =	vor.u32 $0x37, v7;
	v23 =	vsub.f32 v17, v23  }
0x216: {  	v54 =	vld.idx.msk [tilespmem:v39+s24+$0x0], $0xffff;
	v39 =	vor.u32 $0x38, v9;
	v17 =	vsub.f32 v17, v44;
	v24 =	vsub.f32 v16, v24  }
0x217: {  	v44 =	vld.idx.msk [tilespmem:v37+s24+$0x0], $0xffff;
	v37 =	vor.u32 $0x37, v5;
	v57 =	vand.u32 $0x7FFFFFFF, v21;
	v19 =	vsub.f32 v16, v19  }
0x218: {  	v59 =	vld.idx.msk [tilespmem:v53+s24+$0x0], $0xffff;
	v25 =	vand.u32 $0x7FFFFFFF, v32;
	v16 =	vsub.f32 v16, v60;
	v48 =	vsub.f32 v18, v36  }
0x219: {  	v21 =	vld.idx.msk [tilespmem:v63+s24+$0x0], $0xffff;
	v42 =	vand.u32 $0x7FFFFFFF, v22;
	v51 =	vsub.f32 v18, v38;
	v22 =	vsub.f32 v18, v43  }
0x21a: {  	v63 =	vld.idx.msk [tilespmem:v55+s22+$0x0], $0xffff;
	v56 =	vand.u32 $0x7FFFFFFF, v23;
	v14 =	vadd.f32 v57, v14;
	v17 =	vand.u32 $0x7FFFFFFF, v17  }
0x21b: {  	v36 =	vld.idx.msk [tilespmem:v55+s23+$0x0], $0xffff;
	v12 =	vadd.f32 v25, v12;
	v40 =	vand.u32 $0x7FFFFFFF, v24;
	v15 =	vadd.f32 v42, v15  }
0x21c: {  	v38 =	vld.idx.msk [tilespmem:v55+s24+$0x0], $0xffff;
	v13 =	vadd.f32 v56, v13;
	v10 =	vadd.f32 v17, v10;
	v17 =	vand.u32 $0x7FFFFFFF, v35  }
0x21d: {  	v23 =	vld.idx.msk [tilespmem:v61+s24+$0x0], $0xffff;
	v41 =	vand.u32 $0x7FFFFFFF, v19;
	v25 =	vand.u32 $0x7FFFFFFF, v48;
	v11 =	vadd.f32 v17, v11  }
0x21e: {  	v24 =	vld.idx.msk [tilespmem:v45+s24+$0x0], $0xffff;
	v58 =	vand.u32 $0x7FFFFFFF, v22;
	v14 =	vadd.f32 v41, v14;
	v12 =	vadd.f32 v25, v12  }
0x21f: {  	v57 =	vld.idx.msk [tilespmem:v50+s24+$0x0], $0xffff;
	v16 =	vand.u32 $0x7FFFFFFF, v16;
	v17 =	vadd.f32 v49, v46;
	v15 =	vadd.f32 v58, v15  }
0x220: {  	v61 =	vld.idx.msk [tilespmem:v55+s21+$0x0], $0xffff;
	v13 =	vadd.f32 v40, v13;
	v10 =	vadd.f32 v16, v10;
	v16 =	vand.u32 $0x7FFFFFFF, v51  }
0x221: {  	v50 =	vor.u32 $0x39, v9;
	v19 =	vld.idx.msk [tilespmem:v47+s24+$0x0], $0xffff;
	v21 =	vsub.f32 v18, v21;
	v11 =	vadd.f32 v16, v11  }
0x222: {  	v48 =	vor.u32 $0x38, v6;
	v25 =	vld.idx.msk [tilespmem:v62+s24+$0x0], $0xffff;
	v60 =	vsub.f32 v17, v52;
	v26 =	vsub.f32 v17, v54  }
0x223: {  	v43 =	vld.idx.msk [tilespmem:v39+s21+$0x0], $0xffff;
	v46 =	vor.u32 $0x38, v7;
	v23 =	vsub.f32 v18, v23;
	v18 =	vsub.f32 v18, v44  }
0x224: {  	v45 =	vld.idx.msk [tilespmem:v39+s22+$0x0], $0xffff;
	v52 =	vor.u32 $0x38, v5;
	v35 =	vsub.f32 v17, v24;
	v20 =	vsub.f32 v17, v57  }
0x225: {  	v49 =	vld.idx.msk [tilespmem:v39+s23+$0x0], $0xffff;
	v16 =	vadd.f32 v63, v61;
	v44 =	vor.u32 $0x38, v8;
	v57 =	vor.u32 $0x39, v8  }
0x226: {  	v40 =	vld.idx.msk [tilespmem:v34+s24+$0x0], $0xffff;
	v61 =	vor.u32 $0x39, v6;
	v63 =	vor.u32 $0x39, v5;
	v21 =	vand.u32 $0x7FFFFFFF, v21  }
0x227: {  	v42 =	vld.idx.msk [tilespmem:v37+s24+$0x0], $0xffff;
	v22 =	vand.u32 $0x7FFFFFFF, v60;
	v26 =	vand.u32 $0x7FFFFFFF, v26;
	v19 =	vsub.f32 v17, v19  }
0x228: {  	v51 =	vld.idx.msk [tilespmem:v39+s24+$0x0], $0xffff;
	v17 =	vsub.f32 v17, v59;
	v60 =	vor.u32 $0x39, v7;
	v56 =	vand.u32 $0x7FFFFFFF, v23  }
0x229: {  	v62 =	vld.idx.msk [tilespmem:v50+s23+$0x0], $0xffff;
	v14 =	vadd.f32 v21, v14;
	v18 =	vand.u32 $0x7FFFFFFF, v18;
	v12 =	vadd.f32 v22, v12  }
0x22a: {  	v28 =	vld.idx.msk [tilespmem:v50+s24+$0x0], $0xffff;
	v11 =	vadd.f32 v26, v11;
	v22 =	vand.u32 $0x7FFFFFFF, v35;
	v41 =	vsub.f32 v16, v36  }
0x22b: {  	v54 =	vld.idx.msk [tilespmem:v48+s24+$0x0], $0xffff;
	v20 =	vand.u32 $0x7FFFFFFF, v20;
	v23 =	vsub.f32 v16, v38;
	v47 =	vsub.f32 v16, v25  }
0x22c: {  	v59 =	vld.idx.msk [tilespmem:v50+s22+$0x0], $0xffff;
	v13 =	vadd.f32 v56, v13;
	v10 =	vadd.f32 v18, v10;
	v19 =	vand.u32 $0x7FFFFFFF, v19  }
0x22d: {  	v18 =	vld.idx.msk [tilespmem:v33+s24+$0x0], $0xffff;
	v17 =	vand.u32 $0x7FFFFFFF, v17;
	v15 =	vadd.f32 v20, v15;
	v33 =	vor.u32 $0x3A, v9  }
0x22e: {  	v53 =	vld.idx.msk [tilespmem:v46+s24+$0x0], $0xffff;
	v14 =	vadd.f32 v19, v14;
	v21 =	vand.u32 $0x7FFFFFFF, v41;
	v19 =	vsub.f32 v16, v40  }
0x22f: {  	v56 =	vld.idx.msk [tilespmem:v50+s21+$0x0], $0xffff;
	v23 =	vand.u32 $0x7FFFFFFF, v23;
	v13 =	vadd.f32 v22, v13;
	v10 =	vadd.f32 v17, v10  }
0x230: {  	v48 =	vor.u32 $0x3A, v5;
	v12 =	vadd.f32 v21, v12;
	v11 =	vadd.f32 v23, v11;
	v20 =	vld.idx.msk [tilespmem:v44+s24+$0x0], $0xffff  }
0x231: {  	v21 =	vand.u32 $0x7FFFFFFF, v47;
	v17 =	vadd.f32 v45, v43;
	v34 =	vld.idx.msk [tilespmem:v57+s24+$0x0], $0xffff;
	v19 =	vand.u32 $0x7FFFFFFF, v19  }
0x232: {  	v40 =	vor.u32 $0x3A, v8;
	v37 =	vld.idx.msk [tilespmem:v60+s24+$0x0], $0xffff;
	v13 =	vadd.f32 v21, v13;
	v15 =	vadd.f32 v19, v15  }
0x233: {  	v45 =	vor.u32 $0x3A, v6;
	v55 =	vsub.f32 v17, v49;
	v58 =	vsub.f32 v17, v51;
	v41 =	vld.idx.msk [tilespmem:v33+s21+$0x0], $0xffff  }
0x234: {  	v22 =	vsub.f32 v17, v53;
	v51 =	vor.u32 $0x3B, v9;
	v18 =	vsub.f32 v16, v18;
	v44 =	vld.idx.msk [tilespmem:v33+s22+$0x0], $0xffff  }
0x235: {  	v16 =	vsub.f32 v16, v42;
	v36 =	vadd.f32 v59, v56;
	v42 =	vor.u32 $0x3A, v7;
	v47 =	vld.idx.msk [tilespmem:v33+s23+$0x0], $0xffff  }
0x236: {  	v50 =	vld.idx.msk [tilespmem:v33+s24+$0x0], $0xffff;
	v56 =	vor.u32 $0x3B, v8;
	v59 =	vor.u32 $0x3B, v7;
	v33 =	vor.u32 $0x3C, v9  }
0x237: {  	v19 =	vand.u32 $0x7FFFFFFF, v55;
	v35 =	vand.u32 $0x7FFFFFFF, v22;
	v55 =	vld.idx.msk [tilespmem:v48+s24+$0x0], $0xffff;
	v48 =	vor.u32 $0x3D, v9  }
0x238: {  	v21 =	vld.idx.msk [tilespmem:v52+s24+$0x0], $0xffff;
	v18 =	vand.u32 $0x7FFFFFFF, v18;
	v20 =	vsub.f32 v17, v20;
	v12 =	vadd.f32 v19, v12  }
0x239: {  	v39 =	vld.idx.msk [tilespmem:v63+s24+$0x0], $0xffff;
	v16 =	vand.u32 $0x7FFFFFFF, v16;
	v19 =	vsub.f32 v36, v62;
	v46 =	vsub.f32 v36, v28  }
0x23a: {  	v62 =	vor.u32 $0x3B, v6;
	v14 =	vadd.f32 v18, v14;
	v10 =	vadd.f32 v16, v10  }
0x23b: {  	v38 =	vld.idx.msk [tilespmem:v61+s24+$0x0], $0xffff;
	v16 =	vand.u32 $0x7FFFFFFF, v58;
	v18 =	vsub.f32 v17, v54;
	v49 =	vsub.f32 v36, v37  }
0x23c: {  	v54 =	vld.idx.msk [tilespmem:v45+s24+$0x0], $0xffff;
	v45 =	vor.u32 $0x3C, v7;
	v20 =	vand.u32 $0x7FFFFFFF, v20;
	v11 =	vadd.f32 v16, v11  }
0x23d: {  	v24 =	vld.idx.msk [tilespmem:v40+s24+$0x0], $0xffff;
	v17 =	vsub.f32 v17, v21;
	v43 =	vand.u32 $0x7FFFFFFF, v19;
	v16 =	vsub.f32 v36, v34  }
0x23e: {  	v27 =	vand.u32 $0x7FFFFFFF, v46;
	v21 =	vsub.f32 v36, v39;
	v58 =	vld.idx.msk [tilespmem:v51+s21+$0x0], $0xffff;
	v13 =	vadd.f32 v20, v13  }
0x23f: {  	v61 =	vld.idx.msk [tilespmem:v51+s22+$0x0], $0xffff;
	v14 =	vadd.f32 v35, v14;
	v18 =	vand.u32 $0x7FFFFFFF, v18;
	v12 =	vadd.f32 v43, v12  }
0x240: {  	v63 =	vld.idx.msk [tilespmem:v51+s23+$0x0], $0xffff;
	v20 =	vsub.f32 v36, v38;
	v52 =	vand.u32 $0x7FFFFFFF, v49;
	v35 =	vor.u32 $0x3B, v5  }
0x241: {  	v34 =	vld.idx.msk [tilespmem:v51+s24+$0x0], $0xffff;
	v15 =	vadd.f32 v18, v15;
	v17 =	vand.u32 $0x7FFFFFFF, v17;
	v11 =	vadd.f32 v27, v11  }
0x242: {  	v53 =	vld.idx.msk [tilespmem:v42+s24+$0x0], $0xffff;
	v16 =	vand.u32 $0x7FFFFFFF, v16;
	v18 =	vadd.f32 v44, v41;
	v10 =	vadd.f32 v17, v10  }
0x243: {  	v39 =	vld.idx.msk [tilespmem:v33+s21+$0x0], $0xffff;
	v13 =	vadd.f32 v16, v13;
	v20 =	vand.u32 $0x7FFFFFFF, v20;
	v14 =	vadd.f32 v52, v14  }
0x244: {  	v42 =	vor.u32 $0x3C, v8;
	v46 =	vld.idx.msk [tilespmem:v33+s23+$0x0], $0xffff;
	v15 =	vadd.f32 v20, v15;
	v57 =	vsub.f32 v18, v47  }
0x245: {  	v51 =	vld.idx.msk [tilespmem:v33+s24+$0x0], $0xffff;
	v21 =	vand.u32 $0x7FFFFFFF, v21;
	v60 =	vsub.f32 v18, v50;
	v24 =	vsub.f32 v18, v24  }
0x246: {  	v41 =	vld.idx.msk [tilespmem:v33+s22+$0x0], $0xffff;
	v33 =	vor.u32 $0x3D, v6;
	v19 =	vsub.f32 v18, v54;
	v16 =	vsub.f32 v18, v55  }
0x247: {  	v36 =	vld.idx.msk [tilespmem:v59+s24+$0x0], $0xffff;
	v47 =	vor.u32 $0x3C, v6;
	v10 =	vadd.f32 v21, v10;
	v37 =	vadd.f32 v61, v58  }
0x248: {  	v38 =	vld.idx.msk [tilespmem:v62+s24+$0x0], $0xffff;
	v61 =	vor.u32 $0x3D, v8;
	v22 =	vand.u32 $0x7FFFFFFF, v57;
	v21 =	vand.u32 $0x7FFFFFFF, v60  }
0x249: {  	v62 =	vld.idx.msk [tilespmem:v48+s22+$0x0], $0xffff;
	v17 =	vsub.f32 v18, v53;
	v24 =	vand.u32 $0x7FFFFFFF, v24;
	v19 =	vand.u32 $0x7FFFFFFF, v19  }
0x24a: {  	v20 =	vld.idx.msk [tilespmem:v56+s24+$0x0], $0xffff;
	v16 =	vand.u32 $0x7FFFFFFF, v16;
	v12 =	vadd.f32 v22, v12;
	v11 =	vadd.f32 v21, v11  }
0x24b: {  	v55 =	vld.idx.msk [tilespmem:v45+s24+$0x0], $0xffff;
	v53 =	vor.u32 $0x3C, v5;
	v13 =	vadd.f32 v24, v13;
	v15 =	vadd.f32 v19, v15  }
0x24c: {  	v44 =	vld.idx.msk [tilespmem:v35+s24+$0x0], $0xffff;
	v35 =	vor.u32 $0x3E, v9;
	v40 =	vsub.f32 v37, v63;
	v10 =	vadd.f32 v16, v10  }
0x24d: {  	v52 =	vld.idx.msk [tilespmem:v42+s24+$0x0], $0xffff;
	v9 =	vor.u32 $0x3F, v9;
	v43 =	vsub.f32 v37, v34;
	v50 =	vsub.f32 v37, v36  }
0x24e: {  	v60 =	vld.idx.msk [tilespmem:v48+s21+$0x0], $0xffff;
	v63 =	vor.u32 $0x3D, v7;
	v17 =	vand.u32 $0x7FFFFFFF, v17;
	v23 =	vsub.f32 v37, v38  }
0x24f: {  	v34 =	vld.idx.msk [tilespmem:v48+s23+$0x0], $0xffff;
	v14 =	vadd.f32 v17, v14;
	v19 =	vand.u32 $0x7FFFFFFF, v40;
	v20 =	vsub.f32 v37, v20  }
0x250: {  	v16 =	vand.u32 $0x7FFFFFFF, v43;
	v17 =	vadd.f32 v41, v39;
	v58 =	vld.idx.msk [tilespmem:v47+s24+$0x0], $0xffff;
	v12 =	vadd.f32 v19, v12  }
0x251: {  	v54 =	vand.u32 $0x7FFFFFFF, v50;
	v41 =	vld.idx.msk [tilespmem:v33+s24+$0x0], $0xffff;
	v11 =	vadd.f32 v16, v11;
	v18 =	vsub.f32 v37, v44  }
0x252: {  	v56 =	vand.u32 $0x7FFFFFFF, v23;
	v19 =	vld.idx.msk [tilespmem:v48+s24+$0x0], $0xffff;
	v14 =	vadd.f32 v54, v14;
	v57 =	vsub.f32 v17, v46  }
0x253: {  	v38 =	vor.u32 $0x3D, v5;
	v15 =	vadd.f32 v56, v15;
	v21 =	vsub.f32 v17, v51;
	v32 =	vld.idx.msk [tilespmem:v53+s24+$0x0], $0xffff  }
0x254: {  	v49 =	vand.u32 $0x7FFFFFFF, v20;
	v24 =	vsub.f32 v17, v52;
	v20 =	vsub.f32 v17, v55;
	v37 =	vld.idx.msk [tilespmem:v61+s24+$0x0], $0xffff  }
0x255: {  	v43 =	vld.idx.msk [tilespmem:v35+s21+$0x0], $0xffff;
	v44 =	vor.u32 $0x3E, v8;
	v46 =	vor.u32 $0x3E, v7;
	v51 =	vor.u32 $0x3E, v6  }
0x256: {  	v45 =	vld.idx.msk [tilespmem:v35+s22+$0x0], $0xffff;
	v53 =	vor.u32 $0x3E, v5;
	v13 =	vadd.f32 v49, v13;
	v59 =	vand.u32 $0x7FFFFFFF, v18  }
0x257: {  	v48 =	vld.idx.msk [tilespmem:v35+s23+$0x0], $0xffff;
	v22 =	vand.u32 $0x7FFFFFFF, v57;
	v21 =	vand.u32 $0x7FFFFFFF, v21;
	v18 =	vadd.f32 v62, v60  }
0x258: {  	v55 =	vld.idx.msk [tilespmem:v9+s21+$0x0], $0xffff;
	v36 =	vand.u32 $0x7FFFFFFF, v24;
	v10 =	vadd.f32 v59, v10;
	v12 =	vadd.f32 v22, v12  }
0x259: {  	v56 =	vld.idx.msk [tilespmem:v9+s22+$0x0], $0xffff;
	v20 =	vand.u32 $0x7FFFFFFF, v20;
	v11 =	vadd.f32 v21, v11;
	v23 =	vsub.f32 v17, v58  }
0x25a: {  	v8 =	vor.u32 $0x3F, v8;
	v39 =	vld.idx.msk [tilespmem:v63+s24+$0x0], $0xffff;
	v13 =	vadd.f32 v36, v13;
	v14 =	vadd.f32 v20, v14  }
0x25b: {  	v50 =	vld.idx.msk [tilespmem:v35+s24+$0x0], $0xffff;
	v7 =	vor.u32 $0x3F, v7;
	v42 =	vsub.f32 v18, v34;
	v19 =	vsub.f32 v18, v19  }
0x25c: {  	v6 =	vor.u32 $0x3F, v6;
	v26 =	vld.idx.msk [tilespmem:v38+s24+$0x0], $0xffff;
	v16 =	vsub.f32 v17, v32;
	v24 =	vsub.f32 v18, v37  }
0x25d: {  	v59 =	vld.idx.msk [tilespmem:v9+s23+$0x0], $0xffff;
	v40 =	vand.u32 $0x7FFFFFFF, v23;
	v22 =	vadd.f32 v45, v43;
	v17 =	vsub.f32 v18, v41  }
0x25e: {  	v5 =	vor.u32 $0x3F, v5;
	v9 =	vld.idx.msk [tilespmem:v9+s24+$0x0], $0xffff;
	v61 =	vadd.f32 v56, v55;
	v15 =	vadd.f32 v40, v15  }
0x25f: {  	v52 =	vld.idx.msk [tilespmem:v44+s24+$0x0], $0xffff;
	v20 =	vand.u32 $0x7FFFFFFF, v42;
	v47 =	vand.u32 $0x7FFFFFFF, v19;
	v21 =	vsub.f32 v18, v39  }
0x260: {  	v54 =	vld.idx.msk [tilespmem:v46+s24+$0x0], $0xffff;
	v16 =	vand.u32 $0x7FFFFFFF, v16;
	v12 =	vadd.f32 v20, v12;
	v11 =	vadd.f32 v47, v11  }
0x261: {  	v58 =	vld.idx.msk [tilespmem:v51+s24+$0x0], $0xffff;
	v49 =	vand.u32 $0x7FFFFFFF, v24;
	v18 =	vsub.f32 v18, v26;
	v19 =	vsub.f32 v22, v48  }
0x262: {  	v8 =	vld.idx.msk [tilespmem:v8+s24+$0x0], $0xffff;
	v17 =	vand.u32 $0x7FFFFFFF, v17;
	v24 =	vsub.f32 v22, v50;
	v10 =	vadd.f32 v16, v10  }
0x263: {  	v7 =	vld.idx.msk [tilespmem:v7+s24+$0x0], $0xffff;
	v13 =	vadd.f32 v49, v13;
	v15 =	vadd.f32 v17, v15  }
0x264: {  	v6 =	vld.idx.msk [tilespmem:v6+s24+$0x0], $0xffff;
	v21 =	vand.u32 $0x7FFFFFFF, v21;
	v17 =	vsub.f32 v61, v59;
	v9 =	vsub.f32 v61, v9  }
0x265: {  	v5 =	vld.idx.msk [tilespmem:v5+s24+$0x0], $0xffff;
	v14 =	vadd.f32 v21, v14;
	v57 =	vand.u32 $0x7FFFFFFF, v18;
	v19 =	vand.u32 $0x7FFFFFFF, v19  }
0x266: {  	v20 =	vld.idx.msk [tilespmem:v53+s24+$0x0], $0xffff;
	v10 =	vadd.f32 v57, v10;
	v12 =	vadd.f32 v19, v12  }
0x267: {  	v60 =	vand.u32 $0x7FFFFFFF, v24;
	v16 =	vsub.f32 v22, v52;
	v23 =	vsub.f32 v22, v54  }
0x268: {  	v11 =	vadd.f32 v60, v11;
	v18 =	vsub.f32 v22, v58;
	v17 =	vand.u32 $0x7FFFFFFF, v17  }
0x269: {  	v8 =	vsub.f32 v61, v8;
	v9 =	vand.u32 $0x7FFFFFFF, v9;
	v7 =	vsub.f32 v61, v7  }
0x26a: {  	v6 =	vsub.f32 v61, v6;
	v5 =	vsub.f32 v61, v5;
	v16 =	vand.u32 $0x7FFFFFFF, v16  }
0x26b: {  	v62 =	vand.u32 $0x7FFFFFFF, v23;
	v63 =	vsub.f32 v22, v20;
	v12 =	vadd.f32 v17, v12  }
0x26c: {  	v18 =	vand.u32 $0x7FFFFFFF, v18;
	v9 =	vadd.f32 v9, v11;
	v13 =	vadd.f32 v16, v13  }
0x26d: {  	v8 =	vand.u32 $0x7FFFFFFF, v8;
	v7 =	vand.u32 $0x7FFFFFFF, v7;
	v14 =	vadd.f32 v62, v14  }
0x26e: {  	p0 =	sne.s32 s25, $0x70;
	v15 =	vadd.f32 v18, v15;
	v16 =	vand.u32 $0x7FFFFFFF, v63;
	[tilespmem:s0+$0x0] =	vst v12;
	v8 =	vadd.f32 v8, v13  }
.Ltmp0:
0x26f: {  	v6 =	vand.u32 $0x7FFFFFFF, v6;
	v10 =	vadd.f32 v16, v10;
	v7 =	vadd.f32 v7, v14;
	[tilespmem:s7+$0xFFFFFF00] =	vst v9;
	(pc) =	sbr.rel @p0 .LBB2_3-.Ltmp0, $4  }
0x270: {  	v5 =	vand.u32 $0x7FFFFFFF, v5;
	v6 =	vadd.f32 v6, v15;
	[tilespmem:s7+$0xFFFFFF80] =	vst v8  }
0x271: {  	v5 =	vadd.f32 v5, v10;
	[tilespmem:s7+$0x0] =	vst v7  }
0x272: {  	[tilespmem:s7+$0x80] =	vst v6  }
0x273: {  	s25 =	sadd.s32 $0x10, s25;
	s0 =	sadd.s32 $0x10, s0;
	[tilespmem:s7+$0x100] =	vst v5;
	s7 =	sadd.s32 $0x10, s7  }
0x274: {  	s0 =	rddreg [dreg:$0x5]  }
0x275: {  	s7 =	simm.s32 $0x10400;
	s0 =	sadd.s32 s0, s5  }
0x276: {  	[hbm4b:s0+s6] =	stream.linear.scatter [tilespmem:s7], [sflag:$0x2], $0x80, $0x38;
	[tilespmem:$0x10700] =	vst v63  }
0x277: {  	_ =	swait.ge [sflag:s13], $0x80  }
0x278: {  	[sflag:s13] =	ssyncset.done $0x0  }
0x279: {  	s5 =	sadd.s32 s10, s5;
	s7 =	simm.s32 $0x10480;
	[sflag:s13] =	ssyncadd.s32 $0xFFFFFF80  }
0x27a: {  	[hbm4b:s5+s6] =	stream.linear.scatter [tilespmem:s7], [sflag:$0x2], $0x80, $0x38;
	[tilespmem:$0x10700] =	vst v63  }
0x27b: {  	_ =	swait.ge [sflag:s13], $0x80  }
0x27c: {  	[sflag:s13] =	ssyncset.done $0x0  }
0x27d: {  	s25 =	sadd.s32 s10, s26;
	s26 =	simm.s32 $0x10500;
	[sflag:s13] =	ssyncadd.s32 $0xFFFFFF80  }
0x27e: {  	[hbm4b:s25+s6] =	stream.linear.scatter [tilespmem:s26], [sflag:$0x2], $0x80, $0x38;
	[tilespmem:$0x10700] =	vst v63  }
0x27f: {  	_ =	swait.ge [sflag:s13], $0x80  }
0x280: {  	[sflag:s13] =	ssyncset.done $0x0  }
0x281: {  	s28 =	sadd.s32 s10, s28;
	[sflag:s13] =	ssyncadd.s32 $0xFFFFFF80  }
0x282: {  	[hbm4b:s28+s6] =	stream.linear.scatter [tilespmem:s12], [sflag:$0x2], $0x80, $0x38;
	[tilespmem:$0x10700] =	vst v63  }
0x283: {  	_ =	swait.ge [sflag:s13], $0x80  }
0x284: {  	[sflag:s13] =	ssyncset.done $0x0  }
0x285: {  	s29 =	sadd.s32 s10, s29;
	[sflag:s13] =	ssyncadd.s32 $0xFFFFFF80  }
0x286: {  	[hbm4b:s29+s6] =	stream.linear.scatter [tilespmem:s1], [sflag:$0x2], $0x80, $0x38;
	[tilespmem:$0x10700] =	vst v63  }
0x287: {  	s3 =	sadd.s32 $0x1, s3;
	_ =	swait.ge [sflag:s13], $0x80  }
0x288: {  	p0 =	sne.s32 s3, $0x4;
	[sflag:s13] =	ssyncset.done $0x0  }
.Ltmp1:
0x289: {  	s31 =	sadd.s32 s10, s31;
	[sflag:s13] =	ssyncadd.s32 $0xFFFFFF80;
	(pc) =	sbr.rel @p0 .LBB2_2-.Ltmp1, $4  }
0x28a: {  	[hbm4b:s31+s6] =	stream.linear.scatter [tilespmem:s2], [sflag:$0x2], $0x80, $0x38;
	[tilespmem:$0x10700] =	vst v63  }
0x28b: {  	_ =	swait.ge [sflag:s13], $0x80  }
0x28c: {  	[sflag:s13] =	ssyncset.done $0x0  }
0x28d: {  	[sflag:s13] =	ssyncadd.s32 $0xFFFFFF80  }
0x28e: {  	s3 =	rddreg [dreg:$0x8]  }
0x28f: {  	s0 =	rddreg [dreg:$0x7];
	s3 =	sadd.s32 $0x1, s3  }
0x290: {  	p0 =	sne.s32 s3, s0  }
.Ltmp2:
0x291: {  	_ = 	snop;
	(pc) =	sbr.rel @p0 .LBB2_1-.Ltmp2, $1  }
0x292: {  	_ =	sdelay $0x3  }
0x293: {  	_ =	sfence.sel $0x180000  }
0x294: {  	[bflag:$0x0] =	sbarrier.arrive $0xFFFF  }
0x295: {  	_ =	strace $0x90000047  }
0x296: {  	s0 =	stileid.u32;
	[bflag:$0x2] =	sbarrier.arrive $0xFFFF  }
0x297: {  	p0 =	sne.s32 s0, $0x0;
	s0 =	rddreg [dreg:$0x6]  }
0x298: {  	s0 =	sadd.s32 @!p0 $0x100000, s0  }
0x299: {  	[sflag:s0] =	ssyncadd.tile.s32 @!p0 $0x1;
	_ =	shalt  }
.Lfunc_end2:
_tile_overlayer_lowered:
.L_overlay_start_2:
0x29a: {  	(tag) =	ssettag $0x2  }
0x29b: {  	s0 =	rddreg [dreg:$0x0];
	s2 =	stileid.u32  }
0x29c: {  	s1 =	rddreg [dreg:$0x1];
	p0 =	sne.s32 s2, $0x0  }
0x29d: {  	s3 =	rddreg [dreg:$0x2];
	[bflag:$0x3] =	sbarrier.arrive $0xFFFF;
	s2 =	simm.s32 @!p0 $0x1C02  }
0x29e: {  	[timem:s3], [sflag:s2] =	dma.local @!p0 [hbm:s0], s1  }
0x29f: {  	s0 =	simm.s32 @!p0 $0x2  }
0x2a0: {  	_ =	swait.ge @!p0 [sflag:s0], s1  }
0x2a1: {  	s1 =	ssub.s32 @!p0 $0x0, s1;
	[sflag:s0] =	ssyncset.done @!p0 $0x0  }
0x2a2: {  	[sflag:s0] =	ssyncadd.s32 @!p0 s1  }
0x2a3: {  	[bflag:$0x3] =	sbarrier.arrive $0xFFFF  }
0x2a4: {  	_ =	shalt  }

</sc_bundles>
